<compile_context>
chip_gen: v7x
topology: tpu7x:2x2x1
jax: 0.10.2.dev20260603
libtpu: 0.0.44.dev20260713+nightly
codegen_flags: <defaults>
</compile_context>

<pallas_src>
import functools

import jax
import jax.numpy as jnp
from jax import lax
from jax.experimental import pallas as pl
from jax.experimental.pallas import tpu as pltpu
from jax.experimental.pallas import tpu_sc as plsc

NC, NS, LANES = 2, 16, 16
NW = NC * NS
D = 64
CHUNK = 128


def _emb_body(T, n_chunks, idx_hbm, tok_hbm, pos_hbm, out_hbm,
              idx_v, tok_a, tok_b, pos_v, g_a, g_b, s_a, s_b):
    wid = lax.axis_index("s") * NC + lax.axis_index("c")
    rows_per_w = n_chunks * CHUNK
    chunks_per_t = T // CHUNK

    pltpu.sync_copy(idx_hbm.at[wid], idx_v)

    tok_bufs = (tok_a, tok_b)
    g_sems = (g_a, g_b)
    s_sems = (s_a, s_b)

    def chunk_of(u):
        return (u // 2) + (u % 2) * chunks_per_t

    def start_gather(u):
        b = u % 2
        pltpu.async_copy(tok_hbm.at[idx_v.at[chunk_of(u)]], tok_bufs[b], g_sems[b])

    def wait_gather(u):
        b = u % 2
        pltpu.make_async_copy(tok_hbm.at[idx_v.at[chunk_of(u)]], tok_bufs[b],
                              g_sems[b]).wait()

    def out_slice(u):
        row0 = wid * rows_per_w + chunk_of(u) * CHUNK
        return out_hbm.at[pl.ds(row0, CHUNK), :]

    def start_store(u):
        b = u % 2
        pltpu.async_copy(tok_bufs[b], out_slice(u), s_sems[b])

    def wait_store(u):
        b = u % 2
        pltpu.make_async_copy(tok_bufs[b], out_slice(u), s_sems[b]).wait()

    start_gather(0)
    n_units = n_chunks
    for u in range(n_units):
        buf = tok_bufs[u % 2]
        wait_gather(u)
        if u % 2 == 0:
            t0 = (u // 2) * CHUNK
            pltpu.sync_copy(pos_hbm.at[pl.ds(t0, CHUNK), :], pos_v)

        def add_row(i, _):
            for j in range(D // LANES):
                sl = pl.ds(j * LANES, LANES)
                buf[i, sl] = buf[i, sl] + pos_v[i, sl]
            return 0

        lax.fori_loop(0, CHUNK, add_row, 0)

        if u >= 1:
            wait_store(u - 1)
        if u + 1 < n_units:
            start_gather(u + 1)
        start_store(u)
    wait_store(n_units - 1)


def kernel(idx, token_table, position_table):
    B, T = idx.shape
    V, d = token_table.shape
    total = B * T
    assert d == D and total % (NW * CHUNK) == 0 and T % CHUNK == 0
    n_chunks = total // (NW * CHUNK)

    idx3 = idx.reshape(NW, n_chunks, CHUNK).astype(jnp.int32)

    mesh = plsc.VectorSubcoreMesh(core_axis_name="c", subcore_axis_name="s")
    body = functools.partial(_emb_body, T, n_chunks)
    out = pl.kernel(
        body,
        out_type=jax.ShapeDtypeStruct((total, D), jnp.float32),
        mesh=mesh,
        compiler_params=pltpu.CompilerParams(use_tc_tiling_on_sc=False),
        scratch_types=[
            pltpu.VMEM((n_chunks, CHUNK), jnp.int32),
            pltpu.VMEM((CHUNK, D), jnp.float32),
            pltpu.VMEM((CHUNK, D), jnp.float32),
            pltpu.VMEM((CHUNK, D), jnp.float32),
            pltpu.SemaphoreType.DMA,
            pltpu.SemaphoreType.DMA,
            pltpu.SemaphoreType.DMA,
            pltpu.SemaphoreType.DMA,
        ],
    )(idx3, token_table, position_table)
    return out.reshape(B, T, D)

# --- scband reference (transcript-rebuilt; emitter-appended) ---
"""Pipeline reference for scband-gpt-1795296329991 (READ-ONLY COPY).

The authoritative reference and input builder live on the scoring server;
editing this copy changes nothing except your own understanding.
"""

import jax, jax.numpy as jnp
import numpy as np

VOCAB = 1000000
N_EMBD = 64
BLOCK_SIZE = 2048
B, T = 64, 2048

def setup_inputs(seed: int = 0) -> dict:
    key = jax.random.key(seed)
    k_idx, k_tok, k_pos = jax.random.split(key, 3)
    idx = jax.random.randint(k_idx, (B, T), 0, VOCAB, dtype=jnp.int64 if jax.config.jax_enable_x64 else jnp.int32)
    token_table = jax.random.normal(k_tok, (VOCAB, N_EMBD), dtype=jnp.float32) * 0.02
    position_table = jax.random.normal(k_pos, (BLOCK_SIZE, N_EMBD), dtype=jnp.float32) * 0.02
    return {"idx": idx, "token_table": token_table, "position_table": position_table}

def reference(idx, token_table, position_table):
    Bn, Tn = idx.shape
    tok_emb = jnp.take(token_table, idx, axis=0)            # [B, T, n_embd] gather
    pos = jnp.arange(Tn)
    pos_emb = jnp.take(position_table, pos, axis=0)         # [T, n_embd]
    x = tok_emb + pos_emb[None, :, :]
    return x

if __name__ == "__main__":
    import jax
    _d = setup_inputs()
    print(jax.jit(kernel)(*tuple(_d.values())))

</pallas_src>

<mosaic_0001>
#map = affine_map<(d0, d1) -> (0, 0, 0)>
#map1 = affine_map<(d0, d1) -> (0, 0)>
module attributes {stable_mosaic.version = 14 : i64} {
  func.func @_emb_body(%arg0: i32, %arg1: i32, %arg2: memref<32x32x128xi32, #tpu.memory_space<hbm>>, %arg3: memref<1000000x64xf32, #tpu.memory_space<hbm>>, %arg4: memref<2048x64xf32, #tpu.memory_space<hbm>>, %arg5: memref<131072x64xf32, #tpu.memory_space<hbm>>, %arg6: memref<32x128xi32, #tpu.memory_space<vmem>>, %arg7: memref<128x64xf32, #tpu.memory_space<vmem>>, %arg8: memref<128x64xf32, #tpu.memory_space<vmem>>, %arg9: memref<128x64xf32, #tpu.memory_space<vmem>>, %arg10: memref<!tpu.dma_semaphore, #tpu.memory_space<semaphore_mem>>, %arg11: memref<!tpu.dma_semaphore, #tpu.memory_space<semaphore_mem>>, %arg12: memref<!tpu.dma_semaphore, #tpu.memory_space<semaphore_mem>>, %arg13: memref<!tpu.dma_semaphore, #tpu.memory_space<semaphore_mem>>) attributes {dimension_semantics = [#tpu.dimension_semantics<core_parallel>, #tpu.dimension_semantics<subcore_parallel>], iteration_bounds = array<i64: 2, 16>, scalar_prefetch = 0 : i64, scratch_operands = 8 : i64, tpu.core_type = #tpu.core_type<sc_vector_subcore>, window_params = [{transform_indices = #map}, {transform_indices = #map1}, {transform_indices = #map1}, {transform_indices = #map1}]} {
    %mul3A = arith.constant 2 : i32
    %mul3A_0 = arith.muli %arg1, %mul3A : i32
    %add3A = arith.addi %mul3A_0, %arg0 : i32
    "tpu.region"() ({
      %run_scoped3A = tpu.sem_alloc : memref<!tpu.dma_semaphore, #tpu.memory_space<semaphore_mem>>
      %dma_start3A_1182 = arith.constant 0 : i32
      %dma_start3A_1183 = arith.constant 0 : i32
      %dma_start3A_1184 = tpu.memref_slice %arg2[%add3A, %dma_start3A_1182, %dma_start3A_1183] : memref<32x32x128xi32, #tpu.memory_space<hbm>> -> memref<1x32x128xi32, #tpu.memory_space<hbm>>
      %dma_start3A_1185 = tpu.memref_squeeze %dma_start3A_1184 : memref<1x32x128xi32, #tpu.memory_space<hbm>> -> memref<32x128xi32, #tpu.memory_space<hbm>>
      %dma_start3A_1186 = arith.constant 0 : i32
      %dma_start3A_1187 = arith.constant 0 : i32
      %dma_start3A_1188 = tpu.memref_slice %arg2[%add3A, %dma_start3A_1186, %dma_start3A_1187] : memref<32x32x128xi32, #tpu.memory_space<hbm>> -> memref<1x32x128xi32, #tpu.memory_space<hbm>>
      %dma_start3A_1189 = tpu.memref_squeeze %dma_start3A_1188 : memref<1x32x128xi32, #tpu.memory_space<hbm>> -> memref<32x128xi32, #tpu.memory_space<hbm>>
      tpu.enqueue_dma source(%dma_start3A_1189 : memref<32x128xi32, #tpu.memory_space<hbm>>) target(%arg6 : memref<32x128xi32, #tpu.memory_space<vmem>>) target_semaphore(%run_scoped3A : memref<!tpu.dma_semaphore, #tpu.memory_space<semaphore_mem>>)
      %dma_wait3A_1190 = arith.constant 0 : i32
      %dma_wait3A_1191 = arith.constant 0 : i32
      %dma_wait3A_1192 = tpu.memref_slice %arg2[%add3A, %dma_wait3A_1190, %dma_wait3A_1191] : memref<32x32x128xi32, #tpu.memory_space<hbm>> -> memref<1x32x128xi32, #tpu.memory_space<hbm>>
      %dma_wait3A_1193 = tpu.memref_squeeze %dma_wait3A_1192 : memref<1x32x128xi32, #tpu.memory_space<hbm>> -> memref<32x128xi32, #tpu.memory_space<hbm>>
      %dma_wait3A_1194 = arith.constant 0 : i32
      %dma_wait3A_1195 = arith.constant 0 : i32
      %dma_wait3A_1196 = tpu.memref_slice %arg2[%add3A, %dma_wait3A_1194, %dma_wait3A_1195] : memref<32x32x128xi32, #tpu.memory_space<hbm>> -> memref<1x32x128xi32, #tpu.memory_space<hbm>>
      %dma_wait3A_1197 = tpu.memref_squeeze %dma_wait3A_1196 : memref<1x32x128xi32, #tpu.memory_space<hbm>> -> memref<32x128xi32, #tpu.memory_space<hbm>>
      tpu.wait_dma2 semaphore(%run_scoped3A : memref<!tpu.dma_semaphore, #tpu.memory_space<semaphore_mem>>) src(%dma_wait3A_1197 : memref<32x128xi32, #tpu.memory_space<hbm>>) dst(%arg6 : memref<32x128xi32, #tpu.memory_space<vmem>>)
      tpu.yield
    }) : () -> ()
    %dma_start3A = arith.constant 0 : i32
    %dma_start3A_1 = arith.constant 0 : i32
    %dma_start3A_2 = tpu.memref_slice %arg6[%dma_start3A, %dma_start3A_1] : memref<32x128xi32, #tpu.memory_space<vmem>> -> memref<1x128xi32, #tpu.memory_space<vmem>>
    %dma_start3A_3 = tpu.memref_squeeze %dma_start3A_2 : memref<1x128xi32, #tpu.memory_space<vmem>> -> memref<128xi32, #tpu.memory_space<vmem>>
    %dma_start3A_4 = arith.constant 0 : i32
    %dma_start3A_5 = arith.constant 0 : i32
    %dma_start3A_6 = tpu.memref_slice %arg3[%dma_start3A_4, %dma_start3A_5] : memref<1000000x64xf32, #tpu.memory_space<hbm>> -> memref<1000000x64xf32, #tpu.memory_space<hbm>>
    tpu.enqueue_indirect_dma source(%dma_start3A_6 : memref<1000000x64xf32, #tpu.memory_space<hbm>>) target(%arg7 : memref<128x64xf32, #tpu.memory_space<vmem>>) offsets(%dma_start3A_3 : memref<128xi32, #tpu.memory_space<vmem>>) semaphore(%arg10 : memref<!tpu.dma_semaphore, #tpu.memory_space<semaphore_mem>>)
    %dma_wait3A = arith.constant 0 : i32
    %dma_wait3A_7 = arith.constant 0 : i32
    %dma_wait3A_8 = tpu.memref_slice %arg6[%dma_wait3A, %dma_wait3A_7] : memref<32x128xi32, #tpu.memory_space<vmem>> -> memref<1x128xi32, #tpu.memory_space<vmem>>
    %dma_wait3A_9 = tpu.memref_squeeze %dma_wait3A_8 : memref<1x128xi32, #tpu.memory_space<vmem>> -> memref<128xi32, #tpu.memory_space<vmem>>
    %dma_wait3A_10 = arith.constant 0 : i32
    %dma_wait3A_11 = arith.constant 0 : i32
    %dma_wait3A_12 = tpu.memref_slice %arg3[%dma_wait3A_10, %dma_wait3A_11] : memref<1000000x64xf32, #tpu.memory_space<hbm>> -> memref<1000000x64xf32, #tpu.memory_space<hbm>>
    tpu.wait_indirect_dma semaphore(%arg10 : memref<!tpu.dma_semaphore, #tpu.memory_space<semaphore_mem>>) src(%dma_wait3A_12 : memref<1000000x64xf32, #tpu.memory_space<hbm>>) dst(%arg7 : memref<128x64xf32, #tpu.memory_space<vmem>>)
    "tpu.region"() ({
      %run_scoped3A = tpu.sem_alloc : memref<!tpu.dma_semaphore, #tpu.memory_space<semaphore_mem>>
      %dma_start3A_1182 = arith.constant 0 : i32
      %dma_start3A_1183 = arith.constant 0 : i32
      %dma_start3A_1184 = tpu.memref_slice %arg4[%dma_start3A_1182, %dma_start3A_1183] : memref<2048x64xf32, #tpu.memory_space<hbm>> -> memref<128x64xf32, #tpu.memory_space<hbm>>
      %dma_start3A_1185 = arith.constant 0 : i32
      %dma_start3A_1186 = arith.constant 0 : i32
      %dma_start3A_1187 = tpu.memref_slice %arg4[%dma_start3A_1185, %dma_start3A_1186] : memref<2048x64xf32, #tpu.memory_space<hbm>> -> memref<128x64xf32, #tpu.memory_space<hbm>>
      tpu.enqueue_dma source(%dma_start3A_1187 : memref<128x64xf32, #tpu.memory_space<hbm>>) target(%arg9 : memref<128x64xf32, #tpu.memory_space<vmem>>) target_semaphore(%run_scoped3A : memref<!tpu.dma_semaphore, #tpu.memory_space<semaphore_mem>>)
      %dma_wait3A_1188 = arith.constant 0 : i32
      %dma_wait3A_1189 = arith.constant 0 : i32
      %dma_wait3A_1190 = tpu.memref_slice %arg4[%dma_wait3A_1188, %dma_wait3A_1189] : memref<2048x64xf32, #tpu.memory_space<hbm>> -> memref<128x64xf32, #tpu.memory_space<hbm>>
      %dma_wait3A_1191 = arith.constant 0 : i32
      %dma_wait3A_1192 = arith.constant 0 : i32
      %dma_wait3A_1193 = tpu.memref_slice %arg4[%dma_wait3A_1191, %dma_wait3A_1192] : memref<2048x64xf32, #tpu.memory_space<hbm>> -> memref<128x64xf32, #tpu.memory_space<hbm>>
      tpu.wait_dma2 semaphore(%run_scoped3A : memref<!tpu.dma_semaphore, #tpu.memory_space<semaphore_mem>>) src(%dma_wait3A_1193 : memref<128x64xf32, #tpu.memory_space<hbm>>) dst(%arg9 : memref<128x64xf32, #tpu.memory_space<vmem>>)
      tpu.yield
    }) : () -> ()
    %scan3A = arith.constant 0 : i32
    %scan3A_13 = arith.constant 0 : i32
    %scan3A_14 = arith.constant 128 : i32
    %scan3A_15 = arith.addi %scan3A_13, %scan3A_14 : i32
    %scan3A_16 = arith.constant 1 : i32
    %scan3A_17 = scf.for %scan3A_1182 = %scan3A_13 to %scan3A_15 step %scan3A_16 iter_args(%scan3A_1183 = %scan3A) -> (i32)  : i32 {
      %get3A = arith.index_cast %scan3A_1182 : i32 to index
      %get3A_1184 = arith.constant 0 : index
      %get3A_1185 = tpu.vector_load %arg7[%get3A, %get3A_1184] {strides = array<i32>} : memref<128x64xf32, #tpu.memory_space<vmem>>, vector<1x16xf32>,
      %get3A_1186 = vector.shape_cast %get3A_1185 : vector<1x16xf32> to vector<16xf32>
      %get3A_1187 = arith.index_cast %scan3A_1182 : i32 to index
      %get3A_1188 = arith.constant 0 : index
      %get3A_1189 = tpu.vector_load %arg9[%get3A_1187, %get3A_1188] {strides = array<i32>} : memref<128x64xf32, #tpu.memory_space<vmem>>, vector<1x16xf32>,
      %get3A_1190 = vector.shape_cast %get3A_1189 : vector<1x16xf32> to vector<16xf32>
      %add3A_1191 = arith.addf %get3A_1186, %get3A_1190 : vector<16xf32>
      %swap3A = arith.index_cast %scan3A_1182 : i32 to index
      %swap3A_1192 = arith.constant 0 : index
      %swap3A_1193 = tpu.vector_load %arg7[%swap3A, %swap3A_1192] {strides = array<i32>} : memref<128x64xf32, #tpu.memory_space<vmem>>, vector<1x16xf32>,
      %swap3A_1194 = vector.shape_cast %swap3A_1193 : vector<1x16xf32> to vector<16xf32>
      %swap3A_1195 = vector.shape_cast %add3A_1191 : vector<16xf32> to vector<1x16xf32>
      tpu.vector_store %arg7[%swap3A, %swap3A_1192], %swap3A_1195 {strides = array<i32>} : memref<128x64xf32, #tpu.memory_space<vmem>>, vector<1x16xf32>,
      %get3A_1196 = arith.index_cast %scan3A_1182 : i32 to index
      %get3A_1197 = arith.constant 16 : index
      %get3A_1198 = tpu.vector_load %arg7[%get3A_1196, %get3A_1197] {strides = array<i32>} : memref<128x64xf32, #tpu.memory_space<vmem>>, vector<1x16xf32>,
      %get3A_1199 = vector.shape_cast %get3A_1198 : vector<1x16xf32> to vector<16xf32>
      %get3A_1200 = arith.index_cast %scan3A_1182 : i32 to index
      %get3A_1201 = arith.constant 16 : index
      %get3A_1202 = tpu.vector_load %arg9[%get3A_1200, %get3A_1201] {strides = array<i32>} : memref<128x64xf32, #tpu.memory_space<vmem>>, vector<1x16xf32>,
      %get3A_1203 = vector.shape_cast %get3A_1202 : vector<1x16xf32> to vector<16xf32>
      %add3A_1204 = arith.addf %get3A_1199, %get3A_1203 : vector<16xf32>
      %swap3A_1205 = arith.index_cast %scan3A_1182 : i32 to index
      %swap3A_1206 = arith.constant 16 : index
      %swap3A_1207 = tpu.vector_load %arg7[%swap3A_1205, %swap3A_1206] {strides = array<i32>} : memref<128x64xf32, #tpu.memory_space<vmem>>, vector<1x16xf32>,
      %swap3A_1208 = vector.shape_cast %swap3A_1207 : vector<1x16xf32> to vector<16xf32>
      %swap3A_1209 = vector.shape_cast %add3A_1204 : vector<16xf32> to vector<1x16xf32>
      tpu.vector_store %arg7[%swap3A_1205, %swap3A_1206], %swap3A_1209 {strides = array<i32>} : memref<128x64xf32, #tpu.memory_space<vmem>>, vector<1x16xf32>,
      %get3A_1210 = arith.index_cast %scan3A_1182 : i32 to index
      %get3A_1211 = arith.constant 32 : index
      %get3A_1212 = tpu.vector_load %arg7[%get3A_1210, %get3A_1211] {strides = array<i32>} : memref<128x64xf32, #tpu.memory_space<vmem>>, vector<1x16xf32>,
      %get3A_1213 = vector.shape_cast %get3A_1212 : vector<1x16xf32> to vector<16xf32>
      %get3A_1214 = arith.index_cast %scan3A_1182 : i32 to index
      %get3A_1215 = arith.constant 32 : index
      %get3A_1216 = tpu.vector_load %arg9[%get3A_1214, %get3A_1215] {strides = array<i32>} : memref<128x64xf32, #tpu.memory_space<vmem>>, vector<1x16xf32>,
      %get3A_1217 = vector.shape_cast %get3A_1216 : vector<1x16xf32> to vector<16xf32>
      %add3A_1218 = arith.addf %get3A_1213, %get3A_1217 : vector<16xf32>
      %swap3A_1219 = arith.index_cast %scan3A_1182 : i32 to index
      %swap3A_1220 = arith.constant 32 : index
      %swap3A_1221 = tpu.vector_load %arg7[%swap3A_1219, %swap3A_1220] {strides = array<i32>} : memref<128x64xf32, #tpu.memory_space<vmem>>, vector<1x16xf32>,
      %swap3A_1222 = vector.shape_cast %swap3A_1221 : vector<1x16xf32> to vector<16xf32>
      %swap3A_1223 = vector.shape_cast %add3A_1218 : vector<16xf32> to vector<1x16xf32>
      tpu.vector_store %arg7[%swap3A_1219, %swap3A_1220], %swap3A_1223 {strides = array<i32>} : memref<128x64xf32, #tpu.memory_space<vmem>>, vector<1x16xf32>,
      %get3A_1224 = arith.index_cast %scan3A_1182 : i32 to index
      %get3A_1225 = arith.constant 48 : index
      %get3A_1226 = tpu.vector_load %arg7[%get3A_1224, %get3A_1225] {strides = array<i32>} : memref<128x64xf32, #tpu.memory_space<vmem>>, vector<1x16xf32>,
      %get3A_1227 = vector.shape_cast %get3A_1226 : vector<1x16xf32> to vector<16xf32>
      %get3A_1228 = arith.index_cast %scan3A_1182 : i32 to index
      %get3A_1229 = arith.constant 48 : index
      %get3A_1230 = tpu.vector_load %arg9[%get3A_1228, %get3A_1229] {strides = array<i32>} : memref<128x64xf32, #tpu.memory_space<vmem>>, vector<1x16xf32>,
      %get3A_1231 = vector.shape_cast %get3A_1230 : vector<1x16xf32> to vector<16xf32>
      %add3A_1232 = arith.addf %get3A_1227, %get3A_1231 : vector<16xf32>
      %swap3A_1233 = arith.index_cast %scan3A_1182 : i32 to index
      %swap3A_1234 = arith.constant 48 : index
      %swap3A_1235 = tpu.vector_load %arg7[%swap3A_1233, %swap3A_1234] {strides = array<i32>} : memref<128x64xf32, #tpu.memory_space<vmem>>, vector<1x16xf32>,
      %swap3A_1236 = vector.shape_cast %swap3A_1235 : vector<1x16xf32> to vector<16xf32>
      %swap3A_1237 = vector.shape_cast %add3A_1232 : vector<16xf32> to vector<1x16xf32>
      tpu.vector_store %arg7[%swap3A_1233, %swap3A_1234], %swap3A_1237 {strides = array<i32>} : memref<128x64xf32, #tpu.memory_space<vmem>>, vector<1x16xf32>,
      %scan3A_1238 = arith.constant 0 : i32
      scf.yield %scan3A_1238 : i32
    }
    %scan3A_18 = arith.constant 128 : i32
    %dma_start3A_19 = arith.constant 16 : i32
    %dma_start3A_20 = arith.constant 0 : i32
    %dma_start3A_21 = tpu.memref_slice %arg6[%dma_start3A_19, %dma_start3A_20] : memref<32x128xi32, #tpu.memory_space<vmem>> -> memref<1x128xi32, #tpu.memory_space<vmem>>
    %dma_start3A_22 = tpu.memref_squeeze %dma_start3A_21 : memref<1x128xi32, #tpu.memory_space<vmem>> -> memref<128xi32, #tpu.memory_space<vmem>>
    %dma_start3A_23 = arith.constant 0 : i32
    %dma_start3A_24 = arith.constant 0 : i32
    %dma_start3A_25 = tpu.memref_slice %arg3[%dma_start3A_23, %dma_start3A_24] : memref<1000000x64xf32, #tpu.memory_space<hbm>> -> memref<1000000x64xf32, #tpu.memory_space<hbm>>
    tpu.enqueue_indirect_dma source(%dma_start3A_25 : memref<1000000x64xf32, #tpu.memory_space<hbm>>) target(%arg8 : memref<128x64xf32, #tpu.memory_space<vmem>>) offsets(%dma_start3A_22 : memref<128xi32, #tpu.memory_space<vmem>>) semaphore(%arg11 : memref<!tpu.dma_semaphore, #tpu.memory_space<semaphore_mem>>)
    %mul3A_26 = arith.constant 4096 : i32
    %mul3A_27 = arith.muli %add3A, %mul3A_26 : i32
    %add3A_28 = arith.constant 0 : i32
    %add3A_29 = arith.addi %mul3A_27, %add3A_28 : i32
    %dma_start3A_30 = arith.constant 0 : i32
    %dma_start3A_31 = tpu.memref_slice %arg5[%add3A_29, %dma_start3A_30] : memref<131072x64xf32, #tpu.memory_space<hbm>> -> memref<128x64xf32, #tpu.memory_space<hbm>>
    %dma_start3A_32 = arith.constant 0 : i32
    %dma_start3A_33 = tpu.memref_slice %arg5[%add3A_29, %dma_start3A_32] : memref<131072x64xf32, #tpu.memory_space<hbm>> -> memref<128x64xf32, #tpu.memory_space<hbm>>
    tpu.enqueue_dma source(%arg7 : memref<128x64xf32, #tpu.memory_space<vmem>>) target(%dma_start3A_33 : memref<128x64xf32, #tpu.memory_space<hbm>>) target_semaphore(%arg12 : memref<!tpu.dma_semaphore, #tpu.memory_space<semaphore_mem>>)
    %dma_wait3A_34 = arith.constant 16 : i32
    %dma_wait3A_35 = arith.constant 0 : i32
    %dma_wait3A_36 = tpu.memref_slice %arg6[%dma_wait3A_34, %dma_wait3A_35] : memref<32x128xi32, #tpu.memory_space<vmem>> -> memref<1x128xi32, #tpu.memory_space<vmem>>
    %dma_wait3A_37 = tpu.memref_squeeze %dma_wait3A_36 : memref<1x128xi32, #tpu.memory_space<vmem>> -> memref<128xi32, #tpu.memory_space<vmem>>
    %dma_wait3A_38 = arith.constant 0 : i32
    %dma_wait3A_39 = arith.constant 0 : i32
    %dma_wait3A_40 = tpu.memref_slice %arg3[%dma_wait3A_38, %dma_wait3A_39] : memref<1000000x64xf32, #tpu.memory_space<hbm>> -> memref<1000000x64xf32, #tpu.memory_space<hbm>>
    tpu.wait_indirect_dma semaphore(%arg11 : memref<!tpu.dma_semaphore, #tpu.memory_space<semaphore_mem>>) src(%dma_wait3A_40 : memref<1000000x64xf32, #tpu.memory_space<hbm>>) dst(%arg8 : memref<128x64xf32, #tpu.memory_space<vmem>>)
    %scan3A_41 = arith.constant 0 : i32
    %scan3A_42 = arith.constant 0 : i32
    %scan3A_43 = arith.constant 128 : i32
    %scan3A_44 = arith.addi %scan3A_42, %scan3A_43 : i32
    %scan3A_45 = arith.constant 1 : i32
    %scan3A_46 = scf.for %scan3A_1182 = %scan3A_42 to %scan3A_44 step %scan3A_45 iter_args(%scan3A_1183 = %scan3A_41) -> (i32)  : i32 {
      %get3A = arith.index_cast %scan3A_1182 : i32 to index
      %get3A_1184 = arith.constant 0 : index
      %get3A_1185 = tpu.vector_load %arg8[%get3A, %get3A_1184] {strides = array<i32>} : memref<128x64xf32, #tpu.memory_space<vmem>>, vector<1x16xf32>,
      %get3A_1186 = vector.shape_cast %get3A_1185 : vector<1x16xf32> to vector<16xf32>
      %get3A_1187 = arith.index_cast %scan3A_1182 : i32 to index
      %get3A_1188 = arith.constant 0 : index
      %get3A_1189 = tpu.vector_load %arg9[%get3A_1187, %get3A_1188] {strides = array<i32>} : memref<128x64xf32, #tpu.memory_space<vmem>>, vector<1x16xf32>,
      %get3A_1190 = vector.shape_cast %get3A_1189 : vector<1x16xf32> to vector<16xf32>
      %add3A_1191 = arith.addf %get3A_1186, %get3A_1190 : vector<16xf32>
      %swap3A = arith.index_cast %scan3A_1182 : i32 to index
      %swap3A_1192 = arith.constant 0 : index
      %swap3A_1193 = tpu.vector_load %arg8[%swap3A, %swap3A_1192] {strides = array<i32>} : memref<128x64xf32, #tpu.memory_space<vmem>>, vector<1x16xf32>,
      %swap3A_1194 = vector.shape_cast %swap3A_1193 : vector<1x16xf32> to vector<16xf32>
      %swap3A_1195 = vector.shape_cast %add3A_1191 : vector<16xf32> to vector<1x16xf32>
      tpu.vector_store %arg8[%swap3A, %swap3A_1192], %swap3A_1195 {strides = array<i32>} : memref<128x64xf32, #tpu.memory_space<vmem>>, vector<1x16xf32>,
      %get3A_1196 = arith.index_cast %scan3A_1182 : i32 to index
      %get3A_1197 = arith.constant 16 : index
      %get3A_1198 = tpu.vector_load %arg8[%get3A_1196, %get3A_1197] {strides = array<i32>} : memref<128x64xf32, #tpu.memory_space<vmem>>, vector<1x16xf32>,
      %get3A_1199 = vector.shape_cast %get3A_1198 : vector<1x16xf32> to vector<16xf32>
      %get3A_1200 = arith.index_cast %scan3A_1182 : i32 to index
      %get3A_1201 = arith.constant 16 : index
      %get3A_1202 = tpu.vector_load %arg9[%get3A_1200, %get3A_1201] {strides = array<i32>} : memref<128x64xf32, #tpu.memory_space<vmem>>, vector<1x16xf32>,
      %get3A_1203 = vector.shape_cast %get3A_1202 : vector<1x16xf32> to vector<16xf32>
      %add3A_1204 = arith.addf %get3A_1199, %get3A_1203 : vector<16xf32>
      %swap3A_1205 = arith.index_cast %scan3A_1182 : i32 to index
      %swap3A_1206 = arith.constant 16 : index
      %swap3A_1207 = tpu.vector_load %arg8[%swap3A_1205, %swap3A_1206] {strides = array<i32>} : memref<128x64xf32, #tpu.memory_space<vmem>>, vector<1x16xf32>,
      %swap3A_1208 = vector.shape_cast %swap3A_1207 : vector<1x16xf32> to vector<16xf32>
      %swap3A_1209 = vector.shape_cast %add3A_1204 : vector<16xf32> to vector<1x16xf32>
      tpu.vector_store %arg8[%swap3A_1205, %swap3A_1206], %swap3A_1209 {strides = array<i32>} : memref<128x64xf32, #tpu.memory_space<vmem>>, vector<1x16xf32>,
      %get3A_1210 = arith.index_cast %scan3A_1182 : i32 to index
      %get3A_1211 = arith.constant 32 : index
      %get3A_1212 = tpu.vector_load %arg8[%get3A_1210, %get3A_1211] {strides = array<i32>} : memref<128x64xf32, #tpu.memory_space<vmem>>, vector<1x16xf32>,
      %get3A_1213 = vector.shape_cast %get3A_1212 : vector<1x16xf32> to vector<16xf32>
      %get3A_1214 = arith.index_cast %scan3A_1182 : i32 to index
      %get3A_1215 = arith.constant 32 : index
      %get3A_1216 = tpu.vector_load %arg9[%get3A_1214, %get3A_1215] {strides = array<i32>} : memref<128x64xf32, #tpu.memory_space<vmem>>, vector<1x16xf32>,
      %get3A_1217 = vector.shape_cast %get3A_1216 : vector<1x16xf32> to vector<16xf32>
      %add3A_1218 = arith.addf %get3A_1213, %get3A_1217 : vector<16xf32>
      %swap3A_1219 = arith.index_cast %scan3A_1182 : i32 to index
      %swap3A_1220 = arith.constant 32 : index
      %swap3A_1221 = tpu.vector_load %arg8[%swap3A_1219, %swap3A_1220] {strides = array<i32>} : memref<128x64xf32, #tpu.memory_space<vmem>>, vector<1x16xf32>,
      %swap3A_1222 = vector.shape_cast %swap3A_1221 : vector<1x16xf32> to vector<16xf32>
      %swap3A_1223 = vector.shape_cast %add3A_1218 : vector<16xf32> to vector<1x16xf32>
      tpu.vector_store %arg8[%swap3A_1219, %swap3A_1220], %swap3A_1223 {strides = array<i32>} : memref<128x64xf32, #tpu.memory_space<vmem>>, vector<1x16xf32>,
      %get3A_1224 = arith.index_cast %scan3A_1182 : i32 to index
      %get3A_1225 = arith.constant 48 : index
      %get3A_1226 = tpu.vector_load %arg8[%get3A_1224, %get3A_1225] {strides = array<i32>} : memref<128x64xf32, #tpu.memory_space<vmem>>, vector<1x16xf32>,
      %get3A_1227 = vector.shape_cast %get3A_1226 : vector<1x16xf32> to vector<16xf32>
      %get3A_1228 = arith.index_cast %scan3A_1182 : i32 to index
      %get3A_1229 = arith.constant 48 : index
      %get3A_1230 = tpu.vector_load %arg9[%get3A_1228, %get3A_1229] {strides = array<i32>} : memref<128x64xf32, #tpu.memory_space<vmem>>, vector<1x16xf32>,
      %get3A_1231 = vector.shape_cast %get3A_1230 : vector<1x16xf32> to vector<16xf32>
      %add3A_1232 = arith.addf %get3A_1227, %get3A_1231 : vector<16xf32>
      %swap3A_1233 = arith.index_cast %scan3A_1182 : i32 to index
      %swap3A_1234 = arith.constant 48 : index
      %swap3A_1235 = tpu.vector_load %arg8[%swap3A_1233, %swap3A_1234] {strides = array<i32>} : memref<128x64xf32, #tpu.memory_space<vmem>>, vector<1x16xf32>,
      %swap3A_1236 = vector.shape_cast %swap3A_1235 : vector<1x16xf32> to vector<16xf32>
      %swap3A_1237 = vector.shape_cast %add3A_1232 : vector<16xf32> to vector<1x16xf32>
      tpu.vector_store %arg8[%swap3A_1233, %swap3A_1234], %swap3A_1237 {strides = array<i32>} : memref<128x64xf32, #tpu.memory_space<vmem>>, vector<1x16xf32>,
      %scan3A_1238 = arith.constant 0 : i32
      scf.yield %scan3A_1238 : i32
    }
    %scan3A_47 = arith.constant 128 : i32
    %mul3A_48 = arith.constant 4096 : i32
    %mul3A_49 = arith.muli %add3A, %mul3A_48 : i32
    %add3A_50 = arith.constant 0 : i32
    %add3A_51 = arith.addi %mul3A_49, %add3A_50 : i32
    %dma_wait3A_52 = arith.constant 0 : i32
    %dma_wait3A_53 = tpu.memref_slice %arg5[%add3A_51, %dma_wait3A_52] : memref<131072x64xf32, #tpu.memory_space<hbm>> -> memref<128x64xf32, #tpu.memory_space<hbm>>
    %dma_wait3A_54 = arith.constant 0 : i32
    %dma_wait3A_55 = tpu.memref_slice %arg5[%add3A_51, %dma_wait3A_54] : memref<131072x64xf32, #tpu.memory_space<hbm>> -> memref<128x64xf32, #tpu.memory_space<hbm>>
    tpu.wait_dma2 semaphore(%arg12 : memref<!tpu.dma_semaphore, #tpu.memory_space<semaphore_mem>>) src(%arg7 : memref<128x64xf32, #tpu.memory_space<vmem>>) dst(%dma_wait3A_55 : memref<128x64xf32, #tpu.memory_space<hbm>>)
    %dma_start3A_56 = arith.constant 1 : i32
    %dma_start3A_57 = arith.constant 0 : i32
    %dma_start3A_58 = tpu.memref_slice %arg6[%dma_start3A_56, %dma_start3A_57] : memref<32x128xi32, #tpu.memory_space<vmem>> -> memref<1x128xi32, #tpu.memory_space<vmem>>
    %dma_start3A_59 = tpu.memref_squeeze %dma_start3A_58 : memref<1x128xi32, #tpu.memory_space<vmem>> -> memref<128xi32, #tpu.memory_space<vmem>>
    %dma_start3A_60 = arith.constant 0 : i32
    %dma_start3A_61 = arith.constant 0 : i32
    %dma_start3A_62 = tpu.memref_slice %arg3[%dma_start3A_60, %dma_start3A_61] : memref<1000000x64xf32, #tpu.memory_space<hbm>> -> memref<1000000x64xf32, #tpu.memory_space<hbm>>
    tpu.enqueue_indirect_dma source(%dma_start3A_62 : memref<1000000x64xf32, #tpu.memory_space<hbm>>) target(%arg7 : memref<128x64xf32, #tpu.memory_space<vmem>>) offsets(%dma_start3A_59 : memref<128xi32, #tpu.memory_space<vmem>>) semaphore(%arg10 : memref<!tpu.dma_semaphore, #tpu.memory_space<semaphore_mem>>)
    %mul3A_63 = arith.constant 4096 : i32
    %mul3A_64 = arith.muli %add3A, %mul3A_63 : i32
    %add3A_65 = arith.constant 2048 : i32
    %add3A_66 = arith.addi %mul3A_64, %add3A_65 : i32
    %dma_start3A_67 = arith.constant 0 : i32
    %dma_start3A_68 = tpu.memref_slice %arg5[%add3A_66, %dma_start3A_67] : memref<131072x64xf32, #tpu.memory_space<hbm>> -> memref<128x64xf32, #tpu.memory_space<hbm>>
    %dma_start3A_69 = arith.constant 0 : i32
    %dma_start3A_70 = tpu.memref_slice %arg5[%add3A_66, %dma_start3A_69] : memref<131072x64xf32, #tpu.memory_space<hbm>> -> memref<128x64xf32, #tpu.memory_space<hbm>>
    tpu.enqueue_dma source(%arg8 : memref<128x64xf32, #tpu.memory_space<vmem>>) target(%dma_start3A_70 : memref<128x64xf32, #tpu.memory_space<hbm>>) target_semaphore(%arg13 : memref<!tpu.dma_semaphore, #tpu.memory_space<semaphore_mem>>)
    %dma_wait3A_71 = arith.constant 1 : i32
    %dma_wait3A_72 = arith.constant 0 : i32
    %dma_wait3A_73 = tpu.memref_slice %arg6[%dma_wait3A_71, %dma_wait3A_72] : memref<32x128xi32, #tpu.memory_space<vmem>> -> memref<1x128xi32, #tpu.memory_space<vmem>>
    %dma_wait3A_74 = tpu.memref_squeeze %dma_wait3A_73 : memref<1x128xi32, #tpu.memory_space<vmem>> -> memref<128xi32, #tpu.memory_space<vmem>>
    %dma_wait3A_75 = arith.constant 0 : i32
    %dma_wait3A_76 = arith.constant 0 : i32
    %dma_wait3A_77 = tpu.memref_slice %arg3[%dma_wait3A_75, %dma_wait3A_76] : memref<1000000x64xf32, #tpu.memory_space<hbm>> -> memref<1000000x64xf32, #tpu.memory_space<hbm>>
    tpu.wait_indirect_dma semaphore(%arg10 : memref<!tpu.dma_semaphore, #tpu.memory_space<semaphore_mem>>) src(%dma_wait3A_77 : memref<1000000x64xf32, #tpu.memory_space<hbm>>) dst(%arg7 : memref<128x64xf32, #tpu.memory_space<vmem>>)
    "tpu.region"() ({
      %run_scoped3A = tpu.sem_alloc : memref<!tpu.dma_semaphore, #tpu.memory_space<semaphore_mem>>
      %dma_start3A_1182 = arith.constant 128 : i32
      %dma_start3A_1183 = arith.constant 0 : i32
      %dma_start3A_1184 = tpu.memref_slice %arg4[%dma_start3A_1182, %dma_start3A_1183] : memref<2048x64xf32, #tpu.memory_space<hbm>> -> memref<128x64xf32, #tpu.memory_space<hbm>>
      %dma_start3A_1185 = arith.constant 128 : i32
      %dma_start3A_1186 = arith.constant 0 : i32
      %dma_start3A_1187 = tpu.memref_slice %arg4[%dma_start3A_1185, %dma_start3A_1186] : memref<2048x64xf32, #tpu.memory_space<hbm>> -> memref<128x64xf32, #tpu.memory_space<hbm>>
      tpu.enqueue_dma source(%dma_start3A_1187 : memref<128x64xf32, #tpu.memory_space<hbm>>) target(%arg9 : memref<128x64xf32, #tpu.memory_space<vmem>>) target_semaphore(%run_scoped3A : memref<!tpu.dma_semaphore, #tpu.memory_space<semaphore_mem>>)
      %dma_wait3A_1188 = arith.constant 128 : i32
      %dma_wait3A_1189 = arith.constant 0 : i32
      %dma_wait3A_1190 = tpu.memref_slice %arg4[%dma_wait3A_1188, %dma_wait3A_1189] : memref<2048x64xf32, #tpu.memory_space<hbm>> -> memref<128x64xf32, #tpu.memory_space<hbm>>
      %dma_wait3A_1191 = arith.constant 128 : i32
      %dma_wait3A_1192 = arith.constant 0 : i32
      %dma_wait3A_1193 = tpu.memref_slice %arg4[%dma_wait3A_1191, %dma_wait3A_1192] : memref<2048x64xf32, #tpu.memory_space<hbm>> -> memref<128x64xf32, #tpu.memory_space<hbm>>
      tpu.wait_dma2 semaphore(%run_scoped3A : memref<!tpu.dma_semaphore, #tpu.memory_space<semaphore_mem>>) src(%dma_wait3A_1193 : memref<128x64xf32, #tpu.memory_space<hbm>>) dst(%arg9 : memref<128x64xf32, #tpu.memory_space<vmem>>)
      tpu.yield
    }) : () -> ()
    %scan3A_78 = arith.constant 0 : i32
    %scan3A_79 = arith.constant 0 : i32
    %scan3A_80 = arith.constant 128 : i32
    %scan3A_81 = arith.addi %scan3A_79, %scan3A_80 : i32
    %scan3A_82 = arith.constant 1 : i32
    %scan3A_83 = scf.for %scan3A_1182 = %scan3A_79 to %scan3A_81 step %scan3A_82 iter_args(%scan3A_1183 = %scan3A_78) -> (i32)  : i32 {
      %get3A = arith.index_cast %scan3A_1182 : i32 to index
      %get3A_1184 = arith.constant 0 : index
      %get3A_1185 = tpu.vector_load %arg7[%get3A, %get3A_1184] {strides = array<i32>} : memref<128x64xf32, #tpu.memory_space<vmem>>, vector<1x16xf32>,
      %get3A_1186 = vector.shape_cast %get3A_1185 : vector<1x16xf32> to vector<16xf32>
      %get3A_1187 = arith.index_cast %scan3A_1182 : i32 to index
      %get3A_1188 = arith.constant 0 : index
      %get3A_1189 = tpu.vector_load %arg9[%get3A_1187, %get3A_1188] {strides = array<i32>} : memref<128x64xf32, #tpu.memory_space<vmem>>, vector<1x16xf32>,
      %get3A_1190 = vector.shape_cast %get3A_1189 : vector<1x16xf32> to vector<16xf32>
      %add3A_1191 = arith.addf %get3A_1186, %get3A_1190 : vector<16xf32>
      %swap3A = arith.index_cast %scan3A_1182 : i32 to index
      %swap3A_1192 = arith.constant 0 : index
      %swap3A_1193 = tpu.vector_load %arg7[%swap3A, %swap3A_1192] {strides = array<i32>} : memref<128x64xf32, #tpu.memory_space<vmem>>, vector<1x16xf32>,
      %swap3A_1194 = vector.shape_cast %swap3A_1193 : vector<1x16xf32> to vector<16xf32>
      %swap3A_1195 = vector.shape_cast %add3A_1191 : vector<16xf32> to vector<1x16xf32>
      tpu.vector_store %arg7[%swap3A, %swap3A_1192], %swap3A_1195 {strides = array<i32>} : memref<128x64xf32, #tpu.memory_space<vmem>>, vector<1x16xf32>,
      %get3A_1196 = arith.index_cast %scan3A_1182 : i32 to index
      %get3A_1197 = arith.constant 16 : index
      %get3A_1198 = tpu.vector_load %arg7[%get3A_1196, %get3A_1197] {strides = array<i32>} : memref<128x64xf32, #tpu.memory_space<vmem>>, vector<1x16xf32>,
      %get3A_1199 = vector.shape_cast %get3A_1198 : vector<1x16xf32> to vector<16xf32>
      %get3A_1200 = arith.index_cast %scan3A_1182 : i32 to index
      %get3A_1201 = arith.constant 16 : index
      %get3A_1202 = tpu.vector_load %arg9[%get3A_1200, %get3A_1201] {strides = array<i32>} : memref<128x64xf32, #tpu.memory_space<vmem>>, vector<1x16xf32>,
      %get3A_1203 = vector.shape_cast %get3A_1202 : vector<1x16xf32> to vector<16xf32>
      %add3A_1204 = arith.addf %get3A_1199, %get3A_1203 : vector<16xf32>
      %swap3A_1205 = arith.index_cast %scan3A_1182 : i32 to index
      %swap3A_1206 = arith.constant 16 : index
      %swap3A_1207 = tpu.vector_load %arg7[%swap3A_1205, %swap3A_1206] {strides = array<i32>} : memref<128x64xf32, #tpu.memory_space<vmem>>, vector<1x16xf32>,
      %swap3A_1208 = vector.shape_cast %swap3A_1207 : vector<1x16xf32> to vector<16xf32>
      %swap3A_1209 = vector.shape_cast %add3A_1204 : vector<16xf32> to vector<1x16xf32>
      tpu.vector_store %arg7[%swap3A_1205, %swap3A_1206], %swap3A_1209 {strides = array<i32>} : memref<128x64xf32, #tpu.memory_space<vmem>>, vector<1x16xf32>,
      %get3A_1210 = arith.index_cast %scan3A_1182 : i32 to index
      %get3A_1211 = arith.constant 32 : index
      %get3A_1212 = tpu.vector_load %arg7[%get3A_1210, %get3A_1211] {strides = array<i32>} : memref<128x64xf32, #tpu.memory_space<vmem>>, vector<1x16xf32>,
      %get3A_1213 = vector.shape_cast %get3A_1212 : vector<1x16xf32> to vector<16xf32>
      %get3A_1214 = arith.index_cast %scan3A_1182 : i32 to index
      %get3A_1215 = arith.constant 32 : index
      %get3A_1216 = tpu.vector_load %arg9[%get3A_1214, %get3A_1215] {strides = array<i32>} : memref<128x64xf32, #tpu.memory_space<vmem>>, vector<1x16xf32>,
      %get3A_1217 = vector.shape_cast %get3A_1216 : vector<1x16xf32> to vector<16xf32>
      %add3A_1218 = arith.addf %get3A_1213, %get3A_1217 : vector<16xf32>
      %swap3A_1219 = arith.index_cast %scan3A_1182 : i32 to index
      %swap3A_1220 = arith.constant 32 : index
      %swap3A_1221 = tpu.vector_load %arg7[%swap3A_1219, %swap3A_1220] {strides = array<i32>} : memref<128x64xf32, #tpu.memory_space<vmem>>, vector<1x16xf32>,
      %swap3A_1222 = vector.shape_cast %swap3A_1221 : vector<1x16xf32> to vector<16xf32>
      %swap3A_1223 = vector.shape_cast %add3A_1218 : vector<16xf32> to vector<1x16xf32>
      tpu.vector_store %arg7[%swap3A_1219, %swap3A_1220], %swap3A_1223 {strides = array<i32>} : memref<128x64xf32, #tpu.memory_space<vmem>>, vector<1x16xf32>,
      %get3A_1224 = arith.index_cast %scan3A_1182 : i32 to index
      %get3A_1225 = arith.constant 48 : index
      %get3A_1226 = tpu.vector_load %arg7[%get3A_1224, %get3A_1225] {strides = array<i32>} : memref<128x64xf32, #tpu.memory_space<vmem>>, vector<1x16xf32>,
      %get3A_1227 = vector.shape_cast %get3A_1226 : vector<1x16xf32> to vector<16xf32>
      %get3A_1228 = arith.index_cast %scan3A_1182 : i32 to index
      %get3A_1229 = arith.constant 48 : index
      %get3A_1230 = tpu.vector_load %arg9[%get3A_1228, %get3A_1229] {strides = array<i32>} : memref<128x64xf32, #tpu.memory_space<vmem>>, vector<1x16xf32>,
      %get3A_1231 = vector.shape_cast %get3A_1230 : vector<1x16xf32> to vector<16xf32>
      %add3A_1232 = arith.addf %get3A_1227, %get3A_1231 : vector<16xf32>
      %swap3A_1233 = arith.index_cast %scan3A_1182 : i32 to index
      %swap3A_1234 = arith.constant 48 : index
      %swap3A_1235 = tpu.vector_load %arg7[%swap3A_1233, %swap3A_1234] {strides = array<i32>} : memref<128x64xf32, #tpu.memory_space<vmem>>, vector<1x16xf32>,
      %swap3A_1236 = vector.shape_cast %swap3A_1235 : vector<1x16xf32> to vector<16xf32>
      %swap3A_1237 = vector.shape_cast %add3A_1232 : vector<16xf32> to vector<1x16xf32>
      tpu.vector_store %arg7[%swap3A_1233, %swap3A_1234], %swap3A_1237 {strides = array<i32>} : memref<128x64xf32, #tpu.memory_space<vmem>>, vector<1x16xf32>,
      %scan3A_1238 = arith.constant 0 : i32
      scf.yield %scan3A_1238 : i32
    }
    %scan3A_84 = arith.constant 128 : i32
    %mul3A_85 = arith.constant 4096 : i32
    %mul3A_86 = arith.muli %add3A, %mul3A_85 : i32
    %add3A_87 = arith.constant 2048 : i32
    %add3A_88 = arith.addi %mul3A_86, %add3A_87 : i32
    %dma_wait3A_89 = arith.constant 0 : i32
    %dma_wait3A_90 = tpu.memref_slice %arg5[%add3A_88, %dma_wait3A_89] : memref<131072x64xf32, #tpu.memory_space<hbm>> -> memref<128x64xf32, #tpu.memory_space<hbm>>
    %dma_wait3A_91 = arith.constant 0 : i32
    %dma_wait3A_92 = tpu.memref_slice %arg5[%add3A_88, %dma_wait3A_91] : memref<131072x64xf32, #tpu.memory_space<hbm>> -> memref<128x64xf32, #tpu.memory_space<hbm>>
    tpu.wait_dma2 semaphore(%arg13 : memref<!tpu.dma_semaphore, #tpu.memory_space<semaphore_mem>>) src(%arg8 : memref<128x64xf32, #tpu.memory_space<vmem>>) dst(%dma_wait3A_92 : memref<128x64xf32, #tpu.memory_space<hbm>>)
    %dma_start3A_93 = arith.constant 17 : i32
    %dma_start3A_94 = arith.constant 0 : i32
    %dma_start3A_95 = tpu.memref_slice %arg6[%dma_start3A_93, %dma_start3A_94] : memref<32x128xi32, #tpu.memory_space<vmem>> -> memref<1x128xi32, #tpu.memory_space<vmem>>
    %dma_start3A_96 = tpu.memref_squeeze %dma_start3A_95 : memref<1x128xi32, #tpu.memory_space<vmem>> -> memref<128xi32, #tpu.memory_space<vmem>>
    %dma_start3A_97 = arith.constant 0 : i32
    %dma_start3A_98 = arith.constant 0 : i32
    %dma_start3A_99 = tpu.memref_slice %arg3[%dma_start3A_97, %dma_start3A_98] : memref<1000000x64xf32, #tpu.memory_space<hbm>> -> memref<1000000x64xf32, #tpu.memory_space<hbm>>
    tpu.enqueue_indirect_dma source(%dma_start3A_99 : memref<1000000x64xf32, #tpu.memory_space<hbm>>) target(%arg8 : memref<128x64xf32, #tpu.memory_space<vmem>>) offsets(%dma_start3A_96 : memref<128xi32, #tpu.memory_space<vmem>>) semaphore(%arg11 : memref<!tpu.dma_semaphore, #tpu.memory_space<semaphore_mem>>)
    %mul3A_100 = arith.constant 4096 : i32
    %mul3A_101 = arith.muli %add3A, %mul3A_100 : i32
    %add3A_102 = arith.constant 128 : i32
    %add3A_103 = arith.addi %mul3A_101, %add3A_102 : i32
    %dma_start3A_104 = arith.constant 0 : i32
    %dma_start3A_105 = tpu.memref_slice %arg5[%add3A_103, %dma_start3A_104] : memref<131072x64xf32, #tpu.memory_space<hbm>> -> memref<128x64xf32, #tpu.memory_space<hbm>>
    %dma_start3A_106 = arith.constant 0 : i32
    %dma_start3A_107 = tpu.memref_slice %arg5[%add3A_103, %dma_start3A_106] : memref<131072x64xf32, #tpu.memory_space<hbm>> -> memref<128x64xf32, #tpu.memory_space<hbm>>
    tpu.enqueue_dma source(%arg7 : memref<128x64xf32, #tpu.memory_space<vmem>>) target(%dma_start3A_107 : memref<128x64xf32, #tpu.memory_space<hbm>>) target_semaphore(%arg12 : memref<!tpu.dma_semaphore, #tpu.memory_space<semaphore_mem>>)
    %dma_wait3A_108 = arith.constant 17 : i32
    %dma_wait3A_109 = arith.constant 0 : i32
    %dma_wait3A_110 = tpu.memref_slice %arg6[%dma_wait3A_108, %dma_wait3A_109] : memref<32x128xi32, #tpu.memory_space<vmem>> -> memref<1x128xi32, #tpu.memory_space<vmem>>
    %dma_wait3A_111 = tpu.memref_squeeze %dma_wait3A_110 : memref<1x128xi32, #tpu.memory_space<vmem>> -> memref<128xi32, #tpu.memory_space<vmem>>
    %dma_wait3A_112 = arith.constant 0 : i32
    %dma_wait3A_113 = arith.constant 0 : i32
    %dma_wait3A_114 = tpu.memref_slice %arg3[%dma_wait3A_112, %dma_wait3A_113] : memref<1000000x64xf32, #tpu.memory_space<hbm>> -> memref<1000000x64xf32, #tpu.memory_space<hbm>>
    tpu.wait_indirect_dma semaphore(%arg11 : memref<!tpu.dma_semaphore, #tpu.memory_space<semaphore_mem>>) src(%dma_wait3A_114 : memref<1000000x64xf32, #tpu.memory_space<hbm>>) dst(%arg8 : memref<128x64xf32, #tpu.memory_space<vmem>>)
    %scan3A_115 = arith.constant 0 : i32
    %scan3A_116 = arith.constant 0 : i32
    %scan3A_117 = arith.constant 128 : i32
    %scan3A_118 = arith.addi %scan3A_116, %scan3A_117 : i32
    %scan3A_119 = arith.constant 1 : i32
    %scan3A_120 = scf.for %scan3A_1182 = %scan3A_116 to %scan3A_118 step %scan3A_119 iter_args(%scan3A_1183 = %scan3A_115) -> (i32)  : i32 {
      %get3A = arith.index_cast %scan3A_1182 : i32 to index
      %get3A_1184 = arith.constant 0 : index
      %get3A_1185 = tpu.vector_load %arg8[%get3A, %get3A_1184] {strides = array<i32>} : memref<128x64xf32, #tpu.memory_space<vmem>>, vector<1x16xf32>,
      %get3A_1186 = vector.shape_cast %get3A_1185 : vector<1x16xf32> to vector<16xf32>
      %get3A_1187 = arith.index_cast %scan3A_1182 : i32 to index
      %get3A_1188 = arith.constant 0 : index
      %get3A_1189 = tpu.vector_load %arg9[%get3A_1187, %get3A_1188] {strides = array<i32>} : memref<128x64xf32, #tpu.memory_space<vmem>>, vector<1x16xf32>,
      %get3A_1190 = vector.shape_cast %get3A_1189 : vector<1x16xf32> to vector<16xf32>
      %add3A_1191 = arith.addf %get3A_1186, %get3A_1190 : vector<16xf32>
      %swap3A = arith.index_cast %scan3A_1182 : i32 to index
      %swap3A_1192 = arith.constant 0 : index
      %swap3A_1193 = tpu.vector_load %arg8[%swap3A, %swap3A_1192] {strides = array<i32>} : memref<128x64xf32, #tpu.memory_space<vmem>>, vector<1x16xf32>,
      %swap3A_1194 = vector.shape_cast %swap3A_1193 : vector<1x16xf32> to vector<16xf32>
      %swap3A_1195 = vector.shape_cast %add3A_1191 : vector<16xf32> to vector<1x16xf32>
      tpu.vector_store %arg8[%swap3A, %swap3A_1192], %swap3A_1195 {strides = array<i32>} : memref<128x64xf32, #tpu.memory_space<vmem>>, vector<1x16xf32>,
      %get3A_1196 = arith.index_cast %scan3A_1182 : i32 to index
      %get3A_1197 = arith.constant 16 : index
      %get3A_1198 = tpu.vector_load %arg8[%get3A_1196, %get3A_1197] {strides = array<i32>} : memref<128x64xf32, #tpu.memory_space<vmem>>, vector<1x16xf32>,
      %get3A_1199 = vector.shape_cast %get3A_1198 : vector<1x16xf32> to vector<16xf32>
      %get3A_1200 = arith.index_cast %scan3A_1182 : i32 to index
      %get3A_1201 = arith.constant 16 : index
      %get3A_1202 = tpu.vector_load %arg9[%get3A_1200, %get3A_1201] {strides = array<i32>} : memref<128x64xf32, #tpu.memory_space<vmem>>, vector<1x16xf32>,
      %get3A_1203 = vector.shape_cast %get3A_1202 : vector<1x16xf32> to vector<16xf32>
      %add3A_1204 = arith.addf %get3A_1199, %get3A_1203 : vector<16xf32>
      %swap3A_1205 = arith.index_cast %scan3A_1182 : i32 to index
      %swap3A_1206 = arith.constant 16 : index
      %swap3A_1207 = tpu.vector_load %arg8[%swap3A_1205, %swap3A_1206] {strides = array<i32>} : memref<128x64xf32, #tpu.memory_space<vmem>>, vector<1x16xf32>,
      %swap3A_1208 = vector.shape_cast %swap3A_1207 : vector<1x16xf32> to vector<16xf32>
      %swap3A_1209 = vector.shape_cast %add3A_1204 : vector<16xf32> to vector<1x16xf32>
      tpu.vector_store %arg8[%swap3A_1205, %swap3A_1206], %swap3A_1209 {strides = array<i32>} : memref<128x64xf32, #tpu.memory_space<vmem>>, vector<1x16xf32>,
      %get3A_1210 = arith.index_cast %scan3A_1182 : i32 to index
      %get3A_1211 = arith.constant 32 : index
      %get3A_1212 = tpu.vector_load %arg8[%get3A_1210, %get3A_1211] {strides = array<i32>} : memref<128x64xf32, #tpu.memory_space<vmem>>, vector<1x16xf32>,
      %get3A_1213 = vector.shape_cast %get3A_1212 : vector<1x16xf32> to vector<16xf32>
      %get3A_1214 = arith.index_cast %scan3A_1182 : i32 to index
      %get3A_1215 = arith.constant 32 : index
      %get3A_1216 = tpu.vector_load %arg9[%get3A_1214, %get3A_1215] {strides = array<i32>} : memref<128x64xf32, #tpu.memory_space<vmem>>, vector<1x16xf32>,
      %get3A_1217 = vector.shape_cast %get3A_1216 : vector<1x16xf32> to vector<16xf32>
      %add3A_1218 = arith.addf %get3A_1213, %get3A_1217 : vector<16xf32>
      %swap3A_1219 = arith.index_cast %scan3A_1182 : i32 to index
      %swap3A_1220 = arith.constant 32 : index
      %swap3A_1221 = tpu.vector_load %arg8[%swap3A_1219, %swap3A_1220] {strides = array<i32>} : memref<128x64xf32, #tpu.memory_space<vmem>>, vector<1x16xf32>,
      %swap3A_1222 = vector.shape_cast %swap3A_1221 : vector<1x16xf32> to vector<16xf32>
      %swap3A_1223 = vector.shape_cast %add3A_1218 : vector<16xf32> to vector<1x16xf32>
      tpu.vector_store %arg8[%swap3A_1219, %swap3A_1220], %swap3A_1223 {strides = array<i32>} : memref<128x64xf32, #tpu.memory_space<vmem>>, vector<1x16xf32>,
      %get3A_1224 = arith.index_cast %scan3A_1182 : i32 to index
      %get3A_1225 = arith.constant 48 : index
      %get3A_1226 = tpu.vector_load %arg8[%get3A_1224, %get3A_1225] {strides = array<i32>} : memref<128x64xf32, #tpu.memory_space<vmem>>, vector<1x16xf32>,
      %get3A_1227 = vector.shape_cast %get3A_1226 : vector<1x16xf32> to vector<16xf32>
      %get3A_1228 = arith.index_cast %scan3A_1182 : i32 to index
      %get3A_1229 = arith.constant 48 : index
      %get3A_1230 = tpu.vector_load %arg9[%get3A_1228, %get3A_1229] {strides = array<i32>} : memref<128x64xf32, #tpu.memory_space<vmem>>, vector<1x16xf32>,
      %get3A_1231 = vector.shape_cast %get3A_1230 : vector<1x16xf32> to vector<16xf32>
      %add3A_1232 = arith.addf %get3A_1227, %get3A_1231 : vector<16xf32>
      %swap3A_1233 = arith.index_cast %scan3A_1182 : i32 to index
      %swap3A_1234 = arith.constant 48 : index
      %swap3A_1235 = tpu.vector_load %arg8[%swap3A_1233, %swap3A_1234] {strides = array<i32>} : memref<128x64xf32, #tpu.memory_space<vmem>>, vector<1x16xf32>,
      %swap3A_1236 = vector.shape_cast %swap3A_1235 : vector<1x16xf32> to vector<16xf32>
      %swap3A_1237 = vector.shape_cast %add3A_1232 : vector<16xf32> to vector<1x16xf32>
      tpu.vector_store %arg8[%swap3A_1233, %swap3A_1234], %swap3A_1237 {strides = array<i32>} : memref<128x64xf32, #tpu.memory_space<vmem>>, vector<1x16xf32>,
      %scan3A_1238 = arith.constant 0 : i32
      scf.yield %scan3A_1238 : i32
    }
    %scan3A_121 = arith.constant 128 : i32
    %mul3A_122 = arith.constant 4096 : i32
    %mul3A_123 = arith.muli %add3A, %mul3A_122 : i32
    %add3A_124 = arith.constant 128 : i32
    %add3A_125 = arith.addi %mul3A_123, %add3A_124 : i32
    %dma_wait3A_126 = arith.constant 0 : i32
    %dma_wait3A_127 = tpu.memref_slice %arg5[%add3A_125, %dma_wait3A_126] : memref<131072x64xf32, #tpu.memory_space<hbm>> -> memref<128x64xf32, #tpu.memory_space<hbm>>
    %dma_wait3A_128 = arith.constant 0 : i32
    %dma_wait3A_129 = tpu.memref_slice %arg5[%add3A_125, %dma_wait3A_128] : memref<131072x64xf32, #tpu.memory_space<hbm>> -> memref<128x64xf32, #tpu.memory_space<hbm>>
    tpu.wait_dma2 semaphore(%arg12 : memref<!tpu.dma_semaphore, #tpu.memory_space<semaphore_mem>>) src(%arg7 : memref<128x64xf32, #tpu.memory_space<vmem>>) dst(%dma_wait3A_129 : memref<128x64xf32, #tpu.memory_space<hbm>>)
    %dma_start3A_130 = arith.constant 2 : i32
    %dma_start3A_131 = arith.constant 0 : i32
    %dma_start3A_132 = tpu.memref_slice %arg6[%dma_start3A_130, %dma_start3A_131] : memref<32x128xi32, #tpu.memory_space<vmem>> -> memref<1x128xi32, #tpu.memory_space<vmem>>
    %dma_start3A_133 = tpu.memref_squeeze %dma_start3A_132 : memref<1x128xi32, #tpu.memory_space<vmem>> -> memref<128xi32, #tpu.memory_space<vmem>>
    %dma_start3A_134 = arith.constant 0 : i32
    %dma_start3A_135 = arith.constant 0 : i32
    %dma_start3A_136 = tpu.memref_slice %arg3[%dma_start3A_134, %dma_start3A_135] : memref<1000000x64xf32, #tpu.memory_space<hbm>> -> memref<1000000x64xf32, #tpu.memory_space<hbm>>
    tpu.enqueue_indirect_dma source(%dma_start3A_136 : memref<1000000x64xf32, #tpu.memory_space<hbm>>) target(%arg7 : memref<128x64xf32, #tpu.memory_space<vmem>>) offsets(%dma_start3A_133 : memref<128xi32, #tpu.memory_space<vmem>>) semaphore(%arg10 : memref<!tpu.dma_semaphore, #tpu.memory_space<semaphore_mem>>)
    %mul3A_137 = arith.constant 4096 : i32
    %mul3A_138 = arith.muli %add3A, %mul3A_137 : i32
    %add3A_139 = arith.constant 2176 : i32
    %add3A_140 = arith.addi %mul3A_138, %add3A_139 : i32
    %dma_start3A_141 = arith.constant 0 : i32
    %dma_start3A_142 = tpu.memref_slice %arg5[%add3A_140, %dma_start3A_141] : memref<131072x64xf32, #tpu.memory_space<hbm>> -> memref<128x64xf32, #tpu.memory_space<hbm>>
    %dma_start3A_143 = arith.constant 0 : i32
    %dma_start3A_144 = tpu.memref_slice %arg5[%add3A_140, %dma_start3A_143] : memref<131072x64xf32, #tpu.memory_space<hbm>> -> memref<128x64xf32, #tpu.memory_space<hbm>>
    tpu.enqueue_dma source(%arg8 : memref<128x64xf32, #tpu.memory_space<vmem>>) target(%dma_start3A_144 : memref<128x64xf32, #tpu.memory_space<hbm>>) target_semaphore(%arg13 : memref<!tpu.dma_semaphore, #tpu.memory_space<semaphore_mem>>)
    %dma_wait3A_145 = arith.constant 2 : i32
    %dma_wait3A_146 = arith.constant 0 : i32
    %dma_wait3A_147 = tpu.memref_slice %arg6[%dma_wait3A_145, %dma_wait3A_146] : memref<32x128xi32, #tpu.memory_space<vmem>> -> memref<1x128xi32, #tpu.memory_space<vmem>>
    %dma_wait3A_148 = tpu.memref_squeeze %dma_wait3A_147 : memref<1x128xi32, #tpu.memory_space<vmem>> -> memref<128xi32, #tpu.memory_space<vmem>>
    %dma_wait3A_149 = arith.constant 0 : i32
    %dma_wait3A_150 = arith.constant 0 : i32
    %dma_wait3A_151 = tpu.memref_slice %arg3[%dma_wait3A_149, %dma_wait3A_150] : memref<1000000x64xf32, #tpu.memory_space<hbm>> -> memref<1000000x64xf32, #tpu.memory_space<hbm>>
    tpu.wait_indirect_dma semaphore(%arg10 : memref<!tpu.dma_semaphore, #tpu.memory_space<semaphore_mem>>) src(%dma_wait3A_151 : memref<1000000x64xf32, #tpu.memory_space<hbm>>) dst(%arg7 : memref<128x64xf32, #tpu.memory_space<vmem>>)
    "tpu.region"() ({
      %run_scoped3A = tpu.sem_alloc : memref<!tpu.dma_semaphore, #tpu.memory_space<semaphore_mem>>
      %dma_start3A_1182 = arith.constant 256 : i32
      %dma_start3A_1183 = arith.constant 0 : i32
      %dma_start3A_1184 = tpu.memref_slice %arg4[%dma_start3A_1182, %dma_start3A_1183] : memref<2048x64xf32, #tpu.memory_space<hbm>> -> memref<128x64xf32, #tpu.memory_space<hbm>>
      %dma_start3A_1185 = arith.constant 256 : i32
      %dma_start3A_1186 = arith.constant 0 : i32
      %dma_start3A_1187 = tpu.memref_slice %arg4[%dma_start3A_1185, %dma_start3A_1186] : memref<2048x64xf32, #tpu.memory_space<hbm>> -> memref<128x64xf32, #tpu.memory_space<hbm>>
      tpu.enqueue_dma source(%dma_start3A_1187 : memref<128x64xf32, #tpu.memory_space<hbm>>) target(%arg9 : memref<128x64xf32, #tpu.memory_space<vmem>>) target_semaphore(%run_scoped3A : memref<!tpu.dma_semaphore, #tpu.memory_space<semaphore_mem>>)
      %dma_wait3A_1188 = arith.constant 256 : i32
      %dma_wait3A_1189 = arith.constant 0 : i32
      %dma_wait3A_1190 = tpu.memref_slice %arg4[%dma_wait3A_1188, %dma_wait3A_1189] : memref<2048x64xf32, #tpu.memory_space<hbm>> -> memref<128x64xf32, #tpu.memory_space<hbm>>
      %dma_wait3A_1191 = arith.constant 256 : i32
      %dma_wait3A_1192 = arith.constant 0 : i32
      %dma_wait3A_1193 = tpu.memref_slice %arg4[%dma_wait3A_1191, %dma_wait3A_1192] : memref<2048x64xf32, #tpu.memory_space<hbm>> -> memref<128x64xf32, #tpu.memory_space<hbm>>
      tpu.wait_dma2 semaphore(%run_scoped3A : memref<!tpu.dma_semaphore, #tpu.memory_space<semaphore_mem>>) src(%dma_wait3A_1193 : memref<128x64xf32, #tpu.memory_space<hbm>>) dst(%arg9 : memref<128x64xf32, #tpu.memory_space<vmem>>)
      tpu.yield
    }) : () -> ()
    %scan3A_152 = arith.constant 0 : i32
    %scan3A_153 = arith.constant 0 : i32
    %scan3A_154 = arith.constant 128 : i32
    %scan3A_155 = arith.addi %scan3A_153, %scan3A_154 : i32
    %scan3A_156 = arith.constant 1 : i32
    %scan3A_157 = scf.for %scan3A_1182 = %scan3A_153 to %scan3A_155 step %scan3A_156 iter_args(%scan3A_1183 = %scan3A_152) -> (i32)  : i32 {
      %get3A = arith.index_cast %scan3A_1182 : i32 to index
      %get3A_1184 = arith.constant 0 : index
      %get3A_1185 = tpu.vector_load %arg7[%get3A, %get3A_1184] {strides = array<i32>} : memref<128x64xf32, #tpu.memory_space<vmem>>, vector<1x16xf32>,
      %get3A_1186 = vector.shape_cast %get3A_1185 : vector<1x16xf32> to vector<16xf32>
      %get3A_1187 = arith.index_cast %scan3A_1182 : i32 to index
      %get3A_1188 = arith.constant 0 : index
      %get3A_1189 = tpu.vector_load %arg9[%get3A_1187, %get3A_1188] {strides = array<i32>} : memref<128x64xf32, #tpu.memory_space<vmem>>, vector<1x16xf32>,
      %get3A_1190 = vector.shape_cast %get3A_1189 : vector<1x16xf32> to vector<16xf32>
      %add3A_1191 = arith.addf %get3A_1186, %get3A_1190 : vector<16xf32>
      %swap3A = arith.index_cast %scan3A_1182 : i32 to index
      %swap3A_1192 = arith.constant 0 : index
      %swap3A_1193 = tpu.vector_load %arg7[%swap3A, %swap3A_1192] {strides = array<i32>} : memref<128x64xf32, #tpu.memory_space<vmem>>, vector<1x16xf32>,
      %swap3A_1194 = vector.shape_cast %swap3A_1193 : vector<1x16xf32> to vector<16xf32>
      %swap3A_1195 = vector.shape_cast %add3A_1191 : vector<16xf32> to vector<1x16xf32>
      tpu.vector_store %arg7[%swap3A, %swap3A_1192], %swap3A_1195 {strides = array<i32>} : memref<128x64xf32, #tpu.memory_space<vmem>>, vector<1x16xf32>,
      %get3A_1196 = arith.index_cast %scan3A_1182 : i32 to index
      %get3A_1197 = arith.constant 16 : index
      %get3A_1198 = tpu.vector_load %arg7[%get3A_1196, %get3A_1197] {strides = array<i32>} : memref<128x64xf32, #tpu.memory_space<vmem>>, vector<1x16xf32>,
      %get3A_1199 = vector.shape_cast %get3A_1198 : vector<1x16xf32> to vector<16xf32>
      %get3A_1200 = arith.index_cast %scan3A_1182 : i32 to index
      %get3A_1201 = arith.constant 16 : index
      %get3A_1202 = tpu.vector_load %arg9[%get3A_1200, %get3A_1201] {strides = array<i32>} : memref<128x64xf32, #tpu.memory_space<vmem>>, vector<1x16xf32>,
      %get3A_1203 = vector.shape_cast %get3A_1202 : vector<1x16xf32> to vector<16xf32>
      %add3A_1204 = arith.addf %get3A_1199, %get3A_1203 : vector<16xf32>
      %swap3A_1205 = arith.index_cast %scan3A_1182 : i32 to index
      %swap3A_1206 = arith.constant 16 : index
      %swap3A_1207 = tpu.vector_load %arg7[%swap3A_1205, %swap3A_1206] {strides = array<i32>} : memref<128x64xf32, #tpu.memory_space<vmem>>, vector<1x16xf32>,
      %swap3A_1208 = vector.shape_cast %swap3A_1207 : vector<1x16xf32> to vector<16xf32>
      %swap3A_1209 = vector.shape_cast %add3A_1204 : vector<16xf32> to vector<1x16xf32>
      tpu.vector_store %arg7[%swap3A_1205, %swap3A_1206], %swap3A_1209 {strides = array<i32>} : memref<128x64xf32, #tpu.memory_space<vmem>>, vector<1x16xf32>,
      %get3A_1210 = arith.index_cast %scan3A_1182 : i32 to index
      %get3A_1211 = arith.constant 32 : index
      %get3A_1212 = tpu.vector_load %arg7[%get3A_1210, %get3A_1211] {strides = array<i32>} : memref<128x64xf32, #tpu.memory_space<vmem>>, vector<1x16xf32>,
      %get3A_1213 = vector.shape_cast %get3A_1212 : vector<1x16xf32> to vector<16xf32>
      %get3A_1214 = arith.index_cast %scan3A_1182 : i32 to index
      %get3A_1215 = arith.constant 32 : index
      %get3A_1216 = tpu.vector_load %arg9[%get3A_1214, %get3A_1215] {strides = array<i32>} : memref<128x64xf32, #tpu.memory_space<vmem>>, vector<1x16xf32>,
      %get3A_1217 = vector.shape_cast %get3A_1216 : vector<1x16xf32> to vector<16xf32>
      %add3A_1218 = arith.addf %get3A_1213, %get3A_1217 : vector<16xf32>
      %swap3A_1219 = arith.index_cast %scan3A_1182 : i32 to index
      %swap3A_1220 = arith.constant 32 : index
      %swap3A_1221 = tpu.vector_load %arg7[%swap3A_1219, %swap3A_1220] {strides = array<i32>} : memref<128x64xf32, #tpu.memory_space<vmem>>, vector<1x16xf32>,
      %swap3A_1222 = vector.shape_cast %swap3A_1221 : vector<1x16xf32> to vector<16xf32>
      %swap3A_1223 = vector.shape_cast %add3A_1218 : vector<16xf32> to vector<1x16xf32>
      tpu.vector_store %arg7[%swap3A_1219, %swap3A_1220], %swap3A_1223 {strides = array<i32>} : memref<128x64xf32, #tpu.memory_space<vmem>>, vector<1x16xf32>,
      %get3A_1224 = arith.index_cast %scan3A_1182 : i32 to index
      %get3A_1225 = arith.constant 48 : index
      %get3A_1226 = tpu.vector_load %arg7[%get3A_1224, %get3A_1225] {strides = array<i32>} : memref<128x64xf32, #tpu.memory_space<vmem>>, vector<1x16xf32>,
      %get3A_1227 = vector.shape_cast %get3A_1226 : vector<1x16xf32> to vector<16xf32>
      %get3A_1228 = arith.index_cast %scan3A_1182 : i32 to index
      %get3A_1229 = arith.constant 48 : index
      %get3A_1230 = tpu.vector_load %arg9[%get3A_1228, %get3A_1229] {strides = array<i32>} : memref<128x64xf32, #tpu.memory_space<vmem>>, vector<1x16xf32>,
      %get3A_1231 = vector.shape_cast %get3A_1230 : vector<1x16xf32> to vector<16xf32>
      %add3A_1232 = arith.addf %get3A_1227, %get3A_1231 : vector<16xf32>
      %swap3A_1233 = arith.index_cast %scan3A_1182 : i32 to index
      %swap3A_1234 = arith.constant 48 : index
      %swap3A_1235 = tpu.vector_load %arg7[%swap3A_1233, %swap3A_1234] {strides = array<i32>} : memref<128x64xf32, #tpu.memory_space<vmem>>, vector<1x16xf32>,
      %swap3A_1236 = vector.shape_cast %swap3A_1235 : vector<1x16xf32> to vector<16xf32>
      %swap3A_1237 = vector.shape_cast %add3A_1232 : vector<16xf32> to vector<1x16xf32>
      tpu.vector_store %arg7[%swap3A_1233, %swap3A_1234], %swap3A_1237 {strides = array<i32>} : memref<128x64xf32, #tpu.memory_space<vmem>>, vector<1x16xf32>,
      %scan3A_1238 = arith.constant 0 : i32
      scf.yield %scan3A_1238 : i32
    }
    %scan3A_158 = arith.constant 128 : i32
    %mul3A_159 = arith.constant 4096 : i32
    %mul3A_160 = arith.muli %add3A, %mul3A_159 : i32
    %add3A_161 = arith.constant 2176 : i32
    %add3A_162 = arith.addi %mul3A_160, %add3A_161 : i32
    %dma_wait3A_163 = arith.constant 0 : i32
    %dma_wait3A_164 = tpu.memref_slice %arg5[%add3A_162, %dma_wait3A_163] : memref<131072x64xf32, #tpu.memory_space<hbm>> -> memref<128x64xf32, #tpu.memory_space<hbm>>
    %dma_wait3A_165 = arith.constant 0 : i32
    %dma_wait3A_166 = tpu.memref_slice %arg5[%add3A_162, %dma_wait3A_165] : memref<131072x64xf32, #tpu.memory_space<hbm>> -> memref<128x64xf32, #tpu.memory_space<hbm>>
    tpu.wait_dma2 semaphore(%arg13 : memref<!tpu.dma_semaphore, #tpu.memory_space<semaphore_mem>>) src(%arg8 : memref<128x64xf32, #tpu.memory_space<vmem>>) dst(%dma_wait3A_166 : memref<128x64xf32, #tpu.memory_space<hbm>>)
    %dma_start3A_167 = arith.constant 18 : i32
    %dma_start3A_168 = arith.constant 0 : i32
    %dma_start3A_169 = tpu.memref_slice %arg6[%dma_start3A_167, %dma_start3A_168] : memref<32x128xi32, #tpu.memory_space<vmem>> -> memref<1x128xi32, #tpu.memory_space<vmem>>
    %dma_start3A_170 = tpu.memref_squeeze %dma_start3A_169 : memref<1x128xi32, #tpu.memory_space<vmem>> -> memref<128xi32, #tpu.memory_space<vmem>>
    %dma_start3A_171 = arith.constant 0 : i32
    %dma_start3A_172 = arith.constant 0 : i32
    %dma_start3A_173 = tpu.memref_slice %arg3[%dma_start3A_171, %dma_start3A_172] : memref<1000000x64xf32, #tpu.memory_space<hbm>> -> memref<1000000x64xf32, #tpu.memory_space<hbm>>
    tpu.enqueue_indirect_dma source(%dma_start3A_173 : memref<1000000x64xf32, #tpu.memory_space<hbm>>) target(%arg8 : memref<128x64xf32, #tpu.memory_space<vmem>>) offsets(%dma_start3A_170 : memref<128xi32, #tpu.memory_space<vmem>>) semaphore(%arg11 : memref<!tpu.dma_semaphore, #tpu.memory_space<semaphore_mem>>)
    %mul3A_174 = arith.constant 4096 : i32
    %mul3A_175 = arith.muli %add3A, %mul3A_174 : i32
    %add3A_176 = arith.constant 256 : i32
    %add3A_177 = arith.addi %mul3A_175, %add3A_176 : i32
    %dma_start3A_178 = arith.constant 0 : i32
    %dma_start3A_179 = tpu.memref_slice %arg5[%add3A_177, %dma_start3A_178] : memref<131072x64xf32, #tpu.memory_space<hbm>> -> memref<128x64xf32, #tpu.memory_space<hbm>>
    %dma_start3A_180 = arith.constant 0 : i32
    %dma_start3A_181 = tpu.memref_slice %arg5[%add3A_177, %dma_start3A_180] : memref<131072x64xf32, #tpu.memory_space<hbm>> -> memref<128x64xf32, #tpu.memory_space<hbm>>
    tpu.enqueue_dma source(%arg7 : memref<128x64xf32, #tpu.memory_space<vmem>>) target(%dma_start3A_181 : memref<128x64xf32, #tpu.memory_space<hbm>>) target_semaphore(%arg12 : memref<!tpu.dma_semaphore, #tpu.memory_space<semaphore_mem>>)
    %dma_wait3A_182 = arith.constant 18 : i32
    %dma_wait3A_183 = arith.constant 0 : i32
    %dma_wait3A_184 = tpu.memref_slice %arg6[%dma_wait3A_182, %dma_wait3A_183] : memref<32x128xi32, #tpu.memory_space<vmem>> -> memref<1x128xi32, #tpu.memory_space<vmem>>
    %dma_wait3A_185 = tpu.memref_squeeze %dma_wait3A_184 : memref<1x128xi32, #tpu.memory_space<vmem>> -> memref<128xi32, #tpu.memory_space<vmem>>
    %dma_wait3A_186 = arith.constant 0 : i32
    %dma_wait3A_187 = arith.constant 0 : i32
    %dma_wait3A_188 = tpu.memref_slice %arg3[%dma_wait3A_186, %dma_wait3A_187] : memref<1000000x64xf32, #tpu.memory_space<hbm>> -> memref<1000000x64xf32, #tpu.memory_space<hbm>>
    tpu.wait_indirect_dma semaphore(%arg11 : memref<!tpu.dma_semaphore, #tpu.memory_space<semaphore_mem>>) src(%dma_wait3A_188 : memref<1000000x64xf32, #tpu.memory_space<hbm>>) dst(%arg8 : memref<128x64xf32, #tpu.memory_space<vmem>>)
    %scan3A_189 = arith.constant 0 : i32
    %scan3A_190 = arith.constant 0 : i32
    %scan3A_191 = arith.constant 128 : i32
    %scan3A_192 = arith.addi %scan3A_190, %scan3A_191 : i32
    %scan3A_193 = arith.constant 1 : i32
    %scan3A_194 = scf.for %scan3A_1182 = %scan3A_190 to %scan3A_192 step %scan3A_193 iter_args(%scan3A_1183 = %scan3A_189) -> (i32)  : i32 {
      %get3A = arith.index_cast %scan3A_1182 : i32 to index
      %get3A_1184 = arith.constant 0 : index
      %get3A_1185 = tpu.vector_load %arg8[%get3A, %get3A_1184] {strides = array<i32>} : memref<128x64xf32, #tpu.memory_space<vmem>>, vector<1x16xf32>,
      %get3A_1186 = vector.shape_cast %get3A_1185 : vector<1x16xf32> to vector<16xf32>
      %get3A_1187 = arith.index_cast %scan3A_1182 : i32 to index
      %get3A_1188 = arith.constant 0 : index
      %get3A_1189 = tpu.vector_load %arg9[%get3A_1187, %get3A_1188] {strides = array<i32>} : memref<128x64xf32, #tpu.memory_space<vmem>>, vector<1x16xf32>,
      %get3A_1190 = vector.shape_cast %get3A_1189 : vector<1x16xf32> to vector<16xf32>
      %add3A_1191 = arith.addf %get3A_1186, %get3A_1190 : vector<16xf32>
      %swap3A = arith.index_cast %scan3A_1182 : i32 to index
      %swap3A_1192 = arith.constant 0 : index
      %swap3A_1193 = tpu.vector_load %arg8[%swap3A, %swap3A_1192] {strides = array<i32>} : memref<128x64xf32, #tpu.memory_space<vmem>>, vector<1x16xf32>,
      %swap3A_1194 = vector.shape_cast %swap3A_1193 : vector<1x16xf32> to vector<16xf32>
      %swap3A_1195 = vector.shape_cast %add3A_1191 : vector<16xf32> to vector<1x16xf32>
      tpu.vector_store %arg8[%swap3A, %swap3A_1192], %swap3A_1195 {strides = array<i32>} : memref<128x64xf32, #tpu.memory_space<vmem>>, vector<1x16xf32>,
      %get3A_1196 = arith.index_cast %scan3A_1182 : i32 to index
      %get3A_1197 = arith.constant 16 : index
      %get3A_1198 = tpu.vector_load %arg8[%get3A_1196, %get3A_1197] {strides = array<i32>} : memref<128x64xf32, #tpu.memory_space<vmem>>, vector<1x16xf32>,
      %get3A_1199 = vector.shape_cast %get3A_1198 : vector<1x16xf32> to vector<16xf32>
      %get3A_1200 = arith.index_cast %scan3A_1182 : i32 to index
      %get3A_1201 = arith.constant 16 : index
      %get3A_1202 = tpu.vector_load %arg9[%get3A_1200, %get3A_1201] {strides = array<i32>} : memref<128x64xf32, #tpu.memory_space<vmem>>, vector<1x16xf32>,
      %get3A_1203 = vector.shape_cast %get3A_1202 : vector<1x16xf32> to vector<16xf32>
      %add3A_1204 = arith.addf %get3A_1199, %get3A_1203 : vector<16xf32>
      %swap3A_1205 = arith.index_cast %scan3A_1182 : i32 to index
      %swap3A_1206 = arith.constant 16 : index
      %swap3A_1207 = tpu.vector_load %arg8[%swap3A_1205, %swap3A_1206] {strides = array<i32>} : memref<128x64xf32, #tpu.memory_space<vmem>>, vector<1x16xf32>,
      %swap3A_1208 = vector.shape_cast %swap3A_1207 : vector<1x16xf32> to vector<16xf32>
      %swap3A_1209 = vector.shape_cast %add3A_1204 : vector<16xf32> to vector<1x16xf32>
      tpu.vector_store %arg8[%swap3A_1205, %swap3A_1206], %swap3A_1209 {strides = array<i32>} : memref<128x64xf32, #tpu.memory_space<vmem>>, vector<1x16xf32>,
      %get3A_1210 = arith.index_cast %scan3A_1182 : i32 to index
      %get3A_1211 = arith.constant 32 : index
      %get3A_1212 = tpu.vector_load %arg8[%get3A_1210, %get3A_1211] {strides = array<i32>} : memref<128x64xf32, #tpu.memory_space<vmem>>, vector<1x16xf32>,
      %get3A_1213 = vector.shape_cast %get3A_1212 : vector<1x16xf32> to vector<16xf32>
      %get3A_1214 = arith.index_cast %scan3A_1182 : i32 to index
      %get3A_1215 = arith.constant 32 : index
      %get3A_1216 = tpu.vector_load %arg9[%get3A_1214, %get3A_1215] {strides = array<i32>} : memref<128x64xf32, #tpu.memory_space<vmem>>, vector<1x16xf32>,
      %get3A_1217 = vector.shape_cast %get3A_1216 : vector<1x16xf32> to vector<16xf32>
      %add3A_1218 = arith.addf %get3A_1213, %get3A_1217 : vector<16xf32>
      %swap3A_1219 = arith.index_cast %scan3A_1182 : i32 to index
      %swap3A_1220 = arith.constant 32 : index
      %swap3A_1221 = tpu.vector_load %arg8[%swap3A_1219, %swap3A_1220] {strides = array<i32>} : memref<128x64xf32, #tpu.memory_space<vmem>>, vector<1x16xf32>,
      %swap3A_1222 = vector.shape_cast %swap3A_1221 : vector<1x16xf32> to vector<16xf32>
      %swap3A_1223 = vector.shape_cast %add3A_1218 : vector<16xf32> to vector<1x16xf32>
      tpu.vector_store %arg8[%swap3A_1219, %swap3A_1220], %swap3A_1223 {strides = array<i32>} : memref<128x64xf32, #tpu.memory_space<vmem>>, vector<1x16xf32>,
      %get3A_1224 = arith.index_cast %scan3A_1182 : i32 to index
      %get3A_1225 = arith.constant 48 : index
      %get3A_1226 = tpu.vector_load %arg8[%get3A_1224, %get3A_1225] {strides = array<i32>} : memref<128x64xf32, #tpu.memory_space<vmem>>, vector<1x16xf32>,
      %get3A_1227 = vector.shape_cast %get3A_1226 : vector<1x16xf32> to vector<16xf32>
      %get3A_1228 = arith.index_cast %scan3A_1182 : i32 to index
      %get3A_1229 = arith.constant 48 : index
      %get3A_1230 = tpu.vector_load %arg9[%get3A_1228, %get3A_1229] {strides = array<i32>} : memref<128x64xf32, #tpu.memory_space<vmem>>, vector<1x16xf32>,
      %get3A_1231 = vector.shape_cast %get3A_1230 : vector<1x16xf32> to vector<16xf32>
      %add3A_1232 = arith.addf %get3A_1227, %get3A_1231 : vector<16xf32>
      %swap3A_1233 = arith.index_cast %scan3A_1182 : i32 to index
      %swap3A_1234 = arith.constant 48 : index
      %swap3A_1235 = tpu.vector_load %arg8[%swap3A_1233, %swap3A_1234] {strides = array<i32>} : memref<128x64xf32, #tpu.memory_space<vmem>>, vector<1x16xf32>,
      %swap3A_1236 = vector.shape_cast %swap3A_1235 : vector<1x16xf32> to vector<16xf32>
      %swap3A_1237 = vector.shape_cast %add3A_1232 : vector<16xf32> to vector<1x16xf32>
      tpu.vector_store %arg8[%swap3A_1233, %swap3A_1234], %swap3A_1237 {strides = array<i32>} : memref<128x64xf32, #tpu.memory_space<vmem>>, vector<1x16xf32>,
      %scan3A_1238 = arith.constant 0 : i32
      scf.yield %scan3A_1238 : i32
    }
    %scan3A_195 = arith.constant 128 : i32
    %mul3A_196 = arith.constant 4096 : i32
    %mul3A_197 = arith.muli %add3A, %mul3A_196 : i32
    %add3A_198 = arith.constant 256 : i32
    %add3A_199 = arith.addi %mul3A_197, %add3A_198 : i32
    %dma_wait3A_200 = arith.constant 0 : i32
    %dma_wait3A_201 = tpu.memref_slice %arg5[%add3A_199, %dma_wait3A_200] : memref<131072x64xf32, #tpu.memory_space<hbm>> -> memref<128x64xf32, #tpu.memory_space<hbm>>
    %dma_wait3A_202 = arith.constant 0 : i32
    %dma_wait3A_203 = tpu.memref_slice %arg5[%add3A_199, %dma_wait3A_202] : memref<131072x64xf32, #tpu.memory_space<hbm>> -> memref<128x64xf32, #tpu.memory_space<hbm>>
    tpu.wait_dma2 semaphore(%arg12 : memref<!tpu.dma_semaphore, #tpu.memory_space<semaphore_mem>>) src(%arg7 : memref<128x64xf32, #tpu.memory_space<vmem>>) dst(%dma_wait3A_203 : memref<128x64xf32, #tpu.memory_space<hbm>>)
    %dma_start3A_204 = arith.constant 3 : i32
    %dma_start3A_205 = arith.constant 0 : i32
    %dma_start3A_206 = tpu.memref_slice %arg6[%dma_start3A_204, %dma_start3A_205] : memref<32x128xi32, #tpu.memory_space<vmem>> -> memref<1x128xi32, #tpu.memory_space<vmem>>
    %dma_start3A_207 = tpu.memref_squeeze %dma_start3A_206 : memref<1x128xi32, #tpu.memory_space<vmem>> -> memref<128xi32, #tpu.memory_space<vmem>>
    %dma_start3A_208 = arith.constant 0 : i32
    %dma_start3A_209 = arith.constant 0 : i32
    %dma_start3A_210 = tpu.memref_slice %arg3[%dma_start3A_208, %dma_start3A_209] : memref<1000000x64xf32, #tpu.memory_space<hbm>> -> memref<1000000x64xf32, #tpu.memory_space<hbm>>
    tpu.enqueue_indirect_dma source(%dma_start3A_210 : memref<1000000x64xf32, #tpu.memory_space<hbm>>) target(%arg7 : memref<128x64xf32, #tpu.memory_space<vmem>>) offsets(%dma_start3A_207 : memref<128xi32, #tpu.memory_space<vmem>>) semaphore(%arg10 : memref<!tpu.dma_semaphore, #tpu.memory_space<semaphore_mem>>)
    %mul3A_211 = arith.constant 4096 : i32
    %mul3A_212 = arith.muli %add3A, %mul3A_211 : i32
    %add3A_213 = arith.constant 2304 : i32
    %add3A_214 = arith.addi %mul3A_212, %add3A_213 : i32
    %dma_start3A_215 = arith.constant 0 : i32
    %dma_start3A_216 = tpu.memref_slice %arg5[%add3A_214, %dma_start3A_215] : memref<131072x64xf32, #tpu.memory_space<hbm>> -> memref<128x64xf32, #tpu.memory_space<hbm>>
    %dma_start3A_217 = arith.constant 0 : i32
    %dma_start3A_218 = tpu.memref_slice %arg5[%add3A_214, %dma_start3A_217] : memref<131072x64xf32, #tpu.memory_space<hbm>> -> memref<128x64xf32, #tpu.memory_space<hbm>>
    tpu.enqueue_dma source(%arg8 : memref<128x64xf32, #tpu.memory_space<vmem>>) target(%dma_start3A_218 : memref<128x64xf32, #tpu.memory_space<hbm>>) target_semaphore(%arg13 : memref<!tpu.dma_semaphore, #tpu.memory_space<semaphore_mem>>)
    %dma_wait3A_219 = arith.constant 3 : i32
    %dma_wait3A_220 = arith.constant 0 : i32
    %dma_wait3A_221 = tpu.memref_slice %arg6[%dma_wait3A_219, %dma_wait3A_220] : memref<32x128xi32, #tpu.memory_space<vmem>> -> memref<1x128xi32, #tpu.memory_space<vmem>>
    %dma_wait3A_222 = tpu.memref_squeeze %dma_wait3A_221 : memref<1x128xi32, #tpu.memory_space<vmem>> -> memref<128xi32, #tpu.memory_space<vmem>>
    %dma_wait3A_223 = arith.constant 0 : i32
    %dma_wait3A_224 = arith.constant 0 : i32
    %dma_wait3A_225 = tpu.memref_slice %arg3[%dma_wait3A_223, %dma_wait3A_224] : memref<1000000x64xf32, #tpu.memory_space<hbm>> -> memref<1000000x64xf32, #tpu.memory_space<hbm>>
    tpu.wait_indirect_dma semaphore(%arg10 : memref<!tpu.dma_semaphore, #tpu.memory_space<semaphore_mem>>) src(%dma_wait3A_225 : memref<1000000x64xf32, #tpu.memory_space<hbm>>) dst(%arg7 : memref<128x64xf32, #tpu.memory_space<vmem>>)
    "tpu.region"() ({
      %run_scoped3A = tpu.sem_alloc : memref<!tpu.dma_semaphore, #tpu.memory_space<semaphore_mem>>
      %dma_start3A_1182 = arith.constant 384 : i32
      %dma_start3A_1183 = arith.constant 0 : i32
      %dma_start3A_1184 = tpu.memref_slice %arg4[%dma_start3A_1182, %dma_start3A_1183] : memref<2048x64xf32, #tpu.memory_space<hbm>> -> memref<128x64xf32, #tpu.memory_space<hbm>>
      %dma_start3A_1185 = arith.constant 384 : i32
      %dma_start3A_1186 = arith.constant 0 : i32
      %dma_start3A_1187 = tpu.memref_slice %arg4[%dma_start3A_1185, %dma_start3A_1186] : memref<2048x64xf32, #tpu.memory_space<hbm>> -> memref<128x64xf32, #tpu.memory_space<hbm>>
      tpu.enqueue_dma source(%dma_start3A_1187 : memref<128x64xf32, #tpu.memory_space<hbm>>) target(%arg9 : memref<128x64xf32, #tpu.memory_space<vmem>>) target_semaphore(%run_scoped3A : memref<!tpu.dma_semaphore, #tpu.memory_space<semaphore_mem>>)
      %dma_wait3A_1188 = arith.constant 384 : i32
      %dma_wait3A_1189 = arith.constant 0 : i32
      %dma_wait3A_1190 = tpu.memref_slice %arg4[%dma_wait3A_1188, %dma_wait3A_1189] : memref<2048x64xf32, #tpu.memory_space<hbm>> -> memref<128x64xf32, #tpu.memory_space<hbm>>
      %dma_wait3A_1191 = arith.constant 384 : i32
      %dma_wait3A_1192 = arith.constant 0 : i32
      %dma_wait3A_1193 = tpu.memref_slice %arg4[%dma_wait3A_1191, %dma_wait3A_1192] : memref<2048x64xf32, #tpu.memory_space<hbm>> -> memref<128x64xf32, #tpu.memory_space<hbm>>
      tpu.wait_dma2 semaphore(%run_scoped3A : memref<!tpu.dma_semaphore, #tpu.memory_space<semaphore_mem>>) src(%dma_wait3A_1193 : memref<128x64xf32, #tpu.memory_space<hbm>>) dst(%arg9 : memref<128x64xf32, #tpu.memory_space<vmem>>)
      tpu.yield
    }) : () -> ()
    %scan3A_226 = arith.constant 0 : i32
    %scan3A_227 = arith.constant 0 : i32
    %scan3A_228 = arith.constant 128 : i32
    %scan3A_229 = arith.addi %scan3A_227, %scan3A_228 : i32
    %scan3A_230 = arith.constant 1 : i32
    %scan3A_231 = scf.for %scan3A_1182 = %scan3A_227 to %scan3A_229 step %scan3A_230 iter_args(%scan3A_1183 = %scan3A_226) -> (i32)  : i32 {
      %get3A = arith.index_cast %scan3A_1182 : i32 to index
      %get3A_1184 = arith.constant 0 : index
      %get3A_1185 = tpu.vector_load %arg7[%get3A, %get3A_1184] {strides = array<i32>} : memref<128x64xf32, #tpu.memory_space<vmem>>, vector<1x16xf32>,
      %get3A_1186 = vector.shape_cast %get3A_1185 : vector<1x16xf32> to vector<16xf32>
      %get3A_1187 = arith.index_cast %scan3A_1182 : i32 to index
      %get3A_1188 = arith.constant 0 : index
      %get3A_1189 = tpu.vector_load %arg9[%get3A_1187, %get3A_1188] {strides = array<i32>} : memref<128x64xf32, #tpu.memory_space<vmem>>, vector<1x16xf32>,
      %get3A_1190 = vector.shape_cast %get3A_1189 : vector<1x16xf32> to vector<16xf32>
      %add3A_1191 = arith.addf %get3A_1186, %get3A_1190 : vector<16xf32>
      %swap3A = arith.index_cast %scan3A_1182 : i32 to index
      %swap3A_1192 = arith.constant 0 : index
      %swap3A_1193 = tpu.vector_load %arg7[%swap3A, %swap3A_1192] {strides = array<i32>} : memref<128x64xf32, #tpu.memory_space<vmem>>, vector<1x16xf32>,
      %swap3A_1194 = vector.shape_cast %swap3A_1193 : vector<1x16xf32> to vector<16xf32>
      %swap3A_1195 = vector.shape_cast %add3A_1191 : vector<16xf32> to vector<1x16xf32>
      tpu.vector_store %arg7[%swap3A, %swap3A_1192], %swap3A_1195 {strides = array<i32>} : memref<128x64xf32, #tpu.memory_space<vmem>>, vector<1x16xf32>,
      %get3A_1196 = arith.index_cast %scan3A_1182 : i32 to index
      %get3A_1197 = arith.constant 16 : index
      %get3A_1198 = tpu.vector_load %arg7[%get3A_1196, %get3A_1197] {strides = array<i32>} : memref<128x64xf32, #tpu.memory_space<vmem>>, vector<1x16xf32>,
      %get3A_1199 = vector.shape_cast %get3A_1198 : vector<1x16xf32> to vector<16xf32>
      %get3A_1200 = arith.index_cast %scan3A_1182 : i32 to index
      %get3A_1201 = arith.constant 16 : index
      %get3A_1202 = tpu.vector_load %arg9[%get3A_1200, %get3A_1201] {strides = array<i32>} : memref<128x64xf32, #tpu.memory_space<vmem>>, vector<1x16xf32>,
      %get3A_1203 = vector.shape_cast %get3A_1202 : vector<1x16xf32> to vector<16xf32>
      %add3A_1204 = arith.addf %get3A_1199, %get3A_1203 : vector<16xf32>
      %swap3A_1205 = arith.index_cast %scan3A_1182 : i32 to index
      %swap3A_1206 = arith.constant 16 : index
      %swap3A_1207 = tpu.vector_load %arg7[%swap3A_1205, %swap3A_1206] {strides = array<i32>} : memref<128x64xf32, #tpu.memory_space<vmem>>, vector<1x16xf32>,
      %swap3A_1208 = vector.shape_cast %swap3A_1207 : vector<1x16xf32> to vector<16xf32>
      %swap3A_1209 = vector.shape_cast %add3A_1204 : vector<16xf32> to vector<1x16xf32>
      tpu.vector_store %arg7[%swap3A_1205, %swap3A_1206], %swap3A_1209 {strides = array<i32>} : memref<128x64xf32, #tpu.memory_space<vmem>>, vector<1x16xf32>,
      %get3A_1210 = arith.index_cast %scan3A_1182 : i32 to index
      %get3A_1211 = arith.constant 32 : index
      %get3A_1212 = tpu.vector_load %arg7[%get3A_1210, %get3A_1211] {strides = array<i32>} : memref<128x64xf32, #tpu.memory_space<vmem>>, vector<1x16xf32>,
      %get3A_1213 = vector.shape_cast %get3A_1212 : vector<1x16xf32> to vector<16xf32>
      %get3A_1214 = arith.index_cast %scan3A_1182 : i32 to index
      %get3A_1215 = arith.constant 32 : index
      %get3A_1216 = tpu.vector_load %arg9[%get3A_1214, %get3A_1215] {strides = array<i32>} : memref<128x64xf32, #tpu.memory_space<vmem>>, vector<1x16xf32>,
      %get3A_1217 = vector.shape_cast %get3A_1216 : vector<1x16xf32> to vector<16xf32>
      %add3A_1218 = arith.addf %get3A_1213, %get3A_1217 : vector<16xf32>
      %swap3A_1219 = arith.index_cast %scan3A_1182 : i32 to index
      %swap3A_1220 = arith.constant 32 : index
      %swap3A_1221 = tpu.vector_load %arg7[%swap3A_1219, %swap3A_1220] {strides = array<i32>} : memref<128x64xf32, #tpu.memory_space<vmem>>, vector<1x16xf32>,
      %swap3A_1222 = vector.shape_cast %swap3A_1221 : vector<1x16xf32> to vector<16xf32>
      %swap3A_1223 = vector.shape_cast %add3A_1218 : vector<16xf32> to vector<1x16xf32>
      tpu.vector_store %arg7[%swap3A_1219, %swap3A_1220], %swap3A_1223 {strides = array<i32>} : memref<128x64xf32, #tpu.memory_space<vmem>>, vector<1x16xf32>,
      %get3A_1224 = arith.index_cast %scan3A_1182 : i32 to index
      %get3A_1225 = arith.constant 48 : index
      %get3A_1226 = tpu.vector_load %arg7[%get3A_1224, %get3A_1225] {strides = array<i32>} : memref<128x64xf32, #tpu.memory_space<vmem>>, vector<1x16xf32>,
      %get3A_1227 = vector.shape_cast %get3A_1226 : vector<1x16xf32> to vector<16xf32>
      %get3A_1228 = arith.index_cast %scan3A_1182 : i32 to index
      %get3A_1229 = arith.constant 48 : index
      %get3A_1230 = tpu.vector_load %arg9[%get3A_1228, %get3A_1229] {strides = array<i32>} : memref<128x64xf32, #tpu.memory_space<vmem>>, vector<1x16xf32>,
      %get3A_1231 = vector.shape_cast %get3A_1230 : vector<1x16xf32> to vector<16xf32>
      %add3A_1232 = arith.addf %get3A_1227, %get3A_1231 : vector<16xf32>
      %swap3A_1233 = arith.index_cast %scan3A_1182 : i32 to index
      %swap3A_1234 = arith.constant 48 : index
      %swap3A_1235 = tpu.vector_load %arg7[%swap3A_1233, %swap3A_1234] {strides = array<i32>} : memref<128x64xf32, #tpu.memory_space<vmem>>, vector<1x16xf32>,
      %swap3A_1236 = vector.shape_cast %swap3A_1235 : vector<1x16xf32> to vector<16xf32>
      %swap3A_1237 = vector.shape_cast %add3A_1232 : vector<16xf32> to vector<1x16xf32>
      tpu.vector_store %arg7[%swap3A_1233, %swap3A_1234], %swap3A_1237 {strides = array<i32>} : memref<128x64xf32, #tpu.memory_space<vmem>>, vector<1x16xf32>,
      %scan3A_1238 = arith.constant 0 : i32
      scf.yield %scan3A_1238 : i32
    }
    %scan3A_232 = arith.constant 128 : i32
    %mul3A_233 = arith.constant 4096 : i32
    %mul3A_234 = arith.muli %add3A, %mul3A_233 : i32
    %add3A_235 = arith.constant 2304 : i32
    %add3A_236 = arith.addi %mul3A_234, %add3A_235 : i32
    %dma_wait3A_237 = arith.constant 0 : i32
    %dma_wait3A_238 = tpu.memref_slice %arg5[%add3A_236, %dma_wait3A_237] : memref<131072x64xf32, #tpu.memory_space<hbm>> -> memref<128x64xf32, #tpu.memory_space<hbm>>
    %dma_wait3A_239 = arith.constant 0 : i32
    %dma_wait3A_240 = tpu.memref_slice %arg5[%add3A_236, %dma_wait3A_239] : memref<131072x64xf32, #tpu.memory_space<hbm>> -> memref<128x64xf32, #tpu.memory_space<hbm>>
    tpu.wait_dma2 semaphore(%arg13 : memref<!tpu.dma_semaphore, #tpu.memory_space<semaphore_mem>>) src(%arg8 : memref<128x64xf32, #tpu.memory_space<vmem>>) dst(%dma_wait3A_240 : memref<128x64xf32, #tpu.memory_space<hbm>>)
    %dma_start3A_241 = arith.constant 19 : i32
    %dma_start3A_242 = arith.constant 0 : i32
    %dma_start3A_243 = tpu.memref_slice %arg6[%dma_start3A_241, %dma_start3A_242] : memref<32x128xi32, #tpu.memory_space<vmem>> -> memref<1x128xi32, #tpu.memory_space<vmem>>
    %dma_start3A_244 = tpu.memref_squeeze %dma_start3A_243 : memref<1x128xi32, #tpu.memory_space<vmem>> -> memref<128xi32, #tpu.memory_space<vmem>>
    %dma_start3A_245 = arith.constant 0 : i32
    %dma_start3A_246 = arith.constant 0 : i32
    %dma_start3A_247 = tpu.memref_slice %arg3[%dma_start3A_245, %dma_start3A_246] : memref<1000000x64xf32, #tpu.memory_space<hbm>> -> memref<1000000x64xf32, #tpu.memory_space<hbm>>
    tpu.enqueue_indirect_dma source(%dma_start3A_247 : memref<1000000x64xf32, #tpu.memory_space<hbm>>) target(%arg8 : memref<128x64xf32, #tpu.memory_space<vmem>>) offsets(%dma_start3A_244 : memref<128xi32, #tpu.memory_space<vmem>>) semaphore(%arg11 : memref<!tpu.dma_semaphore, #tpu.memory_space<semaphore_mem>>)
    %mul3A_248 = arith.constant 4096 : i32
    %mul3A_249 = arith.muli %add3A, %mul3A_248 : i32
    %add3A_250 = arith.constant 384 : i32
    %add3A_251 = arith.addi %mul3A_249, %add3A_250 : i32
    %dma_start3A_252 = arith.constant 0 : i32
    %dma_start3A_253 = tpu.memref_slice %arg5[%add3A_251, %dma_start3A_252] : memref<131072x64xf32, #tpu.memory_space<hbm>> -> memref<128x64xf32, #tpu.memory_space<hbm>>
    %dma_start3A_254 = arith.constant 0 : i32
    %dma_start3A_255 = tpu.memref_slice %arg5[%add3A_251, %dma_start3A_254] : memref<131072x64xf32, #tpu.memory_space<hbm>> -> memref<128x64xf32, #tpu.memory_space<hbm>>
    tpu.enqueue_dma source(%arg7 : memref<128x64xf32, #tpu.memory_space<vmem>>) target(%dma_start3A_255 : memref<128x64xf32, #tpu.memory_space<hbm>>) target_semaphore(%arg12 : memref<!tpu.dma_semaphore, #tpu.memory_space<semaphore_mem>>)
    %dma_wait3A_256 = arith.constant 19 : i32
    %dma_wait3A_257 = arith.constant 0 : i32
    %dma_wait3A_258 = tpu.memref_slice %arg6[%dma_wait3A_256, %dma_wait3A_257] : memref<32x128xi32, #tpu.memory_space<vmem>> -> memref<1x128xi32, #tpu.memory_space<vmem>>
    %dma_wait3A_259 = tpu.memref_squeeze %dma_wait3A_258 : memref<1x128xi32, #tpu.memory_space<vmem>> -> memref<128xi32, #tpu.memory_space<vmem>>
    %dma_wait3A_260 = arith.constant 0 : i32
    %dma_wait3A_261 = arith.constant 0 : i32
    %dma_wait3A_262 = tpu.memref_slice %arg3[%dma_wait3A_260, %dma_wait3A_261] : memref<1000000x64xf32, #tpu.memory_space<hbm>> -> memref<1000000x64xf32, #tpu.memory_space<hbm>>
    tpu.wait_indirect_dma semaphore(%arg11 : memref<!tpu.dma_semaphore, #tpu.memory_space<semaphore_mem>>) src(%dma_wait3A_262 : memref<1000000x64xf32, #tpu.memory_space<hbm>>) dst(%arg8 : memref<128x64xf32, #tpu.memory_space<vmem>>)
    %scan3A_263 = arith.constant 0 : i32
    %scan3A_264 = arith.constant 0 : i32
    %scan3A_265 = arith.constant 128 : i32
    %scan3A_266 = arith.addi %scan3A_264, %scan3A_265 : i32
    %scan3A_267 = arith.constant 1 : i32
    %scan3A_268 = scf.for %scan3A_1182 = %scan3A_264 to %scan3A_266 step %scan3A_267 iter_args(%scan3A_1183 = %scan3A_263) -> (i32)  : i32 {
      %get3A = arith.index_cast %scan3A_1182 : i32 to index
      %get3A_1184 = arith.constant 0 : index
      %get3A_1185 = tpu.vector_load %arg8[%get3A, %get3A_1184] {strides = array<i32>} : memref<128x64xf32, #tpu.memory_space<vmem>>, vector<1x16xf32>,
      %get3A_1186 = vector.shape_cast %get3A_1185 : vector<1x16xf32> to vector<16xf32>
      %get3A_1187 = arith.index_cast %scan3A_1182 : i32 to index
      %get3A_1188 = arith.constant 0 : index
      %get3A_1189 = tpu.vector_load %arg9[%get3A_1187, %get3A_1188] {strides = array<i32>} : memref<128x64xf32, #tpu.memory_space<vmem>>, vector<1x16xf32>,
      %get3A_1190 = vector.shape_cast %get3A_1189 : vector<1x16xf32> to vector<16xf32>
      %add3A_1191 = arith.addf %get3A_1186, %get3A_1190 : vector<16xf32>
      %swap3A = arith.index_cast %scan3A_1182 : i32 to index
      %swap3A_1192 = arith.constant 0 : index
      %swap3A_1193 = tpu.vector_load %arg8[%swap3A, %swap3A_1192] {strides = array<i32>} : memref<128x64xf32, #tpu.memory_space<vmem>>, vector<1x16xf32>,
      %swap3A_1194 = vector.shape_cast %swap3A_1193 : vector<1x16xf32> to vector<16xf32>
      %swap3A_1195 = vector.shape_cast %add3A_1191 : vector<16xf32> to vector<1x16xf32>
      tpu.vector_store %arg8[%swap3A, %swap3A_1192], %swap3A_1195 {strides = array<i32>} : memref<128x64xf32, #tpu.memory_space<vmem>>, vector<1x16xf32>,
      %get3A_1196 = arith.index_cast %scan3A_1182 : i32 to index
      %get3A_1197 = arith.constant 16 : index
      %get3A_1198 = tpu.vector_load %arg8[%get3A_1196, %get3A_1197] {strides = array<i32>} : memref<128x64xf32, #tpu.memory_space<vmem>>, vector<1x16xf32>,
      %get3A_1199 = vector.shape_cast %get3A_1198 : vector<1x16xf32> to vector<16xf32>
      %get3A_1200 = arith.index_cast %scan3A_1182 : i32 to index
      %get3A_1201 = arith.constant 16 : index
      %get3A_1202 = tpu.vector_load %arg9[%get3A_1200, %get3A_1201] {strides = array<i32>} : memref<128x64xf32, #tpu.memory_space<vmem>>, vector<1x16xf32>,
      %get3A_1203 = vector.shape_cast %get3A_1202 : vector<1x16xf32> to vector<16xf32>
      %add3A_1204 = arith.addf %get3A_1199, %get3A_1203 : vector<16xf32>
      %swap3A_1205 = arith.index_cast %scan3A_1182 : i32 to index
      %swap3A_1206 = arith.constant 16 : index
      %swap3A_1207 = tpu.vector_load %arg8[%swap3A_1205, %swap3A_1206] {strides = array<i32>} : memref<128x64xf32, #tpu.memory_space<vmem>>, vector<1x16xf32>,
      %swap3A_1208 = vector.shape_cast %swap3A_1207 : vector<1x16xf32> to vector<16xf32>
      %swap3A_1209 = vector.shape_cast %add3A_1204 : vector<16xf32> to vector<1x16xf32>
      tpu.vector_store %arg8[%swap3A_1205, %swap3A_1206], %swap3A_1209 {strides = array<i32>} : memref<128x64xf32, #tpu.memory_space<vmem>>, vector<1x16xf32>,
      %get3A_1210 = arith.index_cast %scan3A_1182 : i32 to index
      %get3A_1211 = arith.constant 32 : index
      %get3A_1212 = tpu.vector_load %arg8[%get3A_1210, %get3A_1211] {strides = array<i32>} : memref<128x64xf32, #tpu.memory_space<vmem>>, vector<1x16xf32>,
      %get3A_1213 = vector.shape_cast %get3A_1212 : vector<1x16xf32> to vector<16xf32>
      %get3A_1214 = arith.index_cast %scan3A_1182 : i32 to index
      %get3A_1215 = arith.constant 32 : index
      %get3A_1216 = tpu.vector_load %arg9[%get3A_1214, %get3A_1215] {strides = array<i32>} : memref<128x64xf32, #tpu.memory_space<vmem>>, vector<1x16xf32>,
      %get3A_1217 = vector.shape_cast %get3A_1216 : vector<1x16xf32> to vector<16xf32>
      %add3A_1218 = arith.addf %get3A_1213, %get3A_1217 : vector<16xf32>
      %swap3A_1219 = arith.index_cast %scan3A_1182 : i32 to index
      %swap3A_1220 = arith.constant 32 : index
      %swap3A_1221 = tpu.vector_load %arg8[%swap3A_1219, %swap3A_1220] {strides = array<i32>} : memref<128x64xf32, #tpu.memory_space<vmem>>, vector<1x16xf32>,
      %swap3A_1222 = vector.shape_cast %swap3A_1221 : vector<1x16xf32> to vector<16xf32>
      %swap3A_1223 = vector.shape_cast %add3A_1218 : vector<16xf32> to vector<1x16xf32>
      tpu.vector_store %arg8[%swap3A_1219, %swap3A_1220], %swap3A_1223 {strides = array<i32>} : memref<128x64xf32, #tpu.memory_space<vmem>>, vector<1x16xf32>,
      %get3A_1224 = arith.index_cast %scan3A_1182 : i32 to index
      %get3A_1225 = arith.constant 48 : index
      %get3A_1226 = tpu.vector_load %arg8[%get3A_1224, %get3A_1225] {strides = array<i32>} : memref<128x64xf32, #tpu.memory_space<vmem>>, vector<1x16xf32>,
      %get3A_1227 = vector.shape_cast %get3A_1226 : vector<1x16xf32> to vector<16xf32>
      %get3A_1228 = arith.index_cast %scan3A_1182 : i32 to index
      %get3A_1229 = arith.constant 48 : index
      %get3A_1230 = tpu.vector_load %arg9[%get3A_1228, %get3A_1229] {strides = array<i32>} : memref<128x64xf32, #tpu.memory_space<vmem>>, vector<1x16xf32>,
      %get3A_1231 = vector.shape_cast %get3A_1230 : vector<1x16xf32> to vector<16xf32>
      %add3A_1232 = arith.addf %get3A_1227, %get3A_1231 : vector<16xf32>
      %swap3A_1233 = arith.index_cast %scan3A_1182 : i32 to index
      %swap3A_1234 = arith.constant 48 : index
      %swap3A_1235 = tpu.vector_load %arg8[%swap3A_1233, %swap3A_1234] {strides = array<i32>} : memref<128x64xf32, #tpu.memory_space<vmem>>, vector<1x16xf32>,
      %swap3A_1236 = vector.shape_cast %swap3A_1235 : vector<1x16xf32> to vector<16xf32>
      %swap3A_1237 = vector.shape_cast %add3A_1232 : vector<16xf32> to vector<1x16xf32>
      tpu.vector_store %arg8[%swap3A_1233, %swap3A_1234], %swap3A_1237 {strides = array<i32>} : memref<128x64xf32, #tpu.memory_space<vmem>>, vector<1x16xf32>,
      %scan3A_1238 = arith.constant 0 : i32
      scf.yield %scan3A_1238 : i32
    }
    %scan3A_269 = arith.constant 128 : i32
    %mul3A_270 = arith.constant 4096 : i32
    %mul3A_271 = arith.muli %add3A, %mul3A_270 : i32
    %add3A_272 = arith.constant 384 : i32
    %add3A_273 = arith.addi %mul3A_271, %add3A_272 : i32
    %dma_wait3A_274 = arith.constant 0 : i32
    %dma_wait3A_275 = tpu.memref_slice %arg5[%add3A_273, %dma_wait3A_274] : memref<131072x64xf32, #tpu.memory_space<hbm>> -> memref<128x64xf32, #tpu.memory_space<hbm>>
    %dma_wait3A_276 = arith.constant 0 : i32
    %dma_wait3A_277 = tpu.memref_slice %arg5[%add3A_273, %dma_wait3A_276] : memref<131072x64xf32, #tpu.memory_space<hbm>> -> memref<128x64xf32, #tpu.memory_space<hbm>>
    tpu.wait_dma2 semaphore(%arg12 : memref<!tpu.dma_semaphore, #tpu.memory_space<semaphore_mem>>) src(%arg7 : memref<128x64xf32, #tpu.memory_space<vmem>>) dst(%dma_wait3A_277 : memref<128x64xf32, #tpu.memory_space<hbm>>)
    %dma_start3A_278 = arith.constant 4 : i32
    %dma_start3A_279 = arith.constant 0 : i32
    %dma_start3A_280 = tpu.memref_slice %arg6[%dma_start3A_278, %dma_start3A_279] : memref<32x128xi32, #tpu.memory_space<vmem>> -> memref<1x128xi32, #tpu.memory_space<vmem>>
    %dma_start3A_281 = tpu.memref_squeeze %dma_start3A_280 : memref<1x128xi32, #tpu.memory_space<vmem>> -> memref<128xi32, #tpu.memory_space<vmem>>
    %dma_start3A_282 = arith.constant 0 : i32
    %dma_start3A_283 = arith.constant 0 : i32
    %dma_start3A_284 = tpu.memref_slice %arg3[%dma_start3A_282, %dma_start3A_283] : memref<1000000x64xf32, #tpu.memory_space<hbm>> -> memref<1000000x64xf32, #tpu.memory_space<hbm>>
    tpu.enqueue_indirect_dma source(%dma_start3A_284 : memref<1000000x64xf32, #tpu.memory_space<hbm>>) target(%arg7 : memref<128x64xf32, #tpu.memory_space<vmem>>) offsets(%dma_start3A_281 : memref<128xi32, #tpu.memory_space<vmem>>) semaphore(%arg10 : memref<!tpu.dma_semaphore, #tpu.memory_space<semaphore_mem>>)
    %mul3A_285 = arith.constant 4096 : i32
    %mul3A_286 = arith.muli %add3A, %mul3A_285 : i32
    %add3A_287 = arith.constant 2432 : i32
    %add3A_288 = arith.addi %mul3A_286, %add3A_287 : i32
    %dma_start3A_289 = arith.constant 0 : i32
    %dma_start3A_290 = tpu.memref_slice %arg5[%add3A_288, %dma_start3A_289] : memref<131072x64xf32, #tpu.memory_space<hbm>> -> memref<128x64xf32, #tpu.memory_space<hbm>>
    %dma_start3A_291 = arith.constant 0 : i32
    %dma_start3A_292 = tpu.memref_slice %arg5[%add3A_288, %dma_start3A_291] : memref<131072x64xf32, #tpu.memory_space<hbm>> -> memref<128x64xf32, #tpu.memory_space<hbm>>
    tpu.enqueue_dma source(%arg8 : memref<128x64xf32, #tpu.memory_space<vmem>>) target(%dma_start3A_292 : memref<128x64xf32, #tpu.memory_space<hbm>>) target_semaphore(%arg13 : memref<!tpu.dma_semaphore, #tpu.memory_space<semaphore_mem>>)
    %dma_wait3A_293 = arith.constant 4 : i32
    %dma_wait3A_294 = arith.constant 0 : i32
    %dma_wait3A_295 = tpu.memref_slice %arg6[%dma_wait3A_293, %dma_wait3A_294] : memref<32x128xi32, #tpu.memory_space<vmem>> -> memref<1x128xi32, #tpu.memory_space<vmem>>
    %dma_wait3A_296 = tpu.memref_squeeze %dma_wait3A_295 : memref<1x128xi32, #tpu.memory_space<vmem>> -> memref<128xi32, #tpu.memory_space<vmem>>
    %dma_wait3A_297 = arith.constant 0 : i32
    %dma_wait3A_298 = arith.constant 0 : i32
    %dma_wait3A_299 = tpu.memref_slice %arg3[%dma_wait3A_297, %dma_wait3A_298] : memref<1000000x64xf32, #tpu.memory_space<hbm>> -> memref<1000000x64xf32, #tpu.memory_space<hbm>>
    tpu.wait_indirect_dma semaphore(%arg10 : memref<!tpu.dma_semaphore, #tpu.memory_space<semaphore_mem>>) src(%dma_wait3A_299 : memref<1000000x64xf32, #tpu.memory_space<hbm>>) dst(%arg7 : memref<128x64xf32, #tpu.memory_space<vmem>>)
    "tpu.region"() ({
      %run_scoped3A = tpu.sem_alloc : memref<!tpu.dma_semaphore, #tpu.memory_space<semaphore_mem>>
      %dma_start3A_1182 = arith.constant 512 : i32
      %dma_start3A_1183 = arith.constant 0 : i32
      %dma_start3A_1184 = tpu.memref_slice %arg4[%dma_start3A_1182, %dma_start3A_1183] : memref<2048x64xf32, #tpu.memory_space<hbm>> -> memref<128x64xf32, #tpu.memory_space<hbm>>
      %dma_start3A_1185 = arith.constant 512 : i32
      %dma_start3A_1186 = arith.constant 0 : i32
      %dma_start3A_1187 = tpu.memref_slice %arg4[%dma_start3A_1185, %dma_start3A_1186] : memref<2048x64xf32, #tpu.memory_space<hbm>> -> memref<128x64xf32, #tpu.memory_space<hbm>>
      tpu.enqueue_dma source(%dma_start3A_1187 : memref<128x64xf32, #tpu.memory_space<hbm>>) target(%arg9 : memref<128x64xf32, #tpu.memory_space<vmem>>) target_semaphore(%run_scoped3A : memref<!tpu.dma_semaphore, #tpu.memory_space<semaphore_mem>>)
      %dma_wait3A_1188 = arith.constant 512 : i32
      %dma_wait3A_1189 = arith.constant 0 : i32
      %dma_wait3A_1190 = tpu.memref_slice %arg4[%dma_wait3A_1188, %dma_wait3A_1189] : memref<2048x64xf32, #tpu.memory_space<hbm>> -> memref<128x64xf32, #tpu.memory_space<hbm>>
      %dma_wait3A_1191 = arith.constant 512 : i32
      %dma_wait3A_1192 = arith.constant 0 : i32
      %dma_wait3A_1193 = tpu.memref_slice %arg4[%dma_wait3A_1191, %dma_wait3A_1192] : memref<2048x64xf32, #tpu.memory_space<hbm>> -> memref<128x64xf32, #tpu.memory_space<hbm>>
      tpu.wait_dma2 semaphore(%run_scoped3A : memref<!tpu.dma_semaphore, #tpu.memory_space<semaphore_mem>>) src(%dma_wait3A_1193 : memref<128x64xf32, #tpu.memory_space<hbm>>) dst(%arg9 : memref<128x64xf32, #tpu.memory_space<vmem>>)
      tpu.yield
    }) : () -> ()
    %scan3A_300 = arith.constant 0 : i32
    %scan3A_301 = arith.constant 0 : i32
    %scan3A_302 = arith.constant 128 : i32
    %scan3A_303 = arith.addi %scan3A_301, %scan3A_302 : i32
    %scan3A_304 = arith.constant 1 : i32
    %scan3A_305 = scf.for %scan3A_1182 = %scan3A_301 to %scan3A_303 step %scan3A_304 iter_args(%scan3A_1183 = %scan3A_300) -> (i32)  : i32 {
      %get3A = arith.index_cast %scan3A_1182 : i32 to index
      %get3A_1184 = arith.constant 0 : index
      %get3A_1185 = tpu.vector_load %arg7[%get3A, %get3A_1184] {strides = array<i32>} : memref<128x64xf32, #tpu.memory_space<vmem>>, vector<1x16xf32>,
      %get3A_1186 = vector.shape_cast %get3A_1185 : vector<1x16xf32> to vector<16xf32>
      %get3A_1187 = arith.index_cast %scan3A_1182 : i32 to index
      %get3A_1188 = arith.constant 0 : index
      %get3A_1189 = tpu.vector_load %arg9[%get3A_1187, %get3A_1188] {strides = array<i32>} : memref<128x64xf32, #tpu.memory_space<vmem>>, vector<1x16xf32>,
      %get3A_1190 = vector.shape_cast %get3A_1189 : vector<1x16xf32> to vector<16xf32>
      %add3A_1191 = arith.addf %get3A_1186, %get3A_1190 : vector<16xf32>
      %swap3A = arith.index_cast %scan3A_1182 : i32 to index
      %swap3A_1192 = arith.constant 0 : index
      %swap3A_1193 = tpu.vector_load %arg7[%swap3A, %swap3A_1192] {strides = array<i32>} : memref<128x64xf32, #tpu.memory_space<vmem>>, vector<1x16xf32>,
      %swap3A_1194 = vector.shape_cast %swap3A_1193 : vector<1x16xf32> to vector<16xf32>
      %swap3A_1195 = vector.shape_cast %add3A_1191 : vector<16xf32> to vector<1x16xf32>
      tpu.vector_store %arg7[%swap3A, %swap3A_1192], %swap3A_1195 {strides = array<i32>} : memref<128x64xf32, #tpu.memory_space<vmem>>, vector<1x16xf32>,
      %get3A_1196 = arith.index_cast %scan3A_1182 : i32 to index
      %get3A_1197 = arith.constant 16 : index
      %get3A_1198 = tpu.vector_load %arg7[%get3A_1196, %get3A_1197] {strides = array<i32>} : memref<128x64xf32, #tpu.memory_space<vmem>>, vector<1x16xf32>,
      %get3A_1199 = vector.shape_cast %get3A_1198 : vector<1x16xf32> to vector<16xf32>
      %get3A_1200 = arith.index_cast %scan3A_1182 : i32 to index
      %get3A_1201 = arith.constant 16 : index
      %get3A_1202 = tpu.vector_load %arg9[%get3A_1200, %get3A_1201] {strides = array<i32>} : memref<128x64xf32, #tpu.memory_space<vmem>>, vector<1x16xf32>,
      %get3A_1203 = vector.shape_cast %get3A_1202 : vector<1x16xf32> to vector<16xf32>
      %add3A_1204 = arith.addf %get3A_1199, %get3A_1203 : vector<16xf32>
      %swap3A_1205 = arith.index_cast %scan3A_1182 : i32 to index
      %swap3A_1206 = arith.constant 16 : index
      %swap3A_1207 = tpu.vector_load %arg7[%swap3A_1205, %swap3A_1206] {strides = array<i32>} : memref<128x64xf32, #tpu.memory_space<vmem>>, vector<1x16xf32>,
      %swap3A_1208 = vector.shape_cast %swap3A_1207 : vector<1x16xf32> to vector<16xf32>
      %swap3A_1209 = vector.shape_cast %add3A_1204 : vector<16xf32> to vector<1x16xf32>
      tpu.vector_store %arg7[%swap3A_1205, %swap3A_1206], %swap3A_1209 {strides = array<i32>} : memref<128x64xf32, #tpu.memory_space<vmem>>, vector<1x16xf32>,
      %get3A_1210 = arith.index_cast %scan3A_1182 : i32 to index
      %get3A_1211 = arith.constant 32 : index
      %get3A_1212 = tpu.vector_load %arg7[%get3A_1210, %get3A_1211] {strides = array<i32>} : memref<128x64xf32, #tpu.memory_space<vmem>>, vector<1x16xf32>,
      %get3A_1213 = vector.shape_cast %get3A_1212 : vector<1x16xf32> to vector<16xf32>
      %get3A_1214 = arith.index_cast %scan3A_1182 : i32 to index
      %get3A_1215 = arith.constant 32 : index
      %get3A_1216 = tpu.vector_load %arg9[%get3A_1214, %get3A_1215] {strides = array<i32>} : memref<128x64xf32, #tpu.memory_space<vmem>>, vector<1x16xf32>,
      %get3A_1217 = vector.shape_cast %get3A_1216 : vector<1x16xf32> to vector<16xf32>
      %add3A_1218 = arith.addf %get3A_1213, %get3A_1217 : vector<16xf32>
      %swap3A_1219 = arith.index_cast %scan3A_1182 : i32 to index
      %swap3A_1220 = arith.constant 32 : index
      %swap3A_1221 = tpu.vector_load %arg7[%swap3A_1219, %swap3A_1220] {strides = array<i32>} : memref<128x64xf32, #tpu.memory_space<vmem>>, vector<1x16xf32>,
      %swap3A_1222 = vector.shape_cast %swap3A_1221 : vector<1x16xf32> to vector<16xf32>
      %swap3A_1223 = vector.shape_cast %add3A_1218 : vector<16xf32> to vector<1x16xf32>
      tpu.vector_store %arg7[%swap3A_1219, %swap3A_1220], %swap3A_1223 {strides = array<i32>} : memref<128x64xf32, #tpu.memory_space<vmem>>, vector<1x16xf32>,
      %get3A_1224 = arith.index_cast %scan3A_1182 : i32 to index
      %get3A_1225 = arith.constant 48 : index
      %get3A_1226 = tpu.vector_load %arg7[%get3A_1224, %get3A_1225] {strides = array<i32>} : memref<128x64xf32, #tpu.memory_space<vmem>>, vector<1x16xf32>,
      %get3A_1227 = vector.shape_cast %get3A_1226 : vector<1x16xf32> to vector<16xf32>
      %get3A_1228 = arith.index_cast %scan3A_1182 : i32 to index
      %get3A_1229 = arith.constant 48 : index
      %get3A_1230 = tpu.vector_load %arg9[%get3A_1228, %get3A_1229] {strides = array<i32>} : memref<128x64xf32, #tpu.memory_space<vmem>>, vector<1x16xf32>,
      %get3A_1231 = vector.shape_cast %get3A_1230 : vector<1x16xf32> to vector<16xf32>
      %add3A_1232 = arith.addf %get3A_1227, %get3A_1231 : vector<16xf32>
      %swap3A_1233 = arith.index_cast %scan3A_1182 : i32 to index
      %swap3A_1234 = arith.constant 48 : index
      %swap3A_1235 = tpu.vector_load %arg7[%swap3A_1233, %swap3A_1234] {strides = array<i32>} : memref<128x64xf32, #tpu.memory_space<vmem>>, vector<1x16xf32>,
      %swap3A_1236 = vector.shape_cast %swap3A_1235 : vector<1x16xf32> to vector<16xf32>
      %swap3A_1237 = vector.shape_cast %add3A_1232 : vector<16xf32> to vector<1x16xf32>
      tpu.vector_store %arg7[%swap3A_1233, %swap3A_1234], %swap3A_1237 {strides = array<i32>} : memref<128x64xf32, #tpu.memory_space<vmem>>, vector<1x16xf32>,
      %scan3A_1238 = arith.constant 0 : i32
      scf.yield %scan3A_1238 : i32
    }
    %scan3A_306 = arith.constant 128 : i32
    %mul3A_307 = arith.constant 4096 : i32
    %mul3A_308 = arith.muli %add3A, %mul3A_307 : i32
    %add3A_309 = arith.constant 2432 : i32
    %add3A_310 = arith.addi %mul3A_308, %add3A_309 : i32
    %dma_wait3A_311 = arith.constant 0 : i32
    %dma_wait3A_312 = tpu.memref_slice %arg5[%add3A_310, %dma_wait3A_311] : memref<131072x64xf32, #tpu.memory_space<hbm>> -> memref<128x64xf32, #tpu.memory_space<hbm>>
    %dma_wait3A_313 = arith.constant 0 : i32
    %dma_wait3A_314 = tpu.memref_slice %arg5[%add3A_310, %dma_wait3A_313] : memref<131072x64xf32, #tpu.memory_space<hbm>> -> memref<128x64xf32, #tpu.memory_space<hbm>>
    tpu.wait_dma2 semaphore(%arg13 : memref<!tpu.dma_semaphore, #tpu.memory_space<semaphore_mem>>) src(%arg8 : memref<128x64xf32, #tpu.memory_space<vmem>>) dst(%dma_wait3A_314 : memref<128x64xf32, #tpu.memory_space<hbm>>)
    %dma_start3A_315 = arith.constant 20 : i32
    %dma_start3A_316 = arith.constant 0 : i32
    %dma_start3A_317 = tpu.memref_slice %arg6[%dma_start3A_315, %dma_start3A_316] : memref<32x128xi32, #tpu.memory_space<vmem>> -> memref<1x128xi32, #tpu.memory_space<vmem>>
    %dma_start3A_318 = tpu.memref_squeeze %dma_start3A_317 : memref<1x128xi32, #tpu.memory_space<vmem>> -> memref<128xi32, #tpu.memory_space<vmem>>
    %dma_start3A_319 = arith.constant 0 : i32
    %dma_start3A_320 = arith.constant 0 : i32
    %dma_start3A_321 = tpu.memref_slice %arg3[%dma_start3A_319, %dma_start3A_320] : memref<1000000x64xf32, #tpu.memory_space<hbm>> -> memref<1000000x64xf32, #tpu.memory_space<hbm>>
    tpu.enqueue_indirect_dma source(%dma_start3A_321 : memref<1000000x64xf32, #tpu.memory_space<hbm>>) target(%arg8 : memref<128x64xf32, #tpu.memory_space<vmem>>) offsets(%dma_start3A_318 : memref<128xi32, #tpu.memory_space<vmem>>) semaphore(%arg11 : memref<!tpu.dma_semaphore, #tpu.memory_space<semaphore_mem>>)
    %mul3A_322 = arith.constant 4096 : i32
    %mul3A_323 = arith.muli %add3A, %mul3A_322 : i32
    %add3A_324 = arith.constant 512 : i32
    %add3A_325 = arith.addi %mul3A_323, %add3A_324 : i32
    %dma_start3A_326 = arith.constant 0 : i32
    %dma_start3A_327 = tpu.memref_slice %arg5[%add3A_325, %dma_start3A_326] : memref<131072x64xf32, #tpu.memory_space<hbm>> -> memref<128x64xf32, #tpu.memory_space<hbm>>
    %dma_start3A_328 = arith.constant 0 : i32
    %dma_start3A_329 = tpu.memref_slice %arg5[%add3A_325, %dma_start3A_328] : memref<131072x64xf32, #tpu.memory_space<hbm>> -> memref<128x64xf32, #tpu.memory_space<hbm>>
    tpu.enqueue_dma source(%arg7 : memref<128x64xf32, #tpu.memory_space<vmem>>) target(%dma_start3A_329 : memref<128x64xf32, #tpu.memory_space<hbm>>) target_semaphore(%arg12 : memref<!tpu.dma_semaphore, #tpu.memory_space<semaphore_mem>>)
    %dma_wait3A_330 = arith.constant 20 : i32
    %dma_wait3A_331 = arith.constant 0 : i32
    %dma_wait3A_332 = tpu.memref_slice %arg6[%dma_wait3A_330, %dma_wait3A_331] : memref<32x128xi32, #tpu.memory_space<vmem>> -> memref<1x128xi32, #tpu.memory_space<vmem>>
    %dma_wait3A_333 = tpu.memref_squeeze %dma_wait3A_332 : memref<1x128xi32, #tpu.memory_space<vmem>> -> memref<128xi32, #tpu.memory_space<vmem>>
    %dma_wait3A_334 = arith.constant 0 : i32
    %dma_wait3A_335 = arith.constant 0 : i32
    %dma_wait3A_336 = tpu.memref_slice %arg3[%dma_wait3A_334, %dma_wait3A_335] : memref<1000000x64xf32, #tpu.memory_space<hbm>> -> memref<1000000x64xf32, #tpu.memory_space<hbm>>
    tpu.wait_indirect_dma semaphore(%arg11 : memref<!tpu.dma_semaphore, #tpu.memory_space<semaphore_mem>>) src(%dma_wait3A_336 : memref<1000000x64xf32, #tpu.memory_space<hbm>>) dst(%arg8 : memref<128x64xf32, #tpu.memory_space<vmem>>)
    %scan3A_337 = arith.constant 0 : i32
    %scan3A_338 = arith.constant 0 : i32
    %scan3A_339 = arith.constant 128 : i32
    %scan3A_340 = arith.addi %scan3A_338, %scan3A_339 : i32
    %scan3A_341 = arith.constant 1 : i32
    %scan3A_342 = scf.for %scan3A_1182 = %scan3A_338 to %scan3A_340 step %scan3A_341 iter_args(%scan3A_1183 = %scan3A_337) -> (i32)  : i32 {
      %get3A = arith.index_cast %scan3A_1182 : i32 to index
      %get3A_1184 = arith.constant 0 : index
      %get3A_1185 = tpu.vector_load %arg8[%get3A, %get3A_1184] {strides = array<i32>} : memref<128x64xf32, #tpu.memory_space<vmem>>, vector<1x16xf32>,
      %get3A_1186 = vector.shape_cast %get3A_1185 : vector<1x16xf32> to vector<16xf32>
      %get3A_1187 = arith.index_cast %scan3A_1182 : i32 to index
      %get3A_1188 = arith.constant 0 : index
      %get3A_1189 = tpu.vector_load %arg9[%get3A_1187, %get3A_1188] {strides = array<i32>} : memref<128x64xf32, #tpu.memory_space<vmem>>, vector<1x16xf32>,
      %get3A_1190 = vector.shape_cast %get3A_1189 : vector<1x16xf32> to vector<16xf32>
      %add3A_1191 = arith.addf %get3A_1186, %get3A_1190 : vector<16xf32>
      %swap3A = arith.index_cast %scan3A_1182 : i32 to index
      %swap3A_1192 = arith.constant 0 : index
      %swap3A_1193 = tpu.vector_load %arg8[%swap3A, %swap3A_1192] {strides = array<i32>} : memref<128x64xf32, #tpu.memory_space<vmem>>, vector<1x16xf32>,
      %swap3A_1194 = vector.shape_cast %swap3A_1193 : vector<1x16xf32> to vector<16xf32>
      %swap3A_1195 = vector.shape_cast %add3A_1191 : vector<16xf32> to vector<1x16xf32>
      tpu.vector_store %arg8[%swap3A, %swap3A_1192], %swap3A_1195 {strides = array<i32>} : memref<128x64xf32, #tpu.memory_space<vmem>>, vector<1x16xf32>,
      %get3A_1196 = arith.index_cast %scan3A_1182 : i32 to index
      %get3A_1197 = arith.constant 16 : index
      %get3A_1198 = tpu.vector_load %arg8[%get3A_1196, %get3A_1197] {strides = array<i32>} : memref<128x64xf32, #tpu.memory_space<vmem>>, vector<1x16xf32>,
      %get3A_1199 = vector.shape_cast %get3A_1198 : vector<1x16xf32> to vector<16xf32>
      %get3A_1200 = arith.index_cast %scan3A_1182 : i32 to index
      %get3A_1201 = arith.constant 16 : index
      %get3A_1202 = tpu.vector_load %arg9[%get3A_1200, %get3A_1201] {strides = array<i32>} : memref<128x64xf32, #tpu.memory_space<vmem>>, vector<1x16xf32>,
      %get3A_1203 = vector.shape_cast %get3A_1202 : vector<1x16xf32> to vector<16xf32>
      %add3A_1204 = arith.addf %get3A_1199, %get3A_1203 : vector<16xf32>
      %swap3A_1205 = arith.index_cast %scan3A_1182 : i32 to index
      %swap3A_1206 = arith.constant 16 : index
      %swap3A_1207 = tpu.vector_load %arg8[%swap3A_1205, %swap3A_1206] {strides = array<i32>} : memref<128x64xf32, #tpu.memory_space<vmem>>, vector<1x16xf32>,
      %swap3A_1208 = vector.shape_cast %swap3A_1207 : vector<1x16xf32> to vector<16xf32>
      %swap3A_1209 = vector.shape_cast %add3A_1204 : vector<16xf32> to vector<1x16xf32>
      tpu.vector_store %arg8[%swap3A_1205, %swap3A_1206], %swap3A_1209 {strides = array<i32>} : memref<128x64xf32, #tpu.memory_space<vmem>>, vector<1x16xf32>,
      %get3A_1210 = arith.index_cast %scan3A_1182 : i32 to index
      %get3A_1211 = arith.constant 32 : index
      %get3A_1212 = tpu.vector_load %arg8[%get3A_1210, %get3A_1211] {strides = array<i32>} : memref<128x64xf32, #tpu.memory_space<vmem>>, vector<1x16xf32>,
      %get3A_1213 = vector.shape_cast %get3A_1212 : vector<1x16xf32> to vector<16xf32>
      %get3A_1214 = arith.index_cast %scan3A_1182 : i32 to index
      %get3A_1215 = arith.constant 32 : index
      %get3A_1216 = tpu.vector_load %arg9[%get3A_1214, %get3A_1215] {strides = array<i32>} : memref<128x64xf32, #tpu.memory_space<vmem>>, vector<1x16xf32>,
      %get3A_1217 = vector.shape_cast %get3A_1216 : vector<1x16xf32> to vector<16xf32>
      %add3A_1218 = arith.addf %get3A_1213, %get3A_1217 : vector<16xf32>
      %swap3A_1219 = arith.index_cast %scan3A_1182 : i32 to index
      %swap3A_1220 = arith.constant 32 : index
      %swap3A_1221 = tpu.vector_load %arg8[%swap3A_1219, %swap3A_1220] {strides = array<i32>} : memref<128x64xf32, #tpu.memory_space<vmem>>, vector<1x16xf32>,
      %swap3A_1222 = vector.shape_cast %swap3A_1221 : vector<1x16xf32> to vector<16xf32>
      %swap3A_1223 = vector.shape_cast %add3A_1218 : vector<16xf32> to vector<1x16xf32>
      tpu.vector_store %arg8[%swap3A_1219, %swap3A_1220], %swap3A_1223 {strides = array<i32>} : memref<128x64xf32, #tpu.memory_space<vmem>>, vector<1x16xf32>,
      %get3A_1224 = arith.index_cast %scan3A_1182 : i32 to index
      %get3A_1225 = arith.constant 48 : index
      %get3A_1226 = tpu.vector_load %arg8[%get3A_1224, %get3A_1225] {strides = array<i32>} : memref<128x64xf32, #tpu.memory_space<vmem>>, vector<1x16xf32>,
      %get3A_1227 = vector.shape_cast %get3A_1226 : vector<1x16xf32> to vector<16xf32>
      %get3A_1228 = arith.index_cast %scan3A_1182 : i32 to index
      %get3A_1229 = arith.constant 48 : index
      %get3A_1230 = tpu.vector_load %arg9[%get3A_1228, %get3A_1229] {strides = array<i32>} : memref<128x64xf32, #tpu.memory_space<vmem>>, vector<1x16xf32>,
      %get3A_1231 = vector.shape_cast %get3A_1230 : vector<1x16xf32> to vector<16xf32>
      %add3A_1232 = arith.addf %get3A_1227, %get3A_1231 : vector<16xf32>
      %swap3A_1233 = arith.index_cast %scan3A_1182 : i32 to index
      %swap3A_1234 = arith.constant 48 : index
      %swap3A_1235 = tpu.vector_load %arg8[%swap3A_1233, %swap3A_1234] {strides = array<i32>} : memref<128x64xf32, #tpu.memory_space<vmem>>, vector<1x16xf32>,
      %swap3A_1236 = vector.shape_cast %swap3A_1235 : vector<1x16xf32> to vector<16xf32>
      %swap3A_1237 = vector.shape_cast %add3A_1232 : vector<16xf32> to vector<1x16xf32>
      tpu.vector_store %arg8[%swap3A_1233, %swap3A_1234], %swap3A_1237 {strides = array<i32>} : memref<128x64xf32, #tpu.memory_space<vmem>>, vector<1x16xf32>,
      %scan3A_1238 = arith.constant 0 : i32
      scf.yield %scan3A_1238 : i32
    }
    %scan3A_343 = arith.constant 128 : i32
    %mul3A_344 = arith.constant 4096 : i32
    %mul3A_345 = arith.muli %add3A, %mul3A_344 : i32
    %add3A_346 = arith.constant 512 : i32
    %add3A_347 = arith.addi %mul3A_345, %add3A_346 : i32
    %dma_wait3A_348 = arith.constant 0 : i32
    %dma_wait3A_349 = tpu.memref_slice %arg5[%add3A_347, %dma_wait3A_348] : memref<131072x64xf32, #tpu.memory_space<hbm>> -> memref<128x64xf32, #tpu.memory_space<hbm>>
    %dma_wait3A_350 = arith.constant 0 : i32
    %dma_wait3A_351 = tpu.memref_slice %arg5[%add3A_347, %dma_wait3A_350] : memref<131072x64xf32, #tpu.memory_space<hbm>> -> memref<128x64xf32, #tpu.memory_space<hbm>>
    tpu.wait_dma2 semaphore(%arg12 : memref<!tpu.dma_semaphore, #tpu.memory_space<semaphore_mem>>) src(%arg7 : memref<128x64xf32, #tpu.memory_space<vmem>>) dst(%dma_wait3A_351 : memref<128x64xf32, #tpu.memory_space<hbm>>)
    %dma_start3A_352 = arith.constant 5 : i32
    %dma_start3A_353 = arith.constant 0 : i32
    %dma_start3A_354 = tpu.memref_slice %arg6[%dma_start3A_352, %dma_start3A_353] : memref<32x128xi32, #tpu.memory_space<vmem>> -> memref<1x128xi32, #tpu.memory_space<vmem>>
    %dma_start3A_355 = tpu.memref_squeeze %dma_start3A_354 : memref<1x128xi32, #tpu.memory_space<vmem>> -> memref<128xi32, #tpu.memory_space<vmem>>
    %dma_start3A_356 = arith.constant 0 : i32
    %dma_start3A_357 = arith.constant 0 : i32
    %dma_start3A_358 = tpu.memref_slice %arg3[%dma_start3A_356, %dma_start3A_357] : memref<1000000x64xf32, #tpu.memory_space<hbm>> -> memref<1000000x64xf32, #tpu.memory_space<hbm>>
    tpu.enqueue_indirect_dma source(%dma_start3A_358 : memref<1000000x64xf32, #tpu.memory_space<hbm>>) target(%arg7 : memref<128x64xf32, #tpu.memory_space<vmem>>) offsets(%dma_start3A_355 : memref<128xi32, #tpu.memory_space<vmem>>) semaphore(%arg10 : memref<!tpu.dma_semaphore, #tpu.memory_space<semaphore_mem>>)
    %mul3A_359 = arith.constant 4096 : i32
    %mul3A_360 = arith.muli %add3A, %mul3A_359 : i32
    %add3A_361 = arith.constant 2560 : i32
    %add3A_362 = arith.addi %mul3A_360, %add3A_361 : i32
    %dma_start3A_363 = arith.constant 0 : i32
    %dma_start3A_364 = tpu.memref_slice %arg5[%add3A_362, %dma_start3A_363] : memref<131072x64xf32, #tpu.memory_space<hbm>> -> memref<128x64xf32, #tpu.memory_space<hbm>>
    %dma_start3A_365 = arith.constant 0 : i32
    %dma_start3A_366 = tpu.memref_slice %arg5[%add3A_362, %dma_start3A_365] : memref<131072x64xf32, #tpu.memory_space<hbm>> -> memref<128x64xf32, #tpu.memory_space<hbm>>
    tpu.enqueue_dma source(%arg8 : memref<128x64xf32, #tpu.memory_space<vmem>>) target(%dma_start3A_366 : memref<128x64xf32, #tpu.memory_space<hbm>>) target_semaphore(%arg13 : memref<!tpu.dma_semaphore, #tpu.memory_space<semaphore_mem>>)
    %dma_wait3A_367 = arith.constant 5 : i32
    %dma_wait3A_368 = arith.constant 0 : i32
    %dma_wait3A_369 = tpu.memref_slice %arg6[%dma_wait3A_367, %dma_wait3A_368] : memref<32x128xi32, #tpu.memory_space<vmem>> -> memref<1x128xi32, #tpu.memory_space<vmem>>
    %dma_wait3A_370 = tpu.memref_squeeze %dma_wait3A_369 : memref<1x128xi32, #tpu.memory_space<vmem>> -> memref<128xi32, #tpu.memory_space<vmem>>
    %dma_wait3A_371 = arith.constant 0 : i32
    %dma_wait3A_372 = arith.constant 0 : i32
    %dma_wait3A_373 = tpu.memref_slice %arg3[%dma_wait3A_371, %dma_wait3A_372] : memref<1000000x64xf32, #tpu.memory_space<hbm>> -> memref<1000000x64xf32, #tpu.memory_space<hbm>>
    tpu.wait_indirect_dma semaphore(%arg10 : memref<!tpu.dma_semaphore, #tpu.memory_space<semaphore_mem>>) src(%dma_wait3A_373 : memref<1000000x64xf32, #tpu.memory_space<hbm>>) dst(%arg7 : memref<128x64xf32, #tpu.memory_space<vmem>>)
    "tpu.region"() ({
      %run_scoped3A = tpu.sem_alloc : memref<!tpu.dma_semaphore, #tpu.memory_space<semaphore_mem>>
      %dma_start3A_1182 = arith.constant 640 : i32
      %dma_start3A_1183 = arith.constant 0 : i32
      %dma_start3A_1184 = tpu.memref_slice %arg4[%dma_start3A_1182, %dma_start3A_1183] : memref<2048x64xf32, #tpu.memory_space<hbm>> -> memref<128x64xf32, #tpu.memory_space<hbm>>
      %dma_start3A_1185 = arith.constant 640 : i32
      %dma_start3A_1186 = arith.constant 0 : i32
      %dma_start3A_1187 = tpu.memref_slice %arg4[%dma_start3A_1185, %dma_start3A_1186] : memref<2048x64xf32, #tpu.memory_space<hbm>> -> memref<128x64xf32, #tpu.memory_space<hbm>>
      tpu.enqueue_dma source(%dma_start3A_1187 : memref<128x64xf32, #tpu.memory_space<hbm>>) target(%arg9 : memref<128x64xf32, #tpu.memory_space<vmem>>) target_semaphore(%run_scoped3A : memref<!tpu.dma_semaphore, #tpu.memory_space<semaphore_mem>>)
      %dma_wait3A_1188 = arith.constant 640 : i32
      %dma_wait3A_1189 = arith.constant 0 : i32
      %dma_wait3A_1190 = tpu.memref_slice %arg4[%dma_wait3A_1188, %dma_wait3A_1189] : memref<2048x64xf32, #tpu.memory_space<hbm>> -> memref<128x64xf32, #tpu.memory_space<hbm>>
      %dma_wait3A_1191 = arith.constant 640 : i32
      %dma_wait3A_1192 = arith.constant 0 : i32
      %dma_wait3A_1193 = tpu.memref_slice %arg4[%dma_wait3A_1191, %dma_wait3A_1192] : memref<2048x64xf32, #tpu.memory_space<hbm>> -> memref<128x64xf32, #tpu.memory_space<hbm>>
      tpu.wait_dma2 semaphore(%run_scoped3A : memref<!tpu.dma_semaphore, #tpu.memory_space<semaphore_mem>>) src(%dma_wait3A_1193 : memref<128x64xf32, #tpu.memory_space<hbm>>) dst(%arg9 : memref<128x64xf32, #tpu.memory_space<vmem>>)
      tpu.yield
    }) : () -> ()
    %scan3A_374 = arith.constant 0 : i32
    %scan3A_375 = arith.constant 0 : i32
    %scan3A_376 = arith.constant 128 : i32
    %scan3A_377 = arith.addi %scan3A_375, %scan3A_376 : i32
    %scan3A_378 = arith.constant 1 : i32
    %scan3A_379 = scf.for %scan3A_1182 = %scan3A_375 to %scan3A_377 step %scan3A_378 iter_args(%scan3A_1183 = %scan3A_374) -> (i32)  : i32 {
      %get3A = arith.index_cast %scan3A_1182 : i32 to index
      %get3A_1184 = arith.constant 0 : index
      %get3A_1185 = tpu.vector_load %arg7[%get3A, %get3A_1184] {strides = array<i32>} : memref<128x64xf32, #tpu.memory_space<vmem>>, vector<1x16xf32>,
      %get3A_1186 = vector.shape_cast %get3A_1185 : vector<1x16xf32> to vector<16xf32>
      %get3A_1187 = arith.index_cast %scan3A_1182 : i32 to index
      %get3A_1188 = arith.constant 0 : index
      %get3A_1189 = tpu.vector_load %arg9[%get3A_1187, %get3A_1188] {strides = array<i32>} : memref<128x64xf32, #tpu.memory_space<vmem>>, vector<1x16xf32>,
      %get3A_1190 = vector.shape_cast %get3A_1189 : vector<1x16xf32> to vector<16xf32>
      %add3A_1191 = arith.addf %get3A_1186, %get3A_1190 : vector<16xf32>
      %swap3A = arith.index_cast %scan3A_1182 : i32 to index
      %swap3A_1192 = arith.constant 0 : index
      %swap3A_1193 = tpu.vector_load %arg7[%swap3A, %swap3A_1192] {strides = array<i32>} : memref<128x64xf32, #tpu.memory_space<vmem>>, vector<1x16xf32>,
      %swap3A_1194 = vector.shape_cast %swap3A_1193 : vector<1x16xf32> to vector<16xf32>
      %swap3A_1195 = vector.shape_cast %add3A_1191 : vector<16xf32> to vector<1x16xf32>
      tpu.vector_store %arg7[%swap3A, %swap3A_1192], %swap3A_1195 {strides = array<i32>} : memref<128x64xf32, #tpu.memory_space<vmem>>, vector<1x16xf32>,
      %get3A_1196 = arith.index_cast %scan3A_1182 : i32 to index
      %get3A_1197 = arith.constant 16 : index
      %get3A_1198 = tpu.vector_load %arg7[%get3A_1196, %get3A_1197] {strides = array<i32>} : memref<128x64xf32, #tpu.memory_space<vmem>>, vector<1x16xf32>,
      %get3A_1199 = vector.shape_cast %get3A_1198 : vector<1x16xf32> to vector<16xf32>
      %get3A_1200 = arith.index_cast %scan3A_1182 : i32 to index
      %get3A_1201 = arith.constant 16 : index
      %get3A_1202 = tpu.vector_load %arg9[%get3A_1200, %get3A_1201] {strides = array<i32>} : memref<128x64xf32, #tpu.memory_space<vmem>>, vector<1x16xf32>,
      %get3A_1203 = vector.shape_cast %get3A_1202 : vector<1x16xf32> to vector<16xf32>
      %add3A_1204 = arith.addf %get3A_1199, %get3A_1203 : vector<16xf32>
      %swap3A_1205 = arith.index_cast %scan3A_1182 : i32 to index
      %swap3A_1206 = arith.constant 16 : index
      %swap3A_1207 = tpu.vector_load %arg7[%swap3A_1205, %swap3A_1206] {strides = array<i32>} : memref<128x64xf32, #tpu.memory_space<vmem>>, vector<1x16xf32>,
      %swap3A_1208 = vector.shape_cast %swap3A_1207 : vector<1x16xf32> to vector<16xf32>
      %swap3A_1209 = vector.shape_cast %add3A_1204 : vector<16xf32> to vector<1x16xf32>
      tpu.vector_store %arg7[%swap3A_1205, %swap3A_1206], %swap3A_1209 {strides = array<i32>} : memref<128x64xf32, #tpu.memory_space<vmem>>, vector<1x16xf32>,
      %get3A_1210 = arith.index_cast %scan3A_1182 : i32 to index
      %get3A_1211 = arith.constant 32 : index
      %get3A_1212 = tpu.vector_load %arg7[%get3A_1210, %get3A_1211] {strides = array<i32>} : memref<128x64xf32, #tpu.memory_space<vmem>>, vector<1x16xf32>,
      %get3A_1213 = vector.shape_cast %get3A_1212 : vector<1x16xf32> to vector<16xf32>
      %get3A_1214 = arith.index_cast %scan3A_1182 : i32 to index
      %get3A_1215 = arith.constant 32 : index
      %get3A_1216 = tpu.vector_load %arg9[%get3A_1214, %get3A_1215] {strides = array<i32>} : memref<128x64xf32, #tpu.memory_space<vmem>>, vector<1x16xf32>,
      %get3A_1217 = vector.shape_cast %get3A_1216 : vector<1x16xf32> to vector<16xf32>
      %add3A_1218 = arith.addf %get3A_1213, %get3A_1217 : vector<16xf32>
      %swap3A_1219 = arith.index_cast %scan3A_1182 : i32 to index
      %swap3A_1220 = arith.constant 32 : index
      %swap3A_1221 = tpu.vector_load %arg7[%swap3A_1219, %swap3A_1220] {strides = array<i32>} : memref<128x64xf32, #tpu.memory_space<vmem>>, vector<1x16xf32>,
      %swap3A_1222 = vector.shape_cast %swap3A_1221 : vector<1x16xf32> to vector<16xf32>
      %swap3A_1223 = vector.shape_cast %add3A_1218 : vector<16xf32> to vector<1x16xf32>
      tpu.vector_store %arg7[%swap3A_1219, %swap3A_1220], %swap3A_1223 {strides = array<i32>} : memref<128x64xf32, #tpu.memory_space<vmem>>, vector<1x16xf32>,
      %get3A_1224 = arith.index_cast %scan3A_1182 : i32 to index
      %get3A_1225 = arith.constant 48 : index
      %get3A_1226 = tpu.vector_load %arg7[%get3A_1224, %get3A_1225] {strides = array<i32>} : memref<128x64xf32, #tpu.memory_space<vmem>>, vector<1x16xf32>,
      %get3A_1227 = vector.shape_cast %get3A_1226 : vector<1x16xf32> to vector<16xf32>
      %get3A_1228 = arith.index_cast %scan3A_1182 : i32 to index
      %get3A_1229 = arith.constant 48 : index
      %get3A_1230 = tpu.vector_load %arg9[%get3A_1228, %get3A_1229] {strides = array<i32>} : memref<128x64xf32, #tpu.memory_space<vmem>>, vector<1x16xf32>,
      %get3A_1231 = vector.shape_cast %get3A_1230 : vector<1x16xf32> to vector<16xf32>
      %add3A_1232 = arith.addf %get3A_1227, %get3A_1231 : vector<16xf32>
      %swap3A_1233 = arith.index_cast %scan3A_1182 : i32 to index
      %swap3A_1234 = arith.constant 48 : index
      %swap3A_1235 = tpu.vector_load %arg7[%swap3A_1233, %swap3A_1234] {strides = array<i32>} : memref<128x64xf32, #tpu.memory_space<vmem>>, vector<1x16xf32>,
      %swap3A_1236 = vector.shape_cast %swap3A_1235 : vector<1x16xf32> to vector<16xf32>
      %swap3A_1237 = vector.shape_cast %add3A_1232 : vector<16xf32> to vector<1x16xf32>
      tpu.vector_store %arg7[%swap3A_1233, %swap3A_1234], %swap3A_1237 {strides = array<i32>} : memref<128x64xf32, #tpu.memory_space<vmem>>, vector<1x16xf32>,
      %scan3A_1238 = arith.constant 0 : i32
      scf.yield %scan3A_1238 : i32
    }
    %scan3A_380 = arith.constant 128 : i32
    %mul3A_381 = arith.constant 4096 : i32
    %mul3A_382 = arith.muli %add3A, %mul3A_381 : i32
    %add3A_383 = arith.constant 2560 : i32
    %add3A_384 = arith.addi %mul3A_382, %add3A_383 : i32
    %dma_wait3A_385 = arith.constant 0 : i32
    %dma_wait3A_386 = tpu.memref_slice %arg5[%add3A_384, %dma_wait3A_385] : memref<131072x64xf32, #tpu.memory_space<hbm>> -> memref<128x64xf32, #tpu.memory_space<hbm>>
    %dma_wait3A_387 = arith.constant 0 : i32
    %dma_wait3A_388 = tpu.memref_slice %arg5[%add3A_384, %dma_wait3A_387] : memref<131072x64xf32, #tpu.memory_space<hbm>> -> memref<128x64xf32, #tpu.memory_space<hbm>>
    tpu.wait_dma2 semaphore(%arg13 : memref<!tpu.dma_semaphore, #tpu.memory_space<semaphore_mem>>) src(%arg8 : memref<128x64xf32, #tpu.memory_space<vmem>>) dst(%dma_wait3A_388 : memref<128x64xf32, #tpu.memory_space<hbm>>)
    %dma_start3A_389 = arith.constant 21 : i32
    %dma_start3A_390 = arith.constant 0 : i32
    %dma_start3A_391 = tpu.memref_slice %arg6[%dma_start3A_389, %dma_start3A_390] : memref<32x128xi32, #tpu.memory_space<vmem>> -> memref<1x128xi32, #tpu.memory_space<vmem>>
    %dma_start3A_392 = tpu.memref_squeeze %dma_start3A_391 : memref<1x128xi32, #tpu.memory_space<vmem>> -> memref<128xi32, #tpu.memory_space<vmem>>
    %dma_start3A_393 = arith.constant 0 : i32
    %dma_start3A_394 = arith.constant 0 : i32
    %dma_start3A_395 = tpu.memref_slice %arg3[%dma_start3A_393, %dma_start3A_394] : memref<1000000x64xf32, #tpu.memory_space<hbm>> -> memref<1000000x64xf32, #tpu.memory_space<hbm>>
    tpu.enqueue_indirect_dma source(%dma_start3A_395 : memref<1000000x64xf32, #tpu.memory_space<hbm>>) target(%arg8 : memref<128x64xf32, #tpu.memory_space<vmem>>) offsets(%dma_start3A_392 : memref<128xi32, #tpu.memory_space<vmem>>) semaphore(%arg11 : memref<!tpu.dma_semaphore, #tpu.memory_space<semaphore_mem>>)
    %mul3A_396 = arith.constant 4096 : i32
    %mul3A_397 = arith.muli %add3A, %mul3A_396 : i32
    %add3A_398 = arith.constant 640 : i32
    %add3A_399 = arith.addi %mul3A_397, %add3A_398 : i32
    %dma_start3A_400 = arith.constant 0 : i32
    %dma_start3A_401 = tpu.memref_slice %arg5[%add3A_399, %dma_start3A_400] : memref<131072x64xf32, #tpu.memory_space<hbm>> -> memref<128x64xf32, #tpu.memory_space<hbm>>
    %dma_start3A_402 = arith.constant 0 : i32
    %dma_start3A_403 = tpu.memref_slice %arg5[%add3A_399, %dma_start3A_402] : memref<131072x64xf32, #tpu.memory_space<hbm>> -> memref<128x64xf32, #tpu.memory_space<hbm>>
    tpu.enqueue_dma source(%arg7 : memref<128x64xf32, #tpu.memory_space<vmem>>) target(%dma_start3A_403 : memref<128x64xf32, #tpu.memory_space<hbm>>) target_semaphore(%arg12 : memref<!tpu.dma_semaphore, #tpu.memory_space<semaphore_mem>>)
    %dma_wait3A_404 = arith.constant 21 : i32
    %dma_wait3A_405 = arith.constant 0 : i32
    %dma_wait3A_406 = tpu.memref_slice %arg6[%dma_wait3A_404, %dma_wait3A_405] : memref<32x128xi32, #tpu.memory_space<vmem>> -> memref<1x128xi32, #tpu.memory_space<vmem>>
    %dma_wait3A_407 = tpu.memref_squeeze %dma_wait3A_406 : memref<1x128xi32, #tpu.memory_space<vmem>> -> memref<128xi32, #tpu.memory_space<vmem>>
    %dma_wait3A_408 = arith.constant 0 : i32
    %dma_wait3A_409 = arith.constant 0 : i32
    %dma_wait3A_410 = tpu.memref_slice %arg3[%dma_wait3A_408, %dma_wait3A_409] : memref<1000000x64xf32, #tpu.memory_space<hbm>> -> memref<1000000x64xf32, #tpu.memory_space<hbm>>
    tpu.wait_indirect_dma semaphore(%arg11 : memref<!tpu.dma_semaphore, #tpu.memory_space<semaphore_mem>>) src(%dma_wait3A_410 : memref<1000000x64xf32, #tpu.memory_space<hbm>>) dst(%arg8 : memref<128x64xf32, #tpu.memory_space<vmem>>)
    %scan3A_411 = arith.constant 0 : i32
    %scan3A_412 = arith.constant 0 : i32
    %scan3A_413 = arith.constant 128 : i32
    %scan3A_414 = arith.addi %scan3A_412, %scan3A_413 : i32
    %scan3A_415 = arith.constant 1 : i32
    %scan3A_416 = scf.for %scan3A_1182 = %scan3A_412 to %scan3A_414 step %scan3A_415 iter_args(%scan3A_1183 = %scan3A_411) -> (i32)  : i32 {
      %get3A = arith.index_cast %scan3A_1182 : i32 to index
      %get3A_1184 = arith.constant 0 : index
      %get3A_1185 = tpu.vector_load %arg8[%get3A, %get3A_1184] {strides = array<i32>} : memref<128x64xf32, #tpu.memory_space<vmem>>, vector<1x16xf32>,
      %get3A_1186 = vector.shape_cast %get3A_1185 : vector<1x16xf32> to vector<16xf32>
      %get3A_1187 = arith.index_cast %scan3A_1182 : i32 to index
      %get3A_1188 = arith.constant 0 : index
      %get3A_1189 = tpu.vector_load %arg9[%get3A_1187, %get3A_1188] {strides = array<i32>} : memref<128x64xf32, #tpu.memory_space<vmem>>, vector<1x16xf32>,
      %get3A_1190 = vector.shape_cast %get3A_1189 : vector<1x16xf32> to vector<16xf32>
      %add3A_1191 = arith.addf %get3A_1186, %get3A_1190 : vector<16xf32>
      %swap3A = arith.index_cast %scan3A_1182 : i32 to index
      %swap3A_1192 = arith.constant 0 : index
      %swap3A_1193 = tpu.vector_load %arg8[%swap3A, %swap3A_1192] {strides = array<i32>} : memref<128x64xf32, #tpu.memory_space<vmem>>, vector<1x16xf32>,
      %swap3A_1194 = vector.shape_cast %swap3A_1193 : vector<1x16xf32> to vector<16xf32>
      %swap3A_1195 = vector.shape_cast %add3A_1191 : vector<16xf32> to vector<1x16xf32>
      tpu.vector_store %arg8[%swap3A, %swap3A_1192], %swap3A_1195 {strides = array<i32>} : memref<128x64xf32, #tpu.memory_space<vmem>>, vector<1x16xf32>,
      %get3A_1196 = arith.index_cast %scan3A_1182 : i32 to index
      %get3A_1197 = arith.constant 16 : index
      %get3A_1198 = tpu.vector_load %arg8[%get3A_1196, %get3A_1197] {strides = array<i32>} : memref<128x64xf32, #tpu.memory_space<vmem>>, vector<1x16xf32>,
      %get3A_1199 = vector.shape_cast %get3A_1198 : vector<1x16xf32> to vector<16xf32>
      %get3A_1200 = arith.index_cast %scan3A_1182 : i32 to index
      %get3A_1201 = arith.constant 16 : index
      %get3A_1202 = tpu.vector_load %arg9[%get3A_1200, %get3A_1201] {strides = array<i32>} : memref<128x64xf32, #tpu.memory_space<vmem>>, vector<1x16xf32>,
      %get3A_1203 = vector.shape_cast %get3A_1202 : vector<1x16xf32> to vector<16xf32>
      %add3A_1204 = arith.addf %get3A_1199, %get3A_1203 : vector<16xf32>
      %swap3A_1205 = arith.index_cast %scan3A_1182 : i32 to index
      %swap3A_1206 = arith.constant 16 : index
      %swap3A_1207 = tpu.vector_load %arg8[%swap3A_1205, %swap3A_1206] {strides = array<i32>} : memref<128x64xf32, #tpu.memory_space<vmem>>, vector<1x16xf32>,
      %swap3A_1208 = vector.shape_cast %swap3A_1207 : vector<1x16xf32> to vector<16xf32>
      %swap3A_1209 = vector.shape_cast %add3A_1204 : vector<16xf32> to vector<1x16xf32>
      tpu.vector_store %arg8[%swap3A_1205, %swap3A_1206], %swap3A_1209 {strides = array<i32>} : memref<128x64xf32, #tpu.memory_space<vmem>>, vector<1x16xf32>,
      %get3A_1210 = arith.index_cast %scan3A_1182 : i32 to index
      %get3A_1211 = arith.constant 32 : index
      %get3A_1212 = tpu.vector_load %arg8[%get3A_1210, %get3A_1211] {strides = array<i32>} : memref<128x64xf32, #tpu.memory_space<vmem>>, vector<1x16xf32>,
      %get3A_1213 = vector.shape_cast %get3A_1212 : vector<1x16xf32> to vector<16xf32>
      %get3A_1214 = arith.index_cast %scan3A_1182 : i32 to index
      %get3A_1215 = arith.constant 32 : index
      %get3A_1216 = tpu.vector_load %arg9[%get3A_1214, %get3A_1215] {strides = array<i32>} : memref<128x64xf32, #tpu.memory_space<vmem>>, vector<1x16xf32>,
      %get3A_1217 = vector.shape_cast %get3A_1216 : vector<1x16xf32> to vector<16xf32>
      %add3A_1218 = arith.addf %get3A_1213, %get3A_1217 : vector<16xf32>
      %swap3A_1219 = arith.index_cast %scan3A_1182 : i32 to index
      %swap3A_1220 = arith.constant 32 : index
      %swap3A_1221 = tpu.vector_load %arg8[%swap3A_1219, %swap3A_1220] {strides = array<i32>} : memref<128x64xf32, #tpu.memory_space<vmem>>, vector<1x16xf32>,
      %swap3A_1222 = vector.shape_cast %swap3A_1221 : vector<1x16xf32> to vector<16xf32>
      %swap3A_1223 = vector.shape_cast %add3A_1218 : vector<16xf32> to vector<1x16xf32>
      tpu.vector_store %arg8[%swap3A_1219, %swap3A_1220], %swap3A_1223 {strides = array<i32>} : memref<128x64xf32, #tpu.memory_space<vmem>>, vector<1x16xf32>,
      %get3A_1224 = arith.index_cast %scan3A_1182 : i32 to index
      %get3A_1225 = arith.constant 48 : index
      %get3A_1226 = tpu.vector_load %arg8[%get3A_1224, %get3A_1225] {strides = array<i32>} : memref<128x64xf32, #tpu.memory_space<vmem>>, vector<1x16xf32>,
      %get3A_1227 = vector.shape_cast %get3A_1226 : vector<1x16xf32> to vector<16xf32>
      %get3A_1228 = arith.index_cast %scan3A_1182 : i32 to index
      %get3A_1229 = arith.constant 48 : index
      %get3A_1230 = tpu.vector_load %arg9[%get3A_1228, %get3A_1229] {strides = array<i32>} : memref<128x64xf32, #tpu.memory_space<vmem>>, vector<1x16xf32>,
      %get3A_1231 = vector.shape_cast %get3A_1230 : vector<1x16xf32> to vector<16xf32>
      %add3A_1232 = arith.addf %get3A_1227, %get3A_1231 : vector<16xf32>
      %swap3A_1233 = arith.index_cast %scan3A_1182 : i32 to index
      %swap3A_1234 = arith.constant 48 : index
      %swap3A_1235 = tpu.vector_load %arg8[%swap3A_1233, %swap3A_1234] {strides = array<i32>} : memref<128x64xf32, #tpu.memory_space<vmem>>, vector<1x16xf32>,
      %swap3A_1236 = vector.shape_cast %swap3A_1235 : vector<1x16xf32> to vector<16xf32>
      %swap3A_1237 = vector.shape_cast %add3A_1232 : vector<16xf32> to vector<1x16xf32>
      tpu.vector_store %arg8[%swap3A_1233, %swap3A_1234], %swap3A_1237 {strides = array<i32>} : memref<128x64xf32, #tpu.memory_space<vmem>>, vector<1x16xf32>,
      %scan3A_1238 = arith.constant 0 : i32
      scf.yield %scan3A_1238 : i32
    }
    %scan3A_417 = arith.constant 128 : i32
    %mul3A_418 = arith.constant 4096 : i32
    %mul3A_419 = arith.muli %add3A, %mul3A_418 : i32
    %add3A_420 = arith.constant 640 : i32
    %add3A_421 = arith.addi %mul3A_419, %add3A_420 : i32
    %dma_wait3A_422 = arith.constant 0 : i32
    %dma_wait3A_423 = tpu.memref_slice %arg5[%add3A_421, %dma_wait3A_422] : memref<131072x64xf32, #tpu.memory_space<hbm>> -> memref<128x64xf32, #tpu.memory_space<hbm>>
    %dma_wait3A_424 = arith.constant 0 : i32
    %dma_wait3A_425 = tpu.memref_slice %arg5[%add3A_421, %dma_wait3A_424] : memref<131072x64xf32, #tpu.memory_space<hbm>> -> memref<128x64xf32, #tpu.memory_space<hbm>>
    tpu.wait_dma2 semaphore(%arg12 : memref<!tpu.dma_semaphore, #tpu.memory_space<semaphore_mem>>) src(%arg7 : memref<128x64xf32, #tpu.memory_space<vmem>>) dst(%dma_wait3A_425 : memref<128x64xf32, #tpu.memory_space<hbm>>)
    %dma_start3A_426 = arith.constant 6 : i32
    %dma_start3A_427 = arith.constant 0 : i32
    %dma_start3A_428 = tpu.memref_slice %arg6[%dma_start3A_426, %dma_start3A_427] : memref<32x128xi32, #tpu.memory_space<vmem>> -> memref<1x128xi32, #tpu.memory_space<vmem>>
    %dma_start3A_429 = tpu.memref_squeeze %dma_start3A_428 : memref<1x128xi32, #tpu.memory_space<vmem>> -> memref<128xi32, #tpu.memory_space<vmem>>
    %dma_start3A_430 = arith.constant 0 : i32
    %dma_start3A_431 = arith.constant 0 : i32
    %dma_start3A_432 = tpu.memref_slice %arg3[%dma_start3A_430, %dma_start3A_431] : memref<1000000x64xf32, #tpu.memory_space<hbm>> -> memref<1000000x64xf32, #tpu.memory_space<hbm>>
    tpu.enqueue_indirect_dma source(%dma_start3A_432 : memref<1000000x64xf32, #tpu.memory_space<hbm>>) target(%arg7 : memref<128x64xf32, #tpu.memory_space<vmem>>) offsets(%dma_start3A_429 : memref<128xi32, #tpu.memory_space<vmem>>) semaphore(%arg10 : memref<!tpu.dma_semaphore, #tpu.memory_space<semaphore_mem>>)
    %mul3A_433 = arith.constant 4096 : i32
    %mul3A_434 = arith.muli %add3A, %mul3A_433 : i32
    %add3A_435 = arith.constant 2688 : i32
    %add3A_436 = arith.addi %mul3A_434, %add3A_435 : i32
    %dma_start3A_437 = arith.constant 0 : i32
    %dma_start3A_438 = tpu.memref_slice %arg5[%add3A_436, %dma_start3A_437] : memref<131072x64xf32, #tpu.memory_space<hbm>> -> memref<128x64xf32, #tpu.memory_space<hbm>>
    %dma_start3A_439 = arith.constant 0 : i32
    %dma_start3A_440 = tpu.memref_slice %arg5[%add3A_436, %dma_start3A_439] : memref<131072x64xf32, #tpu.memory_space<hbm>> -> memref<128x64xf32, #tpu.memory_space<hbm>>
    tpu.enqueue_dma source(%arg8 : memref<128x64xf32, #tpu.memory_space<vmem>>) target(%dma_start3A_440 : memref<128x64xf32, #tpu.memory_space<hbm>>) target_semaphore(%arg13 : memref<!tpu.dma_semaphore, #tpu.memory_space<semaphore_mem>>)
    %dma_wait3A_441 = arith.constant 6 : i32
    %dma_wait3A_442 = arith.constant 0 : i32
    %dma_wait3A_443 = tpu.memref_slice %arg6[%dma_wait3A_441, %dma_wait3A_442] : memref<32x128xi32, #tpu.memory_space<vmem>> -> memref<1x128xi32, #tpu.memory_space<vmem>>
    %dma_wait3A_444 = tpu.memref_squeeze %dma_wait3A_443 : memref<1x128xi32, #tpu.memory_space<vmem>> -> memref<128xi32, #tpu.memory_space<vmem>>
    %dma_wait3A_445 = arith.constant 0 : i32
    %dma_wait3A_446 = arith.constant 0 : i32
    %dma_wait3A_447 = tpu.memref_slice %arg3[%dma_wait3A_445, %dma_wait3A_446] : memref<1000000x64xf32, #tpu.memory_space<hbm>> -> memref<1000000x64xf32, #tpu.memory_space<hbm>>
    tpu.wait_indirect_dma semaphore(%arg10 : memref<!tpu.dma_semaphore, #tpu.memory_space<semaphore_mem>>) src(%dma_wait3A_447 : memref<1000000x64xf32, #tpu.memory_space<hbm>>) dst(%arg7 : memref<128x64xf32, #tpu.memory_space<vmem>>)
    "tpu.region"() ({
      %run_scoped3A = tpu.sem_alloc : memref<!tpu.dma_semaphore, #tpu.memory_space<semaphore_mem>>
      %dma_start3A_1182 = arith.constant 768 : i32
      %dma_start3A_1183 = arith.constant 0 : i32
      %dma_start3A_1184 = tpu.memref_slice %arg4[%dma_start3A_1182, %dma_start3A_1183] : memref<2048x64xf32, #tpu.memory_space<hbm>> -> memref<128x64xf32, #tpu.memory_space<hbm>>
      %dma_start3A_1185 = arith.constant 768 : i32
      %dma_start3A_1186 = arith.constant 0 : i32
      %dma_start3A_1187 = tpu.memref_slice %arg4[%dma_start3A_1185, %dma_start3A_1186] : memref<2048x64xf32, #tpu.memory_space<hbm>> -> memref<128x64xf32, #tpu.memory_space<hbm>>
      tpu.enqueue_dma source(%dma_start3A_1187 : memref<128x64xf32, #tpu.memory_space<hbm>>) target(%arg9 : memref<128x64xf32, #tpu.memory_space<vmem>>) target_semaphore(%run_scoped3A : memref<!tpu.dma_semaphore, #tpu.memory_space<semaphore_mem>>)
      %dma_wait3A_1188 = arith.constant 768 : i32
      %dma_wait3A_1189 = arith.constant 0 : i32
      %dma_wait3A_1190 = tpu.memref_slice %arg4[%dma_wait3A_1188, %dma_wait3A_1189] : memref<2048x64xf32, #tpu.memory_space<hbm>> -> memref<128x64xf32, #tpu.memory_space<hbm>>
      %dma_wait3A_1191 = arith.constant 768 : i32
      %dma_wait3A_1192 = arith.constant 0 : i32
      %dma_wait3A_1193 = tpu.memref_slice %arg4[%dma_wait3A_1191, %dma_wait3A_1192] : memref<2048x64xf32, #tpu.memory_space<hbm>> -> memref<128x64xf32, #tpu.memory_space<hbm>>
      tpu.wait_dma2 semaphore(%run_scoped3A : memref<!tpu.dma_semaphore, #tpu.memory_space<semaphore_mem>>) src(%dma_wait3A_1193 : memref<128x64xf32, #tpu.memory_space<hbm>>) dst(%arg9 : memref<128x64xf32, #tpu.memory_space<vmem>>)
      tpu.yield
    }) : () -> ()
    %scan3A_448 = arith.constant 0 : i32
    %scan3A_449 = arith.constant 0 : i32
    %scan3A_450 = arith.constant 128 : i32
    %scan3A_451 = arith.addi %scan3A_449, %scan3A_450 : i32
    %scan3A_452 = arith.constant 1 : i32
    %scan3A_453 = scf.for %scan3A_1182 = %scan3A_449 to %scan3A_451 step %scan3A_452 iter_args(%scan3A_1183 = %scan3A_448) -> (i32)  : i32 {
      %get3A = arith.index_cast %scan3A_1182 : i32 to index
      %get3A_1184 = arith.constant 0 : index
      %get3A_1185 = tpu.vector_load %arg7[%get3A, %get3A_1184] {strides = array<i32>} : memref<128x64xf32, #tpu.memory_space<vmem>>, vector<1x16xf32>,
      %get3A_1186 = vector.shape_cast %get3A_1185 : vector<1x16xf32> to vector<16xf32>
      %get3A_1187 = arith.index_cast %scan3A_1182 : i32 to index
      %get3A_1188 = arith.constant 0 : index
      %get3A_1189 = tpu.vector_load %arg9[%get3A_1187, %get3A_1188] {strides = array<i32>} : memref<128x64xf32, #tpu.memory_space<vmem>>, vector<1x16xf32>,
      %get3A_1190 = vector.shape_cast %get3A_1189 : vector<1x16xf32> to vector<16xf32>
      %add3A_1191 = arith.addf %get3A_1186, %get3A_1190 : vector<16xf32>
      %swap3A = arith.index_cast %scan3A_1182 : i32 to index
      %swap3A_1192 = arith.constant 0 : index
      %swap3A_1193 = tpu.vector_load %arg7[%swap3A, %swap3A_1192] {strides = array<i32>} : memref<128x64xf32, #tpu.memory_space<vmem>>, vector<1x16xf32>,
      %swap3A_1194 = vector.shape_cast %swap3A_1193 : vector<1x16xf32> to vector<16xf32>
      %swap3A_1195 = vector.shape_cast %add3A_1191 : vector<16xf32> to vector<1x16xf32>
      tpu.vector_store %arg7[%swap3A, %swap3A_1192], %swap3A_1195 {strides = array<i32>} : memref<128x64xf32, #tpu.memory_space<vmem>>, vector<1x16xf32>,
      %get3A_1196 = arith.index_cast %scan3A_1182 : i32 to index
      %get3A_1197 = arith.constant 16 : index
      %get3A_1198 = tpu.vector_load %arg7[%get3A_1196, %get3A_1197] {strides = array<i32>} : memref<128x64xf32, #tpu.memory_space<vmem>>, vector<1x16xf32>,
      %get3A_1199 = vector.shape_cast %get3A_1198 : vector<1x16xf32> to vector<16xf32>
      %get3A_1200 = arith.index_cast %scan3A_1182 : i32 to index
      %get3A_1201 = arith.constant 16 : index
      %get3A_1202 = tpu.vector_load %arg9[%get3A_1200, %get3A_1201] {strides = array<i32>} : memref<128x64xf32, #tpu.memory_space<vmem>>, vector<1x16xf32>,
      %get3A_1203 = vector.shape_cast %get3A_1202 : vector<1x16xf32> to vector<16xf32>
      %add3A_1204 = arith.addf %get3A_1199, %get3A_1203 : vector<16xf32>
      %swap3A_1205 = arith.index_cast %scan3A_1182 : i32 to index
      %swap3A_1206 = arith.constant 16 : index
      %swap3A_1207 = tpu.vector_load %arg7[%swap3A_1205, %swap3A_1206] {strides = array<i32>} : memref<128x64xf32, #tpu.memory_space<vmem>>, vector<1x16xf32>,
      %swap3A_1208 = vector.shape_cast %swap3A_1207 : vector<1x16xf32> to vector<16xf32>
      %swap3A_1209 = vector.shape_cast %add3A_1204 : vector<16xf32> to vector<1x16xf32>
      tpu.vector_store %arg7[%swap3A_1205, %swap3A_1206], %swap3A_1209 {strides = array<i32>} : memref<128x64xf32, #tpu.memory_space<vmem>>, vector<1x16xf32>,
      %get3A_1210 = arith.index_cast %scan3A_1182 : i32 to index
      %get3A_1211 = arith.constant 32 : index
      %get3A_1212 = tpu.vector_load %arg7[%get3A_1210, %get3A_1211] {strides = array<i32>} : memref<128x64xf32, #tpu.memory_space<vmem>>, vector<1x16xf32>,
      %get3A_1213 = vector.shape_cast %get3A_1212 : vector<1x16xf32> to vector<16xf32>
      %get3A_1214 = arith.index_cast %scan3A_1182 : i32 to index
      %get3A_1215 = arith.constant 32 : index
      %get3A_1216 = tpu.vector_load %arg9[%get3A_1214, %get3A_1215] {strides = array<i32>} : memref<128x64xf32, #tpu.memory_space<vmem>>, vector<1x16xf32>,
      %get3A_1217 = vector.shape_cast %get3A_1216 : vector<1x16xf32> to vector<16xf32>
      %add3A_1218 = arith.addf %get3A_1213, %get3A_1217 : vector<16xf32>
      %swap3A_1219 = arith.index_cast %scan3A_1182 : i32 to index
      %swap3A_1220 = arith.constant 32 : index
      %swap3A_1221 = tpu.vector_load %arg7[%swap3A_1219, %swap3A_1220] {strides = array<i32>} : memref<128x64xf32, #tpu.memory_space<vmem>>, vector<1x16xf32>,
      %swap3A_1222 = vector.shape_cast %swap3A_1221 : vector<1x16xf32> to vector<16xf32>
      %swap3A_1223 = vector.shape_cast %add3A_1218 : vector<16xf32> to vector<1x16xf32>
      tpu.vector_store %arg7[%swap3A_1219, %swap3A_1220], %swap3A_1223 {strides = array<i32>} : memref<128x64xf32, #tpu.memory_space<vmem>>, vector<1x16xf32>,
      %get3A_1224 = arith.index_cast %scan3A_1182 : i32 to index
      %get3A_1225 = arith.constant 48 : index
      %get3A_1226 = tpu.vector_load %arg7[%get3A_1224, %get3A_1225] {strides = array<i32>} : memref<128x64xf32, #tpu.memory_space<vmem>>, vector<1x16xf32>,
      %get3A_1227 = vector.shape_cast %get3A_1226 : vector<1x16xf32> to vector<16xf32>
      %get3A_1228 = arith.index_cast %scan3A_1182 : i32 to index
      %get3A_1229 = arith.constant 48 : index
      %get3A_1230 = tpu.vector_load %arg9[%get3A_1228, %get3A_1229] {strides = array<i32>} : memref<128x64xf32, #tpu.memory_space<vmem>>, vector<1x16xf32>,
      %get3A_1231 = vector.shape_cast %get3A_1230 : vector<1x16xf32> to vector<16xf32>
      %add3A_1232 = arith.addf %get3A_1227, %get3A_1231 : vector<16xf32>
      %swap3A_1233 = arith.index_cast %scan3A_1182 : i32 to index
      %swap3A_1234 = arith.constant 48 : index
      %swap3A_1235 = tpu.vector_load %arg7[%swap3A_1233, %swap3A_1234] {strides = array<i32>} : memref<128x64xf32, #tpu.memory_space<vmem>>, vector<1x16xf32>,
      %swap3A_1236 = vector.shape_cast %swap3A_1235 : vector<1x16xf32> to vector<16xf32>
      %swap3A_1237 = vector.shape_cast %add3A_1232 : vector<16xf32> to vector<1x16xf32>
      tpu.vector_store %arg7[%swap3A_1233, %swap3A_1234], %swap3A_1237 {strides = array<i32>} : memref<128x64xf32, #tpu.memory_space<vmem>>, vector<1x16xf32>,
      %scan3A_1238 = arith.constant 0 : i32
      scf.yield %scan3A_1238 : i32
    }
    %scan3A_454 = arith.constant 128 : i32
    %mul3A_455 = arith.constant 4096 : i32
    %mul3A_456 = arith.muli %add3A, %mul3A_455 : i32
    %add3A_457 = arith.constant 2688 : i32
    %add3A_458 = arith.addi %mul3A_456, %add3A_457 : i32
    %dma_wait3A_459 = arith.constant 0 : i32
    %dma_wait3A_460 = tpu.memref_slice %arg5[%add3A_458, %dma_wait3A_459] : memref<131072x64xf32, #tpu.memory_space<hbm>> -> memref<128x64xf32, #tpu.memory_space<hbm>>
    %dma_wait3A_461 = arith.constant 0 : i32
    %dma_wait3A_462 = tpu.memref_slice %arg5[%add3A_458, %dma_wait3A_461] : memref<131072x64xf32, #tpu.memory_space<hbm>> -> memref<128x64xf32, #tpu.memory_space<hbm>>
    tpu.wait_dma2 semaphore(%arg13 : memref<!tpu.dma_semaphore, #tpu.memory_space<semaphore_mem>>) src(%arg8 : memref<128x64xf32, #tpu.memory_space<vmem>>) dst(%dma_wait3A_462 : memref<128x64xf32, #tpu.memory_space<hbm>>)
    %dma_start3A_463 = arith.constant 22 : i32
    %dma_start3A_464 = arith.constant 0 : i32
    %dma_start3A_465 = tpu.memref_slice %arg6[%dma_start3A_463, %dma_start3A_464] : memref<32x128xi32, #tpu.memory_space<vmem>> -> memref<1x128xi32, #tpu.memory_space<vmem>>
    %dma_start3A_466 = tpu.memref_squeeze %dma_start3A_465 : memref<1x128xi32, #tpu.memory_space<vmem>> -> memref<128xi32, #tpu.memory_space<vmem>>
    %dma_start3A_467 = arith.constant 0 : i32
    %dma_start3A_468 = arith.constant 0 : i32
    %dma_start3A_469 = tpu.memref_slice %arg3[%dma_start3A_467, %dma_start3A_468] : memref<1000000x64xf32, #tpu.memory_space<hbm>> -> memref<1000000x64xf32, #tpu.memory_space<hbm>>
    tpu.enqueue_indirect_dma source(%dma_start3A_469 : memref<1000000x64xf32, #tpu.memory_space<hbm>>) target(%arg8 : memref<128x64xf32, #tpu.memory_space<vmem>>) offsets(%dma_start3A_466 : memref<128xi32, #tpu.memory_space<vmem>>) semaphore(%arg11 : memref<!tpu.dma_semaphore, #tpu.memory_space<semaphore_mem>>)
    %mul3A_470 = arith.constant 4096 : i32
    %mul3A_471 = arith.muli %add3A, %mul3A_470 : i32
    %add3A_472 = arith.constant 768 : i32
    %add3A_473 = arith.addi %mul3A_471, %add3A_472 : i32
    %dma_start3A_474 = arith.constant 0 : i32
    %dma_start3A_475 = tpu.memref_slice %arg5[%add3A_473, %dma_start3A_474] : memref<131072x64xf32, #tpu.memory_space<hbm>> -> memref<128x64xf32, #tpu.memory_space<hbm>>
    %dma_start3A_476 = arith.constant 0 : i32
    %dma_start3A_477 = tpu.memref_slice %arg5[%add3A_473, %dma_start3A_476] : memref<131072x64xf32, #tpu.memory_space<hbm>> -> memref<128x64xf32, #tpu.memory_space<hbm>>
    tpu.enqueue_dma source(%arg7 : memref<128x64xf32, #tpu.memory_space<vmem>>) target(%dma_start3A_477 : memref<128x64xf32, #tpu.memory_space<hbm>>) target_semaphore(%arg12 : memref<!tpu.dma_semaphore, #tpu.memory_space<semaphore_mem>>)
    %dma_wait3A_478 = arith.constant 22 : i32
    %dma_wait3A_479 = arith.constant 0 : i32
    %dma_wait3A_480 = tpu.memref_slice %arg6[%dma_wait3A_478, %dma_wait3A_479] : memref<32x128xi32, #tpu.memory_space<vmem>> -> memref<1x128xi32, #tpu.memory_space<vmem>>
    %dma_wait3A_481 = tpu.memref_squeeze %dma_wait3A_480 : memref<1x128xi32, #tpu.memory_space<vmem>> -> memref<128xi32, #tpu.memory_space<vmem>>
    %dma_wait3A_482 = arith.constant 0 : i32
    %dma_wait3A_483 = arith.constant 0 : i32
    %dma_wait3A_484 = tpu.memref_slice %arg3[%dma_wait3A_482, %dma_wait3A_483] : memref<1000000x64xf32, #tpu.memory_space<hbm>> -> memref<1000000x64xf32, #tpu.memory_space<hbm>>
    tpu.wait_indirect_dma semaphore(%arg11 : memref<!tpu.dma_semaphore, #tpu.memory_space<semaphore_mem>>) src(%dma_wait3A_484 : memref<1000000x64xf32, #tpu.memory_space<hbm>>) dst(%arg8 : memref<128x64xf32, #tpu.memory_space<vmem>>)
    %scan3A_485 = arith.constant 0 : i32
    %scan3A_486 = arith.constant 0 : i32
    %scan3A_487 = arith.constant 128 : i32
    %scan3A_488 = arith.addi %scan3A_486, %scan3A_487 : i32
    %scan3A_489 = arith.constant 1 : i32
    %scan3A_490 = scf.for %scan3A_1182 = %scan3A_486 to %scan3A_488 step %scan3A_489 iter_args(%scan3A_1183 = %scan3A_485) -> (i32)  : i32 {
      %get3A = arith.index_cast %scan3A_1182 : i32 to index
      %get3A_1184 = arith.constant 0 : index
      %get3A_1185 = tpu.vector_load %arg8[%get3A, %get3A_1184] {strides = array<i32>} : memref<128x64xf32, #tpu.memory_space<vmem>>, vector<1x16xf32>,
      %get3A_1186 = vector.shape_cast %get3A_1185 : vector<1x16xf32> to vector<16xf32>
      %get3A_1187 = arith.index_cast %scan3A_1182 : i32 to index
      %get3A_1188 = arith.constant 0 : index
      %get3A_1189 = tpu.vector_load %arg9[%get3A_1187, %get3A_1188] {strides = array<i32>} : memref<128x64xf32, #tpu.memory_space<vmem>>, vector<1x16xf32>,
      %get3A_1190 = vector.shape_cast %get3A_1189 : vector<1x16xf32> to vector<16xf32>
      %add3A_1191 = arith.addf %get3A_1186, %get3A_1190 : vector<16xf32>
      %swap3A = arith.index_cast %scan3A_1182 : i32 to index
      %swap3A_1192 = arith.constant 0 : index
      %swap3A_1193 = tpu.vector_load %arg8[%swap3A, %swap3A_1192] {strides = array<i32>} : memref<128x64xf32, #tpu.memory_space<vmem>>, vector<1x16xf32>,
      %swap3A_1194 = vector.shape_cast %swap3A_1193 : vector<1x16xf32> to vector<16xf32>
      %swap3A_1195 = vector.shape_cast %add3A_1191 : vector<16xf32> to vector<1x16xf32>
      tpu.vector_store %arg8[%swap3A, %swap3A_1192], %swap3A_1195 {strides = array<i32>} : memref<128x64xf32, #tpu.memory_space<vmem>>, vector<1x16xf32>,
      %get3A_1196 = arith.index_cast %scan3A_1182 : i32 to index
      %get3A_1197 = arith.constant 16 : index
      %get3A_1198 = tpu.vector_load %arg8[%get3A_1196, %get3A_1197] {strides = array<i32>} : memref<128x64xf32, #tpu.memory_space<vmem>>, vector<1x16xf32>,
      %get3A_1199 = vector.shape_cast %get3A_1198 : vector<1x16xf32> to vector<16xf32>
      %get3A_1200 = arith.index_cast %scan3A_1182 : i32 to index
      %get3A_1201 = arith.constant 16 : index
      %get3A_1202 = tpu.vector_load %arg9[%get3A_1200, %get3A_1201] {strides = array<i32>} : memref<128x64xf32, #tpu.memory_space<vmem>>, vector<1x16xf32>,
      %get3A_1203 = vector.shape_cast %get3A_1202 : vector<1x16xf32> to vector<16xf32>
      %add3A_1204 = arith.addf %get3A_1199, %get3A_1203 : vector<16xf32>
      %swap3A_1205 = arith.index_cast %scan3A_1182 : i32 to index
      %swap3A_1206 = arith.constant 16 : index
      %swap3A_1207 = tpu.vector_load %arg8[%swap3A_1205, %swap3A_1206] {strides = array<i32>} : memref<128x64xf32, #tpu.memory_space<vmem>>, vector<1x16xf32>,
      %swap3A_1208 = vector.shape_cast %swap3A_1207 : vector<1x16xf32> to vector<16xf32>
      %swap3A_1209 = vector.shape_cast %add3A_1204 : vector<16xf32> to vector<1x16xf32>
      tpu.vector_store %arg8[%swap3A_1205, %swap3A_1206], %swap3A_1209 {strides = array<i32>} : memref<128x64xf32, #tpu.memory_space<vmem>>, vector<1x16xf32>,
      %get3A_1210 = arith.index_cast %scan3A_1182 : i32 to index
      %get3A_1211 = arith.constant 32 : index
      %get3A_1212 = tpu.vector_load %arg8[%get3A_1210, %get3A_1211] {strides = array<i32>} : memref<128x64xf32, #tpu.memory_space<vmem>>, vector<1x16xf32>,
      %get3A_1213 = vector.shape_cast %get3A_1212 : vector<1x16xf32> to vector<16xf32>
      %get3A_1214 = arith.index_cast %scan3A_1182 : i32 to index
      %get3A_1215 = arith.constant 32 : index
      %get3A_1216 = tpu.vector_load %arg9[%get3A_1214, %get3A_1215] {strides = array<i32>} : memref<128x64xf32, #tpu.memory_space<vmem>>, vector<1x16xf32>,
      %get3A_1217 = vector.shape_cast %get3A_1216 : vector<1x16xf32> to vector<16xf32>
      %add3A_1218 = arith.addf %get3A_1213, %get3A_1217 : vector<16xf32>
      %swap3A_1219 = arith.index_cast %scan3A_1182 : i32 to index
      %swap3A_1220 = arith.constant 32 : index
      %swap3A_1221 = tpu.vector_load %arg8[%swap3A_1219, %swap3A_1220] {strides = array<i32>} : memref<128x64xf32, #tpu.memory_space<vmem>>, vector<1x16xf32>,
      %swap3A_1222 = vector.shape_cast %swap3A_1221 : vector<1x16xf32> to vector<16xf32>
      %swap3A_1223 = vector.shape_cast %add3A_1218 : vector<16xf32> to vector<1x16xf32>
      tpu.vector_store %arg8[%swap3A_1219, %swap3A_1220], %swap3A_1223 {strides = array<i32>} : memref<128x64xf32, #tpu.memory_space<vmem>>, vector<1x16xf32>,
      %get3A_1224 = arith.index_cast %scan3A_1182 : i32 to index
      %get3A_1225 = arith.constant 48 : index
      %get3A_1226 = tpu.vector_load %arg8[%get3A_1224, %get3A_1225] {strides = array<i32>} : memref<128x64xf32, #tpu.memory_space<vmem>>, vector<1x16xf32>,
      %get3A_1227 = vector.shape_cast %get3A_1226 : vector<1x16xf32> to vector<16xf32>
      %get3A_1228 = arith.index_cast %scan3A_1182 : i32 to index
      %get3A_1229 = arith.constant 48 : index
      %get3A_1230 = tpu.vector_load %arg9[%get3A_1228, %get3A_1229] {strides = array<i32>} : memref<128x64xf32, #tpu.memory_space<vmem>>, vector<1x16xf32>,
      %get3A_1231 = vector.shape_cast %get3A_1230 : vector<1x16xf32> to vector<16xf32>
      %add3A_1232 = arith.addf %get3A_1227, %get3A_1231 : vector<16xf32>
      %swap3A_1233 = arith.index_cast %scan3A_1182 : i32 to index
      %swap3A_1234 = arith.constant 48 : index
      %swap3A_1235 = tpu.vector_load %arg8[%swap3A_1233, %swap3A_1234] {strides = array<i32>} : memref<128x64xf32, #tpu.memory_space<vmem>>, vector<1x16xf32>,
      %swap3A_1236 = vector.shape_cast %swap3A_1235 : vector<1x16xf32> to vector<16xf32>
      %swap3A_1237 = vector.shape_cast %add3A_1232 : vector<16xf32> to vector<1x16xf32>
      tpu.vector_store %arg8[%swap3A_1233, %swap3A_1234], %swap3A_1237 {strides = array<i32>} : memref<128x64xf32, #tpu.memory_space<vmem>>, vector<1x16xf32>,
      %scan3A_1238 = arith.constant 0 : i32
      scf.yield %scan3A_1238 : i32
    }
    %scan3A_491 = arith.constant 128 : i32
    %mul3A_492 = arith.constant 4096 : i32
    %mul3A_493 = arith.muli %add3A, %mul3A_492 : i32
    %add3A_494 = arith.constant 768 : i32
    %add3A_495 = arith.addi %mul3A_493, %add3A_494 : i32
    %dma_wait3A_496 = arith.constant 0 : i32
    %dma_wait3A_497 = tpu.memref_slice %arg5[%add3A_495, %dma_wait3A_496] : memref<131072x64xf32, #tpu.memory_space<hbm>> -> memref<128x64xf32, #tpu.memory_space<hbm>>
    %dma_wait3A_498 = arith.constant 0 : i32
    %dma_wait3A_499 = tpu.memref_slice %arg5[%add3A_495, %dma_wait3A_498] : memref<131072x64xf32, #tpu.memory_space<hbm>> -> memref<128x64xf32, #tpu.memory_space<hbm>>
    tpu.wait_dma2 semaphore(%arg12 : memref<!tpu.dma_semaphore, #tpu.memory_space<semaphore_mem>>) src(%arg7 : memref<128x64xf32, #tpu.memory_space<vmem>>) dst(%dma_wait3A_499 : memref<128x64xf32, #tpu.memory_space<hbm>>)
    %dma_start3A_500 = arith.constant 7 : i32
    %dma_start3A_501 = arith.constant 0 : i32
    %dma_start3A_502 = tpu.memref_slice %arg6[%dma_start3A_500, %dma_start3A_501] : memref<32x128xi32, #tpu.memory_space<vmem>> -> memref<1x128xi32, #tpu.memory_space<vmem>>
    %dma_start3A_503 = tpu.memref_squeeze %dma_start3A_502 : memref<1x128xi32, #tpu.memory_space<vmem>> -> memref<128xi32, #tpu.memory_space<vmem>>
    %dma_start3A_504 = arith.constant 0 : i32
    %dma_start3A_505 = arith.constant 0 : i32
    %dma_start3A_506 = tpu.memref_slice %arg3[%dma_start3A_504, %dma_start3A_505] : memref<1000000x64xf32, #tpu.memory_space<hbm>> -> memref<1000000x64xf32, #tpu.memory_space<hbm>>
    tpu.enqueue_indirect_dma source(%dma_start3A_506 : memref<1000000x64xf32, #tpu.memory_space<hbm>>) target(%arg7 : memref<128x64xf32, #tpu.memory_space<vmem>>) offsets(%dma_start3A_503 : memref<128xi32, #tpu.memory_space<vmem>>) semaphore(%arg10 : memref<!tpu.dma_semaphore, #tpu.memory_space<semaphore_mem>>)
    %mul3A_507 = arith.constant 4096 : i32
    %mul3A_508 = arith.muli %add3A, %mul3A_507 : i32
    %add3A_509 = arith.constant 2816 : i32
    %add3A_510 = arith.addi %mul3A_508, %add3A_509 : i32
    %dma_start3A_511 = arith.constant 0 : i32
    %dma_start3A_512 = tpu.memref_slice %arg5[%add3A_510, %dma_start3A_511] : memref<131072x64xf32, #tpu.memory_space<hbm>> -> memref<128x64xf32, #tpu.memory_space<hbm>>
    %dma_start3A_513 = arith.constant 0 : i32
    %dma_start3A_514 = tpu.memref_slice %arg5[%add3A_510, %dma_start3A_513] : memref<131072x64xf32, #tpu.memory_space<hbm>> -> memref<128x64xf32, #tpu.memory_space<hbm>>
    tpu.enqueue_dma source(%arg8 : memref<128x64xf32, #tpu.memory_space<vmem>>) target(%dma_start3A_514 : memref<128x64xf32, #tpu.memory_space<hbm>>) target_semaphore(%arg13 : memref<!tpu.dma_semaphore, #tpu.memory_space<semaphore_mem>>)
    %dma_wait3A_515 = arith.constant 7 : i32
    %dma_wait3A_516 = arith.constant 0 : i32
    %dma_wait3A_517 = tpu.memref_slice %arg6[%dma_wait3A_515, %dma_wait3A_516] : memref<32x128xi32, #tpu.memory_space<vmem>> -> memref<1x128xi32, #tpu.memory_space<vmem>>
    %dma_wait3A_518 = tpu.memref_squeeze %dma_wait3A_517 : memref<1x128xi32, #tpu.memory_space<vmem>> -> memref<128xi32, #tpu.memory_space<vmem>>
    %dma_wait3A_519 = arith.constant 0 : i32
    %dma_wait3A_520 = arith.constant 0 : i32
    %dma_wait3A_521 = tpu.memref_slice %arg3[%dma_wait3A_519, %dma_wait3A_520] : memref<1000000x64xf32, #tpu.memory_space<hbm>> -> memref<1000000x64xf32, #tpu.memory_space<hbm>>
    tpu.wait_indirect_dma semaphore(%arg10 : memref<!tpu.dma_semaphore, #tpu.memory_space<semaphore_mem>>) src(%dma_wait3A_521 : memref<1000000x64xf32, #tpu.memory_space<hbm>>) dst(%arg7 : memref<128x64xf32, #tpu.memory_space<vmem>>)
    "tpu.region"() ({
      %run_scoped3A = tpu.sem_alloc : memref<!tpu.dma_semaphore, #tpu.memory_space<semaphore_mem>>
      %dma_start3A_1182 = arith.constant 896 : i32
      %dma_start3A_1183 = arith.constant 0 : i32
      %dma_start3A_1184 = tpu.memref_slice %arg4[%dma_start3A_1182, %dma_start3A_1183] : memref<2048x64xf32, #tpu.memory_space<hbm>> -> memref<128x64xf32, #tpu.memory_space<hbm>>
      %dma_start3A_1185 = arith.constant 896 : i32
      %dma_start3A_1186 = arith.constant 0 : i32
      %dma_start3A_1187 = tpu.memref_slice %arg4[%dma_start3A_1185, %dma_start3A_1186] : memref<2048x64xf32, #tpu.memory_space<hbm>> -> memref<128x64xf32, #tpu.memory_space<hbm>>
      tpu.enqueue_dma source(%dma_start3A_1187 : memref<128x64xf32, #tpu.memory_space<hbm>>) target(%arg9 : memref<128x64xf32, #tpu.memory_space<vmem>>) target_semaphore(%run_scoped3A : memref<!tpu.dma_semaphore, #tpu.memory_space<semaphore_mem>>)
      %dma_wait3A_1188 = arith.constant 896 : i32
      %dma_wait3A_1189 = arith.constant 0 : i32
      %dma_wait3A_1190 = tpu.memref_slice %arg4[%dma_wait3A_1188, %dma_wait3A_1189] : memref<2048x64xf32, #tpu.memory_space<hbm>> -> memref<128x64xf32, #tpu.memory_space<hbm>>
      %dma_wait3A_1191 = arith.constant 896 : i32
      %dma_wait3A_1192 = arith.constant 0 : i32
      %dma_wait3A_1193 = tpu.memref_slice %arg4[%dma_wait3A_1191, %dma_wait3A_1192] : memref<2048x64xf32, #tpu.memory_space<hbm>> -> memref<128x64xf32, #tpu.memory_space<hbm>>
      tpu.wait_dma2 semaphore(%run_scoped3A : memref<!tpu.dma_semaphore, #tpu.memory_space<semaphore_mem>>) src(%dma_wait3A_1193 : memref<128x64xf32, #tpu.memory_space<hbm>>) dst(%arg9 : memref<128x64xf32, #tpu.memory_space<vmem>>)
      tpu.yield
    }) : () -> ()
    %scan3A_522 = arith.constant 0 : i32
    %scan3A_523 = arith.constant 0 : i32
    %scan3A_524 = arith.constant 128 : i32
    %scan3A_525 = arith.addi %scan3A_523, %scan3A_524 : i32
    %scan3A_526 = arith.constant 1 : i32
    %scan3A_527 = scf.for %scan3A_1182 = %scan3A_523 to %scan3A_525 step %scan3A_526 iter_args(%scan3A_1183 = %scan3A_522) -> (i32)  : i32 {
      %get3A = arith.index_cast %scan3A_1182 : i32 to index
      %get3A_1184 = arith.constant 0 : index
      %get3A_1185 = tpu.vector_load %arg7[%get3A, %get3A_1184] {strides = array<i32>} : memref<128x64xf32, #tpu.memory_space<vmem>>, vector<1x16xf32>,
      %get3A_1186 = vector.shape_cast %get3A_1185 : vector<1x16xf32> to vector<16xf32>
      %get3A_1187 = arith.index_cast %scan3A_1182 : i32 to index
      %get3A_1188 = arith.constant 0 : index
      %get3A_1189 = tpu.vector_load %arg9[%get3A_1187, %get3A_1188] {strides = array<i32>} : memref<128x64xf32, #tpu.memory_space<vmem>>, vector<1x16xf32>,
      %get3A_1190 = vector.shape_cast %get3A_1189 : vector<1x16xf32> to vector<16xf32>
      %add3A_1191 = arith.addf %get3A_1186, %get3A_1190 : vector<16xf32>
      %swap3A = arith.index_cast %scan3A_1182 : i32 to index
      %swap3A_1192 = arith.constant 0 : index
      %swap3A_1193 = tpu.vector_load %arg7[%swap3A, %swap3A_1192] {strides = array<i32>} : memref<128x64xf32, #tpu.memory_space<vmem>>, vector<1x16xf32>,
      %swap3A_1194 = vector.shape_cast %swap3A_1193 : vector<1x16xf32> to vector<16xf32>
      %swap3A_1195 = vector.shape_cast %add3A_1191 : vector<16xf32> to vector<1x16xf32>
      tpu.vector_store %arg7[%swap3A, %swap3A_1192], %swap3A_1195 {strides = array<i32>} : memref<128x64xf32, #tpu.memory_space<vmem>>, vector<1x16xf32>,
      %get3A_1196 = arith.index_cast %scan3A_1182 : i32 to index
      %get3A_1197 = arith.constant 16 : index
      %get3A_1198 = tpu.vector_load %arg7[%get3A_1196, %get3A_1197] {strides = array<i32>} : memref<128x64xf32, #tpu.memory_space<vmem>>, vector<1x16xf32>,
      %get3A_1199 = vector.shape_cast %get3A_1198 : vector<1x16xf32> to vector<16xf32>
      %get3A_1200 = arith.index_cast %scan3A_1182 : i32 to index
      %get3A_1201 = arith.constant 16 : index
      %get3A_1202 = tpu.vector_load %arg9[%get3A_1200, %get3A_1201] {strides = array<i32>} : memref<128x64xf32, #tpu.memory_space<vmem>>, vector<1x16xf32>,
      %get3A_1203 = vector.shape_cast %get3A_1202 : vector<1x16xf32> to vector<16xf32>
      %add3A_1204 = arith.addf %get3A_1199, %get3A_1203 : vector<16xf32>
      %swap3A_1205 = arith.index_cast %scan3A_1182 : i32 to index
      %swap3A_1206 = arith.constant 16 : index
      %swap3A_1207 = tpu.vector_load %arg7[%swap3A_1205, %swap3A_1206] {strides = array<i32>} : memref<128x64xf32, #tpu.memory_space<vmem>>, vector<1x16xf32>,
      %swap3A_1208 = vector.shape_cast %swap3A_1207 : vector<1x16xf32> to vector<16xf32>
      %swap3A_1209 = vector.shape_cast %add3A_1204 : vector<16xf32> to vector<1x16xf32>
      tpu.vector_store %arg7[%swap3A_1205, %swap3A_1206], %swap3A_1209 {strides = array<i32>} : memref<128x64xf32, #tpu.memory_space<vmem>>, vector<1x16xf32>,
      %get3A_1210 = arith.index_cast %scan3A_1182 : i32 to index
      %get3A_1211 = arith.constant 32 : index
      %get3A_1212 = tpu.vector_load %arg7[%get3A_1210, %get3A_1211] {strides = array<i32>} : memref<128x64xf32, #tpu.memory_space<vmem>>, vector<1x16xf32>,
      %get3A_1213 = vector.shape_cast %get3A_1212 : vector<1x16xf32> to vector<16xf32>
      %get3A_1214 = arith.index_cast %scan3A_1182 : i32 to index
      %get3A_1215 = arith.constant 32 : index
      %get3A_1216 = tpu.vector_load %arg9[%get3A_1214, %get3A_1215] {strides = array<i32>} : memref<128x64xf32, #tpu.memory_space<vmem>>, vector<1x16xf32>,
      %get3A_1217 = vector.shape_cast %get3A_1216 : vector<1x16xf32> to vector<16xf32>
      %add3A_1218 = arith.addf %get3A_1213, %get3A_1217 : vector<16xf32>
      %swap3A_1219 = arith.index_cast %scan3A_1182 : i32 to index
      %swap3A_1220 = arith.constant 32 : index
      %swap3A_1221 = tpu.vector_load %arg7[%swap3A_1219, %swap3A_1220] {strides = array<i32>} : memref<128x64xf32, #tpu.memory_space<vmem>>, vector<1x16xf32>,
      %swap3A_1222 = vector.shape_cast %swap3A_1221 : vector<1x16xf32> to vector<16xf32>
      %swap3A_1223 = vector.shape_cast %add3A_1218 : vector<16xf32> to vector<1x16xf32>
      tpu.vector_store %arg7[%swap3A_1219, %swap3A_1220], %swap3A_1223 {strides = array<i32>} : memref<128x64xf32, #tpu.memory_space<vmem>>, vector<1x16xf32>,
      %get3A_1224 = arith.index_cast %scan3A_1182 : i32 to index
      %get3A_1225 = arith.constant 48 : index
      %get3A_1226 = tpu.vector_load %arg7[%get3A_1224, %get3A_1225] {strides = array<i32>} : memref<128x64xf32, #tpu.memory_space<vmem>>, vector<1x16xf32>,
      %get3A_1227 = vector.shape_cast %get3A_1226 : vector<1x16xf32> to vector<16xf32>
      %get3A_1228 = arith.index_cast %scan3A_1182 : i32 to index
      %get3A_1229 = arith.constant 48 : index
      %get3A_1230 = tpu.vector_load %arg9[%get3A_1228, %get3A_1229] {strides = array<i32>} : memref<128x64xf32, #tpu.memory_space<vmem>>, vector<1x16xf32>,
      %get3A_1231 = vector.shape_cast %get3A_1230 : vector<1x16xf32> to vector<16xf32>
      %add3A_1232 = arith.addf %get3A_1227, %get3A_1231 : vector<16xf32>
      %swap3A_1233 = arith.index_cast %scan3A_1182 : i32 to index
      %swap3A_1234 = arith.constant 48 : index
      %swap3A_1235 = tpu.vector_load %arg7[%swap3A_1233, %swap3A_1234] {strides = array<i32>} : memref<128x64xf32, #tpu.memory_space<vmem>>, vector<1x16xf32>,
      %swap3A_1236 = vector.shape_cast %swap3A_1235 : vector<1x16xf32> to vector<16xf32>
      %swap3A_1237 = vector.shape_cast %add3A_1232 : vector<16xf32> to vector<1x16xf32>
      tpu.vector_store %arg7[%swap3A_1233, %swap3A_1234], %swap3A_1237 {strides = array<i32>} : memref<128x64xf32, #tpu.memory_space<vmem>>, vector<1x16xf32>,
      %scan3A_1238 = arith.constant 0 : i32
      scf.yield %scan3A_1238 : i32
    }
    %scan3A_528 = arith.constant 128 : i32
    %mul3A_529 = arith.constant 4096 : i32
    %mul3A_530 = arith.muli %add3A, %mul3A_529 : i32
    %add3A_531 = arith.constant 2816 : i32
    %add3A_532 = arith.addi %mul3A_530, %add3A_531 : i32
    %dma_wait3A_533 = arith.constant 0 : i32
    %dma_wait3A_534 = tpu.memref_slice %arg5[%add3A_532, %dma_wait3A_533] : memref<131072x64xf32, #tpu.memory_space<hbm>> -> memref<128x64xf32, #tpu.memory_space<hbm>>
    %dma_wait3A_535 = arith.constant 0 : i32
    %dma_wait3A_536 = tpu.memref_slice %arg5[%add3A_532, %dma_wait3A_535] : memref<131072x64xf32, #tpu.memory_space<hbm>> -> memref<128x64xf32, #tpu.memory_space<hbm>>
    tpu.wait_dma2 semaphore(%arg13 : memref<!tpu.dma_semaphore, #tpu.memory_space<semaphore_mem>>) src(%arg8 : memref<128x64xf32, #tpu.memory_space<vmem>>) dst(%dma_wait3A_536 : memref<128x64xf32, #tpu.memory_space<hbm>>)
    %dma_start3A_537 = arith.constant 23 : i32
    %dma_start3A_538 = arith.constant 0 : i32
    %dma_start3A_539 = tpu.memref_slice %arg6[%dma_start3A_537, %dma_start3A_538] : memref<32x128xi32, #tpu.memory_space<vmem>> -> memref<1x128xi32, #tpu.memory_space<vmem>>
    %dma_start3A_540 = tpu.memref_squeeze %dma_start3A_539 : memref<1x128xi32, #tpu.memory_space<vmem>> -> memref<128xi32, #tpu.memory_space<vmem>>
    %dma_start3A_541 = arith.constant 0 : i32
    %dma_start3A_542 = arith.constant 0 : i32
    %dma_start3A_543 = tpu.memref_slice %arg3[%dma_start3A_541, %dma_start3A_542] : memref<1000000x64xf32, #tpu.memory_space<hbm>> -> memref<1000000x64xf32, #tpu.memory_space<hbm>>
    tpu.enqueue_indirect_dma source(%dma_start3A_543 : memref<1000000x64xf32, #tpu.memory_space<hbm>>) target(%arg8 : memref<128x64xf32, #tpu.memory_space<vmem>>) offsets(%dma_start3A_540 : memref<128xi32, #tpu.memory_space<vmem>>) semaphore(%arg11 : memref<!tpu.dma_semaphore, #tpu.memory_space<semaphore_mem>>)
    %mul3A_544 = arith.constant 4096 : i32
    %mul3A_545 = arith.muli %add3A, %mul3A_544 : i32
    %add3A_546 = arith.constant 896 : i32
    %add3A_547 = arith.addi %mul3A_545, %add3A_546 : i32
    %dma_start3A_548 = arith.constant 0 : i32
    %dma_start3A_549 = tpu.memref_slice %arg5[%add3A_547, %dma_start3A_548] : memref<131072x64xf32, #tpu.memory_space<hbm>> -> memref<128x64xf32, #tpu.memory_space<hbm>>
    %dma_start3A_550 = arith.constant 0 : i32
    %dma_start3A_551 = tpu.memref_slice %arg5[%add3A_547, %dma_start3A_550] : memref<131072x64xf32, #tpu.memory_space<hbm>> -> memref<128x64xf32, #tpu.memory_space<hbm>>
    tpu.enqueue_dma source(%arg7 : memref<128x64xf32, #tpu.memory_space<vmem>>) target(%dma_start3A_551 : memref<128x64xf32, #tpu.memory_space<hbm>>) target_semaphore(%arg12 : memref<!tpu.dma_semaphore, #tpu.memory_space<semaphore_mem>>)
    %dma_wait3A_552 = arith.constant 23 : i32
    %dma_wait3A_553 = arith.constant 0 : i32
    %dma_wait3A_554 = tpu.memref_slice %arg6[%dma_wait3A_552, %dma_wait3A_553] : memref<32x128xi32, #tpu.memory_space<vmem>> -> memref<1x128xi32, #tpu.memory_space<vmem>>
    %dma_wait3A_555 = tpu.memref_squeeze %dma_wait3A_554 : memref<1x128xi32, #tpu.memory_space<vmem>> -> memref<128xi32, #tpu.memory_space<vmem>>
    %dma_wait3A_556 = arith.constant 0 : i32
    %dma_wait3A_557 = arith.constant 0 : i32
    %dma_wait3A_558 = tpu.memref_slice %arg3[%dma_wait3A_556, %dma_wait3A_557] : memref<1000000x64xf32, #tpu.memory_space<hbm>> -> memref<1000000x64xf32, #tpu.memory_space<hbm>>
    tpu.wait_indirect_dma semaphore(%arg11 : memref<!tpu.dma_semaphore, #tpu.memory_space<semaphore_mem>>) src(%dma_wait3A_558 : memref<1000000x64xf32, #tpu.memory_space<hbm>>) dst(%arg8 : memref<128x64xf32, #tpu.memory_space<vmem>>)
    %scan3A_559 = arith.constant 0 : i32
    %scan3A_560 = arith.constant 0 : i32
    %scan3A_561 = arith.constant 128 : i32
    %scan3A_562 = arith.addi %scan3A_560, %scan3A_561 : i32
    %scan3A_563 = arith.constant 1 : i32
    %scan3A_564 = scf.for %scan3A_1182 = %scan3A_560 to %scan3A_562 step %scan3A_563 iter_args(%scan3A_1183 = %scan3A_559) -> (i32)  : i32 {
      %get3A = arith.index_cast %scan3A_1182 : i32 to index
      %get3A_1184 = arith.constant 0 : index
      %get3A_1185 = tpu.vector_load %arg8[%get3A, %get3A_1184] {strides = array<i32>} : memref<128x64xf32, #tpu.memory_space<vmem>>, vector<1x16xf32>,
      %get3A_1186 = vector.shape_cast %get3A_1185 : vector<1x16xf32> to vector<16xf32>
      %get3A_1187 = arith.index_cast %scan3A_1182 : i32 to index
      %get3A_1188 = arith.constant 0 : index
      %get3A_1189 = tpu.vector_load %arg9[%get3A_1187, %get3A_1188] {strides = array<i32>} : memref<128x64xf32, #tpu.memory_space<vmem>>, vector<1x16xf32>,
      %get3A_1190 = vector.shape_cast %get3A_1189 : vector<1x16xf32> to vector<16xf32>
      %add3A_1191 = arith.addf %get3A_1186, %get3A_1190 : vector<16xf32>
      %swap3A = arith.index_cast %scan3A_1182 : i32 to index
      %swap3A_1192 = arith.constant 0 : index
      %swap3A_1193 = tpu.vector_load %arg8[%swap3A, %swap3A_1192] {strides = array<i32>} : memref<128x64xf32, #tpu.memory_space<vmem>>, vector<1x16xf32>,
      %swap3A_1194 = vector.shape_cast %swap3A_1193 : vector<1x16xf32> to vector<16xf32>
      %swap3A_1195 = vector.shape_cast %add3A_1191 : vector<16xf32> to vector<1x16xf32>
      tpu.vector_store %arg8[%swap3A, %swap3A_1192], %swap3A_1195 {strides = array<i32>} : memref<128x64xf32, #tpu.memory_space<vmem>>, vector<1x16xf32>,
      %get3A_1196 = arith.index_cast %scan3A_1182 : i32 to index
      %get3A_1197 = arith.constant 16 : index
      %get3A_1198 = tpu.vector_load %arg8[%get3A_1196, %get3A_1197] {strides = array<i32>} : memref<128x64xf32, #tpu.memory_space<vmem>>, vector<1x16xf32>,
      %get3A_1199 = vector.shape_cast %get3A_1198 : vector<1x16xf32> to vector<16xf32>
      %get3A_1200 = arith.index_cast %scan3A_1182 : i32 to index
      %get3A_1201 = arith.constant 16 : index
      %get3A_1202 = tpu.vector_load %arg9[%get3A_1200, %get3A_1201] {strides = array<i32>} : memref<128x64xf32, #tpu.memory_space<vmem>>, vector<1x16xf32>,
      %get3A_1203 = vector.shape_cast %get3A_1202 : vector<1x16xf32> to vector<16xf32>
      %add3A_1204 = arith.addf %get3A_1199, %get3A_1203 : vector<16xf32>
      %swap3A_1205 = arith.index_cast %scan3A_1182 : i32 to index
      %swap3A_1206 = arith.constant 16 : index
      %swap3A_1207 = tpu.vector_load %arg8[%swap3A_1205, %swap3A_1206] {strides = array<i32>} : memref<128x64xf32, #tpu.memory_space<vmem>>, vector<1x16xf32>,
      %swap3A_1208 = vector.shape_cast %swap3A_1207 : vector<1x16xf32> to vector<16xf32>
      %swap3A_1209 = vector.shape_cast %add3A_1204 : vector<16xf32> to vector<1x16xf32>
      tpu.vector_store %arg8[%swap3A_1205, %swap3A_1206], %swap3A_1209 {strides = array<i32>} : memref<128x64xf32, #tpu.memory_space<vmem>>, vector<1x16xf32>,
      %get3A_1210 = arith.index_cast %scan3A_1182 : i32 to index
      %get3A_1211 = arith.constant 32 : index
      %get3A_1212 = tpu.vector_load %arg8[%get3A_1210, %get3A_1211] {strides = array<i32>} : memref<128x64xf32, #tpu.memory_space<vmem>>, vector<1x16xf32>,
      %get3A_1213 = vector.shape_cast %get3A_1212 : vector<1x16xf32> to vector<16xf32>
      %get3A_1214 = arith.index_cast %scan3A_1182 : i32 to index
      %get3A_1215 = arith.constant 32 : index
      %get3A_1216 = tpu.vector_load %arg9[%get3A_1214, %get3A_1215] {strides = array<i32>} : memref<128x64xf32, #tpu.memory_space<vmem>>, vector<1x16xf32>,
      %get3A_1217 = vector.shape_cast %get3A_1216 : vector<1x16xf32> to vector<16xf32>
      %add3A_1218 = arith.addf %get3A_1213, %get3A_1217 : vector<16xf32>
      %swap3A_1219 = arith.index_cast %scan3A_1182 : i32 to index
      %swap3A_1220 = arith.constant 32 : index
      %swap3A_1221 = tpu.vector_load %arg8[%swap3A_1219, %swap3A_1220] {strides = array<i32>} : memref<128x64xf32, #tpu.memory_space<vmem>>, vector<1x16xf32>,
      %swap3A_1222 = vector.shape_cast %swap3A_1221 : vector<1x16xf32> to vector<16xf32>
      %swap3A_1223 = vector.shape_cast %add3A_1218 : vector<16xf32> to vector<1x16xf32>
      tpu.vector_store %arg8[%swap3A_1219, %swap3A_1220], %swap3A_1223 {strides = array<i32>} : memref<128x64xf32, #tpu.memory_space<vmem>>, vector<1x16xf32>,
      %get3A_1224 = arith.index_cast %scan3A_1182 : i32 to index
      %get3A_1225 = arith.constant 48 : index
      %get3A_1226 = tpu.vector_load %arg8[%get3A_1224, %get3A_1225] {strides = array<i32>} : memref<128x64xf32, #tpu.memory_space<vmem>>, vector<1x16xf32>,
      %get3A_1227 = vector.shape_cast %get3A_1226 : vector<1x16xf32> to vector<16xf32>
      %get3A_1228 = arith.index_cast %scan3A_1182 : i32 to index
      %get3A_1229 = arith.constant 48 : index
      %get3A_1230 = tpu.vector_load %arg9[%get3A_1228, %get3A_1229] {strides = array<i32>} : memref<128x64xf32, #tpu.memory_space<vmem>>, vector<1x16xf32>,
      %get3A_1231 = vector.shape_cast %get3A_1230 : vector<1x16xf32> to vector<16xf32>
      %add3A_1232 = arith.addf %get3A_1227, %get3A_1231 : vector<16xf32>
      %swap3A_1233 = arith.index_cast %scan3A_1182 : i32 to index
      %swap3A_1234 = arith.constant 48 : index
      %swap3A_1235 = tpu.vector_load %arg8[%swap3A_1233, %swap3A_1234] {strides = array<i32>} : memref<128x64xf32, #tpu.memory_space<vmem>>, vector<1x16xf32>,
      %swap3A_1236 = vector.shape_cast %swap3A_1235 : vector<1x16xf32> to vector<16xf32>
      %swap3A_1237 = vector.shape_cast %add3A_1232 : vector<16xf32> to vector<1x16xf32>
      tpu.vector_store %arg8[%swap3A_1233, %swap3A_1234], %swap3A_1237 {strides = array<i32>} : memref<128x64xf32, #tpu.memory_space<vmem>>, vector<1x16xf32>,
      %scan3A_1238 = arith.constant 0 : i32
      scf.yield %scan3A_1238 : i32
    }
    %scan3A_565 = arith.constant 128 : i32
    %mul3A_566 = arith.constant 4096 : i32
    %mul3A_567 = arith.muli %add3A, %mul3A_566 : i32
    %add3A_568 = arith.constant 896 : i32
    %add3A_569 = arith.addi %mul3A_567, %add3A_568 : i32
    %dma_wait3A_570 = arith.constant 0 : i32
    %dma_wait3A_571 = tpu.memref_slice %arg5[%add3A_569, %dma_wait3A_570] : memref<131072x64xf32, #tpu.memory_space<hbm>> -> memref<128x64xf32, #tpu.memory_space<hbm>>
    %dma_wait3A_572 = arith.constant 0 : i32
    %dma_wait3A_573 = tpu.memref_slice %arg5[%add3A_569, %dma_wait3A_572] : memref<131072x64xf32, #tpu.memory_space<hbm>> -> memref<128x64xf32, #tpu.memory_space<hbm>>
    tpu.wait_dma2 semaphore(%arg12 : memref<!tpu.dma_semaphore, #tpu.memory_space<semaphore_mem>>) src(%arg7 : memref<128x64xf32, #tpu.memory_space<vmem>>) dst(%dma_wait3A_573 : memref<128x64xf32, #tpu.memory_space<hbm>>)
    %dma_start3A_574 = arith.constant 8 : i32
    %dma_start3A_575 = arith.constant 0 : i32
    %dma_start3A_576 = tpu.memref_slice %arg6[%dma_start3A_574, %dma_start3A_575] : memref<32x128xi32, #tpu.memory_space<vmem>> -> memref<1x128xi32, #tpu.memory_space<vmem>>
    %dma_start3A_577 = tpu.memref_squeeze %dma_start3A_576 : memref<1x128xi32, #tpu.memory_space<vmem>> -> memref<128xi32, #tpu.memory_space<vmem>>
    %dma_start3A_578 = arith.constant 0 : i32
    %dma_start3A_579 = arith.constant 0 : i32
    %dma_start3A_580 = tpu.memref_slice %arg3[%dma_start3A_578, %dma_start3A_579] : memref<1000000x64xf32, #tpu.memory_space<hbm>> -> memref<1000000x64xf32, #tpu.memory_space<hbm>>
    tpu.enqueue_indirect_dma source(%dma_start3A_580 : memref<1000000x64xf32, #tpu.memory_space<hbm>>) target(%arg7 : memref<128x64xf32, #tpu.memory_space<vmem>>) offsets(%dma_start3A_577 : memref<128xi32, #tpu.memory_space<vmem>>) semaphore(%arg10 : memref<!tpu.dma_semaphore, #tpu.memory_space<semaphore_mem>>)
    %mul3A_581 = arith.constant 4096 : i32
    %mul3A_582 = arith.muli %add3A, %mul3A_581 : i32
    %add3A_583 = arith.constant 2944 : i32
    %add3A_584 = arith.addi %mul3A_582, %add3A_583 : i32
    %dma_start3A_585 = arith.constant 0 : i32
    %dma_start3A_586 = tpu.memref_slice %arg5[%add3A_584, %dma_start3A_585] : memref<131072x64xf32, #tpu.memory_space<hbm>> -> memref<128x64xf32, #tpu.memory_space<hbm>>
    %dma_start3A_587 = arith.constant 0 : i32
    %dma_start3A_588 = tpu.memref_slice %arg5[%add3A_584, %dma_start3A_587] : memref<131072x64xf32, #tpu.memory_space<hbm>> -> memref<128x64xf32, #tpu.memory_space<hbm>>
    tpu.enqueue_dma source(%arg8 : memref<128x64xf32, #tpu.memory_space<vmem>>) target(%dma_start3A_588 : memref<128x64xf32, #tpu.memory_space<hbm>>) target_semaphore(%arg13 : memref<!tpu.dma_semaphore, #tpu.memory_space<semaphore_mem>>)
    %dma_wait3A_589 = arith.constant 8 : i32
    %dma_wait3A_590 = arith.constant 0 : i32
    %dma_wait3A_591 = tpu.memref_slice %arg6[%dma_wait3A_589, %dma_wait3A_590] : memref<32x128xi32, #tpu.memory_space<vmem>> -> memref<1x128xi32, #tpu.memory_space<vmem>>
    %dma_wait3A_592 = tpu.memref_squeeze %dma_wait3A_591 : memref<1x128xi32, #tpu.memory_space<vmem>> -> memref<128xi32, #tpu.memory_space<vmem>>
    %dma_wait3A_593 = arith.constant 0 : i32
    %dma_wait3A_594 = arith.constant 0 : i32
    %dma_wait3A_595 = tpu.memref_slice %arg3[%dma_wait3A_593, %dma_wait3A_594] : memref<1000000x64xf32, #tpu.memory_space<hbm>> -> memref<1000000x64xf32, #tpu.memory_space<hbm>>
    tpu.wait_indirect_dma semaphore(%arg10 : memref<!tpu.dma_semaphore, #tpu.memory_space<semaphore_mem>>) src(%dma_wait3A_595 : memref<1000000x64xf32, #tpu.memory_space<hbm>>) dst(%arg7 : memref<128x64xf32, #tpu.memory_space<vmem>>)
    "tpu.region"() ({
      %run_scoped3A = tpu.sem_alloc : memref<!tpu.dma_semaphore, #tpu.memory_space<semaphore_mem>>
      %dma_start3A_1182 = arith.constant 1024 : i32
      %dma_start3A_1183 = arith.constant 0 : i32
      %dma_start3A_1184 = tpu.memref_slice %arg4[%dma_start3A_1182, %dma_start3A_1183] : memref<2048x64xf32, #tpu.memory_space<hbm>> -> memref<128x64xf32, #tpu.memory_space<hbm>>
      %dma_start3A_1185 = arith.constant 1024 : i32
      %dma_start3A_1186 = arith.constant 0 : i32
      %dma_start3A_1187 = tpu.memref_slice %arg4[%dma_start3A_1185, %dma_start3A_1186] : memref<2048x64xf32, #tpu.memory_space<hbm>> -> memref<128x64xf32, #tpu.memory_space<hbm>>
      tpu.enqueue_dma source(%dma_start3A_1187 : memref<128x64xf32, #tpu.memory_space<hbm>>) target(%arg9 : memref<128x64xf32, #tpu.memory_space<vmem>>) target_semaphore(%run_scoped3A : memref<!tpu.dma_semaphore, #tpu.memory_space<semaphore_mem>>)
      %dma_wait3A_1188 = arith.constant 1024 : i32
      %dma_wait3A_1189 = arith.constant 0 : i32
      %dma_wait3A_1190 = tpu.memref_slice %arg4[%dma_wait3A_1188, %dma_wait3A_1189] : memref<2048x64xf32, #tpu.memory_space<hbm>> -> memref<128x64xf32, #tpu.memory_space<hbm>>
      %dma_wait3A_1191 = arith.constant 1024 : i32
      %dma_wait3A_1192 = arith.constant 0 : i32
      %dma_wait3A_1193 = tpu.memref_slice %arg4[%dma_wait3A_1191, %dma_wait3A_1192] : memref<2048x64xf32, #tpu.memory_space<hbm>> -> memref<128x64xf32, #tpu.memory_space<hbm>>
      tpu.wait_dma2 semaphore(%run_scoped3A : memref<!tpu.dma_semaphore, #tpu.memory_space<semaphore_mem>>) src(%dma_wait3A_1193 : memref<128x64xf32, #tpu.memory_space<hbm>>) dst(%arg9 : memref<128x64xf32, #tpu.memory_space<vmem>>)
      tpu.yield
    }) : () -> ()
    %scan3A_596 = arith.constant 0 : i32
    %scan3A_597 = arith.constant 0 : i32
    %scan3A_598 = arith.constant 128 : i32
    %scan3A_599 = arith.addi %scan3A_597, %scan3A_598 : i32
    %scan3A_600 = arith.constant 1 : i32
    %scan3A_601 = scf.for %scan3A_1182 = %scan3A_597 to %scan3A_599 step %scan3A_600 iter_args(%scan3A_1183 = %scan3A_596) -> (i32)  : i32 {
      %get3A = arith.index_cast %scan3A_1182 : i32 to index
      %get3A_1184 = arith.constant 0 : index
      %get3A_1185 = tpu.vector_load %arg7[%get3A, %get3A_1184] {strides = array<i32>} : memref<128x64xf32, #tpu.memory_space<vmem>>, vector<1x16xf32>,
      %get3A_1186 = vector.shape_cast %get3A_1185 : vector<1x16xf32> to vector<16xf32>
      %get3A_1187 = arith.index_cast %scan3A_1182 : i32 to index
      %get3A_1188 = arith.constant 0 : index
      %get3A_1189 = tpu.vector_load %arg9[%get3A_1187, %get3A_1188] {strides = array<i32>} : memref<128x64xf32, #tpu.memory_space<vmem>>, vector<1x16xf32>,
      %get3A_1190 = vector.shape_cast %get3A_1189 : vector<1x16xf32> to vector<16xf32>
      %add3A_1191 = arith.addf %get3A_1186, %get3A_1190 : vector<16xf32>
      %swap3A = arith.index_cast %scan3A_1182 : i32 to index
      %swap3A_1192 = arith.constant 0 : index
      %swap3A_1193 = tpu.vector_load %arg7[%swap3A, %swap3A_1192] {strides = array<i32>} : memref<128x64xf32, #tpu.memory_space<vmem>>, vector<1x16xf32>,
      %swap3A_1194 = vector.shape_cast %swap3A_1193 : vector<1x16xf32> to vector<16xf32>
      %swap3A_1195 = vector.shape_cast %add3A_1191 : vector<16xf32> to vector<1x16xf32>
      tpu.vector_store %arg7[%swap3A, %swap3A_1192], %swap3A_1195 {strides = array<i32>} : memref<128x64xf32, #tpu.memory_space<vmem>>, vector<1x16xf32>,
      %get3A_1196 = arith.index_cast %scan3A_1182 : i32 to index
      %get3A_1197 = arith.constant 16 : index
      %get3A_1198 = tpu.vector_load %arg7[%get3A_1196, %get3A_1197] {strides = array<i32>} : memref<128x64xf32, #tpu.memory_space<vmem>>, vector<1x16xf32>,
      %get3A_1199 = vector.shape_cast %get3A_1198 : vector<1x16xf32> to vector<16xf32>
      %get3A_1200 = arith.index_cast %scan3A_1182 : i32 to index
      %get3A_1201 = arith.constant 16 : index
      %get3A_1202 = tpu.vector_load %arg9[%get3A_1200, %get3A_1201] {strides = array<i32>} : memref<128x64xf32, #tpu.memory_space<vmem>>, vector<1x16xf32>,
      %get3A_1203 = vector.shape_cast %get3A_1202 : vector<1x16xf32> to vector<16xf32>
      %add3A_1204 = arith.addf %get3A_1199, %get3A_1203 : vector<16xf32>
      %swap3A_1205 = arith.index_cast %scan3A_1182 : i32 to index
      %swap3A_1206 = arith.constant 16 : index
      %swap3A_1207 = tpu.vector_load %arg7[%swap3A_1205, %swap3A_1206] {strides = array<i32>} : memref<128x64xf32, #tpu.memory_space<vmem>>, vector<1x16xf32>,
      %swap3A_1208 = vector.shape_cast %swap3A_1207 : vector<1x16xf32> to vector<16xf32>
      %swap3A_1209 = vector.shape_cast %add3A_1204 : vector<16xf32> to vector<1x16xf32>
      tpu.vector_store %arg7[%swap3A_1205, %swap3A_1206], %swap3A_1209 {strides = array<i32>} : memref<128x64xf32, #tpu.memory_space<vmem>>, vector<1x16xf32>,
      %get3A_1210 = arith.index_cast %scan3A_1182 : i32 to index
      %get3A_1211 = arith.constant 32 : index
      %get3A_1212 = tpu.vector_load %arg7[%get3A_1210, %get3A_1211] {strides = array<i32>} : memref<128x64xf32, #tpu.memory_space<vmem>>, vector<1x16xf32>,
      %get3A_1213 = vector.shape_cast %get3A_1212 : vector<1x16xf32> to vector<16xf32>
      %get3A_1214 = arith.index_cast %scan3A_1182 : i32 to index
      %get3A_1215 = arith.constant 32 : index
      %get3A_1216 = tpu.vector_load %arg9[%get3A_1214, %get3A_1215] {strides = array<i32>} : memref<128x64xf32, #tpu.memory_space<vmem>>, vector<1x16xf32>,
      %get3A_1217 = vector.shape_cast %get3A_1216 : vector<1x16xf32> to vector<16xf32>
      %add3A_1218 = arith.addf %get3A_1213, %get3A_1217 : vector<16xf32>
      %swap3A_1219 = arith.index_cast %scan3A_1182 : i32 to index
      %swap3A_1220 = arith.constant 32 : index
      %swap3A_1221 = tpu.vector_load %arg7[%swap3A_1219, %swap3A_1220] {strides = array<i32>} : memref<128x64xf32, #tpu.memory_space<vmem>>, vector<1x16xf32>,
      %swap3A_1222 = vector.shape_cast %swap3A_1221 : vector<1x16xf32> to vector<16xf32>
      %swap3A_1223 = vector.shape_cast %add3A_1218 : vector<16xf32> to vector<1x16xf32>
      tpu.vector_store %arg7[%swap3A_1219, %swap3A_1220], %swap3A_1223 {strides = array<i32>} : memref<128x64xf32, #tpu.memory_space<vmem>>, vector<1x16xf32>,
      %get3A_1224 = arith.index_cast %scan3A_1182 : i32 to index
      %get3A_1225 = arith.constant 48 : index
      %get3A_1226 = tpu.vector_load %arg7[%get3A_1224, %get3A_1225] {strides = array<i32>} : memref<128x64xf32, #tpu.memory_space<vmem>>, vector<1x16xf32>,
      %get3A_1227 = vector.shape_cast %get3A_1226 : vector<1x16xf32> to vector<16xf32>
      %get3A_1228 = arith.index_cast %scan3A_1182 : i32 to index
      %get3A_1229 = arith.constant 48 : index
      %get3A_1230 = tpu.vector_load %arg9[%get3A_1228, %get3A_1229] {strides = array<i32>} : memref<128x64xf32, #tpu.memory_space<vmem>>, vector<1x16xf32>,
      %get3A_1231 = vector.shape_cast %get3A_1230 : vector<1x16xf32> to vector<16xf32>
      %add3A_1232 = arith.addf %get3A_1227, %get3A_1231 : vector<16xf32>
      %swap3A_1233 = arith.index_cast %scan3A_1182 : i32 to index
      %swap3A_1234 = arith.constant 48 : index
      %swap3A_1235 = tpu.vector_load %arg7[%swap3A_1233, %swap3A_1234] {strides = array<i32>} : memref<128x64xf32, #tpu.memory_space<vmem>>, vector<1x16xf32>,
      %swap3A_1236 = vector.shape_cast %swap3A_1235 : vector<1x16xf32> to vector<16xf32>
      %swap3A_1237 = vector.shape_cast %add3A_1232 : vector<16xf32> to vector<1x16xf32>
      tpu.vector_store %arg7[%swap3A_1233, %swap3A_1234], %swap3A_1237 {strides = array<i32>} : memref<128x64xf32, #tpu.memory_space<vmem>>, vector<1x16xf32>,
      %scan3A_1238 = arith.constant 0 : i32
      scf.yield %scan3A_1238 : i32
    }
    %scan3A_602 = arith.constant 128 : i32
    %mul3A_603 = arith.constant 4096 : i32
    %mul3A_604 = arith.muli %add3A, %mul3A_603 : i32
    %add3A_605 = arith.constant 2944 : i32
    %add3A_606 = arith.addi %mul3A_604, %add3A_605 : i32
    %dma_wait3A_607 = arith.constant 0 : i32
    %dma_wait3A_608 = tpu.memref_slice %arg5[%add3A_606, %dma_wait3A_607] : memref<131072x64xf32, #tpu.memory_space<hbm>> -> memref<128x64xf32, #tpu.memory_space<hbm>>
    %dma_wait3A_609 = arith.constant 0 : i32
    %dma_wait3A_610 = tpu.memref_slice %arg5[%add3A_606, %dma_wait3A_609] : memref<131072x64xf32, #tpu.memory_space<hbm>> -> memref<128x64xf32, #tpu.memory_space<hbm>>
    tpu.wait_dma2 semaphore(%arg13 : memref<!tpu.dma_semaphore, #tpu.memory_space<semaphore_mem>>) src(%arg8 : memref<128x64xf32, #tpu.memory_space<vmem>>) dst(%dma_wait3A_610 : memref<128x64xf32, #tpu.memory_space<hbm>>)
    %dma_start3A_611 = arith.constant 24 : i32
    %dma_start3A_612 = arith.constant 0 : i32
    %dma_start3A_613 = tpu.memref_slice %arg6[%dma_start3A_611, %dma_start3A_612] : memref<32x128xi32, #tpu.memory_space<vmem>> -> memref<1x128xi32, #tpu.memory_space<vmem>>
    %dma_start3A_614 = tpu.memref_squeeze %dma_start3A_613 : memref<1x128xi32, #tpu.memory_space<vmem>> -> memref<128xi32, #tpu.memory_space<vmem>>
    %dma_start3A_615 = arith.constant 0 : i32
    %dma_start3A_616 = arith.constant 0 : i32
    %dma_start3A_617 = tpu.memref_slice %arg3[%dma_start3A_615, %dma_start3A_616] : memref<1000000x64xf32, #tpu.memory_space<hbm>> -> memref<1000000x64xf32, #tpu.memory_space<hbm>>
    tpu.enqueue_indirect_dma source(%dma_start3A_617 : memref<1000000x64xf32, #tpu.memory_space<hbm>>) target(%arg8 : memref<128x64xf32, #tpu.memory_space<vmem>>) offsets(%dma_start3A_614 : memref<128xi32, #tpu.memory_space<vmem>>) semaphore(%arg11 : memref<!tpu.dma_semaphore, #tpu.memory_space<semaphore_mem>>)
    %mul3A_618 = arith.constant 4096 : i32
    %mul3A_619 = arith.muli %add3A, %mul3A_618 : i32
    %add3A_620 = arith.constant 1024 : i32
    %add3A_621 = arith.addi %mul3A_619, %add3A_620 : i32
    %dma_start3A_622 = arith.constant 0 : i32
    %dma_start3A_623 = tpu.memref_slice %arg5[%add3A_621, %dma_start3A_622] : memref<131072x64xf32, #tpu.memory_space<hbm>> -> memref<128x64xf32, #tpu.memory_space<hbm>>
    %dma_start3A_624 = arith.constant 0 : i32
    %dma_start3A_625 = tpu.memref_slice %arg5[%add3A_621, %dma_start3A_624] : memref<131072x64xf32, #tpu.memory_space<hbm>> -> memref<128x64xf32, #tpu.memory_space<hbm>>
    tpu.enqueue_dma source(%arg7 : memref<128x64xf32, #tpu.memory_space<vmem>>) target(%dma_start3A_625 : memref<128x64xf32, #tpu.memory_space<hbm>>) target_semaphore(%arg12 : memref<!tpu.dma_semaphore, #tpu.memory_space<semaphore_mem>>)
    %dma_wait3A_626 = arith.constant 24 : i32
    %dma_wait3A_627 = arith.constant 0 : i32
    %dma_wait3A_628 = tpu.memref_slice %arg6[%dma_wait3A_626, %dma_wait3A_627] : memref<32x128xi32, #tpu.memory_space<vmem>> -> memref<1x128xi32, #tpu.memory_space<vmem>>
    %dma_wait3A_629 = tpu.memref_squeeze %dma_wait3A_628 : memref<1x128xi32, #tpu.memory_space<vmem>> -> memref<128xi32, #tpu.memory_space<vmem>>
    %dma_wait3A_630 = arith.constant 0 : i32
    %dma_wait3A_631 = arith.constant 0 : i32
    %dma_wait3A_632 = tpu.memref_slice %arg3[%dma_wait3A_630, %dma_wait3A_631] : memref<1000000x64xf32, #tpu.memory_space<hbm>> -> memref<1000000x64xf32, #tpu.memory_space<hbm>>
    tpu.wait_indirect_dma semaphore(%arg11 : memref<!tpu.dma_semaphore, #tpu.memory_space<semaphore_mem>>) src(%dma_wait3A_632 : memref<1000000x64xf32, #tpu.memory_space<hbm>>) dst(%arg8 : memref<128x64xf32, #tpu.memory_space<vmem>>)
    %scan3A_633 = arith.constant 0 : i32
    %scan3A_634 = arith.constant 0 : i32
    %scan3A_635 = arith.constant 128 : i32
    %scan3A_636 = arith.addi %scan3A_634, %scan3A_635 : i32
    %scan3A_637 = arith.constant 1 : i32
    %scan3A_638 = scf.for %scan3A_1182 = %scan3A_634 to %scan3A_636 step %scan3A_637 iter_args(%scan3A_1183 = %scan3A_633) -> (i32)  : i32 {
      %get3A = arith.index_cast %scan3A_1182 : i32 to index
      %get3A_1184 = arith.constant 0 : index
      %get3A_1185 = tpu.vector_load %arg8[%get3A, %get3A_1184] {strides = array<i32>} : memref<128x64xf32, #tpu.memory_space<vmem>>, vector<1x16xf32>,
      %get3A_1186 = vector.shape_cast %get3A_1185 : vector<1x16xf32> to vector<16xf32>
      %get3A_1187 = arith.index_cast %scan3A_1182 : i32 to index
      %get3A_1188 = arith.constant 0 : index
      %get3A_1189 = tpu.vector_load %arg9[%get3A_1187, %get3A_1188] {strides = array<i32>} : memref<128x64xf32, #tpu.memory_space<vmem>>, vector<1x16xf32>,
      %get3A_1190 = vector.shape_cast %get3A_1189 : vector<1x16xf32> to vector<16xf32>
      %add3A_1191 = arith.addf %get3A_1186, %get3A_1190 : vector<16xf32>
      %swap3A = arith.index_cast %scan3A_1182 : i32 to index
      %swap3A_1192 = arith.constant 0 : index
      %swap3A_1193 = tpu.vector_load %arg8[%swap3A, %swap3A_1192] {strides = array<i32>} : memref<128x64xf32, #tpu.memory_space<vmem>>, vector<1x16xf32>,
      %swap3A_1194 = vector.shape_cast %swap3A_1193 : vector<1x16xf32> to vector<16xf32>
      %swap3A_1195 = vector.shape_cast %add3A_1191 : vector<16xf32> to vector<1x16xf32>
      tpu.vector_store %arg8[%swap3A, %swap3A_1192], %swap3A_1195 {strides = array<i32>} : memref<128x64xf32, #tpu.memory_space<vmem>>, vector<1x16xf32>,
      %get3A_1196 = arith.index_cast %scan3A_1182 : i32 to index
      %get3A_1197 = arith.constant 16 : index
      %get3A_1198 = tpu.vector_load %arg8[%get3A_1196, %get3A_1197] {strides = array<i32>} : memref<128x64xf32, #tpu.memory_space<vmem>>, vector<1x16xf32>,
      %get3A_1199 = vector.shape_cast %get3A_1198 : vector<1x16xf32> to vector<16xf32>
      %get3A_1200 = arith.index_cast %scan3A_1182 : i32 to index
      %get3A_1201 = arith.constant 16 : index
      %get3A_1202 = tpu.vector_load %arg9[%get3A_1200, %get3A_1201] {strides = array<i32>} : memref<128x64xf32, #tpu.memory_space<vmem>>, vector<1x16xf32>,
      %get3A_1203 = vector.shape_cast %get3A_1202 : vector<1x16xf32> to vector<16xf32>
      %add3A_1204 = arith.addf %get3A_1199, %get3A_1203 : vector<16xf32>
      %swap3A_1205 = arith.index_cast %scan3A_1182 : i32 to index
      %swap3A_1206 = arith.constant 16 : index
      %swap3A_1207 = tpu.vector_load %arg8[%swap3A_1205, %swap3A_1206] {strides = array<i32>} : memref<128x64xf32, #tpu.memory_space<vmem>>, vector<1x16xf32>,
      %swap3A_1208 = vector.shape_cast %swap3A_1207 : vector<1x16xf32> to vector<16xf32>
      %swap3A_1209 = vector.shape_cast %add3A_1204 : vector<16xf32> to vector<1x16xf32>
      tpu.vector_store %arg8[%swap3A_1205, %swap3A_1206], %swap3A_1209 {strides = array<i32>} : memref<128x64xf32, #tpu.memory_space<vmem>>, vector<1x16xf32>,
      %get3A_1210 = arith.index_cast %scan3A_1182 : i32 to index
      %get3A_1211 = arith.constant 32 : index
      %get3A_1212 = tpu.vector_load %arg8[%get3A_1210, %get3A_1211] {strides = array<i32>} : memref<128x64xf32, #tpu.memory_space<vmem>>, vector<1x16xf32>,
      %get3A_1213 = vector.shape_cast %get3A_1212 : vector<1x16xf32> to vector<16xf32>
      %get3A_1214 = arith.index_cast %scan3A_1182 : i32 to index
      %get3A_1215 = arith.constant 32 : index
      %get3A_1216 = tpu.vector_load %arg9[%get3A_1214, %get3A_1215] {strides = array<i32>} : memref<128x64xf32, #tpu.memory_space<vmem>>, vector<1x16xf32>,
      %get3A_1217 = vector.shape_cast %get3A_1216 : vector<1x16xf32> to vector<16xf32>
      %add3A_1218 = arith.addf %get3A_1213, %get3A_1217 : vector<16xf32>
      %swap3A_1219 = arith.index_cast %scan3A_1182 : i32 to index
      %swap3A_1220 = arith.constant 32 : index
      %swap3A_1221 = tpu.vector_load %arg8[%swap3A_1219, %swap3A_1220] {strides = array<i32>} : memref<128x64xf32, #tpu.memory_space<vmem>>, vector<1x16xf32>,
      %swap3A_1222 = vector.shape_cast %swap3A_1221 : vector<1x16xf32> to vector<16xf32>
      %swap3A_1223 = vector.shape_cast %add3A_1218 : vector<16xf32> to vector<1x16xf32>
      tpu.vector_store %arg8[%swap3A_1219, %swap3A_1220], %swap3A_1223 {strides = array<i32>} : memref<128x64xf32, #tpu.memory_space<vmem>>, vector<1x16xf32>,
      %get3A_1224 = arith.index_cast %scan3A_1182 : i32 to index
      %get3A_1225 = arith.constant 48 : index
      %get3A_1226 = tpu.vector_load %arg8[%get3A_1224, %get3A_1225] {strides = array<i32>} : memref<128x64xf32, #tpu.memory_space<vmem>>, vector<1x16xf32>,
      %get3A_1227 = vector.shape_cast %get3A_1226 : vector<1x16xf32> to vector<16xf32>
      %get3A_1228 = arith.index_cast %scan3A_1182 : i32 to index
      %get3A_1229 = arith.constant 48 : index
      %get3A_1230 = tpu.vector_load %arg9[%get3A_1228, %get3A_1229] {strides = array<i32>} : memref<128x64xf32, #tpu.memory_space<vmem>>, vector<1x16xf32>,
      %get3A_1231 = vector.shape_cast %get3A_1230 : vector<1x16xf32> to vector<16xf32>
      %add3A_1232 = arith.addf %get3A_1227, %get3A_1231 : vector<16xf32>
      %swap3A_1233 = arith.index_cast %scan3A_1182 : i32 to index
      %swap3A_1234 = arith.constant 48 : index
      %swap3A_1235 = tpu.vector_load %arg8[%swap3A_1233, %swap3A_1234] {strides = array<i32>} : memref<128x64xf32, #tpu.memory_space<vmem>>, vector<1x16xf32>,
      %swap3A_1236 = vector.shape_cast %swap3A_1235 : vector<1x16xf32> to vector<16xf32>
      %swap3A_1237 = vector.shape_cast %add3A_1232 : vector<16xf32> to vector<1x16xf32>
      tpu.vector_store %arg8[%swap3A_1233, %swap3A_1234], %swap3A_1237 {strides = array<i32>} : memref<128x64xf32, #tpu.memory_space<vmem>>, vector<1x16xf32>,
      %scan3A_1238 = arith.constant 0 : i32
      scf.yield %scan3A_1238 : i32
    }
    %scan3A_639 = arith.constant 128 : i32
    %mul3A_640 = arith.constant 4096 : i32
    %mul3A_641 = arith.muli %add3A, %mul3A_640 : i32
    %add3A_642 = arith.constant 1024 : i32
    %add3A_643 = arith.addi %mul3A_641, %add3A_642 : i32
    %dma_wait3A_644 = arith.constant 0 : i32
    %dma_wait3A_645 = tpu.memref_slice %arg5[%add3A_643, %dma_wait3A_644] : memref<131072x64xf32, #tpu.memory_space<hbm>> -> memref<128x64xf32, #tpu.memory_space<hbm>>
    %dma_wait3A_646 = arith.constant 0 : i32
    %dma_wait3A_647 = tpu.memref_slice %arg5[%add3A_643, %dma_wait3A_646] : memref<131072x64xf32, #tpu.memory_space<hbm>> -> memref<128x64xf32, #tpu.memory_space<hbm>>
    tpu.wait_dma2 semaphore(%arg12 : memref<!tpu.dma_semaphore, #tpu.memory_space<semaphore_mem>>) src(%arg7 : memref<128x64xf32, #tpu.memory_space<vmem>>) dst(%dma_wait3A_647 : memref<128x64xf32, #tpu.memory_space<hbm>>)
    %dma_start3A_648 = arith.constant 9 : i32
    %dma_start3A_649 = arith.constant 0 : i32
    %dma_start3A_650 = tpu.memref_slice %arg6[%dma_start3A_648, %dma_start3A_649] : memref<32x128xi32, #tpu.memory_space<vmem>> -> memref<1x128xi32, #tpu.memory_space<vmem>>
    %dma_start3A_651 = tpu.memref_squeeze %dma_start3A_650 : memref<1x128xi32, #tpu.memory_space<vmem>> -> memref<128xi32, #tpu.memory_space<vmem>>
    %dma_start3A_652 = arith.constant 0 : i32
    %dma_start3A_653 = arith.constant 0 : i32
    %dma_start3A_654 = tpu.memref_slice %arg3[%dma_start3A_652, %dma_start3A_653] : memref<1000000x64xf32, #tpu.memory_space<hbm>> -> memref<1000000x64xf32, #tpu.memory_space<hbm>>
    tpu.enqueue_indirect_dma source(%dma_start3A_654 : memref<1000000x64xf32, #tpu.memory_space<hbm>>) target(%arg7 : memref<128x64xf32, #tpu.memory_space<vmem>>) offsets(%dma_start3A_651 : memref<128xi32, #tpu.memory_space<vmem>>) semaphore(%arg10 : memref<!tpu.dma_semaphore, #tpu.memory_space<semaphore_mem>>)
    %mul3A_655 = arith.constant 4096 : i32
    %mul3A_656 = arith.muli %add3A, %mul3A_655 : i32
    %add3A_657 = arith.constant 3072 : i32
    %add3A_658 = arith.addi %mul3A_656, %add3A_657 : i32
    %dma_start3A_659 = arith.constant 0 : i32
    %dma_start3A_660 = tpu.memref_slice %arg5[%add3A_658, %dma_start3A_659] : memref<131072x64xf32, #tpu.memory_space<hbm>> -> memref<128x64xf32, #tpu.memory_space<hbm>>
    %dma_start3A_661 = arith.constant 0 : i32
    %dma_start3A_662 = tpu.memref_slice %arg5[%add3A_658, %dma_start3A_661] : memref<131072x64xf32, #tpu.memory_space<hbm>> -> memref<128x64xf32, #tpu.memory_space<hbm>>
    tpu.enqueue_dma source(%arg8 : memref<128x64xf32, #tpu.memory_space<vmem>>) target(%dma_start3A_662 : memref<128x64xf32, #tpu.memory_space<hbm>>) target_semaphore(%arg13 : memref<!tpu.dma_semaphore, #tpu.memory_space<semaphore_mem>>)
    %dma_wait3A_663 = arith.constant 9 : i32
    %dma_wait3A_664 = arith.constant 0 : i32
    %dma_wait3A_665 = tpu.memref_slice %arg6[%dma_wait3A_663, %dma_wait3A_664] : memref<32x128xi32, #tpu.memory_space<vmem>> -> memref<1x128xi32, #tpu.memory_space<vmem>>
    %dma_wait3A_666 = tpu.memref_squeeze %dma_wait3A_665 : memref<1x128xi32, #tpu.memory_space<vmem>> -> memref<128xi32, #tpu.memory_space<vmem>>
    %dma_wait3A_667 = arith.constant 0 : i32
    %dma_wait3A_668 = arith.constant 0 : i32
    %dma_wait3A_669 = tpu.memref_slice %arg3[%dma_wait3A_667, %dma_wait3A_668] : memref<1000000x64xf32, #tpu.memory_space<hbm>> -> memref<1000000x64xf32, #tpu.memory_space<hbm>>
    tpu.wait_indirect_dma semaphore(%arg10 : memref<!tpu.dma_semaphore, #tpu.memory_space<semaphore_mem>>) src(%dma_wait3A_669 : memref<1000000x64xf32, #tpu.memory_space<hbm>>) dst(%arg7 : memref<128x64xf32, #tpu.memory_space<vmem>>)
    "tpu.region"() ({
      %run_scoped3A = tpu.sem_alloc : memref<!tpu.dma_semaphore, #tpu.memory_space<semaphore_mem>>
      %dma_start3A_1182 = arith.constant 1152 : i32
      %dma_start3A_1183 = arith.constant 0 : i32
      %dma_start3A_1184 = tpu.memref_slice %arg4[%dma_start3A_1182, %dma_start3A_1183] : memref<2048x64xf32, #tpu.memory_space<hbm>> -> memref<128x64xf32, #tpu.memory_space<hbm>>
      %dma_start3A_1185 = arith.constant 1152 : i32
      %dma_start3A_1186 = arith.constant 0 : i32
      %dma_start3A_1187 = tpu.memref_slice %arg4[%dma_start3A_1185, %dma_start3A_1186] : memref<2048x64xf32, #tpu.memory_space<hbm>> -> memref<128x64xf32, #tpu.memory_space<hbm>>
      tpu.enqueue_dma source(%dma_start3A_1187 : memref<128x64xf32, #tpu.memory_space<hbm>>) target(%arg9 : memref<128x64xf32, #tpu.memory_space<vmem>>) target_semaphore(%run_scoped3A : memref<!tpu.dma_semaphore, #tpu.memory_space<semaphore_mem>>)
      %dma_wait3A_1188 = arith.constant 1152 : i32
      %dma_wait3A_1189 = arith.constant 0 : i32
      %dma_wait3A_1190 = tpu.memref_slice %arg4[%dma_wait3A_1188, %dma_wait3A_1189] : memref<2048x64xf32, #tpu.memory_space<hbm>> -> memref<128x64xf32, #tpu.memory_space<hbm>>
      %dma_wait3A_1191 = arith.constant 1152 : i32
      %dma_wait3A_1192 = arith.constant 0 : i32
      %dma_wait3A_1193 = tpu.memref_slice %arg4[%dma_wait3A_1191, %dma_wait3A_1192] : memref<2048x64xf32, #tpu.memory_space<hbm>> -> memref<128x64xf32, #tpu.memory_space<hbm>>
      tpu.wait_dma2 semaphore(%run_scoped3A : memref<!tpu.dma_semaphore, #tpu.memory_space<semaphore_mem>>) src(%dma_wait3A_1193 : memref<128x64xf32, #tpu.memory_space<hbm>>) dst(%arg9 : memref<128x64xf32, #tpu.memory_space<vmem>>)
      tpu.yield
    }) : () -> ()
    %scan3A_670 = arith.constant 0 : i32
    %scan3A_671 = arith.constant 0 : i32
    %scan3A_672 = arith.constant 128 : i32
    %scan3A_673 = arith.addi %scan3A_671, %scan3A_672 : i32
    %scan3A_674 = arith.constant 1 : i32
    %scan3A_675 = scf.for %scan3A_1182 = %scan3A_671 to %scan3A_673 step %scan3A_674 iter_args(%scan3A_1183 = %scan3A_670) -> (i32)  : i32 {
      %get3A = arith.index_cast %scan3A_1182 : i32 to index
      %get3A_1184 = arith.constant 0 : index
      %get3A_1185 = tpu.vector_load %arg7[%get3A, %get3A_1184] {strides = array<i32>} : memref<128x64xf32, #tpu.memory_space<vmem>>, vector<1x16xf32>,
      %get3A_1186 = vector.shape_cast %get3A_1185 : vector<1x16xf32> to vector<16xf32>
      %get3A_1187 = arith.index_cast %scan3A_1182 : i32 to index
      %get3A_1188 = arith.constant 0 : index
      %get3A_1189 = tpu.vector_load %arg9[%get3A_1187, %get3A_1188] {strides = array<i32>} : memref<128x64xf32, #tpu.memory_space<vmem>>, vector<1x16xf32>,
      %get3A_1190 = vector.shape_cast %get3A_1189 : vector<1x16xf32> to vector<16xf32>
      %add3A_1191 = arith.addf %get3A_1186, %get3A_1190 : vector<16xf32>
      %swap3A = arith.index_cast %scan3A_1182 : i32 to index
      %swap3A_1192 = arith.constant 0 : index
      %swap3A_1193 = tpu.vector_load %arg7[%swap3A, %swap3A_1192] {strides = array<i32>} : memref<128x64xf32, #tpu.memory_space<vmem>>, vector<1x16xf32>,
      %swap3A_1194 = vector.shape_cast %swap3A_1193 : vector<1x16xf32> to vector<16xf32>
      %swap3A_1195 = vector.shape_cast %add3A_1191 : vector<16xf32> to vector<1x16xf32>
      tpu.vector_store %arg7[%swap3A, %swap3A_1192], %swap3A_1195 {strides = array<i32>} : memref<128x64xf32, #tpu.memory_space<vmem>>, vector<1x16xf32>,
      %get3A_1196 = arith.index_cast %scan3A_1182 : i32 to index
      %get3A_1197 = arith.constant 16 : index
      %get3A_1198 = tpu.vector_load %arg7[%get3A_1196, %get3A_1197] {strides = array<i32>} : memref<128x64xf32, #tpu.memory_space<vmem>>, vector<1x16xf32>,
      %get3A_1199 = vector.shape_cast %get3A_1198 : vector<1x16xf32> to vector<16xf32>
      %get3A_1200 = arith.index_cast %scan3A_1182 : i32 to index
      %get3A_1201 = arith.constant 16 : index
      %get3A_1202 = tpu.vector_load %arg9[%get3A_1200, %get3A_1201] {strides = array<i32>} : memref<128x64xf32, #tpu.memory_space<vmem>>, vector<1x16xf32>,
      %get3A_1203 = vector.shape_cast %get3A_1202 : vector<1x16xf32> to vector<16xf32>
      %add3A_1204 = arith.addf %get3A_1199, %get3A_1203 : vector<16xf32>
      %swap3A_1205 = arith.index_cast %scan3A_1182 : i32 to index
      %swap3A_1206 = arith.constant 16 : index
      %swap3A_1207 = tpu.vector_load %arg7[%swap3A_1205, %swap3A_1206] {strides = array<i32>} : memref<128x64xf32, #tpu.memory_space<vmem>>, vector<1x16xf32>,
      %swap3A_1208 = vector.shape_cast %swap3A_1207 : vector<1x16xf32> to vector<16xf32>
      %swap3A_1209 = vector.shape_cast %add3A_1204 : vector<16xf32> to vector<1x16xf32>
      tpu.vector_store %arg7[%swap3A_1205, %swap3A_1206], %swap3A_1209 {strides = array<i32>} : memref<128x64xf32, #tpu.memory_space<vmem>>, vector<1x16xf32>,
      %get3A_1210 = arith.index_cast %scan3A_1182 : i32 to index
      %get3A_1211 = arith.constant 32 : index
      %get3A_1212 = tpu.vector_load %arg7[%get3A_1210, %get3A_1211] {strides = array<i32>} : memref<128x64xf32, #tpu.memory_space<vmem>>, vector<1x16xf32>,
      %get3A_1213 = vector.shape_cast %get3A_1212 : vector<1x16xf32> to vector<16xf32>
      %get3A_1214 = arith.index_cast %scan3A_1182 : i32 to index
      %get3A_1215 = arith.constant 32 : index
      %get3A_1216 = tpu.vector_load %arg9[%get3A_1214, %get3A_1215] {strides = array<i32>} : memref<128x64xf32, #tpu.memory_space<vmem>>, vector<1x16xf32>,
      %get3A_1217 = vector.shape_cast %get3A_1216 : vector<1x16xf32> to vector<16xf32>
      %add3A_1218 = arith.addf %get3A_1213, %get3A_1217 : vector<16xf32>
      %swap3A_1219 = arith.index_cast %scan3A_1182 : i32 to index
      %swap3A_1220 = arith.constant 32 : index
      %swap3A_1221 = tpu.vector_load %arg7[%swap3A_1219, %swap3A_1220] {strides = array<i32>} : memref<128x64xf32, #tpu.memory_space<vmem>>, vector<1x16xf32>,
      %swap3A_1222 = vector.shape_cast %swap3A_1221 : vector<1x16xf32> to vector<16xf32>
      %swap3A_1223 = vector.shape_cast %add3A_1218 : vector<16xf32> to vector<1x16xf32>
      tpu.vector_store %arg7[%swap3A_1219, %swap3A_1220], %swap3A_1223 {strides = array<i32>} : memref<128x64xf32, #tpu.memory_space<vmem>>, vector<1x16xf32>,
      %get3A_1224 = arith.index_cast %scan3A_1182 : i32 to index
      %get3A_1225 = arith.constant 48 : index
      %get3A_1226 = tpu.vector_load %arg7[%get3A_1224, %get3A_1225] {strides = array<i32>} : memref<128x64xf32, #tpu.memory_space<vmem>>, vector<1x16xf32>,
      %get3A_1227 = vector.shape_cast %get3A_1226 : vector<1x16xf32> to vector<16xf32>
      %get3A_1228 = arith.index_cast %scan3A_1182 : i32 to index
      %get3A_1229 = arith.constant 48 : index
      %get3A_1230 = tpu.vector_load %arg9[%get3A_1228, %get3A_1229] {strides = array<i32>} : memref<128x64xf32, #tpu.memory_space<vmem>>, vector<1x16xf32>,
      %get3A_1231 = vector.shape_cast %get3A_1230 : vector<1x16xf32> to vector<16xf32>
      %add3A_1232 = arith.addf %get3A_1227, %get3A_1231 : vector<16xf32>
      %swap3A_1233 = arith.index_cast %scan3A_1182 : i32 to index
      %swap3A_1234 = arith.constant 48 : index
      %swap3A_1235 = tpu.vector_load %arg7[%swap3A_1233, %swap3A_1234] {strides = array<i32>} : memref<128x64xf32, #tpu.memory_space<vmem>>, vector<1x16xf32>,
      %swap3A_1236 = vector.shape_cast %swap3A_1235 : vector<1x16xf32> to vector<16xf32>
      %swap3A_1237 = vector.shape_cast %add3A_1232 : vector<16xf32> to vector<1x16xf32>
      tpu.vector_store %arg7[%swap3A_1233, %swap3A_1234], %swap3A_1237 {strides = array<i32>} : memref<128x64xf32, #tpu.memory_space<vmem>>, vector<1x16xf32>,
      %scan3A_1238 = arith.constant 0 : i32
      scf.yield %scan3A_1238 : i32
    }
    %scan3A_676 = arith.constant 128 : i32
    %mul3A_677 = arith.constant 4096 : i32
    %mul3A_678 = arith.muli %add3A, %mul3A_677 : i32
    %add3A_679 = arith.constant 3072 : i32
    %add3A_680 = arith.addi %mul3A_678, %add3A_679 : i32
    %dma_wait3A_681 = arith.constant 0 : i32
    %dma_wait3A_682 = tpu.memref_slice %arg5[%add3A_680, %dma_wait3A_681] : memref<131072x64xf32, #tpu.memory_space<hbm>> -> memref<128x64xf32, #tpu.memory_space<hbm>>
    %dma_wait3A_683 = arith.constant 0 : i32
    %dma_wait3A_684 = tpu.memref_slice %arg5[%add3A_680, %dma_wait3A_683] : memref<131072x64xf32, #tpu.memory_space<hbm>> -> memref<128x64xf32, #tpu.memory_space<hbm>>
    tpu.wait_dma2 semaphore(%arg13 : memref<!tpu.dma_semaphore, #tpu.memory_space<semaphore_mem>>) src(%arg8 : memref<128x64xf32, #tpu.memory_space<vmem>>) dst(%dma_wait3A_684 : memref<128x64xf32, #tpu.memory_space<hbm>>)
    %dma_start3A_685 = arith.constant 25 : i32
    %dma_start3A_686 = arith.constant 0 : i32
    %dma_start3A_687 = tpu.memref_slice %arg6[%dma_start3A_685, %dma_start3A_686] : memref<32x128xi32, #tpu.memory_space<vmem>> -> memref<1x128xi32, #tpu.memory_space<vmem>>
    %dma_start3A_688 = tpu.memref_squeeze %dma_start3A_687 : memref<1x128xi32, #tpu.memory_space<vmem>> -> memref<128xi32, #tpu.memory_space<vmem>>
    %dma_start3A_689 = arith.constant 0 : i32
    %dma_start3A_690 = arith.constant 0 : i32
    %dma_start3A_691 = tpu.memref_slice %arg3[%dma_start3A_689, %dma_start3A_690] : memref<1000000x64xf32, #tpu.memory_space<hbm>> -> memref<1000000x64xf32, #tpu.memory_space<hbm>>
    tpu.enqueue_indirect_dma source(%dma_start3A_691 : memref<1000000x64xf32, #tpu.memory_space<hbm>>) target(%arg8 : memref<128x64xf32, #tpu.memory_space<vmem>>) offsets(%dma_start3A_688 : memref<128xi32, #tpu.memory_space<vmem>>) semaphore(%arg11 : memref<!tpu.dma_semaphore, #tpu.memory_space<semaphore_mem>>)
    %mul3A_692 = arith.constant 4096 : i32
    %mul3A_693 = arith.muli %add3A, %mul3A_692 : i32
    %add3A_694 = arith.constant 1152 : i32
    %add3A_695 = arith.addi %mul3A_693, %add3A_694 : i32
    %dma_start3A_696 = arith.constant 0 : i32
    %dma_start3A_697 = tpu.memref_slice %arg5[%add3A_695, %dma_start3A_696] : memref<131072x64xf32, #tpu.memory_space<hbm>> -> memref<128x64xf32, #tpu.memory_space<hbm>>
    %dma_start3A_698 = arith.constant 0 : i32
    %dma_start3A_699 = tpu.memref_slice %arg5[%add3A_695, %dma_start3A_698] : memref<131072x64xf32, #tpu.memory_space<hbm>> -> memref<128x64xf32, #tpu.memory_space<hbm>>
    tpu.enqueue_dma source(%arg7 : memref<128x64xf32, #tpu.memory_space<vmem>>) target(%dma_start3A_699 : memref<128x64xf32, #tpu.memory_space<hbm>>) target_semaphore(%arg12 : memref<!tpu.dma_semaphore, #tpu.memory_space<semaphore_mem>>)
    %dma_wait3A_700 = arith.constant 25 : i32
    %dma_wait3A_701 = arith.constant 0 : i32
    %dma_wait3A_702 = tpu.memref_slice %arg6[%dma_wait3A_700, %dma_wait3A_701] : memref<32x128xi32, #tpu.memory_space<vmem>> -> memref<1x128xi32, #tpu.memory_space<vmem>>
    %dma_wait3A_703 = tpu.memref_squeeze %dma_wait3A_702 : memref<1x128xi32, #tpu.memory_space<vmem>> -> memref<128xi32, #tpu.memory_space<vmem>>
    %dma_wait3A_704 = arith.constant 0 : i32
    %dma_wait3A_705 = arith.constant 0 : i32
    %dma_wait3A_706 = tpu.memref_slice %arg3[%dma_wait3A_704, %dma_wait3A_705] : memref<1000000x64xf32, #tpu.memory_space<hbm>> -> memref<1000000x64xf32, #tpu.memory_space<hbm>>
    tpu.wait_indirect_dma semaphore(%arg11 : memref<!tpu.dma_semaphore, #tpu.memory_space<semaphore_mem>>) src(%dma_wait3A_706 : memref<1000000x64xf32, #tpu.memory_space<hbm>>) dst(%arg8 : memref<128x64xf32, #tpu.memory_space<vmem>>)
    %scan3A_707 = arith.constant 0 : i32
    %scan3A_708 = arith.constant 0 : i32
    %scan3A_709 = arith.constant 128 : i32
    %scan3A_710 = arith.addi %scan3A_708, %scan3A_709 : i32
    %scan3A_711 = arith.constant 1 : i32
    %scan3A_712 = scf.for %scan3A_1182 = %scan3A_708 to %scan3A_710 step %scan3A_711 iter_args(%scan3A_1183 = %scan3A_707) -> (i32)  : i32 {
      %get3A = arith.index_cast %scan3A_1182 : i32 to index
      %get3A_1184 = arith.constant 0 : index
      %get3A_1185 = tpu.vector_load %arg8[%get3A, %get3A_1184] {strides = array<i32>} : memref<128x64xf32, #tpu.memory_space<vmem>>, vector<1x16xf32>,
      %get3A_1186 = vector.shape_cast %get3A_1185 : vector<1x16xf32> to vector<16xf32>
      %get3A_1187 = arith.index_cast %scan3A_1182 : i32 to index
      %get3A_1188 = arith.constant 0 : index
      %get3A_1189 = tpu.vector_load %arg9[%get3A_1187, %get3A_1188] {strides = array<i32>} : memref<128x64xf32, #tpu.memory_space<vmem>>, vector<1x16xf32>,
      %get3A_1190 = vector.shape_cast %get3A_1189 : vector<1x16xf32> to vector<16xf32>
      %add3A_1191 = arith.addf %get3A_1186, %get3A_1190 : vector<16xf32>
      %swap3A = arith.index_cast %scan3A_1182 : i32 to index
      %swap3A_1192 = arith.constant 0 : index
      %swap3A_1193 = tpu.vector_load %arg8[%swap3A, %swap3A_1192] {strides = array<i32>} : memref<128x64xf32, #tpu.memory_space<vmem>>, vector<1x16xf32>,
      %swap3A_1194 = vector.shape_cast %swap3A_1193 : vector<1x16xf32> to vector<16xf32>
      %swap3A_1195 = vector.shape_cast %add3A_1191 : vector<16xf32> to vector<1x16xf32>
      tpu.vector_store %arg8[%swap3A, %swap3A_1192], %swap3A_1195 {strides = array<i32>} : memref<128x64xf32, #tpu.memory_space<vmem>>, vector<1x16xf32>,
      %get3A_1196 = arith.index_cast %scan3A_1182 : i32 to index
      %get3A_1197 = arith.constant 16 : index
      %get3A_1198 = tpu.vector_load %arg8[%get3A_1196, %get3A_1197] {strides = array<i32>} : memref<128x64xf32, #tpu.memory_space<vmem>>, vector<1x16xf32>,
      %get3A_1199 = vector.shape_cast %get3A_1198 : vector<1x16xf32> to vector<16xf32>
      %get3A_1200 = arith.index_cast %scan3A_1182 : i32 to index
      %get3A_1201 = arith.constant 16 : index
      %get3A_1202 = tpu.vector_load %arg9[%get3A_1200, %get3A_1201] {strides = array<i32>} : memref<128x64xf32, #tpu.memory_space<vmem>>, vector<1x16xf32>,
      %get3A_1203 = vector.shape_cast %get3A_1202 : vector<1x16xf32> to vector<16xf32>
      %add3A_1204 = arith.addf %get3A_1199, %get3A_1203 : vector<16xf32>
      %swap3A_1205 = arith.index_cast %scan3A_1182 : i32 to index
      %swap3A_1206 = arith.constant 16 : index
      %swap3A_1207 = tpu.vector_load %arg8[%swap3A_1205, %swap3A_1206] {strides = array<i32>} : memref<128x64xf32, #tpu.memory_space<vmem>>, vector<1x16xf32>,
      %swap3A_1208 = vector.shape_cast %swap3A_1207 : vector<1x16xf32> to vector<16xf32>
      %swap3A_1209 = vector.shape_cast %add3A_1204 : vector<16xf32> to vector<1x16xf32>
      tpu.vector_store %arg8[%swap3A_1205, %swap3A_1206], %swap3A_1209 {strides = array<i32>} : memref<128x64xf32, #tpu.memory_space<vmem>>, vector<1x16xf32>,
      %get3A_1210 = arith.index_cast %scan3A_1182 : i32 to index
      %get3A_1211 = arith.constant 32 : index
      %get3A_1212 = tpu.vector_load %arg8[%get3A_1210, %get3A_1211] {strides = array<i32>} : memref<128x64xf32, #tpu.memory_space<vmem>>, vector<1x16xf32>,
      %get3A_1213 = vector.shape_cast %get3A_1212 : vector<1x16xf32> to vector<16xf32>
      %get3A_1214 = arith.index_cast %scan3A_1182 : i32 to index
      %get3A_1215 = arith.constant 32 : index
      %get3A_1216 = tpu.vector_load %arg9[%get3A_1214, %get3A_1215] {strides = array<i32>} : memref<128x64xf32, #tpu.memory_space<vmem>>, vector<1x16xf32>,
      %get3A_1217 = vector.shape_cast %get3A_1216 : vector<1x16xf32> to vector<16xf32>
      %add3A_1218 = arith.addf %get3A_1213, %get3A_1217 : vector<16xf32>
      %swap3A_1219 = arith.index_cast %scan3A_1182 : i32 to index
      %swap3A_1220 = arith.constant 32 : index
      %swap3A_1221 = tpu.vector_load %arg8[%swap3A_1219, %swap3A_1220] {strides = array<i32>} : memref<128x64xf32, #tpu.memory_space<vmem>>, vector<1x16xf32>,
      %swap3A_1222 = vector.shape_cast %swap3A_1221 : vector<1x16xf32> to vector<16xf32>
      %swap3A_1223 = vector.shape_cast %add3A_1218 : vector<16xf32> to vector<1x16xf32>
      tpu.vector_store %arg8[%swap3A_1219, %swap3A_1220], %swap3A_1223 {strides = array<i32>} : memref<128x64xf32, #tpu.memory_space<vmem>>, vector<1x16xf32>,
      %get3A_1224 = arith.index_cast %scan3A_1182 : i32 to index
      %get3A_1225 = arith.constant 48 : index
      %get3A_1226 = tpu.vector_load %arg8[%get3A_1224, %get3A_1225] {strides = array<i32>} : memref<128x64xf32, #tpu.memory_space<vmem>>, vector<1x16xf32>,
      %get3A_1227 = vector.shape_cast %get3A_1226 : vector<1x16xf32> to vector<16xf32>
      %get3A_1228 = arith.index_cast %scan3A_1182 : i32 to index
      %get3A_1229 = arith.constant 48 : index
      %get3A_1230 = tpu.vector_load %arg9[%get3A_1228, %get3A_1229] {strides = array<i32>} : memref<128x64xf32, #tpu.memory_space<vmem>>, vector<1x16xf32>,
      %get3A_1231 = vector.shape_cast %get3A_1230 : vector<1x16xf32> to vector<16xf32>
      %add3A_1232 = arith.addf %get3A_1227, %get3A_1231 : vector<16xf32>
      %swap3A_1233 = arith.index_cast %scan3A_1182 : i32 to index
      %swap3A_1234 = arith.constant 48 : index
      %swap3A_1235 = tpu.vector_load %arg8[%swap3A_1233, %swap3A_1234] {strides = array<i32>} : memref<128x64xf32, #tpu.memory_space<vmem>>, vector<1x16xf32>,
      %swap3A_1236 = vector.shape_cast %swap3A_1235 : vector<1x16xf32> to vector<16xf32>
      %swap3A_1237 = vector.shape_cast %add3A_1232 : vector<16xf32> to vector<1x16xf32>
      tpu.vector_store %arg8[%swap3A_1233, %swap3A_1234], %swap3A_1237 {strides = array<i32>} : memref<128x64xf32, #tpu.memory_space<vmem>>, vector<1x16xf32>,
      %scan3A_1238 = arith.constant 0 : i32
      scf.yield %scan3A_1238 : i32
    }
    %scan3A_713 = arith.constant 128 : i32
    %mul3A_714 = arith.constant 4096 : i32
    %mul3A_715 = arith.muli %add3A, %mul3A_714 : i32
    %add3A_716 = arith.constant 1152 : i32
    %add3A_717 = arith.addi %mul3A_715, %add3A_716 : i32
    %dma_wait3A_718 = arith.constant 0 : i32
    %dma_wait3A_719 = tpu.memref_slice %arg5[%add3A_717, %dma_wait3A_718] : memref<131072x64xf32, #tpu.memory_space<hbm>> -> memref<128x64xf32, #tpu.memory_space<hbm>>
    %dma_wait3A_720 = arith.constant 0 : i32
    %dma_wait3A_721 = tpu.memref_slice %arg5[%add3A_717, %dma_wait3A_720] : memref<131072x64xf32, #tpu.memory_space<hbm>> -> memref<128x64xf32, #tpu.memory_space<hbm>>
    tpu.wait_dma2 semaphore(%arg12 : memref<!tpu.dma_semaphore, #tpu.memory_space<semaphore_mem>>) src(%arg7 : memref<128x64xf32, #tpu.memory_space<vmem>>) dst(%dma_wait3A_721 : memref<128x64xf32, #tpu.memory_space<hbm>>)
    %dma_start3A_722 = arith.constant 10 : i32
    %dma_start3A_723 = arith.constant 0 : i32
    %dma_start3A_724 = tpu.memref_slice %arg6[%dma_start3A_722, %dma_start3A_723] : memref<32x128xi32, #tpu.memory_space<vmem>> -> memref<1x128xi32, #tpu.memory_space<vmem>>
    %dma_start3A_725 = tpu.memref_squeeze %dma_start3A_724 : memref<1x128xi32, #tpu.memory_space<vmem>> -> memref<128xi32, #tpu.memory_space<vmem>>
    %dma_start3A_726 = arith.constant 0 : i32
    %dma_start3A_727 = arith.constant 0 : i32
    %dma_start3A_728 = tpu.memref_slice %arg3[%dma_start3A_726, %dma_start3A_727] : memref<1000000x64xf32, #tpu.memory_space<hbm>> -> memref<1000000x64xf32, #tpu.memory_space<hbm>>
    tpu.enqueue_indirect_dma source(%dma_start3A_728 : memref<1000000x64xf32, #tpu.memory_space<hbm>>) target(%arg7 : memref<128x64xf32, #tpu.memory_space<vmem>>) offsets(%dma_start3A_725 : memref<128xi32, #tpu.memory_space<vmem>>) semaphore(%arg10 : memref<!tpu.dma_semaphore, #tpu.memory_space<semaphore_mem>>)
    %mul3A_729 = arith.constant 4096 : i32
    %mul3A_730 = arith.muli %add3A, %mul3A_729 : i32
    %add3A_731 = arith.constant 3200 : i32
    %add3A_732 = arith.addi %mul3A_730, %add3A_731 : i32
    %dma_start3A_733 = arith.constant 0 : i32
    %dma_start3A_734 = tpu.memref_slice %arg5[%add3A_732, %dma_start3A_733] : memref<131072x64xf32, #tpu.memory_space<hbm>> -> memref<128x64xf32, #tpu.memory_space<hbm>>
    %dma_start3A_735 = arith.constant 0 : i32
    %dma_start3A_736 = tpu.memref_slice %arg5[%add3A_732, %dma_start3A_735] : memref<131072x64xf32, #tpu.memory_space<hbm>> -> memref<128x64xf32, #tpu.memory_space<hbm>>
    tpu.enqueue_dma source(%arg8 : memref<128x64xf32, #tpu.memory_space<vmem>>) target(%dma_start3A_736 : memref<128x64xf32, #tpu.memory_space<hbm>>) target_semaphore(%arg13 : memref<!tpu.dma_semaphore, #tpu.memory_space<semaphore_mem>>)
    %dma_wait3A_737 = arith.constant 10 : i32
    %dma_wait3A_738 = arith.constant 0 : i32
    %dma_wait3A_739 = tpu.memref_slice %arg6[%dma_wait3A_737, %dma_wait3A_738] : memref<32x128xi32, #tpu.memory_space<vmem>> -> memref<1x128xi32, #tpu.memory_space<vmem>>
    %dma_wait3A_740 = tpu.memref_squeeze %dma_wait3A_739 : memref<1x128xi32, #tpu.memory_space<vmem>> -> memref<128xi32, #tpu.memory_space<vmem>>
    %dma_wait3A_741 = arith.constant 0 : i32
    %dma_wait3A_742 = arith.constant 0 : i32
    %dma_wait3A_743 = tpu.memref_slice %arg3[%dma_wait3A_741, %dma_wait3A_742] : memref<1000000x64xf32, #tpu.memory_space<hbm>> -> memref<1000000x64xf32, #tpu.memory_space<hbm>>
    tpu.wait_indirect_dma semaphore(%arg10 : memref<!tpu.dma_semaphore, #tpu.memory_space<semaphore_mem>>) src(%dma_wait3A_743 : memref<1000000x64xf32, #tpu.memory_space<hbm>>) dst(%arg7 : memref<128x64xf32, #tpu.memory_space<vmem>>)
    "tpu.region"() ({
      %run_scoped3A = tpu.sem_alloc : memref<!tpu.dma_semaphore, #tpu.memory_space<semaphore_mem>>
      %dma_start3A_1182 = arith.constant 1280 : i32
      %dma_start3A_1183 = arith.constant 0 : i32
      %dma_start3A_1184 = tpu.memref_slice %arg4[%dma_start3A_1182, %dma_start3A_1183] : memref<2048x64xf32, #tpu.memory_space<hbm>> -> memref<128x64xf32, #tpu.memory_space<hbm>>
      %dma_start3A_1185 = arith.constant 1280 : i32
      %dma_start3A_1186 = arith.constant 0 : i32
      %dma_start3A_1187 = tpu.memref_slice %arg4[%dma_start3A_1185, %dma_start3A_1186] : memref<2048x64xf32, #tpu.memory_space<hbm>> -> memref<128x64xf32, #tpu.memory_space<hbm>>
      tpu.enqueue_dma source(%dma_start3A_1187 : memref<128x64xf32, #tpu.memory_space<hbm>>) target(%arg9 : memref<128x64xf32, #tpu.memory_space<vmem>>) target_semaphore(%run_scoped3A : memref<!tpu.dma_semaphore, #tpu.memory_space<semaphore_mem>>)
      %dma_wait3A_1188 = arith.constant 1280 : i32
      %dma_wait3A_1189 = arith.constant 0 : i32
      %dma_wait3A_1190 = tpu.memref_slice %arg4[%dma_wait3A_1188, %dma_wait3A_1189] : memref<2048x64xf32, #tpu.memory_space<hbm>> -> memref<128x64xf32, #tpu.memory_space<hbm>>
      %dma_wait3A_1191 = arith.constant 1280 : i32
      %dma_wait3A_1192 = arith.constant 0 : i32
      %dma_wait3A_1193 = tpu.memref_slice %arg4[%dma_wait3A_1191, %dma_wait3A_1192] : memref<2048x64xf32, #tpu.memory_space<hbm>> -> memref<128x64xf32, #tpu.memory_space<hbm>>
      tpu.wait_dma2 semaphore(%run_scoped3A : memref<!tpu.dma_semaphore, #tpu.memory_space<semaphore_mem>>) src(%dma_wait3A_1193 : memref<128x64xf32, #tpu.memory_space<hbm>>) dst(%arg9 : memref<128x64xf32, #tpu.memory_space<vmem>>)
      tpu.yield
    }) : () -> ()
    %scan3A_744 = arith.constant 0 : i32
    %scan3A_745 = arith.constant 0 : i32
    %scan3A_746 = arith.constant 128 : i32
    %scan3A_747 = arith.addi %scan3A_745, %scan3A_746 : i32
    %scan3A_748 = arith.constant 1 : i32
    %scan3A_749 = scf.for %scan3A_1182 = %scan3A_745 to %scan3A_747 step %scan3A_748 iter_args(%scan3A_1183 = %scan3A_744) -> (i32)  : i32 {
      %get3A = arith.index_cast %scan3A_1182 : i32 to index
      %get3A_1184 = arith.constant 0 : index
      %get3A_1185 = tpu.vector_load %arg7[%get3A, %get3A_1184] {strides = array<i32>} : memref<128x64xf32, #tpu.memory_space<vmem>>, vector<1x16xf32>,
      %get3A_1186 = vector.shape_cast %get3A_1185 : vector<1x16xf32> to vector<16xf32>
      %get3A_1187 = arith.index_cast %scan3A_1182 : i32 to index
      %get3A_1188 = arith.constant 0 : index
      %get3A_1189 = tpu.vector_load %arg9[%get3A_1187, %get3A_1188] {strides = array<i32>} : memref<128x64xf32, #tpu.memory_space<vmem>>, vector<1x16xf32>,
      %get3A_1190 = vector.shape_cast %get3A_1189 : vector<1x16xf32> to vector<16xf32>
      %add3A_1191 = arith.addf %get3A_1186, %get3A_1190 : vector<16xf32>
      %swap3A = arith.index_cast %scan3A_1182 : i32 to index
      %swap3A_1192 = arith.constant 0 : index
      %swap3A_1193 = tpu.vector_load %arg7[%swap3A, %swap3A_1192] {strides = array<i32>} : memref<128x64xf32, #tpu.memory_space<vmem>>, vector<1x16xf32>,
      %swap3A_1194 = vector.shape_cast %swap3A_1193 : vector<1x16xf32> to vector<16xf32>
      %swap3A_1195 = vector.shape_cast %add3A_1191 : vector<16xf32> to vector<1x16xf32>
      tpu.vector_store %arg7[%swap3A, %swap3A_1192], %swap3A_1195 {strides = array<i32>} : memref<128x64xf32, #tpu.memory_space<vmem>>, vector<1x16xf32>,
      %get3A_1196 = arith.index_cast %scan3A_1182 : i32 to index
      %get3A_1197 = arith.constant 16 : index
      %get3A_1198 = tpu.vector_load %arg7[%get3A_1196, %get3A_1197] {strides = array<i32>} : memref<128x64xf32, #tpu.memory_space<vmem>>, vector<1x16xf32>,
      %get3A_1199 = vector.shape_cast %get3A_1198 : vector<1x16xf32> to vector<16xf32>
      %get3A_1200 = arith.index_cast %scan3A_1182 : i32 to index
      %get3A_1201 = arith.constant 16 : index
      %get3A_1202 = tpu.vector_load %arg9[%get3A_1200, %get3A_1201] {strides = array<i32>} : memref<128x64xf32, #tpu.memory_space<vmem>>, vector<1x16xf32>,
      %get3A_1203 = vector.shape_cast %get3A_1202 : vector<1x16xf32> to vector<16xf32>
      %add3A_1204 = arith.addf %get3A_1199, %get3A_1203 : vector<16xf32>
      %swap3A_1205 = arith.index_cast %scan3A_1182 : i32 to index
      %swap3A_1206 = arith.constant 16 : index
      %swap3A_1207 = tpu.vector_load %arg7[%swap3A_1205, %swap3A_1206] {strides = array<i32>} : memref<128x64xf32, #tpu.memory_space<vmem>>, vector<1x16xf32>,
      %swap3A_1208 = vector.shape_cast %swap3A_1207 : vector<1x16xf32> to vector<16xf32>
      %swap3A_1209 = vector.shape_cast %add3A_1204 : vector<16xf32> to vector<1x16xf32>
      tpu.vector_store %arg7[%swap3A_1205, %swap3A_1206], %swap3A_1209 {strides = array<i32>} : memref<128x64xf32, #tpu.memory_space<vmem>>, vector<1x16xf32>,
      %get3A_1210 = arith.index_cast %scan3A_1182 : i32 to index
      %get3A_1211 = arith.constant 32 : index
      %get3A_1212 = tpu.vector_load %arg7[%get3A_1210, %get3A_1211] {strides = array<i32>} : memref<128x64xf32, #tpu.memory_space<vmem>>, vector<1x16xf32>,
      %get3A_1213 = vector.shape_cast %get3A_1212 : vector<1x16xf32> to vector<16xf32>
      %get3A_1214 = arith.index_cast %scan3A_1182 : i32 to index
      %get3A_1215 = arith.constant 32 : index
      %get3A_1216 = tpu.vector_load %arg9[%get3A_1214, %get3A_1215] {strides = array<i32>} : memref<128x64xf32, #tpu.memory_space<vmem>>, vector<1x16xf32>,
      %get3A_1217 = vector.shape_cast %get3A_1216 : vector<1x16xf32> to vector<16xf32>
      %add3A_1218 = arith.addf %get3A_1213, %get3A_1217 : vector<16xf32>
      %swap3A_1219 = arith.index_cast %scan3A_1182 : i32 to index
      %swap3A_1220 = arith.constant 32 : index
      %swap3A_1221 = tpu.vector_load %arg7[%swap3A_1219, %swap3A_1220] {strides = array<i32>} : memref<128x64xf32, #tpu.memory_space<vmem>>, vector<1x16xf32>,
      %swap3A_1222 = vector.shape_cast %swap3A_1221 : vector<1x16xf32> to vector<16xf32>
      %swap3A_1223 = vector.shape_cast %add3A_1218 : vector<16xf32> to vector<1x16xf32>
      tpu.vector_store %arg7[%swap3A_1219, %swap3A_1220], %swap3A_1223 {strides = array<i32>} : memref<128x64xf32, #tpu.memory_space<vmem>>, vector<1x16xf32>,
      %get3A_1224 = arith.index_cast %scan3A_1182 : i32 to index
      %get3A_1225 = arith.constant 48 : index
      %get3A_1226 = tpu.vector_load %arg7[%get3A_1224, %get3A_1225] {strides = array<i32>} : memref<128x64xf32, #tpu.memory_space<vmem>>, vector<1x16xf32>,
      %get3A_1227 = vector.shape_cast %get3A_1226 : vector<1x16xf32> to vector<16xf32>
      %get3A_1228 = arith.index_cast %scan3A_1182 : i32 to index
      %get3A_1229 = arith.constant 48 : index
      %get3A_1230 = tpu.vector_load %arg9[%get3A_1228, %get3A_1229] {strides = array<i32>} : memref<128x64xf32, #tpu.memory_space<vmem>>, vector<1x16xf32>,
      %get3A_1231 = vector.shape_cast %get3A_1230 : vector<1x16xf32> to vector<16xf32>
      %add3A_1232 = arith.addf %get3A_1227, %get3A_1231 : vector<16xf32>
      %swap3A_1233 = arith.index_cast %scan3A_1182 : i32 to index
      %swap3A_1234 = arith.constant 48 : index
      %swap3A_1235 = tpu.vector_load %arg7[%swap3A_1233, %swap3A_1234] {strides = array<i32>} : memref<128x64xf32, #tpu.memory_space<vmem>>, vector<1x16xf32>,
      %swap3A_1236 = vector.shape_cast %swap3A_1235 : vector<1x16xf32> to vector<16xf32>
      %swap3A_1237 = vector.shape_cast %add3A_1232 : vector<16xf32> to vector<1x16xf32>
      tpu.vector_store %arg7[%swap3A_1233, %swap3A_1234], %swap3A_1237 {strides = array<i32>} : memref<128x64xf32, #tpu.memory_space<vmem>>, vector<1x16xf32>,
      %scan3A_1238 = arith.constant 0 : i32
      scf.yield %scan3A_1238 : i32
    }
    %scan3A_750 = arith.constant 128 : i32
    %mul3A_751 = arith.constant 4096 : i32
    %mul3A_752 = arith.muli %add3A, %mul3A_751 : i32
    %add3A_753 = arith.constant 3200 : i32
    %add3A_754 = arith.addi %mul3A_752, %add3A_753 : i32
    %dma_wait3A_755 = arith.constant 0 : i32
    %dma_wait3A_756 = tpu.memref_slice %arg5[%add3A_754, %dma_wait3A_755] : memref<131072x64xf32, #tpu.memory_space<hbm>> -> memref<128x64xf32, #tpu.memory_space<hbm>>
    %dma_wait3A_757 = arith.constant 0 : i32
    %dma_wait3A_758 = tpu.memref_slice %arg5[%add3A_754, %dma_wait3A_757] : memref<131072x64xf32, #tpu.memory_space<hbm>> -> memref<128x64xf32, #tpu.memory_space<hbm>>
    tpu.wait_dma2 semaphore(%arg13 : memref<!tpu.dma_semaphore, #tpu.memory_space<semaphore_mem>>) src(%arg8 : memref<128x64xf32, #tpu.memory_space<vmem>>) dst(%dma_wait3A_758 : memref<128x64xf32, #tpu.memory_space<hbm>>)
    %dma_start3A_759 = arith.constant 26 : i32
    %dma_start3A_760 = arith.constant 0 : i32
    %dma_start3A_761 = tpu.memref_slice %arg6[%dma_start3A_759, %dma_start3A_760] : memref<32x128xi32, #tpu.memory_space<vmem>> -> memref<1x128xi32, #tpu.memory_space<vmem>>
    %dma_start3A_762 = tpu.memref_squeeze %dma_start3A_761 : memref<1x128xi32, #tpu.memory_space<vmem>> -> memref<128xi32, #tpu.memory_space<vmem>>
    %dma_start3A_763 = arith.constant 0 : i32
    %dma_start3A_764 = arith.constant 0 : i32
    %dma_start3A_765 = tpu.memref_slice %arg3[%dma_start3A_763, %dma_start3A_764] : memref<1000000x64xf32, #tpu.memory_space<hbm>> -> memref<1000000x64xf32, #tpu.memory_space<hbm>>
    tpu.enqueue_indirect_dma source(%dma_start3A_765 : memref<1000000x64xf32, #tpu.memory_space<hbm>>) target(%arg8 : memref<128x64xf32, #tpu.memory_space<vmem>>) offsets(%dma_start3A_762 : memref<128xi32, #tpu.memory_space<vmem>>) semaphore(%arg11 : memref<!tpu.dma_semaphore, #tpu.memory_space<semaphore_mem>>)
    %mul3A_766 = arith.constant 4096 : i32
    %mul3A_767 = arith.muli %add3A, %mul3A_766 : i32
    %add3A_768 = arith.constant 1280 : i32
    %add3A_769 = arith.addi %mul3A_767, %add3A_768 : i32
    %dma_start3A_770 = arith.constant 0 : i32
    %dma_start3A_771 = tpu.memref_slice %arg5[%add3A_769, %dma_start3A_770] : memref<131072x64xf32, #tpu.memory_space<hbm>> -> memref<128x64xf32, #tpu.memory_space<hbm>>
    %dma_start3A_772 = arith.constant 0 : i32
    %dma_start3A_773 = tpu.memref_slice %arg5[%add3A_769, %dma_start3A_772] : memref<131072x64xf32, #tpu.memory_space<hbm>> -> memref<128x64xf32, #tpu.memory_space<hbm>>
    tpu.enqueue_dma source(%arg7 : memref<128x64xf32, #tpu.memory_space<vmem>>) target(%dma_start3A_773 : memref<128x64xf32, #tpu.memory_space<hbm>>) target_semaphore(%arg12 : memref<!tpu.dma_semaphore, #tpu.memory_space<semaphore_mem>>)
    %dma_wait3A_774 = arith.constant 26 : i32
    %dma_wait3A_775 = arith.constant 0 : i32
    %dma_wait3A_776 = tpu.memref_slice %arg6[%dma_wait3A_774, %dma_wait3A_775] : memref<32x128xi32, #tpu.memory_space<vmem>> -> memref<1x128xi32, #tpu.memory_space<vmem>>
    %dma_wait3A_777 = tpu.memref_squeeze %dma_wait3A_776 : memref<1x128xi32, #tpu.memory_space<vmem>> -> memref<128xi32, #tpu.memory_space<vmem>>
    %dma_wait3A_778 = arith.constant 0 : i32
    %dma_wait3A_779 = arith.constant 0 : i32
    %dma_wait3A_780 = tpu.memref_slice %arg3[%dma_wait3A_778, %dma_wait3A_779] : memref<1000000x64xf32, #tpu.memory_space<hbm>> -> memref<1000000x64xf32, #tpu.memory_space<hbm>>
    tpu.wait_indirect_dma semaphore(%arg11 : memref<!tpu.dma_semaphore, #tpu.memory_space<semaphore_mem>>) src(%dma_wait3A_780 : memref<1000000x64xf32, #tpu.memory_space<hbm>>) dst(%arg8 : memref<128x64xf32, #tpu.memory_space<vmem>>)
    %scan3A_781 = arith.constant 0 : i32
    %scan3A_782 = arith.constant 0 : i32
    %scan3A_783 = arith.constant 128 : i32
    %scan3A_784 = arith.addi %scan3A_782, %scan3A_783 : i32
    %scan3A_785 = arith.constant 1 : i32
    %scan3A_786 = scf.for %scan3A_1182 = %scan3A_782 to %scan3A_784 step %scan3A_785 iter_args(%scan3A_1183 = %scan3A_781) -> (i32)  : i32 {
      %get3A = arith.index_cast %scan3A_1182 : i32 to index
      %get3A_1184 = arith.constant 0 : index
      %get3A_1185 = tpu.vector_load %arg8[%get3A, %get3A_1184] {strides = array<i32>} : memref<128x64xf32, #tpu.memory_space<vmem>>, vector<1x16xf32>,
      %get3A_1186 = vector.shape_cast %get3A_1185 : vector<1x16xf32> to vector<16xf32>
      %get3A_1187 = arith.index_cast %scan3A_1182 : i32 to index
      %get3A_1188 = arith.constant 0 : index
      %get3A_1189 = tpu.vector_load %arg9[%get3A_1187, %get3A_1188] {strides = array<i32>} : memref<128x64xf32, #tpu.memory_space<vmem>>, vector<1x16xf32>,
      %get3A_1190 = vector.shape_cast %get3A_1189 : vector<1x16xf32> to vector<16xf32>
      %add3A_1191 = arith.addf %get3A_1186, %get3A_1190 : vector<16xf32>
      %swap3A = arith.index_cast %scan3A_1182 : i32 to index
      %swap3A_1192 = arith.constant 0 : index
      %swap3A_1193 = tpu.vector_load %arg8[%swap3A, %swap3A_1192] {strides = array<i32>} : memref<128x64xf32, #tpu.memory_space<vmem>>, vector<1x16xf32>,
      %swap3A_1194 = vector.shape_cast %swap3A_1193 : vector<1x16xf32> to vector<16xf32>
      %swap3A_1195 = vector.shape_cast %add3A_1191 : vector<16xf32> to vector<1x16xf32>
      tpu.vector_store %arg8[%swap3A, %swap3A_1192], %swap3A_1195 {strides = array<i32>} : memref<128x64xf32, #tpu.memory_space<vmem>>, vector<1x16xf32>,
      %get3A_1196 = arith.index_cast %scan3A_1182 : i32 to index
      %get3A_1197 = arith.constant 16 : index
      %get3A_1198 = tpu.vector_load %arg8[%get3A_1196, %get3A_1197] {strides = array<i32>} : memref<128x64xf32, #tpu.memory_space<vmem>>, vector<1x16xf32>,
      %get3A_1199 = vector.shape_cast %get3A_1198 : vector<1x16xf32> to vector<16xf32>
      %get3A_1200 = arith.index_cast %scan3A_1182 : i32 to index
      %get3A_1201 = arith.constant 16 : index
      %get3A_1202 = tpu.vector_load %arg9[%get3A_1200, %get3A_1201] {strides = array<i32>} : memref<128x64xf32, #tpu.memory_space<vmem>>, vector<1x16xf32>,
      %get3A_1203 = vector.shape_cast %get3A_1202 : vector<1x16xf32> to vector<16xf32>
      %add3A_1204 = arith.addf %get3A_1199, %get3A_1203 : vector<16xf32>
      %swap3A_1205 = arith.index_cast %scan3A_1182 : i32 to index
      %swap3A_1206 = arith.constant 16 : index
      %swap3A_1207 = tpu.vector_load %arg8[%swap3A_1205, %swap3A_1206] {strides = array<i32>} : memref<128x64xf32, #tpu.memory_space<vmem>>, vector<1x16xf32>,
      %swap3A_1208 = vector.shape_cast %swap3A_1207 : vector<1x16xf32> to vector<16xf32>
      %swap3A_1209 = vector.shape_cast %add3A_1204 : vector<16xf32> to vector<1x16xf32>
      tpu.vector_store %arg8[%swap3A_1205, %swap3A_1206], %swap3A_1209 {strides = array<i32>} : memref<128x64xf32, #tpu.memory_space<vmem>>, vector<1x16xf32>,
      %get3A_1210 = arith.index_cast %scan3A_1182 : i32 to index
      %get3A_1211 = arith.constant 32 : index
      %get3A_1212 = tpu.vector_load %arg8[%get3A_1210, %get3A_1211] {strides = array<i32>} : memref<128x64xf32, #tpu.memory_space<vmem>>, vector<1x16xf32>,
      %get3A_1213 = vector.shape_cast %get3A_1212 : vector<1x16xf32> to vector<16xf32>
      %get3A_1214 = arith.index_cast %scan3A_1182 : i32 to index
      %get3A_1215 = arith.constant 32 : index
      %get3A_1216 = tpu.vector_load %arg9[%get3A_1214, %get3A_1215] {strides = array<i32>} : memref<128x64xf32, #tpu.memory_space<vmem>>, vector<1x16xf32>,
      %get3A_1217 = vector.shape_cast %get3A_1216 : vector<1x16xf32> to vector<16xf32>
      %add3A_1218 = arith.addf %get3A_1213, %get3A_1217 : vector<16xf32>
      %swap3A_1219 = arith.index_cast %scan3A_1182 : i32 to index
      %swap3A_1220 = arith.constant 32 : index
      %swap3A_1221 = tpu.vector_load %arg8[%swap3A_1219, %swap3A_1220] {strides = array<i32>} : memref<128x64xf32, #tpu.memory_space<vmem>>, vector<1x16xf32>,
      %swap3A_1222 = vector.shape_cast %swap3A_1221 : vector<1x16xf32> to vector<16xf32>
      %swap3A_1223 = vector.shape_cast %add3A_1218 : vector<16xf32> to vector<1x16xf32>
      tpu.vector_store %arg8[%swap3A_1219, %swap3A_1220], %swap3A_1223 {strides = array<i32>} : memref<128x64xf32, #tpu.memory_space<vmem>>, vector<1x16xf32>,
      %get3A_1224 = arith.index_cast %scan3A_1182 : i32 to index
      %get3A_1225 = arith.constant 48 : index
      %get3A_1226 = tpu.vector_load %arg8[%get3A_1224, %get3A_1225] {strides = array<i32>} : memref<128x64xf32, #tpu.memory_space<vmem>>, vector<1x16xf32>,
      %get3A_1227 = vector.shape_cast %get3A_1226 : vector<1x16xf32> to vector<16xf32>
      %get3A_1228 = arith.index_cast %scan3A_1182 : i32 to index
      %get3A_1229 = arith.constant 48 : index
      %get3A_1230 = tpu.vector_load %arg9[%get3A_1228, %get3A_1229] {strides = array<i32>} : memref<128x64xf32, #tpu.memory_space<vmem>>, vector<1x16xf32>,
      %get3A_1231 = vector.shape_cast %get3A_1230 : vector<1x16xf32> to vector<16xf32>
      %add3A_1232 = arith.addf %get3A_1227, %get3A_1231 : vector<16xf32>
      %swap3A_1233 = arith.index_cast %scan3A_1182 : i32 to index
      %swap3A_1234 = arith.constant 48 : index
      %swap3A_1235 = tpu.vector_load %arg8[%swap3A_1233, %swap3A_1234] {strides = array<i32>} : memref<128x64xf32, #tpu.memory_space<vmem>>, vector<1x16xf32>,
      %swap3A_1236 = vector.shape_cast %swap3A_1235 : vector<1x16xf32> to vector<16xf32>
      %swap3A_1237 = vector.shape_cast %add3A_1232 : vector<16xf32> to vector<1x16xf32>
      tpu.vector_store %arg8[%swap3A_1233, %swap3A_1234], %swap3A_1237 {strides = array<i32>} : memref<128x64xf32, #tpu.memory_space<vmem>>, vector<1x16xf32>,
      %scan3A_1238 = arith.constant 0 : i32
      scf.yield %scan3A_1238 : i32
    }
    %scan3A_787 = arith.constant 128 : i32
    %mul3A_788 = arith.constant 4096 : i32
    %mul3A_789 = arith.muli %add3A, %mul3A_788 : i32
    %add3A_790 = arith.constant 1280 : i32
    %add3A_791 = arith.addi %mul3A_789, %add3A_790 : i32
    %dma_wait3A_792 = arith.constant 0 : i32
    %dma_wait3A_793 = tpu.memref_slice %arg5[%add3A_791, %dma_wait3A_792] : memref<131072x64xf32, #tpu.memory_space<hbm>> -> memref<128x64xf32, #tpu.memory_space<hbm>>
    %dma_wait3A_794 = arith.constant 0 : i32
    %dma_wait3A_795 = tpu.memref_slice %arg5[%add3A_791, %dma_wait3A_794] : memref<131072x64xf32, #tpu.memory_space<hbm>> -> memref<128x64xf32, #tpu.memory_space<hbm>>
    tpu.wait_dma2 semaphore(%arg12 : memref<!tpu.dma_semaphore, #tpu.memory_space<semaphore_mem>>) src(%arg7 : memref<128x64xf32, #tpu.memory_space<vmem>>) dst(%dma_wait3A_795 : memref<128x64xf32, #tpu.memory_space<hbm>>)
    %dma_start3A_796 = arith.constant 11 : i32
    %dma_start3A_797 = arith.constant 0 : i32
    %dma_start3A_798 = tpu.memref_slice %arg6[%dma_start3A_796, %dma_start3A_797] : memref<32x128xi32, #tpu.memory_space<vmem>> -> memref<1x128xi32, #tpu.memory_space<vmem>>
    %dma_start3A_799 = tpu.memref_squeeze %dma_start3A_798 : memref<1x128xi32, #tpu.memory_space<vmem>> -> memref<128xi32, #tpu.memory_space<vmem>>
    %dma_start3A_800 = arith.constant 0 : i32
    %dma_start3A_801 = arith.constant 0 : i32
    %dma_start3A_802 = tpu.memref_slice %arg3[%dma_start3A_800, %dma_start3A_801] : memref<1000000x64xf32, #tpu.memory_space<hbm>> -> memref<1000000x64xf32, #tpu.memory_space<hbm>>
    tpu.enqueue_indirect_dma source(%dma_start3A_802 : memref<1000000x64xf32, #tpu.memory_space<hbm>>) target(%arg7 : memref<128x64xf32, #tpu.memory_space<vmem>>) offsets(%dma_start3A_799 : memref<128xi32, #tpu.memory_space<vmem>>) semaphore(%arg10 : memref<!tpu.dma_semaphore, #tpu.memory_space<semaphore_mem>>)
    %mul3A_803 = arith.constant 4096 : i32
    %mul3A_804 = arith.muli %add3A, %mul3A_803 : i32
    %add3A_805 = arith.constant 3328 : i32
    %add3A_806 = arith.addi %mul3A_804, %add3A_805 : i32
    %dma_start3A_807 = arith.constant 0 : i32
    %dma_start3A_808 = tpu.memref_slice %arg5[%add3A_806, %dma_start3A_807] : memref<131072x64xf32, #tpu.memory_space<hbm>> -> memref<128x64xf32, #tpu.memory_space<hbm>>
    %dma_start3A_809 = arith.constant 0 : i32
    %dma_start3A_810 = tpu.memref_slice %arg5[%add3A_806, %dma_start3A_809] : memref<131072x64xf32, #tpu.memory_space<hbm>> -> memref<128x64xf32, #tpu.memory_space<hbm>>
    tpu.enqueue_dma source(%arg8 : memref<128x64xf32, #tpu.memory_space<vmem>>) target(%dma_start3A_810 : memref<128x64xf32, #tpu.memory_space<hbm>>) target_semaphore(%arg13 : memref<!tpu.dma_semaphore, #tpu.memory_space<semaphore_mem>>)
    %dma_wait3A_811 = arith.constant 11 : i32
    %dma_wait3A_812 = arith.constant 0 : i32
    %dma_wait3A_813 = tpu.memref_slice %arg6[%dma_wait3A_811, %dma_wait3A_812] : memref<32x128xi32, #tpu.memory_space<vmem>> -> memref<1x128xi32, #tpu.memory_space<vmem>>
    %dma_wait3A_814 = tpu.memref_squeeze %dma_wait3A_813 : memref<1x128xi32, #tpu.memory_space<vmem>> -> memref<128xi32, #tpu.memory_space<vmem>>
    %dma_wait3A_815 = arith.constant 0 : i32
    %dma_wait3A_816 = arith.constant 0 : i32
    %dma_wait3A_817 = tpu.memref_slice %arg3[%dma_wait3A_815, %dma_wait3A_816] : memref<1000000x64xf32, #tpu.memory_space<hbm>> -> memref<1000000x64xf32, #tpu.memory_space<hbm>>
    tpu.wait_indirect_dma semaphore(%arg10 : memref<!tpu.dma_semaphore, #tpu.memory_space<semaphore_mem>>) src(%dma_wait3A_817 : memref<1000000x64xf32, #tpu.memory_space<hbm>>) dst(%arg7 : memref<128x64xf32, #tpu.memory_space<vmem>>)
    "tpu.region"() ({
      %run_scoped3A = tpu.sem_alloc : memref<!tpu.dma_semaphore, #tpu.memory_space<semaphore_mem>>
      %dma_start3A_1182 = arith.constant 1408 : i32
      %dma_start3A_1183 = arith.constant 0 : i32
      %dma_start3A_1184 = tpu.memref_slice %arg4[%dma_start3A_1182, %dma_start3A_1183] : memref<2048x64xf32, #tpu.memory_space<hbm>> -> memref<128x64xf32, #tpu.memory_space<hbm>>
      %dma_start3A_1185 = arith.constant 1408 : i32
      %dma_start3A_1186 = arith.constant 0 : i32
      %dma_start3A_1187 = tpu.memref_slice %arg4[%dma_start3A_1185, %dma_start3A_1186] : memref<2048x64xf32, #tpu.memory_space<hbm>> -> memref<128x64xf32, #tpu.memory_space<hbm>>
      tpu.enqueue_dma source(%dma_start3A_1187 : memref<128x64xf32, #tpu.memory_space<hbm>>) target(%arg9 : memref<128x64xf32, #tpu.memory_space<vmem>>) target_semaphore(%run_scoped3A : memref<!tpu.dma_semaphore, #tpu.memory_space<semaphore_mem>>)
      %dma_wait3A_1188 = arith.constant 1408 : i32
      %dma_wait3A_1189 = arith.constant 0 : i32
      %dma_wait3A_1190 = tpu.memref_slice %arg4[%dma_wait3A_1188, %dma_wait3A_1189] : memref<2048x64xf32, #tpu.memory_space<hbm>> -> memref<128x64xf32, #tpu.memory_space<hbm>>
      %dma_wait3A_1191 = arith.constant 1408 : i32
      %dma_wait3A_1192 = arith.constant 0 : i32
      %dma_wait3A_1193 = tpu.memref_slice %arg4[%dma_wait3A_1191, %dma_wait3A_1192] : memref<2048x64xf32, #tpu.memory_space<hbm>> -> memref<128x64xf32, #tpu.memory_space<hbm>>
      tpu.wait_dma2 semaphore(%run_scoped3A : memref<!tpu.dma_semaphore, #tpu.memory_space<semaphore_mem>>) src(%dma_wait3A_1193 : memref<128x64xf32, #tpu.memory_space<hbm>>) dst(%arg9 : memref<128x64xf32, #tpu.memory_space<vmem>>)
      tpu.yield
    }) : () -> ()
    %scan3A_818 = arith.constant 0 : i32
    %scan3A_819 = arith.constant 0 : i32
    %scan3A_820 = arith.constant 128 : i32
    %scan3A_821 = arith.addi %scan3A_819, %scan3A_820 : i32
    %scan3A_822 = arith.constant 1 : i32
    %scan3A_823 = scf.for %scan3A_1182 = %scan3A_819 to %scan3A_821 step %scan3A_822 iter_args(%scan3A_1183 = %scan3A_818) -> (i32)  : i32 {
      %get3A = arith.index_cast %scan3A_1182 : i32 to index
      %get3A_1184 = arith.constant 0 : index
      %get3A_1185 = tpu.vector_load %arg7[%get3A, %get3A_1184] {strides = array<i32>} : memref<128x64xf32, #tpu.memory_space<vmem>>, vector<1x16xf32>,
      %get3A_1186 = vector.shape_cast %get3A_1185 : vector<1x16xf32> to vector<16xf32>
      %get3A_1187 = arith.index_cast %scan3A_1182 : i32 to index
      %get3A_1188 = arith.constant 0 : index
      %get3A_1189 = tpu.vector_load %arg9[%get3A_1187, %get3A_1188] {strides = array<i32>} : memref<128x64xf32, #tpu.memory_space<vmem>>, vector<1x16xf32>,
      %get3A_1190 = vector.shape_cast %get3A_1189 : vector<1x16xf32> to vector<16xf32>
      %add3A_1191 = arith.addf %get3A_1186, %get3A_1190 : vector<16xf32>
      %swap3A = arith.index_cast %scan3A_1182 : i32 to index
      %swap3A_1192 = arith.constant 0 : index
      %swap3A_1193 = tpu.vector_load %arg7[%swap3A, %swap3A_1192] {strides = array<i32>} : memref<128x64xf32, #tpu.memory_space<vmem>>, vector<1x16xf32>,
      %swap3A_1194 = vector.shape_cast %swap3A_1193 : vector<1x16xf32> to vector<16xf32>
      %swap3A_1195 = vector.shape_cast %add3A_1191 : vector<16xf32> to vector<1x16xf32>
      tpu.vector_store %arg7[%swap3A, %swap3A_1192], %swap3A_1195 {strides = array<i32>} : memref<128x64xf32, #tpu.memory_space<vmem>>, vector<1x16xf32>,
      %get3A_1196 = arith.index_cast %scan3A_1182 : i32 to index
      %get3A_1197 = arith.constant 16 : index
      %get3A_1198 = tpu.vector_load %arg7[%get3A_1196, %get3A_1197] {strides = array<i32>} : memref<128x64xf32, #tpu.memory_space<vmem>>, vector<1x16xf32>,
      %get3A_1199 = vector.shape_cast %get3A_1198 : vector<1x16xf32> to vector<16xf32>
      %get3A_1200 = arith.index_cast %scan3A_1182 : i32 to index
      %get3A_1201 = arith.constant 16 : index
      %get3A_1202 = tpu.vector_load %arg9[%get3A_1200, %get3A_1201] {strides = array<i32>} : memref<128x64xf32, #tpu.memory_space<vmem>>, vector<1x16xf32>,
      %get3A_1203 = vector.shape_cast %get3A_1202 : vector<1x16xf32> to vector<16xf32>
      %add3A_1204 = arith.addf %get3A_1199, %get3A_1203 : vector<16xf32>
      %swap3A_1205 = arith.index_cast %scan3A_1182 : i32 to index
      %swap3A_1206 = arith.constant 16 : index
      %swap3A_1207 = tpu.vector_load %arg7[%swap3A_1205, %swap3A_1206] {strides = array<i32>} : memref<128x64xf32, #tpu.memory_space<vmem>>, vector<1x16xf32>,
      %swap3A_1208 = vector.shape_cast %swap3A_1207 : vector<1x16xf32> to vector<16xf32>
      %swap3A_1209 = vector.shape_cast %add3A_1204 : vector<16xf32> to vector<1x16xf32>
      tpu.vector_store %arg7[%swap3A_1205, %swap3A_1206], %swap3A_1209 {strides = array<i32>} : memref<128x64xf32, #tpu.memory_space<vmem>>, vector<1x16xf32>,
      %get3A_1210 = arith.index_cast %scan3A_1182 : i32 to index
      %get3A_1211 = arith.constant 32 : index
      %get3A_1212 = tpu.vector_load %arg7[%get3A_1210, %get3A_1211] {strides = array<i32>} : memref<128x64xf32, #tpu.memory_space<vmem>>, vector<1x16xf32>,
      %get3A_1213 = vector.shape_cast %get3A_1212 : vector<1x16xf32> to vector<16xf32>
      %get3A_1214 = arith.index_cast %scan3A_1182 : i32 to index
      %get3A_1215 = arith.constant 32 : index
      %get3A_1216 = tpu.vector_load %arg9[%get3A_1214, %get3A_1215] {strides = array<i32>} : memref<128x64xf32, #tpu.memory_space<vmem>>, vector<1x16xf32>,
      %get3A_1217 = vector.shape_cast %get3A_1216 : vector<1x16xf32> to vector<16xf32>
      %add3A_1218 = arith.addf %get3A_1213, %get3A_1217 : vector<16xf32>
      %swap3A_1219 = arith.index_cast %scan3A_1182 : i32 to index
      %swap3A_1220 = arith.constant 32 : index
      %swap3A_1221 = tpu.vector_load %arg7[%swap3A_1219, %swap3A_1220] {strides = array<i32>} : memref<128x64xf32, #tpu.memory_space<vmem>>, vector<1x16xf32>,
      %swap3A_1222 = vector.shape_cast %swap3A_1221 : vector<1x16xf32> to vector<16xf32>
      %swap3A_1223 = vector.shape_cast %add3A_1218 : vector<16xf32> to vector<1x16xf32>
      tpu.vector_store %arg7[%swap3A_1219, %swap3A_1220], %swap3A_1223 {strides = array<i32>} : memref<128x64xf32, #tpu.memory_space<vmem>>, vector<1x16xf32>,
      %get3A_1224 = arith.index_cast %scan3A_1182 : i32 to index
      %get3A_1225 = arith.constant 48 : index
      %get3A_1226 = tpu.vector_load %arg7[%get3A_1224, %get3A_1225] {strides = array<i32>} : memref<128x64xf32, #tpu.memory_space<vmem>>, vector<1x16xf32>,
      %get3A_1227 = vector.shape_cast %get3A_1226 : vector<1x16xf32> to vector<16xf32>
      %get3A_1228 = arith.index_cast %scan3A_1182 : i32 to index
      %get3A_1229 = arith.constant 48 : index
      %get3A_1230 = tpu.vector_load %arg9[%get3A_1228, %get3A_1229] {strides = array<i32>} : memref<128x64xf32, #tpu.memory_space<vmem>>, vector<1x16xf32>,
      %get3A_1231 = vector.shape_cast %get3A_1230 : vector<1x16xf32> to vector<16xf32>
      %add3A_1232 = arith.addf %get3A_1227, %get3A_1231 : vector<16xf32>
      %swap3A_1233 = arith.index_cast %scan3A_1182 : i32 to index
      %swap3A_1234 = arith.constant 48 : index
      %swap3A_1235 = tpu.vector_load %arg7[%swap3A_1233, %swap3A_1234] {strides = array<i32>} : memref<128x64xf32, #tpu.memory_space<vmem>>, vector<1x16xf32>,
      %swap3A_1236 = vector.shape_cast %swap3A_1235 : vector<1x16xf32> to vector<16xf32>
      %swap3A_1237 = vector.shape_cast %add3A_1232 : vector<16xf32> to vector<1x16xf32>
      tpu.vector_store %arg7[%swap3A_1233, %swap3A_1234], %swap3A_1237 {strides = array<i32>} : memref<128x64xf32, #tpu.memory_space<vmem>>, vector<1x16xf32>,
      %scan3A_1238 = arith.constant 0 : i32
      scf.yield %scan3A_1238 : i32
    }
    %scan3A_824 = arith.constant 128 : i32
    %mul3A_825 = arith.constant 4096 : i32
    %mul3A_826 = arith.muli %add3A, %mul3A_825 : i32
    %add3A_827 = arith.constant 3328 : i32
    %add3A_828 = arith.addi %mul3A_826, %add3A_827 : i32
    %dma_wait3A_829 = arith.constant 0 : i32
    %dma_wait3A_830 = tpu.memref_slice %arg5[%add3A_828, %dma_wait3A_829] : memref<131072x64xf32, #tpu.memory_space<hbm>> -> memref<128x64xf32, #tpu.memory_space<hbm>>
    %dma_wait3A_831 = arith.constant 0 : i32
    %dma_wait3A_832 = tpu.memref_slice %arg5[%add3A_828, %dma_wait3A_831] : memref<131072x64xf32, #tpu.memory_space<hbm>> -> memref<128x64xf32, #tpu.memory_space<hbm>>
    tpu.wait_dma2 semaphore(%arg13 : memref<!tpu.dma_semaphore, #tpu.memory_space<semaphore_mem>>) src(%arg8 : memref<128x64xf32, #tpu.memory_space<vmem>>) dst(%dma_wait3A_832 : memref<128x64xf32, #tpu.memory_space<hbm>>)
    %dma_start3A_833 = arith.constant 27 : i32
    %dma_start3A_834 = arith.constant 0 : i32
    %dma_start3A_835 = tpu.memref_slice %arg6[%dma_start3A_833, %dma_start3A_834] : memref<32x128xi32, #tpu.memory_space<vmem>> -> memref<1x128xi32, #tpu.memory_space<vmem>>
    %dma_start3A_836 = tpu.memref_squeeze %dma_start3A_835 : memref<1x128xi32, #tpu.memory_space<vmem>> -> memref<128xi32, #tpu.memory_space<vmem>>
    %dma_start3A_837 = arith.constant 0 : i32
    %dma_start3A_838 = arith.constant 0 : i32
    %dma_start3A_839 = tpu.memref_slice %arg3[%dma_start3A_837, %dma_start3A_838] : memref<1000000x64xf32, #tpu.memory_space<hbm>> -> memref<1000000x64xf32, #tpu.memory_space<hbm>>
    tpu.enqueue_indirect_dma source(%dma_start3A_839 : memref<1000000x64xf32, #tpu.memory_space<hbm>>) target(%arg8 : memref<128x64xf32, #tpu.memory_space<vmem>>) offsets(%dma_start3A_836 : memref<128xi32, #tpu.memory_space<vmem>>) semaphore(%arg11 : memref<!tpu.dma_semaphore, #tpu.memory_space<semaphore_mem>>)
    %mul3A_840 = arith.constant 4096 : i32
    %mul3A_841 = arith.muli %add3A, %mul3A_840 : i32
    %add3A_842 = arith.constant 1408 : i32
    %add3A_843 = arith.addi %mul3A_841, %add3A_842 : i32
    %dma_start3A_844 = arith.constant 0 : i32
    %dma_start3A_845 = tpu.memref_slice %arg5[%add3A_843, %dma_start3A_844] : memref<131072x64xf32, #tpu.memory_space<hbm>> -> memref<128x64xf32, #tpu.memory_space<hbm>>
    %dma_start3A_846 = arith.constant 0 : i32
    %dma_start3A_847 = tpu.memref_slice %arg5[%add3A_843, %dma_start3A_846] : memref<131072x64xf32, #tpu.memory_space<hbm>> -> memref<128x64xf32, #tpu.memory_space<hbm>>
    tpu.enqueue_dma source(%arg7 : memref<128x64xf32, #tpu.memory_space<vmem>>) target(%dma_start3A_847 : memref<128x64xf32, #tpu.memory_space<hbm>>) target_semaphore(%arg12 : memref<!tpu.dma_semaphore, #tpu.memory_space<semaphore_mem>>)
    %dma_wait3A_848 = arith.constant 27 : i32
    %dma_wait3A_849 = arith.constant 0 : i32
    %dma_wait3A_850 = tpu.memref_slice %arg6[%dma_wait3A_848, %dma_wait3A_849] : memref<32x128xi32, #tpu.memory_space<vmem>> -> memref<1x128xi32, #tpu.memory_space<vmem>>
    %dma_wait3A_851 = tpu.memref_squeeze %dma_wait3A_850 : memref<1x128xi32, #tpu.memory_space<vmem>> -> memref<128xi32, #tpu.memory_space<vmem>>
    %dma_wait3A_852 = arith.constant 0 : i32
    %dma_wait3A_853 = arith.constant 0 : i32
    %dma_wait3A_854 = tpu.memref_slice %arg3[%dma_wait3A_852, %dma_wait3A_853] : memref<1000000x64xf32, #tpu.memory_space<hbm>> -> memref<1000000x64xf32, #tpu.memory_space<hbm>>
    tpu.wait_indirect_dma semaphore(%arg11 : memref<!tpu.dma_semaphore, #tpu.memory_space<semaphore_mem>>) src(%dma_wait3A_854 : memref<1000000x64xf32, #tpu.memory_space<hbm>>) dst(%arg8 : memref<128x64xf32, #tpu.memory_space<vmem>>)
    %scan3A_855 = arith.constant 0 : i32
    %scan3A_856 = arith.constant 0 : i32
    %scan3A_857 = arith.constant 128 : i32
    %scan3A_858 = arith.addi %scan3A_856, %scan3A_857 : i32
    %scan3A_859 = arith.constant 1 : i32
    %scan3A_860 = scf.for %scan3A_1182 = %scan3A_856 to %scan3A_858 step %scan3A_859 iter_args(%scan3A_1183 = %scan3A_855) -> (i32)  : i32 {
      %get3A = arith.index_cast %scan3A_1182 : i32 to index
      %get3A_1184 = arith.constant 0 : index
      %get3A_1185 = tpu.vector_load %arg8[%get3A, %get3A_1184] {strides = array<i32>} : memref<128x64xf32, #tpu.memory_space<vmem>>, vector<1x16xf32>,
      %get3A_1186 = vector.shape_cast %get3A_1185 : vector<1x16xf32> to vector<16xf32>
      %get3A_1187 = arith.index_cast %scan3A_1182 : i32 to index
      %get3A_1188 = arith.constant 0 : index
      %get3A_1189 = tpu.vector_load %arg9[%get3A_1187, %get3A_1188] {strides = array<i32>} : memref<128x64xf32, #tpu.memory_space<vmem>>, vector<1x16xf32>,
      %get3A_1190 = vector.shape_cast %get3A_1189 : vector<1x16xf32> to vector<16xf32>
      %add3A_1191 = arith.addf %get3A_1186, %get3A_1190 : vector<16xf32>
      %swap3A = arith.index_cast %scan3A_1182 : i32 to index
      %swap3A_1192 = arith.constant 0 : index
      %swap3A_1193 = tpu.vector_load %arg8[%swap3A, %swap3A_1192] {strides = array<i32>} : memref<128x64xf32, #tpu.memory_space<vmem>>, vector<1x16xf32>,
      %swap3A_1194 = vector.shape_cast %swap3A_1193 : vector<1x16xf32> to vector<16xf32>
      %swap3A_1195 = vector.shape_cast %add3A_1191 : vector<16xf32> to vector<1x16xf32>
      tpu.vector_store %arg8[%swap3A, %swap3A_1192], %swap3A_1195 {strides = array<i32>} : memref<128x64xf32, #tpu.memory_space<vmem>>, vector<1x16xf32>,
      %get3A_1196 = arith.index_cast %scan3A_1182 : i32 to index
      %get3A_1197 = arith.constant 16 : index
      %get3A_1198 = tpu.vector_load %arg8[%get3A_1196, %get3A_1197] {strides = array<i32>} : memref<128x64xf32, #tpu.memory_space<vmem>>, vector<1x16xf32>,
      %get3A_1199 = vector.shape_cast %get3A_1198 : vector<1x16xf32> to vector<16xf32>
      %get3A_1200 = arith.index_cast %scan3A_1182 : i32 to index
      %get3A_1201 = arith.constant 16 : index
      %get3A_1202 = tpu.vector_load %arg9[%get3A_1200, %get3A_1201] {strides = array<i32>} : memref<128x64xf32, #tpu.memory_space<vmem>>, vector<1x16xf32>,
      %get3A_1203 = vector.shape_cast %get3A_1202 : vector<1x16xf32> to vector<16xf32>
      %add3A_1204 = arith.addf %get3A_1199, %get3A_1203 : vector<16xf32>
      %swap3A_1205 = arith.index_cast %scan3A_1182 : i32 to index
      %swap3A_1206 = arith.constant 16 : index
      %swap3A_1207 = tpu.vector_load %arg8[%swap3A_1205, %swap3A_1206] {strides = array<i32>} : memref<128x64xf32, #tpu.memory_space<vmem>>, vector<1x16xf32>,
      %swap3A_1208 = vector.shape_cast %swap3A_1207 : vector<1x16xf32> to vector<16xf32>
      %swap3A_1209 = vector.shape_cast %add3A_1204 : vector<16xf32> to vector<1x16xf32>
      tpu.vector_store %arg8[%swap3A_1205, %swap3A_1206], %swap3A_1209 {strides = array<i32>} : memref<128x64xf32, #tpu.memory_space<vmem>>, vector<1x16xf32>,
      %get3A_1210 = arith.index_cast %scan3A_1182 : i32 to index
      %get3A_1211 = arith.constant 32 : index
      %get3A_1212 = tpu.vector_load %arg8[%get3A_1210, %get3A_1211] {strides = array<i32>} : memref<128x64xf32, #tpu.memory_space<vmem>>, vector<1x16xf32>,
      %get3A_1213 = vector.shape_cast %get3A_1212 : vector<1x16xf32> to vector<16xf32>
      %get3A_1214 = arith.index_cast %scan3A_1182 : i32 to index
      %get3A_1215 = arith.constant 32 : index
      %get3A_1216 = tpu.vector_load %arg9[%get3A_1214, %get3A_1215] {strides = array<i32>} : memref<128x64xf32, #tpu.memory_space<vmem>>, vector<1x16xf32>,
      %get3A_1217 = vector.shape_cast %get3A_1216 : vector<1x16xf32> to vector<16xf32>
      %add3A_1218 = arith.addf %get3A_1213, %get3A_1217 : vector<16xf32>
      %swap3A_1219 = arith.index_cast %scan3A_1182 : i32 to index
      %swap3A_1220 = arith.constant 32 : index
      %swap3A_1221 = tpu.vector_load %arg8[%swap3A_1219, %swap3A_1220] {strides = array<i32>} : memref<128x64xf32, #tpu.memory_space<vmem>>, vector<1x16xf32>,
      %swap3A_1222 = vector.shape_cast %swap3A_1221 : vector<1x16xf32> to vector<16xf32>
      %swap3A_1223 = vector.shape_cast %add3A_1218 : vector<16xf32> to vector<1x16xf32>
      tpu.vector_store %arg8[%swap3A_1219, %swap3A_1220], %swap3A_1223 {strides = array<i32>} : memref<128x64xf32, #tpu.memory_space<vmem>>, vector<1x16xf32>,
      %get3A_1224 = arith.index_cast %scan3A_1182 : i32 to index
      %get3A_1225 = arith.constant 48 : index
      %get3A_1226 = tpu.vector_load %arg8[%get3A_1224, %get3A_1225] {strides = array<i32>} : memref<128x64xf32, #tpu.memory_space<vmem>>, vector<1x16xf32>,
      %get3A_1227 = vector.shape_cast %get3A_1226 : vector<1x16xf32> to vector<16xf32>
      %get3A_1228 = arith.index_cast %scan3A_1182 : i32 to index
      %get3A_1229 = arith.constant 48 : index
      %get3A_1230 = tpu.vector_load %arg9[%get3A_1228, %get3A_1229] {strides = array<i32>} : memref<128x64xf32, #tpu.memory_space<vmem>>, vector<1x16xf32>,
      %get3A_1231 = vector.shape_cast %get3A_1230 : vector<1x16xf32> to vector<16xf32>
      %add3A_1232 = arith.addf %get3A_1227, %get3A_1231 : vector<16xf32>
      %swap3A_1233 = arith.index_cast %scan3A_1182 : i32 to index
      %swap3A_1234 = arith.constant 48 : index
      %swap3A_1235 = tpu.vector_load %arg8[%swap3A_1233, %swap3A_1234] {strides = array<i32>} : memref<128x64xf32, #tpu.memory_space<vmem>>, vector<1x16xf32>,
      %swap3A_1236 = vector.shape_cast %swap3A_1235 : vector<1x16xf32> to vector<16xf32>
      %swap3A_1237 = vector.shape_cast %add3A_1232 : vector<16xf32> to vector<1x16xf32>
      tpu.vector_store %arg8[%swap3A_1233, %swap3A_1234], %swap3A_1237 {strides = array<i32>} : memref<128x64xf32, #tpu.memory_space<vmem>>, vector<1x16xf32>,
      %scan3A_1238 = arith.constant 0 : i32
      scf.yield %scan3A_1238 : i32
    }
    %scan3A_861 = arith.constant 128 : i32
    %mul3A_862 = arith.constant 4096 : i32
    %mul3A_863 = arith.muli %add3A, %mul3A_862 : i32
    %add3A_864 = arith.constant 1408 : i32
    %add3A_865 = arith.addi %mul3A_863, %add3A_864 : i32
    %dma_wait3A_866 = arith.constant 0 : i32
    %dma_wait3A_867 = tpu.memref_slice %arg5[%add3A_865, %dma_wait3A_866] : memref<131072x64xf32, #tpu.memory_space<hbm>> -> memref<128x64xf32, #tpu.memory_space<hbm>>
    %dma_wait3A_868 = arith.constant 0 : i32
    %dma_wait3A_869 = tpu.memref_slice %arg5[%add3A_865, %dma_wait3A_868] : memref<131072x64xf32, #tpu.memory_space<hbm>> -> memref<128x64xf32, #tpu.memory_space<hbm>>
    tpu.wait_dma2 semaphore(%arg12 : memref<!tpu.dma_semaphore, #tpu.memory_space<semaphore_mem>>) src(%arg7 : memref<128x64xf32, #tpu.memory_space<vmem>>) dst(%dma_wait3A_869 : memref<128x64xf32, #tpu.memory_space<hbm>>)
    %dma_start3A_870 = arith.constant 12 : i32
    %dma_start3A_871 = arith.constant 0 : i32
    %dma_start3A_872 = tpu.memref_slice %arg6[%dma_start3A_870, %dma_start3A_871] : memref<32x128xi32, #tpu.memory_space<vmem>> -> memref<1x128xi32, #tpu.memory_space<vmem>>
    %dma_start3A_873 = tpu.memref_squeeze %dma_start3A_872 : memref<1x128xi32, #tpu.memory_space<vmem>> -> memref<128xi32, #tpu.memory_space<vmem>>
    %dma_start3A_874 = arith.constant 0 : i32
    %dma_start3A_875 = arith.constant 0 : i32
    %dma_start3A_876 = tpu.memref_slice %arg3[%dma_start3A_874, %dma_start3A_875] : memref<1000000x64xf32, #tpu.memory_space<hbm>> -> memref<1000000x64xf32, #tpu.memory_space<hbm>>
    tpu.enqueue_indirect_dma source(%dma_start3A_876 : memref<1000000x64xf32, #tpu.memory_space<hbm>>) target(%arg7 : memref<128x64xf32, #tpu.memory_space<vmem>>) offsets(%dma_start3A_873 : memref<128xi32, #tpu.memory_space<vmem>>) semaphore(%arg10 : memref<!tpu.dma_semaphore, #tpu.memory_space<semaphore_mem>>)
    %mul3A_877 = arith.constant 4096 : i32
    %mul3A_878 = arith.muli %add3A, %mul3A_877 : i32
    %add3A_879 = arith.constant 3456 : i32
    %add3A_880 = arith.addi %mul3A_878, %add3A_879 : i32
    %dma_start3A_881 = arith.constant 0 : i32
    %dma_start3A_882 = tpu.memref_slice %arg5[%add3A_880, %dma_start3A_881] : memref<131072x64xf32, #tpu.memory_space<hbm>> -> memref<128x64xf32, #tpu.memory_space<hbm>>
    %dma_start3A_883 = arith.constant 0 : i32
    %dma_start3A_884 = tpu.memref_slice %arg5[%add3A_880, %dma_start3A_883] : memref<131072x64xf32, #tpu.memory_space<hbm>> -> memref<128x64xf32, #tpu.memory_space<hbm>>
    tpu.enqueue_dma source(%arg8 : memref<128x64xf32, #tpu.memory_space<vmem>>) target(%dma_start3A_884 : memref<128x64xf32, #tpu.memory_space<hbm>>) target_semaphore(%arg13 : memref<!tpu.dma_semaphore, #tpu.memory_space<semaphore_mem>>)
    %dma_wait3A_885 = arith.constant 12 : i32
    %dma_wait3A_886 = arith.constant 0 : i32
    %dma_wait3A_887 = tpu.memref_slice %arg6[%dma_wait3A_885, %dma_wait3A_886] : memref<32x128xi32, #tpu.memory_space<vmem>> -> memref<1x128xi32, #tpu.memory_space<vmem>>
    %dma_wait3A_888 = tpu.memref_squeeze %dma_wait3A_887 : memref<1x128xi32, #tpu.memory_space<vmem>> -> memref<128xi32, #tpu.memory_space<vmem>>
    %dma_wait3A_889 = arith.constant 0 : i32
    %dma_wait3A_890 = arith.constant 0 : i32
    %dma_wait3A_891 = tpu.memref_slice %arg3[%dma_wait3A_889, %dma_wait3A_890] : memref<1000000x64xf32, #tpu.memory_space<hbm>> -> memref<1000000x64xf32, #tpu.memory_space<hbm>>
    tpu.wait_indirect_dma semaphore(%arg10 : memref<!tpu.dma_semaphore, #tpu.memory_space<semaphore_mem>>) src(%dma_wait3A_891 : memref<1000000x64xf32, #tpu.memory_space<hbm>>) dst(%arg7 : memref<128x64xf32, #tpu.memory_space<vmem>>)
    "tpu.region"() ({
      %run_scoped3A = tpu.sem_alloc : memref<!tpu.dma_semaphore, #tpu.memory_space<semaphore_mem>>
      %dma_start3A_1182 = arith.constant 1536 : i32
      %dma_start3A_1183 = arith.constant 0 : i32
      %dma_start3A_1184 = tpu.memref_slice %arg4[%dma_start3A_1182, %dma_start3A_1183] : memref<2048x64xf32, #tpu.memory_space<hbm>> -> memref<128x64xf32, #tpu.memory_space<hbm>>
      %dma_start3A_1185 = arith.constant 1536 : i32
      %dma_start3A_1186 = arith.constant 0 : i32
      %dma_start3A_1187 = tpu.memref_slice %arg4[%dma_start3A_1185, %dma_start3A_1186] : memref<2048x64xf32, #tpu.memory_space<hbm>> -> memref<128x64xf32, #tpu.memory_space<hbm>>
      tpu.enqueue_dma source(%dma_start3A_1187 : memref<128x64xf32, #tpu.memory_space<hbm>>) target(%arg9 : memref<128x64xf32, #tpu.memory_space<vmem>>) target_semaphore(%run_scoped3A : memref<!tpu.dma_semaphore, #tpu.memory_space<semaphore_mem>>)
      %dma_wait3A_1188 = arith.constant 1536 : i32
      %dma_wait3A_1189 = arith.constant 0 : i32
      %dma_wait3A_1190 = tpu.memref_slice %arg4[%dma_wait3A_1188, %dma_wait3A_1189] : memref<2048x64xf32, #tpu.memory_space<hbm>> -> memref<128x64xf32, #tpu.memory_space<hbm>>
      %dma_wait3A_1191 = arith.constant 1536 : i32
      %dma_wait3A_1192 = arith.constant 0 : i32
      %dma_wait3A_1193 = tpu.memref_slice %arg4[%dma_wait3A_1191, %dma_wait3A_1192] : memref<2048x64xf32, #tpu.memory_space<hbm>> -> memref<128x64xf32, #tpu.memory_space<hbm>>
      tpu.wait_dma2 semaphore(%run_scoped3A : memref<!tpu.dma_semaphore, #tpu.memory_space<semaphore_mem>>) src(%dma_wait3A_1193 : memref<128x64xf32, #tpu.memory_space<hbm>>) dst(%arg9 : memref<128x64xf32, #tpu.memory_space<vmem>>)
      tpu.yield
    }) : () -> ()
    %scan3A_892 = arith.constant 0 : i32
    %scan3A_893 = arith.constant 0 : i32
    %scan3A_894 = arith.constant 128 : i32
    %scan3A_895 = arith.addi %scan3A_893, %scan3A_894 : i32
    %scan3A_896 = arith.constant 1 : i32
    %scan3A_897 = scf.for %scan3A_1182 = %scan3A_893 to %scan3A_895 step %scan3A_896 iter_args(%scan3A_1183 = %scan3A_892) -> (i32)  : i32 {
      %get3A = arith.index_cast %scan3A_1182 : i32 to index
      %get3A_1184 = arith.constant 0 : index
      %get3A_1185 = tpu.vector_load %arg7[%get3A, %get3A_1184] {strides = array<i32>} : memref<128x64xf32, #tpu.memory_space<vmem>>, vector<1x16xf32>,
      %get3A_1186 = vector.shape_cast %get3A_1185 : vector<1x16xf32> to vector<16xf32>
      %get3A_1187 = arith.index_cast %scan3A_1182 : i32 to index
      %get3A_1188 = arith.constant 0 : index
      %get3A_1189 = tpu.vector_load %arg9[%get3A_1187, %get3A_1188] {strides = array<i32>} : memref<128x64xf32, #tpu.memory_space<vmem>>, vector<1x16xf32>,
      %get3A_1190 = vector.shape_cast %get3A_1189 : vector<1x16xf32> to vector<16xf32>
      %add3A_1191 = arith.addf %get3A_1186, %get3A_1190 : vector<16xf32>
      %swap3A = arith.index_cast %scan3A_1182 : i32 to index
      %swap3A_1192 = arith.constant 0 : index
      %swap3A_1193 = tpu.vector_load %arg7[%swap3A, %swap3A_1192] {strides = array<i32>} : memref<128x64xf32, #tpu.memory_space<vmem>>, vector<1x16xf32>,
      %swap3A_1194 = vector.shape_cast %swap3A_1193 : vector<1x16xf32> to vector<16xf32>
      %swap3A_1195 = vector.shape_cast %add3A_1191 : vector<16xf32> to vector<1x16xf32>
      tpu.vector_store %arg7[%swap3A, %swap3A_1192], %swap3A_1195 {strides = array<i32>} : memref<128x64xf32, #tpu.memory_space<vmem>>, vector<1x16xf32>,
      %get3A_1196 = arith.index_cast %scan3A_1182 : i32 to index
      %get3A_1197 = arith.constant 16 : index
      %get3A_1198 = tpu.vector_load %arg7[%get3A_1196, %get3A_1197] {strides = array<i32>} : memref<128x64xf32, #tpu.memory_space<vmem>>, vector<1x16xf32>,
      %get3A_1199 = vector.shape_cast %get3A_1198 : vector<1x16xf32> to vector<16xf32>
      %get3A_1200 = arith.index_cast %scan3A_1182 : i32 to index
      %get3A_1201 = arith.constant 16 : index
      %get3A_1202 = tpu.vector_load %arg9[%get3A_1200, %get3A_1201] {strides = array<i32>} : memref<128x64xf32, #tpu.memory_space<vmem>>, vector<1x16xf32>,
      %get3A_1203 = vector.shape_cast %get3A_1202 : vector<1x16xf32> to vector<16xf32>
      %add3A_1204 = arith.addf %get3A_1199, %get3A_1203 : vector<16xf32>
      %swap3A_1205 = arith.index_cast %scan3A_1182 : i32 to index
      %swap3A_1206 = arith.constant 16 : index
      %swap3A_1207 = tpu.vector_load %arg7[%swap3A_1205, %swap3A_1206] {strides = array<i32>} : memref<128x64xf32, #tpu.memory_space<vmem>>, vector<1x16xf32>,
      %swap3A_1208 = vector.shape_cast %swap3A_1207 : vector<1x16xf32> to vector<16xf32>
      %swap3A_1209 = vector.shape_cast %add3A_1204 : vector<16xf32> to vector<1x16xf32>
      tpu.vector_store %arg7[%swap3A_1205, %swap3A_1206], %swap3A_1209 {strides = array<i32>} : memref<128x64xf32, #tpu.memory_space<vmem>>, vector<1x16xf32>,
      %get3A_1210 = arith.index_cast %scan3A_1182 : i32 to index
      %get3A_1211 = arith.constant 32 : index
      %get3A_1212 = tpu.vector_load %arg7[%get3A_1210, %get3A_1211] {strides = array<i32>} : memref<128x64xf32, #tpu.memory_space<vmem>>, vector<1x16xf32>,
      %get3A_1213 = vector.shape_cast %get3A_1212 : vector<1x16xf32> to vector<16xf32>
      %get3A_1214 = arith.index_cast %scan3A_1182 : i32 to index
      %get3A_1215 = arith.constant 32 : index
      %get3A_1216 = tpu.vector_load %arg9[%get3A_1214, %get3A_1215] {strides = array<i32>} : memref<128x64xf32, #tpu.memory_space<vmem>>, vector<1x16xf32>,
      %get3A_1217 = vector.shape_cast %get3A_1216 : vector<1x16xf32> to vector<16xf32>
      %add3A_1218 = arith.addf %get3A_1213, %get3A_1217 : vector<16xf32>
      %swap3A_1219 = arith.index_cast %scan3A_1182 : i32 to index
      %swap3A_1220 = arith.constant 32 : index
      %swap3A_1221 = tpu.vector_load %arg7[%swap3A_1219, %swap3A_1220] {strides = array<i32>} : memref<128x64xf32, #tpu.memory_space<vmem>>, vector<1x16xf32>,
      %swap3A_1222 = vector.shape_cast %swap3A_1221 : vector<1x16xf32> to vector<16xf32>
      %swap3A_1223 = vector.shape_cast %add3A_1218 : vector<16xf32> to vector<1x16xf32>
      tpu.vector_store %arg7[%swap3A_1219, %swap3A_1220], %swap3A_1223 {strides = array<i32>} : memref<128x64xf32, #tpu.memory_space<vmem>>, vector<1x16xf32>,
      %get3A_1224 = arith.index_cast %scan3A_1182 : i32 to index
      %get3A_1225 = arith.constant 48 : index
      %get3A_1226 = tpu.vector_load %arg7[%get3A_1224, %get3A_1225] {strides = array<i32>} : memref<128x64xf32, #tpu.memory_space<vmem>>, vector<1x16xf32>,
      %get3A_1227 = vector.shape_cast %get3A_1226 : vector<1x16xf32> to vector<16xf32>
      %get3A_1228 = arith.index_cast %scan3A_1182 : i32 to index
      %get3A_1229 = arith.constant 48 : index
      %get3A_1230 = tpu.vector_load %arg9[%get3A_1228, %get3A_1229] {strides = array<i32>} : memref<128x64xf32, #tpu.memory_space<vmem>>, vector<1x16xf32>,
      %get3A_1231 = vector.shape_cast %get3A_1230 : vector<1x16xf32> to vector<16xf32>
      %add3A_1232 = arith.addf %get3A_1227, %get3A_1231 : vector<16xf32>
      %swap3A_1233 = arith.index_cast %scan3A_1182 : i32 to index
      %swap3A_1234 = arith.constant 48 : index
      %swap3A_1235 = tpu.vector_load %arg7[%swap3A_1233, %swap3A_1234] {strides = array<i32>} : memref<128x64xf32, #tpu.memory_space<vmem>>, vector<1x16xf32>,
      %swap3A_1236 = vector.shape_cast %swap3A_1235 : vector<1x16xf32> to vector<16xf32>
      %swap3A_1237 = vector.shape_cast %add3A_1232 : vector<16xf32> to vector<1x16xf32>
      tpu.vector_store %arg7[%swap3A_1233, %swap3A_1234], %swap3A_1237 {strides = array<i32>} : memref<128x64xf32, #tpu.memory_space<vmem>>, vector<1x16xf32>,
      %scan3A_1238 = arith.constant 0 : i32
      scf.yield %scan3A_1238 : i32
    }
    %scan3A_898 = arith.constant 128 : i32
    %mul3A_899 = arith.constant 4096 : i32
    %mul3A_900 = arith.muli %add3A, %mul3A_899 : i32
    %add3A_901 = arith.constant 3456 : i32
    %add3A_902 = arith.addi %mul3A_900, %add3A_901 : i32
    %dma_wait3A_903 = arith.constant 0 : i32
    %dma_wait3A_904 = tpu.memref_slice %arg5[%add3A_902, %dma_wait3A_903] : memref<131072x64xf32, #tpu.memory_space<hbm>> -> memref<128x64xf32, #tpu.memory_space<hbm>>
    %dma_wait3A_905 = arith.constant 0 : i32
    %dma_wait3A_906 = tpu.memref_slice %arg5[%add3A_902, %dma_wait3A_905] : memref<131072x64xf32, #tpu.memory_space<hbm>> -> memref<128x64xf32, #tpu.memory_space<hbm>>
    tpu.wait_dma2 semaphore(%arg13 : memref<!tpu.dma_semaphore, #tpu.memory_space<semaphore_mem>>) src(%arg8 : memref<128x64xf32, #tpu.memory_space<vmem>>) dst(%dma_wait3A_906 : memref<128x64xf32, #tpu.memory_space<hbm>>)
    %dma_start3A_907 = arith.constant 28 : i32
    %dma_start3A_908 = arith.constant 0 : i32
    %dma_start3A_909 = tpu.memref_slice %arg6[%dma_start3A_907, %dma_start3A_908] : memref<32x128xi32, #tpu.memory_space<vmem>> -> memref<1x128xi32, #tpu.memory_space<vmem>>
    %dma_start3A_910 = tpu.memref_squeeze %dma_start3A_909 : memref<1x128xi32, #tpu.memory_space<vmem>> -> memref<128xi32, #tpu.memory_space<vmem>>
    %dma_start3A_911 = arith.constant 0 : i32
    %dma_start3A_912 = arith.constant 0 : i32
    %dma_start3A_913 = tpu.memref_slice %arg3[%dma_start3A_911, %dma_start3A_912] : memref<1000000x64xf32, #tpu.memory_space<hbm>> -> memref<1000000x64xf32, #tpu.memory_space<hbm>>
    tpu.enqueue_indirect_dma source(%dma_start3A_913 : memref<1000000x64xf32, #tpu.memory_space<hbm>>) target(%arg8 : memref<128x64xf32, #tpu.memory_space<vmem>>) offsets(%dma_start3A_910 : memref<128xi32, #tpu.memory_space<vmem>>) semaphore(%arg11 : memref<!tpu.dma_semaphore, #tpu.memory_space<semaphore_mem>>)
    %mul3A_914 = arith.constant 4096 : i32
    %mul3A_915 = arith.muli %add3A, %mul3A_914 : i32
    %add3A_916 = arith.constant 1536 : i32
    %add3A_917 = arith.addi %mul3A_915, %add3A_916 : i32
    %dma_start3A_918 = arith.constant 0 : i32
    %dma_start3A_919 = tpu.memref_slice %arg5[%add3A_917, %dma_start3A_918] : memref<131072x64xf32, #tpu.memory_space<hbm>> -> memref<128x64xf32, #tpu.memory_space<hbm>>
    %dma_start3A_920 = arith.constant 0 : i32
    %dma_start3A_921 = tpu.memref_slice %arg5[%add3A_917, %dma_start3A_920] : memref<131072x64xf32, #tpu.memory_space<hbm>> -> memref<128x64xf32, #tpu.memory_space<hbm>>
    tpu.enqueue_dma source(%arg7 : memref<128x64xf32, #tpu.memory_space<vmem>>) target(%dma_start3A_921 : memref<128x64xf32, #tpu.memory_space<hbm>>) target_semaphore(%arg12 : memref<!tpu.dma_semaphore, #tpu.memory_space<semaphore_mem>>)
    %dma_wait3A_922 = arith.constant 28 : i32
    %dma_wait3A_923 = arith.constant 0 : i32
    %dma_wait3A_924 = tpu.memref_slice %arg6[%dma_wait3A_922, %dma_wait3A_923] : memref<32x128xi32, #tpu.memory_space<vmem>> -> memref<1x128xi32, #tpu.memory_space<vmem>>
    %dma_wait3A_925 = tpu.memref_squeeze %dma_wait3A_924 : memref<1x128xi32, #tpu.memory_space<vmem>> -> memref<128xi32, #tpu.memory_space<vmem>>
    %dma_wait3A_926 = arith.constant 0 : i32
    %dma_wait3A_927 = arith.constant 0 : i32
    %dma_wait3A_928 = tpu.memref_slice %arg3[%dma_wait3A_926, %dma_wait3A_927] : memref<1000000x64xf32, #tpu.memory_space<hbm>> -> memref<1000000x64xf32, #tpu.memory_space<hbm>>
    tpu.wait_indirect_dma semaphore(%arg11 : memref<!tpu.dma_semaphore, #tpu.memory_space<semaphore_mem>>) src(%dma_wait3A_928 : memref<1000000x64xf32, #tpu.memory_space<hbm>>) dst(%arg8 : memref<128x64xf32, #tpu.memory_space<vmem>>)
    %scan3A_929 = arith.constant 0 : i32
    %scan3A_930 = arith.constant 0 : i32
    %scan3A_931 = arith.constant 128 : i32
    %scan3A_932 = arith.addi %scan3A_930, %scan3A_931 : i32
    %scan3A_933 = arith.constant 1 : i32
    %scan3A_934 = scf.for %scan3A_1182 = %scan3A_930 to %scan3A_932 step %scan3A_933 iter_args(%scan3A_1183 = %scan3A_929) -> (i32)  : i32 {
      %get3A = arith.index_cast %scan3A_1182 : i32 to index
      %get3A_1184 = arith.constant 0 : index
      %get3A_1185 = tpu.vector_load %arg8[%get3A, %get3A_1184] {strides = array<i32>} : memref<128x64xf32, #tpu.memory_space<vmem>>, vector<1x16xf32>,
      %get3A_1186 = vector.shape_cast %get3A_1185 : vector<1x16xf32> to vector<16xf32>
      %get3A_1187 = arith.index_cast %scan3A_1182 : i32 to index
      %get3A_1188 = arith.constant 0 : index
      %get3A_1189 = tpu.vector_load %arg9[%get3A_1187, %get3A_1188] {strides = array<i32>} : memref<128x64xf32, #tpu.memory_space<vmem>>, vector<1x16xf32>,
      %get3A_1190 = vector.shape_cast %get3A_1189 : vector<1x16xf32> to vector<16xf32>
      %add3A_1191 = arith.addf %get3A_1186, %get3A_1190 : vector<16xf32>
      %swap3A = arith.index_cast %scan3A_1182 : i32 to index
      %swap3A_1192 = arith.constant 0 : index
      %swap3A_1193 = tpu.vector_load %arg8[%swap3A, %swap3A_1192] {strides = array<i32>} : memref<128x64xf32, #tpu.memory_space<vmem>>, vector<1x16xf32>,
      %swap3A_1194 = vector.shape_cast %swap3A_1193 : vector<1x16xf32> to vector<16xf32>
      %swap3A_1195 = vector.shape_cast %add3A_1191 : vector<16xf32> to vector<1x16xf32>
      tpu.vector_store %arg8[%swap3A, %swap3A_1192], %swap3A_1195 {strides = array<i32>} : memref<128x64xf32, #tpu.memory_space<vmem>>, vector<1x16xf32>,
      %get3A_1196 = arith.index_cast %scan3A_1182 : i32 to index
      %get3A_1197 = arith.constant 16 : index
      %get3A_1198 = tpu.vector_load %arg8[%get3A_1196, %get3A_1197] {strides = array<i32>} : memref<128x64xf32, #tpu.memory_space<vmem>>, vector<1x16xf32>,
      %get3A_1199 = vector.shape_cast %get3A_1198 : vector<1x16xf32> to vector<16xf32>
      %get3A_1200 = arith.index_cast %scan3A_1182 : i32 to index
      %get3A_1201 = arith.constant 16 : index
      %get3A_1202 = tpu.vector_load %arg9[%get3A_1200, %get3A_1201] {strides = array<i32>} : memref<128x64xf32, #tpu.memory_space<vmem>>, vector<1x16xf32>,
      %get3A_1203 = vector.shape_cast %get3A_1202 : vector<1x16xf32> to vector<16xf32>
      %add3A_1204 = arith.addf %get3A_1199, %get3A_1203 : vector<16xf32>
      %swap3A_1205 = arith.index_cast %scan3A_1182 : i32 to index
      %swap3A_1206 = arith.constant 16 : index
      %swap3A_1207 = tpu.vector_load %arg8[%swap3A_1205, %swap3A_1206] {strides = array<i32>} : memref<128x64xf32, #tpu.memory_space<vmem>>, vector<1x16xf32>,
      %swap3A_1208 = vector.shape_cast %swap3A_1207 : vector<1x16xf32> to vector<16xf32>
      %swap3A_1209 = vector.shape_cast %add3A_1204 : vector<16xf32> to vector<1x16xf32>
      tpu.vector_store %arg8[%swap3A_1205, %swap3A_1206], %swap3A_1209 {strides = array<i32>} : memref<128x64xf32, #tpu.memory_space<vmem>>, vector<1x16xf32>,
      %get3A_1210 = arith.index_cast %scan3A_1182 : i32 to index
      %get3A_1211 = arith.constant 32 : index
      %get3A_1212 = tpu.vector_load %arg8[%get3A_1210, %get3A_1211] {strides = array<i32>} : memref<128x64xf32, #tpu.memory_space<vmem>>, vector<1x16xf32>,
      %get3A_1213 = vector.shape_cast %get3A_1212 : vector<1x16xf32> to vector<16xf32>
      %get3A_1214 = arith.index_cast %scan3A_1182 : i32 to index
      %get3A_1215 = arith.constant 32 : index
      %get3A_1216 = tpu.vector_load %arg9[%get3A_1214, %get3A_1215] {strides = array<i32>} : memref<128x64xf32, #tpu.memory_space<vmem>>, vector<1x16xf32>,
      %get3A_1217 = vector.shape_cast %get3A_1216 : vector<1x16xf32> to vector<16xf32>
      %add3A_1218 = arith.addf %get3A_1213, %get3A_1217 : vector<16xf32>
      %swap3A_1219 = arith.index_cast %scan3A_1182 : i32 to index
      %swap3A_1220 = arith.constant 32 : index
      %swap3A_1221 = tpu.vector_load %arg8[%swap3A_1219, %swap3A_1220] {strides = array<i32>} : memref<128x64xf32, #tpu.memory_space<vmem>>, vector<1x16xf32>,
      %swap3A_1222 = vector.shape_cast %swap3A_1221 : vector<1x16xf32> to vector<16xf32>
      %swap3A_1223 = vector.shape_cast %add3A_1218 : vector<16xf32> to vector<1x16xf32>
      tpu.vector_store %arg8[%swap3A_1219, %swap3A_1220], %swap3A_1223 {strides = array<i32>} : memref<128x64xf32, #tpu.memory_space<vmem>>, vector<1x16xf32>,
      %get3A_1224 = arith.index_cast %scan3A_1182 : i32 to index
      %get3A_1225 = arith.constant 48 : index
      %get3A_1226 = tpu.vector_load %arg8[%get3A_1224, %get3A_1225] {strides = array<i32>} : memref<128x64xf32, #tpu.memory_space<vmem>>, vector<1x16xf32>,
      %get3A_1227 = vector.shape_cast %get3A_1226 : vector<1x16xf32> to vector<16xf32>
      %get3A_1228 = arith.index_cast %scan3A_1182 : i32 to index
      %get3A_1229 = arith.constant 48 : index
      %get3A_1230 = tpu.vector_load %arg9[%get3A_1228, %get3A_1229] {strides = array<i32>} : memref<128x64xf32, #tpu.memory_space<vmem>>, vector<1x16xf32>,
      %get3A_1231 = vector.shape_cast %get3A_1230 : vector<1x16xf32> to vector<16xf32>
      %add3A_1232 = arith.addf %get3A_1227, %get3A_1231 : vector<16xf32>
      %swap3A_1233 = arith.index_cast %scan3A_1182 : i32 to index
      %swap3A_1234 = arith.constant 48 : index
      %swap3A_1235 = tpu.vector_load %arg8[%swap3A_1233, %swap3A_1234] {strides = array<i32>} : memref<128x64xf32, #tpu.memory_space<vmem>>, vector<1x16xf32>,
      %swap3A_1236 = vector.shape_cast %swap3A_1235 : vector<1x16xf32> to vector<16xf32>
      %swap3A_1237 = vector.shape_cast %add3A_1232 : vector<16xf32> to vector<1x16xf32>
      tpu.vector_store %arg8[%swap3A_1233, %swap3A_1234], %swap3A_1237 {strides = array<i32>} : memref<128x64xf32, #tpu.memory_space<vmem>>, vector<1x16xf32>,
      %scan3A_1238 = arith.constant 0 : i32
      scf.yield %scan3A_1238 : i32
    }
    %scan3A_935 = arith.constant 128 : i32
    %mul3A_936 = arith.constant 4096 : i32
    %mul3A_937 = arith.muli %add3A, %mul3A_936 : i32
    %add3A_938 = arith.constant 1536 : i32
    %add3A_939 = arith.addi %mul3A_937, %add3A_938 : i32
    %dma_wait3A_940 = arith.constant 0 : i32
    %dma_wait3A_941 = tpu.memref_slice %arg5[%add3A_939, %dma_wait3A_940] : memref<131072x64xf32, #tpu.memory_space<hbm>> -> memref<128x64xf32, #tpu.memory_space<hbm>>
    %dma_wait3A_942 = arith.constant 0 : i32
    %dma_wait3A_943 = tpu.memref_slice %arg5[%add3A_939, %dma_wait3A_942] : memref<131072x64xf32, #tpu.memory_space<hbm>> -> memref<128x64xf32, #tpu.memory_space<hbm>>
    tpu.wait_dma2 semaphore(%arg12 : memref<!tpu.dma_semaphore, #tpu.memory_space<semaphore_mem>>) src(%arg7 : memref<128x64xf32, #tpu.memory_space<vmem>>) dst(%dma_wait3A_943 : memref<128x64xf32, #tpu.memory_space<hbm>>)
    %dma_start3A_944 = arith.constant 13 : i32
    %dma_start3A_945 = arith.constant 0 : i32
    %dma_start3A_946 = tpu.memref_slice %arg6[%dma_start3A_944, %dma_start3A_945] : memref<32x128xi32, #tpu.memory_space<vmem>> -> memref<1x128xi32, #tpu.memory_space<vmem>>
    %dma_start3A_947 = tpu.memref_squeeze %dma_start3A_946 : memref<1x128xi32, #tpu.memory_space<vmem>> -> memref<128xi32, #tpu.memory_space<vmem>>
    %dma_start3A_948 = arith.constant 0 : i32
    %dma_start3A_949 = arith.constant 0 : i32
    %dma_start3A_950 = tpu.memref_slice %arg3[%dma_start3A_948, %dma_start3A_949] : memref<1000000x64xf32, #tpu.memory_space<hbm>> -> memref<1000000x64xf32, #tpu.memory_space<hbm>>
    tpu.enqueue_indirect_dma source(%dma_start3A_950 : memref<1000000x64xf32, #tpu.memory_space<hbm>>) target(%arg7 : memref<128x64xf32, #tpu.memory_space<vmem>>) offsets(%dma_start3A_947 : memref<128xi32, #tpu.memory_space<vmem>>) semaphore(%arg10 : memref<!tpu.dma_semaphore, #tpu.memory_space<semaphore_mem>>)
    %mul3A_951 = arith.constant 4096 : i32
    %mul3A_952 = arith.muli %add3A, %mul3A_951 : i32
    %add3A_953 = arith.constant 3584 : i32
    %add3A_954 = arith.addi %mul3A_952, %add3A_953 : i32
    %dma_start3A_955 = arith.constant 0 : i32
    %dma_start3A_956 = tpu.memref_slice %arg5[%add3A_954, %dma_start3A_955] : memref<131072x64xf32, #tpu.memory_space<hbm>> -> memref<128x64xf32, #tpu.memory_space<hbm>>
    %dma_start3A_957 = arith.constant 0 : i32
    %dma_start3A_958 = tpu.memref_slice %arg5[%add3A_954, %dma_start3A_957] : memref<131072x64xf32, #tpu.memory_space<hbm>> -> memref<128x64xf32, #tpu.memory_space<hbm>>
    tpu.enqueue_dma source(%arg8 : memref<128x64xf32, #tpu.memory_space<vmem>>) target(%dma_start3A_958 : memref<128x64xf32, #tpu.memory_space<hbm>>) target_semaphore(%arg13 : memref<!tpu.dma_semaphore, #tpu.memory_space<semaphore_mem>>)
    %dma_wait3A_959 = arith.constant 13 : i32
    %dma_wait3A_960 = arith.constant 0 : i32
    %dma_wait3A_961 = tpu.memref_slice %arg6[%dma_wait3A_959, %dma_wait3A_960] : memref<32x128xi32, #tpu.memory_space<vmem>> -> memref<1x128xi32, #tpu.memory_space<vmem>>
    %dma_wait3A_962 = tpu.memref_squeeze %dma_wait3A_961 : memref<1x128xi32, #tpu.memory_space<vmem>> -> memref<128xi32, #tpu.memory_space<vmem>>
    %dma_wait3A_963 = arith.constant 0 : i32
    %dma_wait3A_964 = arith.constant 0 : i32
    %dma_wait3A_965 = tpu.memref_slice %arg3[%dma_wait3A_963, %dma_wait3A_964] : memref<1000000x64xf32, #tpu.memory_space<hbm>> -> memref<1000000x64xf32, #tpu.memory_space<hbm>>
    tpu.wait_indirect_dma semaphore(%arg10 : memref<!tpu.dma_semaphore, #tpu.memory_space<semaphore_mem>>) src(%dma_wait3A_965 : memref<1000000x64xf32, #tpu.memory_space<hbm>>) dst(%arg7 : memref<128x64xf32, #tpu.memory_space<vmem>>)
    "tpu.region"() ({
      %run_scoped3A = tpu.sem_alloc : memref<!tpu.dma_semaphore, #tpu.memory_space<semaphore_mem>>
      %dma_start3A_1182 = arith.constant 1664 : i32
      %dma_start3A_1183 = arith.constant 0 : i32
      %dma_start3A_1184 = tpu.memref_slice %arg4[%dma_start3A_1182, %dma_start3A_1183] : memref<2048x64xf32, #tpu.memory_space<hbm>> -> memref<128x64xf32, #tpu.memory_space<hbm>>
      %dma_start3A_1185 = arith.constant 1664 : i32
      %dma_start3A_1186 = arith.constant 0 : i32
      %dma_start3A_1187 = tpu.memref_slice %arg4[%dma_start3A_1185, %dma_start3A_1186] : memref<2048x64xf32, #tpu.memory_space<hbm>> -> memref<128x64xf32, #tpu.memory_space<hbm>>
      tpu.enqueue_dma source(%dma_start3A_1187 : memref<128x64xf32, #tpu.memory_space<hbm>>) target(%arg9 : memref<128x64xf32, #tpu.memory_space<vmem>>) target_semaphore(%run_scoped3A : memref<!tpu.dma_semaphore, #tpu.memory_space<semaphore_mem>>)
      %dma_wait3A_1188 = arith.constant 1664 : i32
      %dma_wait3A_1189 = arith.constant 0 : i32
      %dma_wait3A_1190 = tpu.memref_slice %arg4[%dma_wait3A_1188, %dma_wait3A_1189] : memref<2048x64xf32, #tpu.memory_space<hbm>> -> memref<128x64xf32, #tpu.memory_space<hbm>>
      %dma_wait3A_1191 = arith.constant 1664 : i32
      %dma_wait3A_1192 = arith.constant 0 : i32
      %dma_wait3A_1193 = tpu.memref_slice %arg4[%dma_wait3A_1191, %dma_wait3A_1192] : memref<2048x64xf32, #tpu.memory_space<hbm>> -> memref<128x64xf32, #tpu.memory_space<hbm>>
      tpu.wait_dma2 semaphore(%run_scoped3A : memref<!tpu.dma_semaphore, #tpu.memory_space<semaphore_mem>>) src(%dma_wait3A_1193 : memref<128x64xf32, #tpu.memory_space<hbm>>) dst(%arg9 : memref<128x64xf32, #tpu.memory_space<vmem>>)
      tpu.yield
    }) : () -> ()
    %scan3A_966 = arith.constant 0 : i32
    %scan3A_967 = arith.constant 0 : i32
    %scan3A_968 = arith.constant 128 : i32
    %scan3A_969 = arith.addi %scan3A_967, %scan3A_968 : i32
    %scan3A_970 = arith.constant 1 : i32
    %scan3A_971 = scf.for %scan3A_1182 = %scan3A_967 to %scan3A_969 step %scan3A_970 iter_args(%scan3A_1183 = %scan3A_966) -> (i32)  : i32 {
      %get3A = arith.index_cast %scan3A_1182 : i32 to index
      %get3A_1184 = arith.constant 0 : index
      %get3A_1185 = tpu.vector_load %arg7[%get3A, %get3A_1184] {strides = array<i32>} : memref<128x64xf32, #tpu.memory_space<vmem>>, vector<1x16xf32>,
      %get3A_1186 = vector.shape_cast %get3A_1185 : vector<1x16xf32> to vector<16xf32>
      %get3A_1187 = arith.index_cast %scan3A_1182 : i32 to index
      %get3A_1188 = arith.constant 0 : index
      %get3A_1189 = tpu.vector_load %arg9[%get3A_1187, %get3A_1188] {strides = array<i32>} : memref<128x64xf32, #tpu.memory_space<vmem>>, vector<1x16xf32>,
      %get3A_1190 = vector.shape_cast %get3A_1189 : vector<1x16xf32> to vector<16xf32>
      %add3A_1191 = arith.addf %get3A_1186, %get3A_1190 : vector<16xf32>
      %swap3A = arith.index_cast %scan3A_1182 : i32 to index
      %swap3A_1192 = arith.constant 0 : index
      %swap3A_1193 = tpu.vector_load %arg7[%swap3A, %swap3A_1192] {strides = array<i32>} : memref<128x64xf32, #tpu.memory_space<vmem>>, vector<1x16xf32>,
      %swap3A_1194 = vector.shape_cast %swap3A_1193 : vector<1x16xf32> to vector<16xf32>
      %swap3A_1195 = vector.shape_cast %add3A_1191 : vector<16xf32> to vector<1x16xf32>
      tpu.vector_store %arg7[%swap3A, %swap3A_1192], %swap3A_1195 {strides = array<i32>} : memref<128x64xf32, #tpu.memory_space<vmem>>, vector<1x16xf32>,
      %get3A_1196 = arith.index_cast %scan3A_1182 : i32 to index
      %get3A_1197 = arith.constant 16 : index
      %get3A_1198 = tpu.vector_load %arg7[%get3A_1196, %get3A_1197] {strides = array<i32>} : memref<128x64xf32, #tpu.memory_space<vmem>>, vector<1x16xf32>,
      %get3A_1199 = vector.shape_cast %get3A_1198 : vector<1x16xf32> to vector<16xf32>
      %get3A_1200 = arith.index_cast %scan3A_1182 : i32 to index
      %get3A_1201 = arith.constant 16 : index
      %get3A_1202 = tpu.vector_load %arg9[%get3A_1200, %get3A_1201] {strides = array<i32>} : memref<128x64xf32, #tpu.memory_space<vmem>>, vector<1x16xf32>,
      %get3A_1203 = vector.shape_cast %get3A_1202 : vector<1x16xf32> to vector<16xf32>
      %add3A_1204 = arith.addf %get3A_1199, %get3A_1203 : vector<16xf32>
      %swap3A_1205 = arith.index_cast %scan3A_1182 : i32 to index
      %swap3A_1206 = arith.constant 16 : index
      %swap3A_1207 = tpu.vector_load %arg7[%swap3A_1205, %swap3A_1206] {strides = array<i32>} : memref<128x64xf32, #tpu.memory_space<vmem>>, vector<1x16xf32>,
      %swap3A_1208 = vector.shape_cast %swap3A_1207 : vector<1x16xf32> to vector<16xf32>
      %swap3A_1209 = vector.shape_cast %add3A_1204 : vector<16xf32> to vector<1x16xf32>
      tpu.vector_store %arg7[%swap3A_1205, %swap3A_1206], %swap3A_1209 {strides = array<i32>} : memref<128x64xf32, #tpu.memory_space<vmem>>, vector<1x16xf32>,
      %get3A_1210 = arith.index_cast %scan3A_1182 : i32 to index
      %get3A_1211 = arith.constant 32 : index
      %get3A_1212 = tpu.vector_load %arg7[%get3A_1210, %get3A_1211] {strides = array<i32>} : memref<128x64xf32, #tpu.memory_space<vmem>>, vector<1x16xf32>,
      %get3A_1213 = vector.shape_cast %get3A_1212 : vector<1x16xf32> to vector<16xf32>
      %get3A_1214 = arith.index_cast %scan3A_1182 : i32 to index
      %get3A_1215 = arith.constant 32 : index
      %get3A_1216 = tpu.vector_load %arg9[%get3A_1214, %get3A_1215] {strides = array<i32>} : memref<128x64xf32, #tpu.memory_space<vmem>>, vector<1x16xf32>,
      %get3A_1217 = vector.shape_cast %get3A_1216 : vector<1x16xf32> to vector<16xf32>
      %add3A_1218 = arith.addf %get3A_1213, %get3A_1217 : vector<16xf32>
      %swap3A_1219 = arith.index_cast %scan3A_1182 : i32 to index
      %swap3A_1220 = arith.constant 32 : index
      %swap3A_1221 = tpu.vector_load %arg7[%swap3A_1219, %swap3A_1220] {strides = array<i32>} : memref<128x64xf32, #tpu.memory_space<vmem>>, vector<1x16xf32>,
      %swap3A_1222 = vector.shape_cast %swap3A_1221 : vector<1x16xf32> to vector<16xf32>
      %swap3A_1223 = vector.shape_cast %add3A_1218 : vector<16xf32> to vector<1x16xf32>
      tpu.vector_store %arg7[%swap3A_1219, %swap3A_1220], %swap3A_1223 {strides = array<i32>} : memref<128x64xf32, #tpu.memory_space<vmem>>, vector<1x16xf32>,
      %get3A_1224 = arith.index_cast %scan3A_1182 : i32 to index
      %get3A_1225 = arith.constant 48 : index
      %get3A_1226 = tpu.vector_load %arg7[%get3A_1224, %get3A_1225] {strides = array<i32>} : memref<128x64xf32, #tpu.memory_space<vmem>>, vector<1x16xf32>,
      %get3A_1227 = vector.shape_cast %get3A_1226 : vector<1x16xf32> to vector<16xf32>
      %get3A_1228 = arith.index_cast %scan3A_1182 : i32 to index
      %get3A_1229 = arith.constant 48 : index
      %get3A_1230 = tpu.vector_load %arg9[%get3A_1228, %get3A_1229] {strides = array<i32>} : memref<128x64xf32, #tpu.memory_space<vmem>>, vector<1x16xf32>,
      %get3A_1231 = vector.shape_cast %get3A_1230 : vector<1x16xf32> to vector<16xf32>
      %add3A_1232 = arith.addf %get3A_1227, %get3A_1231 : vector<16xf32>
      %swap3A_1233 = arith.index_cast %scan3A_1182 : i32 to index
      %swap3A_1234 = arith.constant 48 : index
      %swap3A_1235 = tpu.vector_load %arg7[%swap3A_1233, %swap3A_1234] {strides = array<i32>} : memref<128x64xf32, #tpu.memory_space<vmem>>, vector<1x16xf32>,
      %swap3A_1236 = vector.shape_cast %swap3A_1235 : vector<1x16xf32> to vector<16xf32>
      %swap3A_1237 = vector.shape_cast %add3A_1232 : vector<16xf32> to vector<1x16xf32>
      tpu.vector_store %arg7[%swap3A_1233, %swap3A_1234], %swap3A_1237 {strides = array<i32>} : memref<128x64xf32, #tpu.memory_space<vmem>>, vector<1x16xf32>,
      %scan3A_1238 = arith.constant 0 : i32
      scf.yield %scan3A_1238 : i32
    }
    %scan3A_972 = arith.constant 128 : i32
    %mul3A_973 = arith.constant 4096 : i32
    %mul3A_974 = arith.muli %add3A, %mul3A_973 : i32
    %add3A_975 = arith.constant 3584 : i32
    %add3A_976 = arith.addi %mul3A_974, %add3A_975 : i32
    %dma_wait3A_977 = arith.constant 0 : i32
    %dma_wait3A_978 = tpu.memref_slice %arg5[%add3A_976, %dma_wait3A_977] : memref<131072x64xf32, #tpu.memory_space<hbm>> -> memref<128x64xf32, #tpu.memory_space<hbm>>
    %dma_wait3A_979 = arith.constant 0 : i32
    %dma_wait3A_980 = tpu.memref_slice %arg5[%add3A_976, %dma_wait3A_979] : memref<131072x64xf32, #tpu.memory_space<hbm>> -> memref<128x64xf32, #tpu.memory_space<hbm>>
    tpu.wait_dma2 semaphore(%arg13 : memref<!tpu.dma_semaphore, #tpu.memory_space<semaphore_mem>>) src(%arg8 : memref<128x64xf32, #tpu.memory_space<vmem>>) dst(%dma_wait3A_980 : memref<128x64xf32, #tpu.memory_space<hbm>>)
    %dma_start3A_981 = arith.constant 29 : i32
    %dma_start3A_982 = arith.constant 0 : i32
    %dma_start3A_983 = tpu.memref_slice %arg6[%dma_start3A_981, %dma_start3A_982] : memref<32x128xi32, #tpu.memory_space<vmem>> -> memref<1x128xi32, #tpu.memory_space<vmem>>
    %dma_start3A_984 = tpu.memref_squeeze %dma_start3A_983 : memref<1x128xi32, #tpu.memory_space<vmem>> -> memref<128xi32, #tpu.memory_space<vmem>>
    %dma_start3A_985 = arith.constant 0 : i32
    %dma_start3A_986 = arith.constant 0 : i32
    %dma_start3A_987 = tpu.memref_slice %arg3[%dma_start3A_985, %dma_start3A_986] : memref<1000000x64xf32, #tpu.memory_space<hbm>> -> memref<1000000x64xf32, #tpu.memory_space<hbm>>
    tpu.enqueue_indirect_dma source(%dma_start3A_987 : memref<1000000x64xf32, #tpu.memory_space<hbm>>) target(%arg8 : memref<128x64xf32, #tpu.memory_space<vmem>>) offsets(%dma_start3A_984 : memref<128xi32, #tpu.memory_space<vmem>>) semaphore(%arg11 : memref<!tpu.dma_semaphore, #tpu.memory_space<semaphore_mem>>)
    %mul3A_988 = arith.constant 4096 : i32
    %mul3A_989 = arith.muli %add3A, %mul3A_988 : i32
    %add3A_990 = arith.constant 1664 : i32
    %add3A_991 = arith.addi %mul3A_989, %add3A_990 : i32
    %dma_start3A_992 = arith.constant 0 : i32
    %dma_start3A_993 = tpu.memref_slice %arg5[%add3A_991, %dma_start3A_992] : memref<131072x64xf32, #tpu.memory_space<hbm>> -> memref<128x64xf32, #tpu.memory_space<hbm>>
    %dma_start3A_994 = arith.constant 0 : i32
    %dma_start3A_995 = tpu.memref_slice %arg5[%add3A_991, %dma_start3A_994] : memref<131072x64xf32, #tpu.memory_space<hbm>> -> memref<128x64xf32, #tpu.memory_space<hbm>>
    tpu.enqueue_dma source(%arg7 : memref<128x64xf32, #tpu.memory_space<vmem>>) target(%dma_start3A_995 : memref<128x64xf32, #tpu.memory_space<hbm>>) target_semaphore(%arg12 : memref<!tpu.dma_semaphore, #tpu.memory_space<semaphore_mem>>)
    %dma_wait3A_996 = arith.constant 29 : i32
    %dma_wait3A_997 = arith.constant 0 : i32
    %dma_wait3A_998 = tpu.memref_slice %arg6[%dma_wait3A_996, %dma_wait3A_997] : memref<32x128xi32, #tpu.memory_space<vmem>> -> memref<1x128xi32, #tpu.memory_space<vmem>>
    %dma_wait3A_999 = tpu.memref_squeeze %dma_wait3A_998 : memref<1x128xi32, #tpu.memory_space<vmem>> -> memref<128xi32, #tpu.memory_space<vmem>>
    %dma_wait3A_1000 = arith.constant 0 : i32
    %dma_wait3A_1001 = arith.constant 0 : i32
    %dma_wait3A_1002 = tpu.memref_slice %arg3[%dma_wait3A_1000, %dma_wait3A_1001] : memref<1000000x64xf32, #tpu.memory_space<hbm>> -> memref<1000000x64xf32, #tpu.memory_space<hbm>>
    tpu.wait_indirect_dma semaphore(%arg11 : memref<!tpu.dma_semaphore, #tpu.memory_space<semaphore_mem>>) src(%dma_wait3A_1002 : memref<1000000x64xf32, #tpu.memory_space<hbm>>) dst(%arg8 : memref<128x64xf32, #tpu.memory_space<vmem>>)
    %scan3A_1003 = arith.constant 0 : i32
    %scan3A_1004 = arith.constant 0 : i32
    %scan3A_1005 = arith.constant 128 : i32
    %scan3A_1006 = arith.addi %scan3A_1004, %scan3A_1005 : i32
    %scan3A_1007 = arith.constant 1 : i32
    %scan3A_1008 = scf.for %scan3A_1182 = %scan3A_1004 to %scan3A_1006 step %scan3A_1007 iter_args(%scan3A_1183 = %scan3A_1003) -> (i32)  : i32 {
      %get3A = arith.index_cast %scan3A_1182 : i32 to index
      %get3A_1184 = arith.constant 0 : index
      %get3A_1185 = tpu.vector_load %arg8[%get3A, %get3A_1184] {strides = array<i32>} : memref<128x64xf32, #tpu.memory_space<vmem>>, vector<1x16xf32>,
      %get3A_1186 = vector.shape_cast %get3A_1185 : vector<1x16xf32> to vector<16xf32>
      %get3A_1187 = arith.index_cast %scan3A_1182 : i32 to index
      %get3A_1188 = arith.constant 0 : index
      %get3A_1189 = tpu.vector_load %arg9[%get3A_1187, %get3A_1188] {strides = array<i32>} : memref<128x64xf32, #tpu.memory_space<vmem>>, vector<1x16xf32>,
      %get3A_1190 = vector.shape_cast %get3A_1189 : vector<1x16xf32> to vector<16xf32>
      %add3A_1191 = arith.addf %get3A_1186, %get3A_1190 : vector<16xf32>
      %swap3A = arith.index_cast %scan3A_1182 : i32 to index
      %swap3A_1192 = arith.constant 0 : index
      %swap3A_1193 = tpu.vector_load %arg8[%swap3A, %swap3A_1192] {strides = array<i32>} : memref<128x64xf32, #tpu.memory_space<vmem>>, vector<1x16xf32>,
      %swap3A_1194 = vector.shape_cast %swap3A_1193 : vector<1x16xf32> to vector<16xf32>
      %swap3A_1195 = vector.shape_cast %add3A_1191 : vector<16xf32> to vector<1x16xf32>
      tpu.vector_store %arg8[%swap3A, %swap3A_1192], %swap3A_1195 {strides = array<i32>} : memref<128x64xf32, #tpu.memory_space<vmem>>, vector<1x16xf32>,
      %get3A_1196 = arith.index_cast %scan3A_1182 : i32 to index
      %get3A_1197 = arith.constant 16 : index
      %get3A_1198 = tpu.vector_load %arg8[%get3A_1196, %get3A_1197] {strides = array<i32>} : memref<128x64xf32, #tpu.memory_space<vmem>>, vector<1x16xf32>,
      %get3A_1199 = vector.shape_cast %get3A_1198 : vector<1x16xf32> to vector<16xf32>
      %get3A_1200 = arith.index_cast %scan3A_1182 : i32 to index
      %get3A_1201 = arith.constant 16 : index
      %get3A_1202 = tpu.vector_load %arg9[%get3A_1200, %get3A_1201] {strides = array<i32>} : memref<128x64xf32, #tpu.memory_space<vmem>>, vector<1x16xf32>,
      %get3A_1203 = vector.shape_cast %get3A_1202 : vector<1x16xf32> to vector<16xf32>
      %add3A_1204 = arith.addf %get3A_1199, %get3A_1203 : vector<16xf32>
      %swap3A_1205 = arith.index_cast %scan3A_1182 : i32 to index
      %swap3A_1206 = arith.constant 16 : index
      %swap3A_1207 = tpu.vector_load %arg8[%swap3A_1205, %swap3A_1206] {strides = array<i32>} : memref<128x64xf32, #tpu.memory_space<vmem>>, vector<1x16xf32>,
      %swap3A_1208 = vector.shape_cast %swap3A_1207 : vector<1x16xf32> to vector<16xf32>
      %swap3A_1209 = vector.shape_cast %add3A_1204 : vector<16xf32> to vector<1x16xf32>
      tpu.vector_store %arg8[%swap3A_1205, %swap3A_1206], %swap3A_1209 {strides = array<i32>} : memref<128x64xf32, #tpu.memory_space<vmem>>, vector<1x16xf32>,
      %get3A_1210 = arith.index_cast %scan3A_1182 : i32 to index
      %get3A_1211 = arith.constant 32 : index
      %get3A_1212 = tpu.vector_load %arg8[%get3A_1210, %get3A_1211] {strides = array<i32>} : memref<128x64xf32, #tpu.memory_space<vmem>>, vector<1x16xf32>,
      %get3A_1213 = vector.shape_cast %get3A_1212 : vector<1x16xf32> to vector<16xf32>
      %get3A_1214 = arith.index_cast %scan3A_1182 : i32 to index
      %get3A_1215 = arith.constant 32 : index
      %get3A_1216 = tpu.vector_load %arg9[%get3A_1214, %get3A_1215] {strides = array<i32>} : memref<128x64xf32, #tpu.memory_space<vmem>>, vector<1x16xf32>,
      %get3A_1217 = vector.shape_cast %get3A_1216 : vector<1x16xf32> to vector<16xf32>
      %add3A_1218 = arith.addf %get3A_1213, %get3A_1217 : vector<16xf32>
      %swap3A_1219 = arith.index_cast %scan3A_1182 : i32 to index
      %swap3A_1220 = arith.constant 32 : index
      %swap3A_1221 = tpu.vector_load %arg8[%swap3A_1219, %swap3A_1220] {strides = array<i32>} : memref<128x64xf32, #tpu.memory_space<vmem>>, vector<1x16xf32>,
      %swap3A_1222 = vector.shape_cast %swap3A_1221 : vector<1x16xf32> to vector<16xf32>
      %swap3A_1223 = vector.shape_cast %add3A_1218 : vector<16xf32> to vector<1x16xf32>
      tpu.vector_store %arg8[%swap3A_1219, %swap3A_1220], %swap3A_1223 {strides = array<i32>} : memref<128x64xf32, #tpu.memory_space<vmem>>, vector<1x16xf32>,
      %get3A_1224 = arith.index_cast %scan3A_1182 : i32 to index
      %get3A_1225 = arith.constant 48 : index
      %get3A_1226 = tpu.vector_load %arg8[%get3A_1224, %get3A_1225] {strides = array<i32>} : memref<128x64xf32, #tpu.memory_space<vmem>>, vector<1x16xf32>,
      %get3A_1227 = vector.shape_cast %get3A_1226 : vector<1x16xf32> to vector<16xf32>
      %get3A_1228 = arith.index_cast %scan3A_1182 : i32 to index
      %get3A_1229 = arith.constant 48 : index
      %get3A_1230 = tpu.vector_load %arg9[%get3A_1228, %get3A_1229] {strides = array<i32>} : memref<128x64xf32, #tpu.memory_space<vmem>>, vector<1x16xf32>,
      %get3A_1231 = vector.shape_cast %get3A_1230 : vector<1x16xf32> to vector<16xf32>
      %add3A_1232 = arith.addf %get3A_1227, %get3A_1231 : vector<16xf32>
      %swap3A_1233 = arith.index_cast %scan3A_1182 : i32 to index
      %swap3A_1234 = arith.constant 48 : index
      %swap3A_1235 = tpu.vector_load %arg8[%swap3A_1233, %swap3A_1234] {strides = array<i32>} : memref<128x64xf32, #tpu.memory_space<vmem>>, vector<1x16xf32>,
      %swap3A_1236 = vector.shape_cast %swap3A_1235 : vector<1x16xf32> to vector<16xf32>
      %swap3A_1237 = vector.shape_cast %add3A_1232 : vector<16xf32> to vector<1x16xf32>
      tpu.vector_store %arg8[%swap3A_1233, %swap3A_1234], %swap3A_1237 {strides = array<i32>} : memref<128x64xf32, #tpu.memory_space<vmem>>, vector<1x16xf32>,
      %scan3A_1238 = arith.constant 0 : i32
      scf.yield %scan3A_1238 : i32
    }
    %scan3A_1009 = arith.constant 128 : i32
    %mul3A_1010 = arith.constant 4096 : i32
    %mul3A_1011 = arith.muli %add3A, %mul3A_1010 : i32
    %add3A_1012 = arith.constant 1664 : i32
    %add3A_1013 = arith.addi %mul3A_1011, %add3A_1012 : i32
    %dma_wait3A_1014 = arith.constant 0 : i32
    %dma_wait3A_1015 = tpu.memref_slice %arg5[%add3A_1013, %dma_wait3A_1014] : memref<131072x64xf32, #tpu.memory_space<hbm>> -> memref<128x64xf32, #tpu.memory_space<hbm>>
    %dma_wait3A_1016 = arith.constant 0 : i32
    %dma_wait3A_1017 = tpu.memref_slice %arg5[%add3A_1013, %dma_wait3A_1016] : memref<131072x64xf32, #tpu.memory_space<hbm>> -> memref<128x64xf32, #tpu.memory_space<hbm>>
    tpu.wait_dma2 semaphore(%arg12 : memref<!tpu.dma_semaphore, #tpu.memory_space<semaphore_mem>>) src(%arg7 : memref<128x64xf32, #tpu.memory_space<vmem>>) dst(%dma_wait3A_1017 : memref<128x64xf32, #tpu.memory_space<hbm>>)
    %dma_start3A_1018 = arith.constant 14 : i32
    %dma_start3A_1019 = arith.constant 0 : i32
    %dma_start3A_1020 = tpu.memref_slice %arg6[%dma_start3A_1018, %dma_start3A_1019] : memref<32x128xi32, #tpu.memory_space<vmem>> -> memref<1x128xi32, #tpu.memory_space<vmem>>
    %dma_start3A_1021 = tpu.memref_squeeze %dma_start3A_1020 : memref<1x128xi32, #tpu.memory_space<vmem>> -> memref<128xi32, #tpu.memory_space<vmem>>
    %dma_start3A_1022 = arith.constant 0 : i32
    %dma_start3A_1023 = arith.constant 0 : i32
    %dma_start3A_1024 = tpu.memref_slice %arg3[%dma_start3A_1022, %dma_start3A_1023] : memref<1000000x64xf32, #tpu.memory_space<hbm>> -> memref<1000000x64xf32, #tpu.memory_space<hbm>>
    tpu.enqueue_indirect_dma source(%dma_start3A_1024 : memref<1000000x64xf32, #tpu.memory_space<hbm>>) target(%arg7 : memref<128x64xf32, #tpu.memory_space<vmem>>) offsets(%dma_start3A_1021 : memref<128xi32, #tpu.memory_space<vmem>>) semaphore(%arg10 : memref<!tpu.dma_semaphore, #tpu.memory_space<semaphore_mem>>)
    %mul3A_1025 = arith.constant 4096 : i32
    %mul3A_1026 = arith.muli %add3A, %mul3A_1025 : i32
    %add3A_1027 = arith.constant 3712 : i32
    %add3A_1028 = arith.addi %mul3A_1026, %add3A_1027 : i32
    %dma_start3A_1029 = arith.constant 0 : i32
    %dma_start3A_1030 = tpu.memref_slice %arg5[%add3A_1028, %dma_start3A_1029] : memref<131072x64xf32, #tpu.memory_space<hbm>> -> memref<128x64xf32, #tpu.memory_space<hbm>>
    %dma_start3A_1031 = arith.constant 0 : i32
    %dma_start3A_1032 = tpu.memref_slice %arg5[%add3A_1028, %dma_start3A_1031] : memref<131072x64xf32, #tpu.memory_space<hbm>> -> memref<128x64xf32, #tpu.memory_space<hbm>>
    tpu.enqueue_dma source(%arg8 : memref<128x64xf32, #tpu.memory_space<vmem>>) target(%dma_start3A_1032 : memref<128x64xf32, #tpu.memory_space<hbm>>) target_semaphore(%arg13 : memref<!tpu.dma_semaphore, #tpu.memory_space<semaphore_mem>>)
    %dma_wait3A_1033 = arith.constant 14 : i32
    %dma_wait3A_1034 = arith.constant 0 : i32
    %dma_wait3A_1035 = tpu.memref_slice %arg6[%dma_wait3A_1033, %dma_wait3A_1034] : memref<32x128xi32, #tpu.memory_space<vmem>> -> memref<1x128xi32, #tpu.memory_space<vmem>>
    %dma_wait3A_1036 = tpu.memref_squeeze %dma_wait3A_1035 : memref<1x128xi32, #tpu.memory_space<vmem>> -> memref<128xi32, #tpu.memory_space<vmem>>
    %dma_wait3A_1037 = arith.constant 0 : i32
    %dma_wait3A_1038 = arith.constant 0 : i32
    %dma_wait3A_1039 = tpu.memref_slice %arg3[%dma_wait3A_1037, %dma_wait3A_1038] : memref<1000000x64xf32, #tpu.memory_space<hbm>> -> memref<1000000x64xf32, #tpu.memory_space<hbm>>
    tpu.wait_indirect_dma semaphore(%arg10 : memref<!tpu.dma_semaphore, #tpu.memory_space<semaphore_mem>>) src(%dma_wait3A_1039 : memref<1000000x64xf32, #tpu.memory_space<hbm>>) dst(%arg7 : memref<128x64xf32, #tpu.memory_space<vmem>>)
    "tpu.region"() ({
      %run_scoped3A = tpu.sem_alloc : memref<!tpu.dma_semaphore, #tpu.memory_space<semaphore_mem>>
      %dma_start3A_1182 = arith.constant 1792 : i32
      %dma_start3A_1183 = arith.constant 0 : i32
      %dma_start3A_1184 = tpu.memref_slice %arg4[%dma_start3A_1182, %dma_start3A_1183] : memref<2048x64xf32, #tpu.memory_space<hbm>> -> memref<128x64xf32, #tpu.memory_space<hbm>>
      %dma_start3A_1185 = arith.constant 1792 : i32
      %dma_start3A_1186 = arith.constant 0 : i32
      %dma_start3A_1187 = tpu.memref_slice %arg4[%dma_start3A_1185, %dma_start3A_1186] : memref<2048x64xf32, #tpu.memory_space<hbm>> -> memref<128x64xf32, #tpu.memory_space<hbm>>
      tpu.enqueue_dma source(%dma_start3A_1187 : memref<128x64xf32, #tpu.memory_space<hbm>>) target(%arg9 : memref<128x64xf32, #tpu.memory_space<vmem>>) target_semaphore(%run_scoped3A : memref<!tpu.dma_semaphore, #tpu.memory_space<semaphore_mem>>)
      %dma_wait3A_1188 = arith.constant 1792 : i32
      %dma_wait3A_1189 = arith.constant 0 : i32
      %dma_wait3A_1190 = tpu.memref_slice %arg4[%dma_wait3A_1188, %dma_wait3A_1189] : memref<2048x64xf32, #tpu.memory_space<hbm>> -> memref<128x64xf32, #tpu.memory_space<hbm>>
      %dma_wait3A_1191 = arith.constant 1792 : i32
      %dma_wait3A_1192 = arith.constant 0 : i32
      %dma_wait3A_1193 = tpu.memref_slice %arg4[%dma_wait3A_1191, %dma_wait3A_1192] : memref<2048x64xf32, #tpu.memory_space<hbm>> -> memref<128x64xf32, #tpu.memory_space<hbm>>
      tpu.wait_dma2 semaphore(%run_scoped3A : memref<!tpu.dma_semaphore, #tpu.memory_space<semaphore_mem>>) src(%dma_wait3A_1193 : memref<128x64xf32, #tpu.memory_space<hbm>>) dst(%arg9 : memref<128x64xf32, #tpu.memory_space<vmem>>)
      tpu.yield
    }) : () -> ()
    %scan3A_1040 = arith.constant 0 : i32
    %scan3A_1041 = arith.constant 0 : i32
    %scan3A_1042 = arith.constant 128 : i32
    %scan3A_1043 = arith.addi %scan3A_1041, %scan3A_1042 : i32
    %scan3A_1044 = arith.constant 1 : i32
    %scan3A_1045 = scf.for %scan3A_1182 = %scan3A_1041 to %scan3A_1043 step %scan3A_1044 iter_args(%scan3A_1183 = %scan3A_1040) -> (i32)  : i32 {
      %get3A = arith.index_cast %scan3A_1182 : i32 to index
      %get3A_1184 = arith.constant 0 : index
      %get3A_1185 = tpu.vector_load %arg7[%get3A, %get3A_1184] {strides = array<i32>} : memref<128x64xf32, #tpu.memory_space<vmem>>, vector<1x16xf32>,
      %get3A_1186 = vector.shape_cast %get3A_1185 : vector<1x16xf32> to vector<16xf32>
      %get3A_1187 = arith.index_cast %scan3A_1182 : i32 to index
      %get3A_1188 = arith.constant 0 : index
      %get3A_1189 = tpu.vector_load %arg9[%get3A_1187, %get3A_1188] {strides = array<i32>} : memref<128x64xf32, #tpu.memory_space<vmem>>, vector<1x16xf32>,
      %get3A_1190 = vector.shape_cast %get3A_1189 : vector<1x16xf32> to vector<16xf32>
      %add3A_1191 = arith.addf %get3A_1186, %get3A_1190 : vector<16xf32>
      %swap3A = arith.index_cast %scan3A_1182 : i32 to index
      %swap3A_1192 = arith.constant 0 : index
      %swap3A_1193 = tpu.vector_load %arg7[%swap3A, %swap3A_1192] {strides = array<i32>} : memref<128x64xf32, #tpu.memory_space<vmem>>, vector<1x16xf32>,
      %swap3A_1194 = vector.shape_cast %swap3A_1193 : vector<1x16xf32> to vector<16xf32>
      %swap3A_1195 = vector.shape_cast %add3A_1191 : vector<16xf32> to vector<1x16xf32>
      tpu.vector_store %arg7[%swap3A, %swap3A_1192], %swap3A_1195 {strides = array<i32>} : memref<128x64xf32, #tpu.memory_space<vmem>>, vector<1x16xf32>,
      %get3A_1196 = arith.index_cast %scan3A_1182 : i32 to index
      %get3A_1197 = arith.constant 16 : index
      %get3A_1198 = tpu.vector_load %arg7[%get3A_1196, %get3A_1197] {strides = array<i32>} : memref<128x64xf32, #tpu.memory_space<vmem>>, vector<1x16xf32>,
      %get3A_1199 = vector.shape_cast %get3A_1198 : vector<1x16xf32> to vector<16xf32>
      %get3A_1200 = arith.index_cast %scan3A_1182 : i32 to index
      %get3A_1201 = arith.constant 16 : index
      %get3A_1202 = tpu.vector_load %arg9[%get3A_1200, %get3A_1201] {strides = array<i32>} : memref<128x64xf32, #tpu.memory_space<vmem>>, vector<1x16xf32>,
      %get3A_1203 = vector.shape_cast %get3A_1202 : vector<1x16xf32> to vector<16xf32>
      %add3A_1204 = arith.addf %get3A_1199, %get3A_1203 : vector<16xf32>
      %swap3A_1205 = arith.index_cast %scan3A_1182 : i32 to index
      %swap3A_1206 = arith.constant 16 : index
      %swap3A_1207 = tpu.vector_load %arg7[%swap3A_1205, %swap3A_1206] {strides = array<i32>} : memref<128x64xf32, #tpu.memory_space<vmem>>, vector<1x16xf32>,
      %swap3A_1208 = vector.shape_cast %swap3A_1207 : vector<1x16xf32> to vector<16xf32>
      %swap3A_1209 = vector.shape_cast %add3A_1204 : vector<16xf32> to vector<1x16xf32>
      tpu.vector_store %arg7[%swap3A_1205, %swap3A_1206], %swap3A_1209 {strides = array<i32>} : memref<128x64xf32, #tpu.memory_space<vmem>>, vector<1x16xf32>,
      %get3A_1210 = arith.index_cast %scan3A_1182 : i32 to index
      %get3A_1211 = arith.constant 32 : index
      %get3A_1212 = tpu.vector_load %arg7[%get3A_1210, %get3A_1211] {strides = array<i32>} : memref<128x64xf32, #tpu.memory_space<vmem>>, vector<1x16xf32>,
      %get3A_1213 = vector.shape_cast %get3A_1212 : vector<1x16xf32> to vector<16xf32>
      %get3A_1214 = arith.index_cast %scan3A_1182 : i32 to index
      %get3A_1215 = arith.constant 32 : index
      %get3A_1216 = tpu.vector_load %arg9[%get3A_1214, %get3A_1215] {strides = array<i32>} : memref<128x64xf32, #tpu.memory_space<vmem>>, vector<1x16xf32>,
      %get3A_1217 = vector.shape_cast %get3A_1216 : vector<1x16xf32> to vector<16xf32>
      %add3A_1218 = arith.addf %get3A_1213, %get3A_1217 : vector<16xf32>
      %swap3A_1219 = arith.index_cast %scan3A_1182 : i32 to index
      %swap3A_1220 = arith.constant 32 : index
      %swap3A_1221 = tpu.vector_load %arg7[%swap3A_1219, %swap3A_1220] {strides = array<i32>} : memref<128x64xf32, #tpu.memory_space<vmem>>, vector<1x16xf32>,
      %swap3A_1222 = vector.shape_cast %swap3A_1221 : vector<1x16xf32> to vector<16xf32>
      %swap3A_1223 = vector.shape_cast %add3A_1218 : vector<16xf32> to vector<1x16xf32>
      tpu.vector_store %arg7[%swap3A_1219, %swap3A_1220], %swap3A_1223 {strides = array<i32>} : memref<128x64xf32, #tpu.memory_space<vmem>>, vector<1x16xf32>,
      %get3A_1224 = arith.index_cast %scan3A_1182 : i32 to index
      %get3A_1225 = arith.constant 48 : index
      %get3A_1226 = tpu.vector_load %arg7[%get3A_1224, %get3A_1225] {strides = array<i32>} : memref<128x64xf32, #tpu.memory_space<vmem>>, vector<1x16xf32>,
      %get3A_1227 = vector.shape_cast %get3A_1226 : vector<1x16xf32> to vector<16xf32>
      %get3A_1228 = arith.index_cast %scan3A_1182 : i32 to index
      %get3A_1229 = arith.constant 48 : index
      %get3A_1230 = tpu.vector_load %arg9[%get3A_1228, %get3A_1229] {strides = array<i32>} : memref<128x64xf32, #tpu.memory_space<vmem>>, vector<1x16xf32>,
      %get3A_1231 = vector.shape_cast %get3A_1230 : vector<1x16xf32> to vector<16xf32>
      %add3A_1232 = arith.addf %get3A_1227, %get3A_1231 : vector<16xf32>
      %swap3A_1233 = arith.index_cast %scan3A_1182 : i32 to index
      %swap3A_1234 = arith.constant 48 : index
      %swap3A_1235 = tpu.vector_load %arg7[%swap3A_1233, %swap3A_1234] {strides = array<i32>} : memref<128x64xf32, #tpu.memory_space<vmem>>, vector<1x16xf32>,
      %swap3A_1236 = vector.shape_cast %swap3A_1235 : vector<1x16xf32> to vector<16xf32>
      %swap3A_1237 = vector.shape_cast %add3A_1232 : vector<16xf32> to vector<1x16xf32>
      tpu.vector_store %arg7[%swap3A_1233, %swap3A_1234], %swap3A_1237 {strides = array<i32>} : memref<128x64xf32, #tpu.memory_space<vmem>>, vector<1x16xf32>,
      %scan3A_1238 = arith.constant 0 : i32
      scf.yield %scan3A_1238 : i32
    }
    %scan3A_1046 = arith.constant 128 : i32
    %mul3A_1047 = arith.constant 4096 : i32
    %mul3A_1048 = arith.muli %add3A, %mul3A_1047 : i32
    %add3A_1049 = arith.constant 3712 : i32
    %add3A_1050 = arith.addi %mul3A_1048, %add3A_1049 : i32
    %dma_wait3A_1051 = arith.constant 0 : i32
    %dma_wait3A_1052 = tpu.memref_slice %arg5[%add3A_1050, %dma_wait3A_1051] : memref<131072x64xf32, #tpu.memory_space<hbm>> -> memref<128x64xf32, #tpu.memory_space<hbm>>
    %dma_wait3A_1053 = arith.constant 0 : i32
    %dma_wait3A_1054 = tpu.memref_slice %arg5[%add3A_1050, %dma_wait3A_1053] : memref<131072x64xf32, #tpu.memory_space<hbm>> -> memref<128x64xf32, #tpu.memory_space<hbm>>
    tpu.wait_dma2 semaphore(%arg13 : memref<!tpu.dma_semaphore, #tpu.memory_space<semaphore_mem>>) src(%arg8 : memref<128x64xf32, #tpu.memory_space<vmem>>) dst(%dma_wait3A_1054 : memref<128x64xf32, #tpu.memory_space<hbm>>)
    %dma_start3A_1055 = arith.constant 30 : i32
    %dma_start3A_1056 = arith.constant 0 : i32
    %dma_start3A_1057 = tpu.memref_slice %arg6[%dma_start3A_1055, %dma_start3A_1056] : memref<32x128xi32, #tpu.memory_space<vmem>> -> memref<1x128xi32, #tpu.memory_space<vmem>>
    %dma_start3A_1058 = tpu.memref_squeeze %dma_start3A_1057 : memref<1x128xi32, #tpu.memory_space<vmem>> -> memref<128xi32, #tpu.memory_space<vmem>>
    %dma_start3A_1059 = arith.constant 0 : i32
    %dma_start3A_1060 = arith.constant 0 : i32
    %dma_start3A_1061 = tpu.memref_slice %arg3[%dma_start3A_1059, %dma_start3A_1060] : memref<1000000x64xf32, #tpu.memory_space<hbm>> -> memref<1000000x64xf32, #tpu.memory_space<hbm>>
    tpu.enqueue_indirect_dma source(%dma_start3A_1061 : memref<1000000x64xf32, #tpu.memory_space<hbm>>) target(%arg8 : memref<128x64xf32, #tpu.memory_space<vmem>>) offsets(%dma_start3A_1058 : memref<128xi32, #tpu.memory_space<vmem>>) semaphore(%arg11 : memref<!tpu.dma_semaphore, #tpu.memory_space<semaphore_mem>>)
    %mul3A_1062 = arith.constant 4096 : i32
    %mul3A_1063 = arith.muli %add3A, %mul3A_1062 : i32
    %add3A_1064 = arith.constant 1792 : i32
    %add3A_1065 = arith.addi %mul3A_1063, %add3A_1064 : i32
    %dma_start3A_1066 = arith.constant 0 : i32
    %dma_start3A_1067 = tpu.memref_slice %arg5[%add3A_1065, %dma_start3A_1066] : memref<131072x64xf32, #tpu.memory_space<hbm>> -> memref<128x64xf32, #tpu.memory_space<hbm>>
    %dma_start3A_1068 = arith.constant 0 : i32
    %dma_start3A_1069 = tpu.memref_slice %arg5[%add3A_1065, %dma_start3A_1068] : memref<131072x64xf32, #tpu.memory_space<hbm>> -> memref<128x64xf32, #tpu.memory_space<hbm>>
    tpu.enqueue_dma source(%arg7 : memref<128x64xf32, #tpu.memory_space<vmem>>) target(%dma_start3A_1069 : memref<128x64xf32, #tpu.memory_space<hbm>>) target_semaphore(%arg12 : memref<!tpu.dma_semaphore, #tpu.memory_space<semaphore_mem>>)
    %dma_wait3A_1070 = arith.constant 30 : i32
    %dma_wait3A_1071 = arith.constant 0 : i32
    %dma_wait3A_1072 = tpu.memref_slice %arg6[%dma_wait3A_1070, %dma_wait3A_1071] : memref<32x128xi32, #tpu.memory_space<vmem>> -> memref<1x128xi32, #tpu.memory_space<vmem>>
    %dma_wait3A_1073 = tpu.memref_squeeze %dma_wait3A_1072 : memref<1x128xi32, #tpu.memory_space<vmem>> -> memref<128xi32, #tpu.memory_space<vmem>>
    %dma_wait3A_1074 = arith.constant 0 : i32
    %dma_wait3A_1075 = arith.constant 0 : i32
    %dma_wait3A_1076 = tpu.memref_slice %arg3[%dma_wait3A_1074, %dma_wait3A_1075] : memref<1000000x64xf32, #tpu.memory_space<hbm>> -> memref<1000000x64xf32, #tpu.memory_space<hbm>>
    tpu.wait_indirect_dma semaphore(%arg11 : memref<!tpu.dma_semaphore, #tpu.memory_space<semaphore_mem>>) src(%dma_wait3A_1076 : memref<1000000x64xf32, #tpu.memory_space<hbm>>) dst(%arg8 : memref<128x64xf32, #tpu.memory_space<vmem>>)
    %scan3A_1077 = arith.constant 0 : i32
    %scan3A_1078 = arith.constant 0 : i32
    %scan3A_1079 = arith.constant 128 : i32
    %scan3A_1080 = arith.addi %scan3A_1078, %scan3A_1079 : i32
    %scan3A_1081 = arith.constant 1 : i32
    %scan3A_1082 = scf.for %scan3A_1182 = %scan3A_1078 to %scan3A_1080 step %scan3A_1081 iter_args(%scan3A_1183 = %scan3A_1077) -> (i32)  : i32 {
      %get3A = arith.index_cast %scan3A_1182 : i32 to index
      %get3A_1184 = arith.constant 0 : index
      %get3A_1185 = tpu.vector_load %arg8[%get3A, %get3A_1184] {strides = array<i32>} : memref<128x64xf32, #tpu.memory_space<vmem>>, vector<1x16xf32>,
      %get3A_1186 = vector.shape_cast %get3A_1185 : vector<1x16xf32> to vector<16xf32>
      %get3A_1187 = arith.index_cast %scan3A_1182 : i32 to index
      %get3A_1188 = arith.constant 0 : index
      %get3A_1189 = tpu.vector_load %arg9[%get3A_1187, %get3A_1188] {strides = array<i32>} : memref<128x64xf32, #tpu.memory_space<vmem>>, vector<1x16xf32>,
      %get3A_1190 = vector.shape_cast %get3A_1189 : vector<1x16xf32> to vector<16xf32>
      %add3A_1191 = arith.addf %get3A_1186, %get3A_1190 : vector<16xf32>
      %swap3A = arith.index_cast %scan3A_1182 : i32 to index
      %swap3A_1192 = arith.constant 0 : index
      %swap3A_1193 = tpu.vector_load %arg8[%swap3A, %swap3A_1192] {strides = array<i32>} : memref<128x64xf32, #tpu.memory_space<vmem>>, vector<1x16xf32>,
      %swap3A_1194 = vector.shape_cast %swap3A_1193 : vector<1x16xf32> to vector<16xf32>
      %swap3A_1195 = vector.shape_cast %add3A_1191 : vector<16xf32> to vector<1x16xf32>
      tpu.vector_store %arg8[%swap3A, %swap3A_1192], %swap3A_1195 {strides = array<i32>} : memref<128x64xf32, #tpu.memory_space<vmem>>, vector<1x16xf32>,
      %get3A_1196 = arith.index_cast %scan3A_1182 : i32 to index
      %get3A_1197 = arith.constant 16 : index
      %get3A_1198 = tpu.vector_load %arg8[%get3A_1196, %get3A_1197] {strides = array<i32>} : memref<128x64xf32, #tpu.memory_space<vmem>>, vector<1x16xf32>,
      %get3A_1199 = vector.shape_cast %get3A_1198 : vector<1x16xf32> to vector<16xf32>
      %get3A_1200 = arith.index_cast %scan3A_1182 : i32 to index
      %get3A_1201 = arith.constant 16 : index
      %get3A_1202 = tpu.vector_load %arg9[%get3A_1200, %get3A_1201] {strides = array<i32>} : memref<128x64xf32, #tpu.memory_space<vmem>>, vector<1x16xf32>,
      %get3A_1203 = vector.shape_cast %get3A_1202 : vector<1x16xf32> to vector<16xf32>
      %add3A_1204 = arith.addf %get3A_1199, %get3A_1203 : vector<16xf32>
      %swap3A_1205 = arith.index_cast %scan3A_1182 : i32 to index
      %swap3A_1206 = arith.constant 16 : index
      %swap3A_1207 = tpu.vector_load %arg8[%swap3A_1205, %swap3A_1206] {strides = array<i32>} : memref<128x64xf32, #tpu.memory_space<vmem>>, vector<1x16xf32>,
      %swap3A_1208 = vector.shape_cast %swap3A_1207 : vector<1x16xf32> to vector<16xf32>
      %swap3A_1209 = vector.shape_cast %add3A_1204 : vector<16xf32> to vector<1x16xf32>
      tpu.vector_store %arg8[%swap3A_1205, %swap3A_1206], %swap3A_1209 {strides = array<i32>} : memref<128x64xf32, #tpu.memory_space<vmem>>, vector<1x16xf32>,
      %get3A_1210 = arith.index_cast %scan3A_1182 : i32 to index
      %get3A_1211 = arith.constant 32 : index
      %get3A_1212 = tpu.vector_load %arg8[%get3A_1210, %get3A_1211] {strides = array<i32>} : memref<128x64xf32, #tpu.memory_space<vmem>>, vector<1x16xf32>,
      %get3A_1213 = vector.shape_cast %get3A_1212 : vector<1x16xf32> to vector<16xf32>
      %get3A_1214 = arith.index_cast %scan3A_1182 : i32 to index
      %get3A_1215 = arith.constant 32 : index
      %get3A_1216 = tpu.vector_load %arg9[%get3A_1214, %get3A_1215] {strides = array<i32>} : memref<128x64xf32, #tpu.memory_space<vmem>>, vector<1x16xf32>,
      %get3A_1217 = vector.shape_cast %get3A_1216 : vector<1x16xf32> to vector<16xf32>
      %add3A_1218 = arith.addf %get3A_1213, %get3A_1217 : vector<16xf32>
      %swap3A_1219 = arith.index_cast %scan3A_1182 : i32 to index
      %swap3A_1220 = arith.constant 32 : index
      %swap3A_1221 = tpu.vector_load %arg8[%swap3A_1219, %swap3A_1220] {strides = array<i32>} : memref<128x64xf32, #tpu.memory_space<vmem>>, vector<1x16xf32>,
      %swap3A_1222 = vector.shape_cast %swap3A_1221 : vector<1x16xf32> to vector<16xf32>
      %swap3A_1223 = vector.shape_cast %add3A_1218 : vector<16xf32> to vector<1x16xf32>
      tpu.vector_store %arg8[%swap3A_1219, %swap3A_1220], %swap3A_1223 {strides = array<i32>} : memref<128x64xf32, #tpu.memory_space<vmem>>, vector<1x16xf32>,
      %get3A_1224 = arith.index_cast %scan3A_1182 : i32 to index
      %get3A_1225 = arith.constant 48 : index
      %get3A_1226 = tpu.vector_load %arg8[%get3A_1224, %get3A_1225] {strides = array<i32>} : memref<128x64xf32, #tpu.memory_space<vmem>>, vector<1x16xf32>,
      %get3A_1227 = vector.shape_cast %get3A_1226 : vector<1x16xf32> to vector<16xf32>
      %get3A_1228 = arith.index_cast %scan3A_1182 : i32 to index
      %get3A_1229 = arith.constant 48 : index
      %get3A_1230 = tpu.vector_load %arg9[%get3A_1228, %get3A_1229] {strides = array<i32>} : memref<128x64xf32, #tpu.memory_space<vmem>>, vector<1x16xf32>,
      %get3A_1231 = vector.shape_cast %get3A_1230 : vector<1x16xf32> to vector<16xf32>
      %add3A_1232 = arith.addf %get3A_1227, %get3A_1231 : vector<16xf32>
      %swap3A_1233 = arith.index_cast %scan3A_1182 : i32 to index
      %swap3A_1234 = arith.constant 48 : index
      %swap3A_1235 = tpu.vector_load %arg8[%swap3A_1233, %swap3A_1234] {strides = array<i32>} : memref<128x64xf32, #tpu.memory_space<vmem>>, vector<1x16xf32>,
      %swap3A_1236 = vector.shape_cast %swap3A_1235 : vector<1x16xf32> to vector<16xf32>
      %swap3A_1237 = vector.shape_cast %add3A_1232 : vector<16xf32> to vector<1x16xf32>
      tpu.vector_store %arg8[%swap3A_1233, %swap3A_1234], %swap3A_1237 {strides = array<i32>} : memref<128x64xf32, #tpu.memory_space<vmem>>, vector<1x16xf32>,
      %scan3A_1238 = arith.constant 0 : i32
      scf.yield %scan3A_1238 : i32
    }
    %scan3A_1083 = arith.constant 128 : i32
    %mul3A_1084 = arith.constant 4096 : i32
    %mul3A_1085 = arith.muli %add3A, %mul3A_1084 : i32
    %add3A_1086 = arith.constant 1792 : i32
    %add3A_1087 = arith.addi %mul3A_1085, %add3A_1086 : i32
    %dma_wait3A_1088 = arith.constant 0 : i32
    %dma_wait3A_1089 = tpu.memref_slice %arg5[%add3A_1087, %dma_wait3A_1088] : memref<131072x64xf32, #tpu.memory_space<hbm>> -> memref<128x64xf32, #tpu.memory_space<hbm>>
    %dma_wait3A_1090 = arith.constant 0 : i32
    %dma_wait3A_1091 = tpu.memref_slice %arg5[%add3A_1087, %dma_wait3A_1090] : memref<131072x64xf32, #tpu.memory_space<hbm>> -> memref<128x64xf32, #tpu.memory_space<hbm>>
    tpu.wait_dma2 semaphore(%arg12 : memref<!tpu.dma_semaphore, #tpu.memory_space<semaphore_mem>>) src(%arg7 : memref<128x64xf32, #tpu.memory_space<vmem>>) dst(%dma_wait3A_1091 : memref<128x64xf32, #tpu.memory_space<hbm>>)
    %dma_start3A_1092 = arith.constant 15 : i32
    %dma_start3A_1093 = arith.constant 0 : i32
    %dma_start3A_1094 = tpu.memref_slice %arg6[%dma_start3A_1092, %dma_start3A_1093] : memref<32x128xi32, #tpu.memory_space<vmem>> -> memref<1x128xi32, #tpu.memory_space<vmem>>
    %dma_start3A_1095 = tpu.memref_squeeze %dma_start3A_1094 : memref<1x128xi32, #tpu.memory_space<vmem>> -> memref<128xi32, #tpu.memory_space<vmem>>
    %dma_start3A_1096 = arith.constant 0 : i32
    %dma_start3A_1097 = arith.constant 0 : i32
    %dma_start3A_1098 = tpu.memref_slice %arg3[%dma_start3A_1096, %dma_start3A_1097] : memref<1000000x64xf32, #tpu.memory_space<hbm>> -> memref<1000000x64xf32, #tpu.memory_space<hbm>>
    tpu.enqueue_indirect_dma source(%dma_start3A_1098 : memref<1000000x64xf32, #tpu.memory_space<hbm>>) target(%arg7 : memref<128x64xf32, #tpu.memory_space<vmem>>) offsets(%dma_start3A_1095 : memref<128xi32, #tpu.memory_space<vmem>>) semaphore(%arg10 : memref<!tpu.dma_semaphore, #tpu.memory_space<semaphore_mem>>)
    %mul3A_1099 = arith.constant 4096 : i32
    %mul3A_1100 = arith.muli %add3A, %mul3A_1099 : i32
    %add3A_1101 = arith.constant 3840 : i32
    %add3A_1102 = arith.addi %mul3A_1100, %add3A_1101 : i32
    %dma_start3A_1103 = arith.constant 0 : i32
    %dma_start3A_1104 = tpu.memref_slice %arg5[%add3A_1102, %dma_start3A_1103] : memref<131072x64xf32, #tpu.memory_space<hbm>> -> memref<128x64xf32, #tpu.memory_space<hbm>>
    %dma_start3A_1105 = arith.constant 0 : i32
    %dma_start3A_1106 = tpu.memref_slice %arg5[%add3A_1102, %dma_start3A_1105] : memref<131072x64xf32, #tpu.memory_space<hbm>> -> memref<128x64xf32, #tpu.memory_space<hbm>>
    tpu.enqueue_dma source(%arg8 : memref<128x64xf32, #tpu.memory_space<vmem>>) target(%dma_start3A_1106 : memref<128x64xf32, #tpu.memory_space<hbm>>) target_semaphore(%arg13 : memref<!tpu.dma_semaphore, #tpu.memory_space<semaphore_mem>>)
    %dma_wait3A_1107 = arith.constant 15 : i32
    %dma_wait3A_1108 = arith.constant 0 : i32
    %dma_wait3A_1109 = tpu.memref_slice %arg6[%dma_wait3A_1107, %dma_wait3A_1108] : memref<32x128xi32, #tpu.memory_space<vmem>> -> memref<1x128xi32, #tpu.memory_space<vmem>>
    %dma_wait3A_1110 = tpu.memref_squeeze %dma_wait3A_1109 : memref<1x128xi32, #tpu.memory_space<vmem>> -> memref<128xi32, #tpu.memory_space<vmem>>
    %dma_wait3A_1111 = arith.constant 0 : i32
    %dma_wait3A_1112 = arith.constant 0 : i32
    %dma_wait3A_1113 = tpu.memref_slice %arg3[%dma_wait3A_1111, %dma_wait3A_1112] : memref<1000000x64xf32, #tpu.memory_space<hbm>> -> memref<1000000x64xf32, #tpu.memory_space<hbm>>
    tpu.wait_indirect_dma semaphore(%arg10 : memref<!tpu.dma_semaphore, #tpu.memory_space<semaphore_mem>>) src(%dma_wait3A_1113 : memref<1000000x64xf32, #tpu.memory_space<hbm>>) dst(%arg7 : memref<128x64xf32, #tpu.memory_space<vmem>>)
    "tpu.region"() ({
      %run_scoped3A = tpu.sem_alloc : memref<!tpu.dma_semaphore, #tpu.memory_space<semaphore_mem>>
      %dma_start3A_1182 = arith.constant 1920 : i32
      %dma_start3A_1183 = arith.constant 0 : i32
      %dma_start3A_1184 = tpu.memref_slice %arg4[%dma_start3A_1182, %dma_start3A_1183] : memref<2048x64xf32, #tpu.memory_space<hbm>> -> memref<128x64xf32, #tpu.memory_space<hbm>>
      %dma_start3A_1185 = arith.constant 1920 : i32
      %dma_start3A_1186 = arith.constant 0 : i32
      %dma_start3A_1187 = tpu.memref_slice %arg4[%dma_start3A_1185, %dma_start3A_1186] : memref<2048x64xf32, #tpu.memory_space<hbm>> -> memref<128x64xf32, #tpu.memory_space<hbm>>
      tpu.enqueue_dma source(%dma_start3A_1187 : memref<128x64xf32, #tpu.memory_space<hbm>>) target(%arg9 : memref<128x64xf32, #tpu.memory_space<vmem>>) target_semaphore(%run_scoped3A : memref<!tpu.dma_semaphore, #tpu.memory_space<semaphore_mem>>)
      %dma_wait3A_1188 = arith.constant 1920 : i32
      %dma_wait3A_1189 = arith.constant 0 : i32
      %dma_wait3A_1190 = tpu.memref_slice %arg4[%dma_wait3A_1188, %dma_wait3A_1189] : memref<2048x64xf32, #tpu.memory_space<hbm>> -> memref<128x64xf32, #tpu.memory_space<hbm>>
      %dma_wait3A_1191 = arith.constant 1920 : i32
      %dma_wait3A_1192 = arith.constant 0 : i32
      %dma_wait3A_1193 = tpu.memref_slice %arg4[%dma_wait3A_1191, %dma_wait3A_1192] : memref<2048x64xf32, #tpu.memory_space<hbm>> -> memref<128x64xf32, #tpu.memory_space<hbm>>
      tpu.wait_dma2 semaphore(%run_scoped3A : memref<!tpu.dma_semaphore, #tpu.memory_space<semaphore_mem>>) src(%dma_wait3A_1193 : memref<128x64xf32, #tpu.memory_space<hbm>>) dst(%arg9 : memref<128x64xf32, #tpu.memory_space<vmem>>)
      tpu.yield
    }) : () -> ()
    %scan3A_1114 = arith.constant 0 : i32
    %scan3A_1115 = arith.constant 0 : i32
    %scan3A_1116 = arith.constant 128 : i32
    %scan3A_1117 = arith.addi %scan3A_1115, %scan3A_1116 : i32
    %scan3A_1118 = arith.constant 1 : i32
    %scan3A_1119 = scf.for %scan3A_1182 = %scan3A_1115 to %scan3A_1117 step %scan3A_1118 iter_args(%scan3A_1183 = %scan3A_1114) -> (i32)  : i32 {
      %get3A = arith.index_cast %scan3A_1182 : i32 to index
      %get3A_1184 = arith.constant 0 : index
      %get3A_1185 = tpu.vector_load %arg7[%get3A, %get3A_1184] {strides = array<i32>} : memref<128x64xf32, #tpu.memory_space<vmem>>, vector<1x16xf32>,
      %get3A_1186 = vector.shape_cast %get3A_1185 : vector<1x16xf32> to vector<16xf32>
      %get3A_1187 = arith.index_cast %scan3A_1182 : i32 to index
      %get3A_1188 = arith.constant 0 : index
      %get3A_1189 = tpu.vector_load %arg9[%get3A_1187, %get3A_1188] {strides = array<i32>} : memref<128x64xf32, #tpu.memory_space<vmem>>, vector<1x16xf32>,
      %get3A_1190 = vector.shape_cast %get3A_1189 : vector<1x16xf32> to vector<16xf32>
      %add3A_1191 = arith.addf %get3A_1186, %get3A_1190 : vector<16xf32>
      %swap3A = arith.index_cast %scan3A_1182 : i32 to index
      %swap3A_1192 = arith.constant 0 : index
      %swap3A_1193 = tpu.vector_load %arg7[%swap3A, %swap3A_1192] {strides = array<i32>} : memref<128x64xf32, #tpu.memory_space<vmem>>, vector<1x16xf32>,
      %swap3A_1194 = vector.shape_cast %swap3A_1193 : vector<1x16xf32> to vector<16xf32>
      %swap3A_1195 = vector.shape_cast %add3A_1191 : vector<16xf32> to vector<1x16xf32>
      tpu.vector_store %arg7[%swap3A, %swap3A_1192], %swap3A_1195 {strides = array<i32>} : memref<128x64xf32, #tpu.memory_space<vmem>>, vector<1x16xf32>,
      %get3A_1196 = arith.index_cast %scan3A_1182 : i32 to index
      %get3A_1197 = arith.constant 16 : index
      %get3A_1198 = tpu.vector_load %arg7[%get3A_1196, %get3A_1197] {strides = array<i32>} : memref<128x64xf32, #tpu.memory_space<vmem>>, vector<1x16xf32>,
      %get3A_1199 = vector.shape_cast %get3A_1198 : vector<1x16xf32> to vector<16xf32>
      %get3A_1200 = arith.index_cast %scan3A_1182 : i32 to index
      %get3A_1201 = arith.constant 16 : index
      %get3A_1202 = tpu.vector_load %arg9[%get3A_1200, %get3A_1201] {strides = array<i32>} : memref<128x64xf32, #tpu.memory_space<vmem>>, vector<1x16xf32>,
      %get3A_1203 = vector.shape_cast %get3A_1202 : vector<1x16xf32> to vector<16xf32>
      %add3A_1204 = arith.addf %get3A_1199, %get3A_1203 : vector<16xf32>
      %swap3A_1205 = arith.index_cast %scan3A_1182 : i32 to index
      %swap3A_1206 = arith.constant 16 : index
      %swap3A_1207 = tpu.vector_load %arg7[%swap3A_1205, %swap3A_1206] {strides = array<i32>} : memref<128x64xf32, #tpu.memory_space<vmem>>, vector<1x16xf32>,
      %swap3A_1208 = vector.shape_cast %swap3A_1207 : vector<1x16xf32> to vector<16xf32>
      %swap3A_1209 = vector.shape_cast %add3A_1204 : vector<16xf32> to vector<1x16xf32>
      tpu.vector_store %arg7[%swap3A_1205, %swap3A_1206], %swap3A_1209 {strides = array<i32>} : memref<128x64xf32, #tpu.memory_space<vmem>>, vector<1x16xf32>,
      %get3A_1210 = arith.index_cast %scan3A_1182 : i32 to index
      %get3A_1211 = arith.constant 32 : index
      %get3A_1212 = tpu.vector_load %arg7[%get3A_1210, %get3A_1211] {strides = array<i32>} : memref<128x64xf32, #tpu.memory_space<vmem>>, vector<1x16xf32>,
      %get3A_1213 = vector.shape_cast %get3A_1212 : vector<1x16xf32> to vector<16xf32>
      %get3A_1214 = arith.index_cast %scan3A_1182 : i32 to index
      %get3A_1215 = arith.constant 32 : index
      %get3A_1216 = tpu.vector_load %arg9[%get3A_1214, %get3A_1215] {strides = array<i32>} : memref<128x64xf32, #tpu.memory_space<vmem>>, vector<1x16xf32>,
      %get3A_1217 = vector.shape_cast %get3A_1216 : vector<1x16xf32> to vector<16xf32>
      %add3A_1218 = arith.addf %get3A_1213, %get3A_1217 : vector<16xf32>
      %swap3A_1219 = arith.index_cast %scan3A_1182 : i32 to index
      %swap3A_1220 = arith.constant 32 : index
      %swap3A_1221 = tpu.vector_load %arg7[%swap3A_1219, %swap3A_1220] {strides = array<i32>} : memref<128x64xf32, #tpu.memory_space<vmem>>, vector<1x16xf32>,
      %swap3A_1222 = vector.shape_cast %swap3A_1221 : vector<1x16xf32> to vector<16xf32>
      %swap3A_1223 = vector.shape_cast %add3A_1218 : vector<16xf32> to vector<1x16xf32>
      tpu.vector_store %arg7[%swap3A_1219, %swap3A_1220], %swap3A_1223 {strides = array<i32>} : memref<128x64xf32, #tpu.memory_space<vmem>>, vector<1x16xf32>,
      %get3A_1224 = arith.index_cast %scan3A_1182 : i32 to index
      %get3A_1225 = arith.constant 48 : index
      %get3A_1226 = tpu.vector_load %arg7[%get3A_1224, %get3A_1225] {strides = array<i32>} : memref<128x64xf32, #tpu.memory_space<vmem>>, vector<1x16xf32>,
      %get3A_1227 = vector.shape_cast %get3A_1226 : vector<1x16xf32> to vector<16xf32>
      %get3A_1228 = arith.index_cast %scan3A_1182 : i32 to index
      %get3A_1229 = arith.constant 48 : index
      %get3A_1230 = tpu.vector_load %arg9[%get3A_1228, %get3A_1229] {strides = array<i32>} : memref<128x64xf32, #tpu.memory_space<vmem>>, vector<1x16xf32>,
      %get3A_1231 = vector.shape_cast %get3A_1230 : vector<1x16xf32> to vector<16xf32>
      %add3A_1232 = arith.addf %get3A_1227, %get3A_1231 : vector<16xf32>
      %swap3A_1233 = arith.index_cast %scan3A_1182 : i32 to index
      %swap3A_1234 = arith.constant 48 : index
      %swap3A_1235 = tpu.vector_load %arg7[%swap3A_1233, %swap3A_1234] {strides = array<i32>} : memref<128x64xf32, #tpu.memory_space<vmem>>, vector<1x16xf32>,
      %swap3A_1236 = vector.shape_cast %swap3A_1235 : vector<1x16xf32> to vector<16xf32>
      %swap3A_1237 = vector.shape_cast %add3A_1232 : vector<16xf32> to vector<1x16xf32>
      tpu.vector_store %arg7[%swap3A_1233, %swap3A_1234], %swap3A_1237 {strides = array<i32>} : memref<128x64xf32, #tpu.memory_space<vmem>>, vector<1x16xf32>,
      %scan3A_1238 = arith.constant 0 : i32
      scf.yield %scan3A_1238 : i32
    }
    %scan3A_1120 = arith.constant 128 : i32
    %mul3A_1121 = arith.constant 4096 : i32
    %mul3A_1122 = arith.muli %add3A, %mul3A_1121 : i32
    %add3A_1123 = arith.constant 3840 : i32
    %add3A_1124 = arith.addi %mul3A_1122, %add3A_1123 : i32
    %dma_wait3A_1125 = arith.constant 0 : i32
    %dma_wait3A_1126 = tpu.memref_slice %arg5[%add3A_1124, %dma_wait3A_1125] : memref<131072x64xf32, #tpu.memory_space<hbm>> -> memref<128x64xf32, #tpu.memory_space<hbm>>
    %dma_wait3A_1127 = arith.constant 0 : i32
    %dma_wait3A_1128 = tpu.memref_slice %arg5[%add3A_1124, %dma_wait3A_1127] : memref<131072x64xf32, #tpu.memory_space<hbm>> -> memref<128x64xf32, #tpu.memory_space<hbm>>
    tpu.wait_dma2 semaphore(%arg13 : memref<!tpu.dma_semaphore, #tpu.memory_space<semaphore_mem>>) src(%arg8 : memref<128x64xf32, #tpu.memory_space<vmem>>) dst(%dma_wait3A_1128 : memref<128x64xf32, #tpu.memory_space<hbm>>)
    %dma_start3A_1129 = arith.constant 31 : i32
    %dma_start3A_1130 = arith.constant 0 : i32
    %dma_start3A_1131 = tpu.memref_slice %arg6[%dma_start3A_1129, %dma_start3A_1130] : memref<32x128xi32, #tpu.memory_space<vmem>> -> memref<1x128xi32, #tpu.memory_space<vmem>>
    %dma_start3A_1132 = tpu.memref_squeeze %dma_start3A_1131 : memref<1x128xi32, #tpu.memory_space<vmem>> -> memref<128xi32, #tpu.memory_space<vmem>>
    %dma_start3A_1133 = arith.constant 0 : i32
    %dma_start3A_1134 = arith.constant 0 : i32
    %dma_start3A_1135 = tpu.memref_slice %arg3[%dma_start3A_1133, %dma_start3A_1134] : memref<1000000x64xf32, #tpu.memory_space<hbm>> -> memref<1000000x64xf32, #tpu.memory_space<hbm>>
    tpu.enqueue_indirect_dma source(%dma_start3A_1135 : memref<1000000x64xf32, #tpu.memory_space<hbm>>) target(%arg8 : memref<128x64xf32, #tpu.memory_space<vmem>>) offsets(%dma_start3A_1132 : memref<128xi32, #tpu.memory_space<vmem>>) semaphore(%arg11 : memref<!tpu.dma_semaphore, #tpu.memory_space<semaphore_mem>>)
    %mul3A_1136 = arith.constant 4096 : i32
    %mul3A_1137 = arith.muli %add3A, %mul3A_1136 : i32
    %add3A_1138 = arith.constant 1920 : i32
    %add3A_1139 = arith.addi %mul3A_1137, %add3A_1138 : i32
    %dma_start3A_1140 = arith.constant 0 : i32
    %dma_start3A_1141 = tpu.memref_slice %arg5[%add3A_1139, %dma_start3A_1140] : memref<131072x64xf32, #tpu.memory_space<hbm>> -> memref<128x64xf32, #tpu.memory_space<hbm>>
    %dma_start3A_1142 = arith.constant 0 : i32
    %dma_start3A_1143 = tpu.memref_slice %arg5[%add3A_1139, %dma_start3A_1142] : memref<131072x64xf32, #tpu.memory_space<hbm>> -> memref<128x64xf32, #tpu.memory_space<hbm>>
    tpu.enqueue_dma source(%arg7 : memref<128x64xf32, #tpu.memory_space<vmem>>) target(%dma_start3A_1143 : memref<128x64xf32, #tpu.memory_space<hbm>>) target_semaphore(%arg12 : memref<!tpu.dma_semaphore, #tpu.memory_space<semaphore_mem>>)
    %dma_wait3A_1144 = arith.constant 31 : i32
    %dma_wait3A_1145 = arith.constant 0 : i32
    %dma_wait3A_1146 = tpu.memref_slice %arg6[%dma_wait3A_1144, %dma_wait3A_1145] : memref<32x128xi32, #tpu.memory_space<vmem>> -> memref<1x128xi32, #tpu.memory_space<vmem>>
    %dma_wait3A_1147 = tpu.memref_squeeze %dma_wait3A_1146 : memref<1x128xi32, #tpu.memory_space<vmem>> -> memref<128xi32, #tpu.memory_space<vmem>>
    %dma_wait3A_1148 = arith.constant 0 : i32
    %dma_wait3A_1149 = arith.constant 0 : i32
    %dma_wait3A_1150 = tpu.memref_slice %arg3[%dma_wait3A_1148, %dma_wait3A_1149] : memref<1000000x64xf32, #tpu.memory_space<hbm>> -> memref<1000000x64xf32, #tpu.memory_space<hbm>>
    tpu.wait_indirect_dma semaphore(%arg11 : memref<!tpu.dma_semaphore, #tpu.memory_space<semaphore_mem>>) src(%dma_wait3A_1150 : memref<1000000x64xf32, #tpu.memory_space<hbm>>) dst(%arg8 : memref<128x64xf32, #tpu.memory_space<vmem>>)
    %scan3A_1151 = arith.constant 0 : i32
    %scan3A_1152 = arith.constant 0 : i32
    %scan3A_1153 = arith.constant 128 : i32
    %scan3A_1154 = arith.addi %scan3A_1152, %scan3A_1153 : i32
    %scan3A_1155 = arith.constant 1 : i32
    %scan3A_1156 = scf.for %scan3A_1182 = %scan3A_1152 to %scan3A_1154 step %scan3A_1155 iter_args(%scan3A_1183 = %scan3A_1151) -> (i32)  : i32 {
      %get3A = arith.index_cast %scan3A_1182 : i32 to index
      %get3A_1184 = arith.constant 0 : index
      %get3A_1185 = tpu.vector_load %arg8[%get3A, %get3A_1184] {strides = array<i32>} : memref<128x64xf32, #tpu.memory_space<vmem>>, vector<1x16xf32>,
      %get3A_1186 = vector.shape_cast %get3A_1185 : vector<1x16xf32> to vector<16xf32>
      %get3A_1187 = arith.index_cast %scan3A_1182 : i32 to index
      %get3A_1188 = arith.constant 0 : index
      %get3A_1189 = tpu.vector_load %arg9[%get3A_1187, %get3A_1188] {strides = array<i32>} : memref<128x64xf32, #tpu.memory_space<vmem>>, vector<1x16xf32>,
      %get3A_1190 = vector.shape_cast %get3A_1189 : vector<1x16xf32> to vector<16xf32>
      %add3A_1191 = arith.addf %get3A_1186, %get3A_1190 : vector<16xf32>
      %swap3A = arith.index_cast %scan3A_1182 : i32 to index
      %swap3A_1192 = arith.constant 0 : index
      %swap3A_1193 = tpu.vector_load %arg8[%swap3A, %swap3A_1192] {strides = array<i32>} : memref<128x64xf32, #tpu.memory_space<vmem>>, vector<1x16xf32>,
      %swap3A_1194 = vector.shape_cast %swap3A_1193 : vector<1x16xf32> to vector<16xf32>
      %swap3A_1195 = vector.shape_cast %add3A_1191 : vector<16xf32> to vector<1x16xf32>
      tpu.vector_store %arg8[%swap3A, %swap3A_1192], %swap3A_1195 {strides = array<i32>} : memref<128x64xf32, #tpu.memory_space<vmem>>, vector<1x16xf32>,
      %get3A_1196 = arith.index_cast %scan3A_1182 : i32 to index
      %get3A_1197 = arith.constant 16 : index
      %get3A_1198 = tpu.vector_load %arg8[%get3A_1196, %get3A_1197] {strides = array<i32>} : memref<128x64xf32, #tpu.memory_space<vmem>>, vector<1x16xf32>,
      %get3A_1199 = vector.shape_cast %get3A_1198 : vector<1x16xf32> to vector<16xf32>
      %get3A_1200 = arith.index_cast %scan3A_1182 : i32 to index
      %get3A_1201 = arith.constant 16 : index
      %get3A_1202 = tpu.vector_load %arg9[%get3A_1200, %get3A_1201] {strides = array<i32>} : memref<128x64xf32, #tpu.memory_space<vmem>>, vector<1x16xf32>,
      %get3A_1203 = vector.shape_cast %get3A_1202 : vector<1x16xf32> to vector<16xf32>
      %add3A_1204 = arith.addf %get3A_1199, %get3A_1203 : vector<16xf32>
      %swap3A_1205 = arith.index_cast %scan3A_1182 : i32 to index
      %swap3A_1206 = arith.constant 16 : index
      %swap3A_1207 = tpu.vector_load %arg8[%swap3A_1205, %swap3A_1206] {strides = array<i32>} : memref<128x64xf32, #tpu.memory_space<vmem>>, vector<1x16xf32>,
      %swap3A_1208 = vector.shape_cast %swap3A_1207 : vector<1x16xf32> to vector<16xf32>
      %swap3A_1209 = vector.shape_cast %add3A_1204 : vector<16xf32> to vector<1x16xf32>
      tpu.vector_store %arg8[%swap3A_1205, %swap3A_1206], %swap3A_1209 {strides = array<i32>} : memref<128x64xf32, #tpu.memory_space<vmem>>, vector<1x16xf32>,
      %get3A_1210 = arith.index_cast %scan3A_1182 : i32 to index
      %get3A_1211 = arith.constant 32 : index
      %get3A_1212 = tpu.vector_load %arg8[%get3A_1210, %get3A_1211] {strides = array<i32>} : memref<128x64xf32, #tpu.memory_space<vmem>>, vector<1x16xf32>,
      %get3A_1213 = vector.shape_cast %get3A_1212 : vector<1x16xf32> to vector<16xf32>
      %get3A_1214 = arith.index_cast %scan3A_1182 : i32 to index
      %get3A_1215 = arith.constant 32 : index
      %get3A_1216 = tpu.vector_load %arg9[%get3A_1214, %get3A_1215] {strides = array<i32>} : memref<128x64xf32, #tpu.memory_space<vmem>>, vector<1x16xf32>,
      %get3A_1217 = vector.shape_cast %get3A_1216 : vector<1x16xf32> to vector<16xf32>
      %add3A_1218 = arith.addf %get3A_1213, %get3A_1217 : vector<16xf32>
      %swap3A_1219 = arith.index_cast %scan3A_1182 : i32 to index
      %swap3A_1220 = arith.constant 32 : index
      %swap3A_1221 = tpu.vector_load %arg8[%swap3A_1219, %swap3A_1220] {strides = array<i32>} : memref<128x64xf32, #tpu.memory_space<vmem>>, vector<1x16xf32>,
      %swap3A_1222 = vector.shape_cast %swap3A_1221 : vector<1x16xf32> to vector<16xf32>
      %swap3A_1223 = vector.shape_cast %add3A_1218 : vector<16xf32> to vector<1x16xf32>
      tpu.vector_store %arg8[%swap3A_1219, %swap3A_1220], %swap3A_1223 {strides = array<i32>} : memref<128x64xf32, #tpu.memory_space<vmem>>, vector<1x16xf32>,
      %get3A_1224 = arith.index_cast %scan3A_1182 : i32 to index
      %get3A_1225 = arith.constant 48 : index
      %get3A_1226 = tpu.vector_load %arg8[%get3A_1224, %get3A_1225] {strides = array<i32>} : memref<128x64xf32, #tpu.memory_space<vmem>>, vector<1x16xf32>,
      %get3A_1227 = vector.shape_cast %get3A_1226 : vector<1x16xf32> to vector<16xf32>
      %get3A_1228 = arith.index_cast %scan3A_1182 : i32 to index
      %get3A_1229 = arith.constant 48 : index
      %get3A_1230 = tpu.vector_load %arg9[%get3A_1228, %get3A_1229] {strides = array<i32>} : memref<128x64xf32, #tpu.memory_space<vmem>>, vector<1x16xf32>,
      %get3A_1231 = vector.shape_cast %get3A_1230 : vector<1x16xf32> to vector<16xf32>
      %add3A_1232 = arith.addf %get3A_1227, %get3A_1231 : vector<16xf32>
      %swap3A_1233 = arith.index_cast %scan3A_1182 : i32 to index
      %swap3A_1234 = arith.constant 48 : index
      %swap3A_1235 = tpu.vector_load %arg8[%swap3A_1233, %swap3A_1234] {strides = array<i32>} : memref<128x64xf32, #tpu.memory_space<vmem>>, vector<1x16xf32>,
      %swap3A_1236 = vector.shape_cast %swap3A_1235 : vector<1x16xf32> to vector<16xf32>
      %swap3A_1237 = vector.shape_cast %add3A_1232 : vector<16xf32> to vector<1x16xf32>
      tpu.vector_store %arg8[%swap3A_1233, %swap3A_1234], %swap3A_1237 {strides = array<i32>} : memref<128x64xf32, #tpu.memory_space<vmem>>, vector<1x16xf32>,
      %scan3A_1238 = arith.constant 0 : i32
      scf.yield %scan3A_1238 : i32
    }
    %scan3A_1157 = arith.constant 128 : i32
    %mul3A_1158 = arith.constant 4096 : i32
    %mul3A_1159 = arith.muli %add3A, %mul3A_1158 : i32
    %add3A_1160 = arith.constant 1920 : i32
    %add3A_1161 = arith.addi %mul3A_1159, %add3A_1160 : i32
    %dma_wait3A_1162 = arith.constant 0 : i32
    %dma_wait3A_1163 = tpu.memref_slice %arg5[%add3A_1161, %dma_wait3A_1162] : memref<131072x64xf32, #tpu.memory_space<hbm>> -> memref<128x64xf32, #tpu.memory_space<hbm>>
    %dma_wait3A_1164 = arith.constant 0 : i32
    %dma_wait3A_1165 = tpu.memref_slice %arg5[%add3A_1161, %dma_wait3A_1164] : memref<131072x64xf32, #tpu.memory_space<hbm>> -> memref<128x64xf32, #tpu.memory_space<hbm>>
    tpu.wait_dma2 semaphore(%arg12 : memref<!tpu.dma_semaphore, #tpu.memory_space<semaphore_mem>>) src(%arg7 : memref<128x64xf32, #tpu.memory_space<vmem>>) dst(%dma_wait3A_1165 : memref<128x64xf32, #tpu.memory_space<hbm>>)
    %mul3A_1166 = arith.constant 4096 : i32
    %mul3A_1167 = arith.muli %add3A, %mul3A_1166 : i32
    %add3A_1168 = arith.constant 3968 : i32
    %add3A_1169 = arith.addi %mul3A_1167, %add3A_1168 : i32
    %dma_start3A_1170 = arith.constant 0 : i32
    %dma_start3A_1171 = tpu.memref_slice %arg5[%add3A_1169, %dma_start3A_1170] : memref<131072x64xf32, #tpu.memory_space<hbm>> -> memref<128x64xf32, #tpu.memory_space<hbm>>
    %dma_start3A_1172 = arith.constant 0 : i32
    %dma_start3A_1173 = tpu.memref_slice %arg5[%add3A_1169, %dma_start3A_1172] : memref<131072x64xf32, #tpu.memory_space<hbm>> -> memref<128x64xf32, #tpu.memory_space<hbm>>
    tpu.enqueue_dma source(%arg8 : memref<128x64xf32, #tpu.memory_space<vmem>>) target(%dma_start3A_1173 : memref<128x64xf32, #tpu.memory_space<hbm>>) target_semaphore(%arg13 : memref<!tpu.dma_semaphore, #tpu.memory_space<semaphore_mem>>)
    %mul3A_1174 = arith.constant 4096 : i32
    %mul3A_1175 = arith.muli %add3A, %mul3A_1174 : i32
    %add3A_1176 = arith.constant 3968 : i32
    %add3A_1177 = arith.addi %mul3A_1175, %add3A_1176 : i32
    %dma_wait3A_1178 = arith.constant 0 : i32
    %dma_wait3A_1179 = tpu.memref_slice %arg5[%add3A_1177, %dma_wait3A_1178] : memref<131072x64xf32, #tpu.memory_space<hbm>> -> memref<128x64xf32, #tpu.memory_space<hbm>>
    %dma_wait3A_1180 = arith.constant 0 : i32
    %dma_wait3A_1181 = tpu.memref_slice %arg5[%add3A_1177, %dma_wait3A_1180] : memref<131072x64xf32, #tpu.memory_space<hbm>> -> memref<128x64xf32, #tpu.memory_space<hbm>>
    tpu.wait_dma2 semaphore(%arg13 : memref<!tpu.dma_semaphore, #tpu.memory_space<semaphore_mem>>) src(%arg8 : memref<128x64xf32, #tpu.memory_space<vmem>>) dst(%dma_wait3A_1181 : memref<128x64xf32, #tpu.memory_space<hbm>>)
    return
  }
}

</mosaic_0001>

<sc_bundles>
// kernel: kernel.3.cloned.1.call-start
scs
__scs_entry_jumppad:
0x0: {  	(pc) =	sbr.rel $0x88, $3  }
0x1: {  	(tag) =	ssettag $0x0;
	lr =	simm.s32 $0x1  }
0x2: {  	[smem:$0x3F9E] =	sst lr;
	_ =	strace $0xD0000000  }
0x3: {  	_ = 	snop  }
0x4: {  	_ = 	snop  }
0x5: {  	_ = 	snop  }
0x6: {  	_ = 	snop  }
0x7: {  	_ = 	snop  }
__scs_overlays_trampoline_lowered:
0x8: {  	[smem:$0x3FAD] =	sst s0  }
0x9: {  	[smem:$0x3FAE] =	sst s1  }
0xa: {  	[smem:$0x3FAF] =	sst s2  }
0xb: {  	[smem:$0x3FB0] =	sst s3  }
0xc: {  	[smem:$0x3FB1] =	sst s4  }
0xd: {  	[smem:$0x3FB2] =	sst s5  }
0xe: {  	[smem:$0x3FB3] =	sst s6  }
0xf: {  	[smem:$0x3FB4] =	sst s7  }
0x10: {  	[smem:$0x3FB5] =	sst s8  }
0x11: {  	[smem:$0x3FB6] =	sst s9;
	s0 =	simm.s32 @!p0 $0x0  }
0x12: {  	s1 =	sld [smem:$0x3F9C];
	s0 =	simm.s32 @p0 $0x1  }
0x13: {  	[smem:$0x3FB7] =	sst s0;
	s0 =	simm.s32 @!p1 $0x0  }
0x14: {  	s2 =	sld [smem:$0x3F9B];
	s0 =	simm.s32 @p1 $0x1  }
0x15: {  	[smem:$0x3FB8] =	sst s0;
	s0 =	simm.s32 @!p2 $0x0  }
0x16: {  	s3 =	sld [smem:$0x3FDB];
	s0 =	simm.s32 @p2 $0x1  }
0x17: {  	s4 =	simm.s32 $0x1BF5;
	[smem:$0x3FBA] =	sst s0  }
0x18: {  	s0 =	sld [smem:$0x3F9D];
	_ =	swait.ge [sflag:s4], $0x0  }
0x19: {  	s7 =	sld [smem:$0x3F9E]  }
0x1a: {  	s8 =	sadd.s32 $0xFFFFE003, lr  }
0x1b: {  	s9 =	sadd.s32 $0xFFFFFEF7, lr;
	s5 =	simm.s32 $0xFFFFFFFF;
	p2 =	slt.u32 s8, $0xFFFFF086  }
0x1c: {  	p1 =	slt.u32 s9, $0xF7A;
	s5 =	simm.s32 @!p2 $0x0  }
0x1d: {  	s5 =	simm.s32 @p1 $0x1;
	p0 =	seq.s32 s7, s2  }
0x1e: {  	s7 =	smul.u32 @!p0 $0xF7A, s2;
	p2 =	seq.s32 @!p0 s5, $0x0  }
0x1f: {  	s9 =	smul.u32 $0xF7A, s1;
	s8 =	simm.s32 @!p0 $0x1BF5;
	p2 =	por !p2, p0  }
0x20: {  	[sflag:s8] =	ssyncset.s32 @!p0 $0xFFFFF086;
	s6 =	sadd.s32 @!p0 s3, s7;
	s7 =	simm.s32 @!p0 $0x108  }
0x21: {  	s3 =	sadd.s32 s3, s9;
	s6 =	sadd.s32 @!p0 $0x88, s6;
	s7 =	simm.s32 @p2 $0x1082  }
0x22: {  	[simem:s7], [sflag:s8] =	dma.local @!p0 [hbm:s6], $0xF7A  }
0x23: {  	s9 =	sor.u32 $0xD0000000, s2;
	s6 =	simm.s32 $0x108;
	_ =	swait.ge @!p0 [sflag:s8], $0x0  }
0x24: {  	s3 =	sadd.s32 $0x88, s3;
	s6 =	simm.s32 @!p1 $0x1082;
	[sflag:s4] =	ssyncset.s32 $0xFFFFF086  }
0x25: {  	[simem:s6], [sflag:s4] =	dma.local [hbm:s3], $0xF7A  }
0x26: {  	[smem:$0x3F9E] =	sst s1;
	(tag) =	ssettag s2;
	_ =	strace s9  }
0x27: {  	s1 =	sld [smem:$0x3FAE]  }
0x28: {  	s2 =	sld [smem:$0x3FAF]  }
0x29: {  	s4 =	sld [smem:$0x3FB1]  }
0x2a: {  	p0 =	seq.s32 s5, $0x0;
	s5 =	sld [smem:$0x3FB2]  }
0x2b: {  	s6 =	sld [smem:$0x3FB3]  }
0x2c: {  	s7 =	sld [smem:$0x3FB4]  }
0x2d: {  	s3 =	simm.s32 $0x108;
	s8 =	sld [smem:$0x3FB5]  }
0x2e: {  	s3 =	simm.s32 @!p0 $0x1082;
	s9 =	sld [smem:$0x3FB6]  }
0x2f: {  	lr =	sadd.s32 s0, s3;
	s0 =	sld [smem:$0x3FAD]  }
0x30: {  	s3 =	sld [smem:$0x3FB0]  }
0x31: {  	[smem:$0x3FB9] =	sst s10  }
0x32: {  	s10 =	sld [smem:$0x3FB7];
	_ =	sdelay $0x3  }
0x33: {  	p0 =	seq.s32 s10, $0x1;
	s10 =	sld [smem:$0x3FB9];
	_ =	sdelay $0x3  }
0x34: {  	[smem:$0x3FB9] =	sst s10  }
0x35: {  	s10 =	sld [smem:$0x3FB8];
	_ =	sdelay $0x3  }
0x36: {  	p1 =	seq.s32 s10, $0x1;
	s10 =	sld [smem:$0x3FB9];
	_ =	sdelay $0x3  }
0x37: {  	[smem:$0x3FB9] =	sst s10  }
0x38: {  	s10 =	sld [smem:$0x3FBA]  }
0x39: {  	_ = 	snop;
	(pc) =	sbr.ind lr, $3  }
0x3a: {  	_ = 	snop  }
0x3b: {  	_ = 	snop  }
0x3c: {  	p2 =	seq.s32 s10, $0x1;
	s10 =	sld [smem:$0x3FB9]  }
0x3d: {  	_ =	shalt  }
0x3e: {  	_ =	shalt  }
0x3f: {  	_ =	shalt  }
0x40: {  	_ =	shalt  }
0x41: {  	_ =	shalt  }
0x42: {  	_ =	shalt  }
0x43: {  	_ =	shalt  }
0x44: {  	_ =	shalt  }
0x45: {  	_ =	shalt  }
0x46: {  	_ =	shalt  }
0x47: {  	_ =	shalt  }
0x48: {  	_ =	shalt  }
0x49: {  	_ =	shalt  }
0x4a: {  	_ =	shalt  }
0x4b: {  	_ =	shalt  }
0x4c: {  	_ =	shalt  }
0x4d: {  	_ =	shalt  }
0x4e: {  	_ =	shalt  }
0x4f: {  	_ =	shalt  }
0x50: {  	_ =	shalt  }
0x51: {  	_ =	shalt  }
0x52: {  	_ =	shalt  }
0x53: {  	_ =	shalt  }
0x54: {  	_ =	shalt  }
0x55: {  	_ =	shalt  }
0x56: {  	_ =	shalt  }
0x57: {  	_ =	shalt  }
0x58: {  	_ =	shalt  }
0x59: {  	_ =	shalt  }
0x5a: {  	_ =	shalt  }
0x5b: {  	_ =	shalt  }
0x5c: {  	_ =	shalt  }
0x5d: {  	_ =	shalt  }
0x5e: {  	_ =	shalt  }
0x5f: {  	_ =	shalt  }
0x60: {  	_ =	shalt  }
0x61: {  	_ =	shalt  }
0x62: {  	_ =	shalt  }
0x63: {  	_ =	shalt  }
0x64: {  	_ =	shalt  }
0x65: {  	_ =	shalt  }
0x66: {  	_ =	shalt  }
0x67: {  	_ =	shalt  }
0x68: {  	_ =	shalt  }
0x69: {  	_ =	shalt  }
0x6a: {  	_ =	shalt  }
0x6b: {  	_ =	shalt  }
0x6c: {  	_ =	shalt  }
0x6d: {  	_ =	shalt  }
0x6e: {  	_ =	shalt  }
0x6f: {  	_ =	shalt  }
0x70: {  	_ =	shalt  }
0x71: {  	_ =	shalt  }
0x72: {  	_ =	shalt  }
0x73: {  	_ =	shalt  }
0x74: {  	_ =	shalt  }
0x75: {  	_ =	shalt  }
0x76: {  	_ =	shalt  }
0x77: {  	_ =	shalt  }
0x78: {  	_ =	shalt  }
0x79: {  	_ =	shalt  }
0x7a: {  	_ =	shalt  }
0x7b: {  	_ =	shalt  }
0x7c: {  	_ =	shalt  }
0x7d: {  	_ =	shalt  }
0x7e: {  	_ =	shalt  }
0x7f: {  	_ =	shalt  }
0x80: {  	_ =	shalt  }
0x81: {  	_ =	shalt  }
0x82: {  	_ =	shalt  }
0x83: {  	_ =	shalt  }
0x84: {  	_ =	shalt  }
0x85: {  	_ =	shalt  }
0x86: {  	_ =	shalt  }
0x87: {  	_ =	shalt  }
.Lfunc_end0:
.L_simem_size_0:
called_computation.1_lowered:
.L_overlay_start_0:
0x88: {  	s2 =	sld [smem:$0x3FD9]  }
0x89: {  	s3 =	sld [smem:$0x3FFE];
	_ =	sdelay $0x1  }
0x8a: {  	s1 =	srdreg.scid  }
0x8b: {  	s0 =	sand.u32 $0x1, s1  }
0x8c: {  	s17 =	sshll.u32 s0, $0xA;
	s2 =	sadd.s32 s3, s2  }
0x8d: {  	s2 =	sadd.s32 s2, s17  }
0x8e: {  	[smem:$0x3FC5] =	sst s2  }
0x8f: {  	_ = 	snop  }
0x90: {  	s2 =	sld [smem:$0x3FD0];
	(tm) =	ssettm $0x1  }
0x91: {  	s18 =	sld [smem:$0x3FFB];
	_ =	sdelay $0x3  }
0x92: {  	_ =	strace s18  }
0x93: {  	s3 =	sld [smem:$0x3FFC];
	_ =	sdelay $0x3  }
0x94: {  	_ =	strace s3  }
0x95: {  	s3 =	sld [smem:$0x3FFD];
	_ =	sdelay $0x3  }
0x96: {  	_ =	strace s3  }
0x97: {  	_ =	strace $0x8FFFFFFF  }
0x98: {  	s19 =	sld [smem:$0x3FDB];
	_ =	sdelay $0x1  }
0x99: {  	s4 =	simm.s32 $_scs_section_size  }
0x9a: {  	s5 =	simm.s32 $_size__tile_overlayer_lowered;
	s6 =	simm.s32 $_tile_overlayer_lowered  }
0x9b: {  	s22 =	simm.s32 $0x1BFF;
	s21 =	sshll.u32 s6, $0x1;
	s3 =	sadd.s32 s4, s19  }
0x9c: {  	s7 =	simm.s32 $0x0;
	s20 =	sshll.u32 s5, $0x1;
	s5 =	sadd.s32 s21, s3  }
0x9d: {  	[timem:s7], [sflag:s22] =	dma.local [hbm:s5], s20  }
0x9e: {  	_ =	swait.ge [sflag:s22], s20  }
0x9f: {  	s4 =	ssub.s32 $0x0, s20;
	[sflag:s22] =	ssyncset.done $0x0  }
0xa0: {  	[sflag:s22] =	ssyncadd.s32 s4;
	_ =	sdelay $0x1  }
0xa1: {  	s23 =	simm.s32 $0x1B8B  }
0xa2: {  	_ =	swait.ge [sflag:s23], $0x1  }
0xa3: {  	[sflag:s23] =	ssyncset.done $0x0  }
0xa4: {  	s25 =	simm.s32 $0x1B8E;
	s24 =	sld [smem:$0x3FFE];
	[sflag:s23] =	ssyncadd.s32 $0xFFFFFFFF  }
0xa5: {  	s26 =	simm.s32 $execute0_lowered;
	[smem:$0x3FD2] =	sst s25  }
0xa6: {  	s5 =	sshll.u32 s26, $0x1;
	_ =	strace $0x80000046;
	[dreg:$0x1] =	wrdreg $0xFFFFFFFF  }
0xa7: {  	s28 =	simm.s32 $_size_execute0_lowered;
	s3 =	sadd.s32 s3, s5;
	[dreg:$0x0] =	wrdreg $0x0  }
0xa8: {  	s5 =	sshll.u32 s28, $0x1;
	[dreg:$0x2] =	wrdreg s3  }
0xa9: {  	[dreg:$0x3] =	wrdreg s5  }
0xaa: {  	[dreg:$0x4] =	wrdreg $0xC0  }
0xab: {  	_ =	task [dreg:s7], $0x5FFFF  }
0xac: {  	[dreg:$0x1] =	wrdreg $0xFFFFFFFF  }
0xad: {  	[dreg:$0x0] =	wrdreg $0x60  }
0xae: {  	[dreg:$0x2] =	wrdreg s24  }
0xaf: {  	[dreg:$0x3] =	wrdreg s2  }
0xb0: {  	[dreg:$0x4] =	wrdreg $0x9  }
0xb1: {  	_ =	task.clear_ibuf [dreg:s7], $0x5FFFF;
	_ =	strace $0x90000046  }
0xb2: {  	s29 =	simm.s32 $0x9;
	_ =	strace $0x80000048  }
0xb3: {  	_ =	swait.ge [sflag:s29], $0x1  }
0xb4: {  	[sflag:s29] =	ssyncadd.s32 $0xFFFFFFFF  }
0xb5: {  	_ =	strace $0x90000048  }
0xb6: {  	_ =	sfence  }
0xb7: {  	s30 =	sld [smem:$0x0];
	_ =	sdelay $0x2  }
0xb8: {  	s31 =	sshll.u32 s1, $0xD;
	s1 =	sshrl.u32 s1, $0x2  }
0xb9: {  	s3 =	sand.u32 $0x4000, s31;
	s1 =	sadd.s32 s1, s30  }
0xba: {  	s0 =	sor.u32 s3, s0;
	s1 =	sshll.u32 s1, $0x11  }
0xbb: {  	s0 =	sor.u32 s1, s0  }
0xbc: {  	s0 =	sadd.s32 $0x8F2B, s0  }
0xbd: {  	[sflag:s0] =	ssyncadd.remote.s32 $0x1  }
0xbe: {  	_ =	sfence.sel $0xFFFF  }
0xbf: {  	[dreg:$0x0] =	wrdreg $0xFFFFFFFF;
	(pc) =	sbr.abs _section_cstart, $3  }
0xc0: {  	[dreg:$0x1] =	wrdreg $0xFFFFFFFF  }
0xc1: {  	_ =	task.clear_ibuf [dreg:s7], $0x2FFFF;
	_ =	strace $0x9FFFFFFF  }
0xc2: {  	(tm) =	ssettm $0x7FFFFFFF  }
0xc3: {  	_ =	shalt  }
tec
execute0_lowered:
.L_overlay_start_1:
0x0: {  	(tag) =	ssettag $0x1  }
0x1: {  	s0 =	rddreg [dreg:$0x0];
	s2 =	srdreg.scid  }
0x2: {  	s1 =	rddreg [dreg:$0x1];
	s4 =	sand.u32 $0x1, s2;
	s2 =	simm.s32 $0x0  }
0x3: {  	s7 =	sadd.s32 $0xC00, s0;
	[smem:$0x7FF] =	sst s2  }
0x4: {  	s18 =	sadd.s32 $0x1000, s0;
	_ =	strace $0x80000047;
	[dreg:$0x3] =	wrdreg s7  }
0x5: {  	s21 =	sadd.s32 $0x1400, s0;
	[dreg:$0x6] =	wrdreg s18  }
0x6: {  	s22 =	sadd.s32 $0x1800, s0;
	[dreg:$0x9] =	wrdreg s21  }
0x7: {  	s23 =	sadd.s32 $0x1C00, s0;
	[dreg:$0xa] =	wrdreg s22  }
0x8: {  	s24 =	sadd.s32 $0x2000, s0;
	[dreg:$0xb] =	wrdreg s23  }
0x9: {  	s3 =	stileid.u32;
	s25 =	sadd.s32 $0x2400, s0;
	[dreg:$0xc] =	wrdreg s24  }
0xa: {  	s3 =	sshll.u32 s3, $0xD;
	s26 =	sadd.s32 $0x2800, s0;
	[dreg:$0xd] =	wrdreg s25  }
0xb: {  	s8 =	sadd.s32 $0x3400, s0;
	s9 =	sadd.s32 $0x3800, s0;
	[dreg:$0xe] =	wrdreg s26  }
0xc: {  	s10 =	sadd.s32 $0x3C00, s0;
	s11 =	sadd.s32 $0x4000, s0;
	[dreg:$0x11] =	wrdreg s8  }
0xd: {  	s12 =	sadd.s32 $0x4400, s0;
	s5 =	sshll.u32 s4, $0xC;
	[dreg:$0x12] =	wrdreg s9  }
0xe: {  	s4 =	ssub.s32 $0x2, s4;
	s5 =	sor.u32 s5, s3;
	[dreg:$0x13] =	wrdreg s10  }
0xf: {  	s17 =	sshrl.u32 s4, $0x1;
	s7 =	sadd.s32 $0x3000, s0;
	[dreg:$0x14] =	wrdreg s11  }
0x10: {  	[dreg:$0x15] =	wrdreg s12;
	s3 =	sshrl.u32 s5, $0x3;
	s4 =	ssub.s32 s4, s17  }
0x11: {  	[dreg:$0x10] =	wrdreg s7;
	s6 =	sadd.s32 s3, s0;
	s13 =	smax.u32 s4, $0x1  }
0x12: {  	s5 =	sshll.u32 s5, $0x3;
	s6 =	sadd.s32 $0x4C00, s6;
	[dreg:$0x17] =	wrdreg s13  }
0x13: {  	[dreg:$0x4] =	wrdreg s6;
	s6 =	sadd.s32 s1, s5;
	s5 =	sadd.s32 $0x2C00, s0  }
0x14: {  	s3 =	sadd.s32 $0xF43000, s0;
	s0 =	sadd.s32 $0x4800, s0;
	[dreg:$0xf] =	wrdreg s5  }
0x15: {  	s1 =	sadd.s32 $0x4000, s6;
	[dreg:$0x16] =	wrdreg s0  }
0x16: {  	s19 =	sadd.s32 $0x400, s6;
	[dreg:$0x5] =	wrdreg s1  }
0x17: {  	s28 =	simm.s32 $0x80;
	s20 =	sadd.s32 $0x4400, s6;
	[dreg:$0x7] =	wrdreg s19  }
0x18: {  	s29 =	simm.s32 $0x1000;
	s14 =	sadd.s32 $0x800, s6;
	[dreg:$0x8] =	wrdreg s20  }
0x19: {  	s30 =	simm.s32 $0x1;
	s15 =	sadd.s32 $0x4800, s6;
	[dreg:$0x18] =	wrdreg s14  }
0x1a: {  	s31 =	simm.s32 $0x5000;
	s16 =	sadd.s32 $0xC00, s6;
	[dreg:$0x19] =	wrdreg s15  }
0x1b: {  	s7 =	simm.s32 $0x0;
	s17 =	sadd.s32 $0x4C00, s6;
	[dreg:$0x1a] =	wrdreg s16  }
0x1c: {  	s4 =	simm.s32 $0x3;
	s18 =	sadd.s32 $0x1000, s6;
	[dreg:$0x1b] =	wrdreg s17  }
0x1d: {  	s21 =	sadd.s32 $0x5400, s6;
	s22 =	sadd.s32 $0x1800, s6;
	[dreg:$0x1c] =	wrdreg s18  }
0x1e: {  	s23 =	sadd.s32 $0x5800, s6;
	s24 =	sadd.s32 $0x1C00, s6;
	[dreg:$0x1f] =	wrdreg s21  }
0x1f: {  	s25 =	sadd.s32 $0x5C00, s6;
	s26 =	sadd.s32 $0x2000, s6;
	[smem:$0x7F9] =	sst s22  }
0x20: {  	s11 =	sadd.s32 $0x6000, s6;
	s12 =	sadd.s32 $0x2400, s6;
	[smem:$0x7FA] =	sst s23  }
0x21: {  	s13 =	sadd.s32 $0x6400, s6;
	s0 =	simm.s32 $0x3000;
	[smem:$0x7FB] =	sst s24  }
0x22: {  	s5 =	simm.s32 $0x4;
	s19 =	sadd.s32 $0x5000, s6;
	[smem:$0x7FC] =	sst s25  }
0x23: {  	s20 =	sadd.s32 $0x1400, s6;
	[smem:$0x7FD] =	sst s26;
	s14 =	sadd.s32 $0x2800, s6  }
0x24: {  	s15 =	sadd.s32 $0x6800, s6;
	s16 =	sadd.s32 $0x2C00, s6;
	s17 =	sadd.s32 $0x6C00, s6  }
0x25: {  	s18 =	sadd.s32 $0x3000, s6;
	s21 =	sadd.s32 $0x7400, s6;
	s22 =	sadd.s32 $0x3800, s6  }
0x26: {  	s23 =	sadd.s32 $0x7800, s6;
	s24 =	sadd.s32 $0x3C00, s6;
	s25 =	sadd.s32 $0x7C00, s6  }
0x27: {  	s26 =	simm.s32 $0x5;
	s1 =	simm.s32 $0x2;
	[dreg:$0x1d] =	wrdreg s19  }
0x28: {  	[dreg:$0x1e] =	wrdreg s20;
	s19 =	sadd.s32 $0x7000, s6;
	s20 =	sadd.s32 $0x3400, s6  }
.LBB2_1:
0x29: {  	s8 =	rddreg [dreg:$0x4]  }
0x2a: {  	[tilespmem:s2], [sflag:$0x5] =	stream.linear.gather [hbm4b:s8+s2], $0x1000, $0x38;
	[tilespmem:$0x7000] =	vst v63  }
0x2b: {  	_ =	swait.ge [sflag:s26], $0x1000  }
0x2c: {  	[sflag:s26] =	ssyncset.done $0x0  }
0x2d: {  	[sflag:s26] =	ssyncadd.s32 $0xFFFFF000  }
0x2e: {  	[tilespmem:s29], [sflag:$0x1] =	stream.indirect.gather [hbm4b:s3+s28], $0x40, s2, s28, $0xb8;
	[tilespmem:$0x7000] =	vst v63  }
0x2f: {  	_ =	swait.ge [sflag:s30], $0x2000  }
0x30: {  	[sflag:s30] =	ssyncset.done $0x0  }
0x31: {  	s10 =	rddreg [dreg:$0x3];
	[sflag:s30] =	ssyncadd.s32 $0xFFFFE000  }
0x32: {  	[tilespmem:s31], [sflag:$0x5] =	stream.linear.gather [hbm4b:s10+s2], $0x2000, $0x38;
	[tilespmem:$0x7000] =	vst v63  }
0x33: {  	_ =	swait.ge [sflag:s26], $0x2000  }
0x34: {  	[sflag:s26] =	ssyncset.done $0x0  }
0x35: {  	s8 =	simm.s32 $0x0;
	[sflag:s26] =	ssyncadd.s32 $0xFFFFE000  }
0x36: {  	v5 =	vld [tilespmem:s8+$0x5000]  }
0x37: {  	v6 =	vld [tilespmem:s8+$0x5010]  }
0x38: {  	v1 =	vld [tilespmem:s8+$0x5020]  }
0x39: {  	v0 =	vld [tilespmem:s8+$0x5030]  }
0x3a: {  	v2 =	vld [tilespmem:s8+$0x1000]  }
0x3b: {  	v4 =	vld [tilespmem:s8+$0x1010]  }
0x3c: {  	s9 =	simm.s32 $0x100;
	v3 =	vld [tilespmem:s8+$0x1020]  }
.LBB2_2:
0x3d: {  	s10 =	sshra.s32 s9, $0x2;
	p0 =	sne.s32 s9, $0x7F00;
	v7 =	vld [tilespmem:s8+$0x1030];
	v8 =	vmov v1  }
0x3e: {  	v9 =	vld [tilespmem:s10+$0x5000];
	v10 =	vmov v0  }
0x3f: {  	v11 =	vld [tilespmem:s10+$0x5010];
	v2 =	vadd.f32 v5, v2  }
.Ltmp0:
0x40: {  	v1 =	vld [tilespmem:s10+$0x5020];
	v4 =	vadd.f32 v6, v4;
	(pc) =	sbr.rel @p0 .LBB2_2-.Ltmp0, $4  }
0x41: {  	v0 =	vld [tilespmem:s10+$0x5030];
	[tilespmem:s8+$0x1000] =	vst v2;
	v3 =	vadd.f32 v8, v3  }
0x42: {  	v2 =	vld [tilespmem:s10+$0x1000];
	[tilespmem:s8+$0x1010] =	vst v4;
	v7 =	vadd.f32 v10, v7  }
0x43: {  	v4 =	vld [tilespmem:s10+$0x1010];
	[tilespmem:s8+$0x1020] =	vst v3;
	v5 =	vmov v9  }
0x44: {  	s9 =	sadd.s32 $0x100, s9;
	v3 =	vld [tilespmem:s10+$0x1020];
	[tilespmem:s8+$0x1030] =	vst v7;
	v6 =	vmov v11;
	s8 =	smov.u32 s10  }
0x45: {  	v7 =	vld [tilespmem:s8+$0x1030];
	_ =	sdelay $0x1  }
0x46: {  	v2 =	vadd.f32 v5, v2  }
0x47: {  	v4 =	vadd.f32 v6, v4  }
0x48: {  	[tilespmem:s8+$0x1000] =	vst v2;
	v1 =	vadd.f32 v1, v3  }
0x49: {  	[tilespmem:s8+$0x1010] =	vst v4;
	v0 =	vadd.f32 v0, v7  }
0x4a: {  	[tilespmem:s8+$0x1020] =	vst v1  }
0x4b: {  	s9 =	simm.s32 $0x800;
	[tilespmem:s8+$0x1030] =	vst v0  }
0x4c: {  	[tilespmem:s0], [sflag:$0x2] =	stream.indirect.gather [hbm4b:s3+s28], $0x40, s9, s28, $0xb8;
	[tilespmem:$0x7000] =	vst v63  }
0x4d: {  	s10 =	simm.s32 $0x0  }
0x4e: {  	[hbm4b:s6+s10] =	stream.linear.scatter [tilespmem:s29], [sflag:$0x3], $0x2000, $0x38;
	[tilespmem:$0x7000] =	vst v63  }
0x4f: {  	_ =	swait.ge [sflag:s1], $0x2000  }
0x50: {  	[sflag:s1] =	ssyncset.done $0x0  }
0x51: {  	s8 =	simm.s32 $0x0;
	[sflag:s1] =	ssyncadd.s32 $0xFFFFE000  }
0x52: {  	v5 =	vld [tilespmem:s8+$0x5000]  }
0x53: {  	v6 =	vld [tilespmem:s8+$0x5010]  }
0x54: {  	v1 =	vld [tilespmem:s8+$0x5020]  }
0x55: {  	v0 =	vld [tilespmem:s8+$0x5030]  }
0x56: {  	v2 =	vld [tilespmem:s8+$0x3000]  }
0x57: {  	v4 =	vld [tilespmem:s8+$0x3010]  }
0x58: {  	s9 =	simm.s32 $0x100;
	v3 =	vld [tilespmem:s8+$0x3020]  }
.LBB2_4:
0x59: {  	s10 =	sshra.s32 s9, $0x2;
	p0 =	sne.s32 s9, $0x7F00;
	v7 =	vld [tilespmem:s8+$0x3030];
	v8 =	vmov v1  }
0x5a: {  	v9 =	vld [tilespmem:s10+$0x5000];
	v10 =	vmov v0  }
0x5b: {  	v11 =	vld [tilespmem:s10+$0x5010];
	v2 =	vadd.f32 v5, v2  }
.Ltmp1:
0x5c: {  	v1 =	vld [tilespmem:s10+$0x5020];
	v4 =	vadd.f32 v6, v4;
	(pc) =	sbr.rel @p0 .LBB2_4-.Ltmp1, $4  }
0x5d: {  	v0 =	vld [tilespmem:s10+$0x5030];
	[tilespmem:s8+$0x3000] =	vst v2;
	v3 =	vadd.f32 v8, v3  }
0x5e: {  	v2 =	vld [tilespmem:s10+$0x3000];
	[tilespmem:s8+$0x3010] =	vst v4;
	v7 =	vadd.f32 v10, v7  }
0x5f: {  	v4 =	vld [tilespmem:s10+$0x3010];
	[tilespmem:s8+$0x3020] =	vst v3;
	v5 =	vmov v9  }
0x60: {  	s9 =	sadd.s32 $0x100, s9;
	v3 =	vld [tilespmem:s10+$0x3020];
	[tilespmem:s8+$0x3030] =	vst v7;
	v6 =	vmov v11;
	s8 =	smov.u32 s10  }
0x61: {  	v7 =	vld [tilespmem:s8+$0x3030];
	_ =	sdelay $0x1  }
0x62: {  	v2 =	vadd.f32 v5, v2  }
0x63: {  	v4 =	vadd.f32 v6, v4  }
0x64: {  	[tilespmem:s8+$0x3000] =	vst v2;
	v1 =	vadd.f32 v1, v3  }
0x65: {  	[tilespmem:s8+$0x3010] =	vst v4;
	v0 =	vadd.f32 v0, v7  }
0x66: {  	[tilespmem:s8+$0x3020] =	vst v1  }
0x67: {  	[tilespmem:s8+$0x3030] =	vst v0  }
0x68: {  	_ =	swait.ge [sflag:s4], $0x2000  }
0x69: {  	[sflag:s4] =	ssyncset.done $0x0  }
0x6a: {  	[sflag:s4] =	ssyncadd.s32 $0xFFFFE000  }
0x6b: {  	[tilespmem:s29], [sflag:$0x1] =	stream.indirect.gather [hbm4b:s3+s28], $0x40, s28, s28, $0xb8;
	[tilespmem:$0x7000] =	vst v63  }
0x6c: {  	s8 =	simm.s32 $0x0;
	s9 =	rddreg [dreg:$0x5]  }
0x6d: {  	[hbm4b:s9+s8] =	stream.linear.scatter [tilespmem:s0], [sflag:$0x4], $0x2000, $0x38;
	[tilespmem:$0x7000] =	vst v63  }
0x6e: {  	_ =	swait.ge [sflag:s30], $0x2000  }
0x6f: {  	[sflag:s30] =	ssyncset.done $0x0  }
0x70: {  	s10 =	rddreg [dreg:$0x6];
	[sflag:s30] =	ssyncadd.s32 $0xFFFFE000  }
0x71: {  	[tilespmem:s31], [sflag:$0x5] =	stream.linear.gather [hbm4b:s10+s8], $0x2000, $0x38;
	[tilespmem:$0x7000] =	vst v63  }
0x72: {  	_ =	swait.ge [sflag:s26], $0x2000  }
0x73: {  	[sflag:s26] =	ssyncset.done $0x0  }
0x74: {  	s8 =	simm.s32 $0x0;
	[sflag:s26] =	ssyncadd.s32 $0xFFFFE000  }
0x75: {  	v5 =	vld [tilespmem:s8+$0x5000]  }
0x76: {  	v6 =	vld [tilespmem:s8+$0x5010]  }
0x77: {  	v1 =	vld [tilespmem:s8+$0x5020]  }
0x78: {  	v0 =	vld [tilespmem:s8+$0x5030]  }
0x79: {  	v2 =	vld [tilespmem:s8+$0x1000]  }
0x7a: {  	v4 =	vld [tilespmem:s8+$0x1010]  }
0x7b: {  	s9 =	simm.s32 $0x100;
	v3 =	vld [tilespmem:s8+$0x1020]  }
.LBB2_6:
0x7c: {  	s10 =	sshra.s32 s9, $0x2;
	p0 =	sne.s32 s9, $0x7F00;
	v7 =	vld [tilespmem:s8+$0x1030];
	v8 =	vmov v1  }
0x7d: {  	v9 =	vld [tilespmem:s10+$0x5000];
	v10 =	vmov v0  }
0x7e: {  	v11 =	vld [tilespmem:s10+$0x5010];
	v2 =	vadd.f32 v5, v2  }
.Ltmp2:
0x7f: {  	v1 =	vld [tilespmem:s10+$0x5020];
	v4 =	vadd.f32 v6, v4;
	(pc) =	sbr.rel @p0 .LBB2_6-.Ltmp2, $4  }
0x80: {  	v0 =	vld [tilespmem:s10+$0x5030];
	[tilespmem:s8+$0x1000] =	vst v2;
	v3 =	vadd.f32 v8, v3  }
0x81: {  	v2 =	vld [tilespmem:s10+$0x1000];
	[tilespmem:s8+$0x1010] =	vst v4;
	v7 =	vadd.f32 v10, v7  }
0x82: {  	v4 =	vld [tilespmem:s10+$0x1010];
	[tilespmem:s8+$0x1020] =	vst v3;
	v5 =	vmov v9  }
0x83: {  	s9 =	sadd.s32 $0x100, s9;
	v3 =	vld [tilespmem:s10+$0x1020];
	[tilespmem:s8+$0x1030] =	vst v7;
	v6 =	vmov v11;
	s8 =	smov.u32 s10  }
0x84: {  	v7 =	vld [tilespmem:s8+$0x1030];
	_ =	sdelay $0x1  }
0x85: {  	v2 =	vadd.f32 v5, v2  }
0x86: {  	v4 =	vadd.f32 v6, v4  }
0x87: {  	[tilespmem:s8+$0x1000] =	vst v2;
	v1 =	vadd.f32 v1, v3  }
0x88: {  	[tilespmem:s8+$0x1010] =	vst v4;
	v0 =	vadd.f32 v0, v7  }
0x89: {  	[tilespmem:s8+$0x1020] =	vst v1  }
0x8a: {  	[tilespmem:s8+$0x1030] =	vst v0  }
0x8b: {  	_ =	swait.ge [sflag:s5], $0x2000  }
0x8c: {  	[sflag:s5] =	ssyncset.done $0x0  }
0x8d: {  	s9 =	simm.s32 $0x880;
	[sflag:s5] =	ssyncadd.s32 $0xFFFFE000  }
0x8e: {  	[tilespmem:s0], [sflag:$0x2] =	stream.indirect.gather [hbm4b:s3+s28], $0x40, s9, s28, $0xb8;
	[tilespmem:$0x7000] =	vst v63  }
0x8f: {  	s10 =	simm.s32 $0x0;
	s9 =	rddreg [dreg:$0x7]  }
0x90: {  	[hbm4b:s9+s10] =	stream.linear.scatter [tilespmem:s29], [sflag:$0x3], $0x2000, $0x38;
	[tilespmem:$0x7000] =	vst v63  }
0x91: {  	_ =	swait.ge [sflag:s1], $0x2000  }
0x92: {  	[sflag:s1] =	ssyncset.done $0x0  }
0x93: {  	s8 =	simm.s32 $0x0;
	[sflag:s1] =	ssyncadd.s32 $0xFFFFE000  }
0x94: {  	v5 =	vld [tilespmem:s8+$0x5000]  }
0x95: {  	v6 =	vld [tilespmem:s8+$0x5010]  }
0x96: {  	v1 =	vld [tilespmem:s8+$0x5020]  }
0x97: {  	v0 =	vld [tilespmem:s8+$0x5030]  }
0x98: {  	v2 =	vld [tilespmem:s8+$0x3000]  }
0x99: {  	v4 =	vld [tilespmem:s8+$0x3010]  }
0x9a: {  	s9 =	simm.s32 $0x100;
	v3 =	vld [tilespmem:s8+$0x3020]  }
.LBB2_8:
0x9b: {  	s10 =	sshra.s32 s9, $0x2;
	p0 =	sne.s32 s9, $0x7F00;
	v7 =	vld [tilespmem:s8+$0x3030];
	v8 =	vmov v1  }
0x9c: {  	v9 =	vld [tilespmem:s10+$0x5000];
	v10 =	vmov v0  }
0x9d: {  	v11 =	vld [tilespmem:s10+$0x5010];
	v2 =	vadd.f32 v5, v2  }
.Ltmp3:
0x9e: {  	v1 =	vld [tilespmem:s10+$0x5020];
	v4 =	vadd.f32 v6, v4;
	(pc) =	sbr.rel @p0 .LBB2_8-.Ltmp3, $4  }
0x9f: {  	v0 =	vld [tilespmem:s10+$0x5030];
	[tilespmem:s8+$0x3000] =	vst v2;
	v3 =	vadd.f32 v8, v3  }
0xa0: {  	v2 =	vld [tilespmem:s10+$0x3000];
	[tilespmem:s8+$0x3010] =	vst v4;
	v7 =	vadd.f32 v10, v7  }
0xa1: {  	v4 =	vld [tilespmem:s10+$0x3010];
	[tilespmem:s8+$0x3020] =	vst v3;
	v5 =	vmov v9  }
0xa2: {  	s9 =	sadd.s32 $0x100, s9;
	v3 =	vld [tilespmem:s10+$0x3020];
	[tilespmem:s8+$0x3030] =	vst v7;
	v6 =	vmov v11;
	s8 =	smov.u32 s10  }
0xa3: {  	v7 =	vld [tilespmem:s8+$0x3030];
	_ =	sdelay $0x1  }
0xa4: {  	v2 =	vadd.f32 v5, v2  }
0xa5: {  	v4 =	vadd.f32 v6, v4  }
0xa6: {  	[tilespmem:s8+$0x3000] =	vst v2;
	v1 =	vadd.f32 v1, v3  }
0xa7: {  	[tilespmem:s8+$0x3010] =	vst v4;
	v0 =	vadd.f32 v0, v7  }
0xa8: {  	[tilespmem:s8+$0x3020] =	vst v1  }
0xa9: {  	[tilespmem:s8+$0x3030] =	vst v0  }
0xaa: {  	_ =	swait.ge [sflag:s4], $0x2000  }
0xab: {  	[sflag:s4] =	ssyncset.done $0x0  }
0xac: {  	s9 =	simm.s32 $0x100;
	[sflag:s4] =	ssyncadd.s32 $0xFFFFE000  }
0xad: {  	[tilespmem:s29], [sflag:$0x1] =	stream.indirect.gather [hbm4b:s3+s28], $0x40, s9, s28, $0xb8;
	[tilespmem:$0x7000] =	vst v63  }
0xae: {  	s8 =	simm.s32 $0x0;
	s9 =	rddreg [dreg:$0x8]  }
0xaf: {  	[hbm4b:s9+s8] =	stream.linear.scatter [tilespmem:s0], [sflag:$0x4], $0x2000, $0x38;
	[tilespmem:$0x7000] =	vst v63  }
0xb0: {  	_ =	swait.ge [sflag:s30], $0x2000  }
0xb1: {  	[sflag:s30] =	ssyncset.done $0x0  }
0xb2: {  	s10 =	rddreg [dreg:$0x9];
	[sflag:s30] =	ssyncadd.s32 $0xFFFFE000  }
0xb3: {  	[tilespmem:s31], [sflag:$0x5] =	stream.linear.gather [hbm4b:s10+s8], $0x2000, $0x38;
	[tilespmem:$0x7000] =	vst v63  }
0xb4: {  	_ =	swait.ge [sflag:s26], $0x2000  }
0xb5: {  	[sflag:s26] =	ssyncset.done $0x0  }
0xb6: {  	s8 =	simm.s32 $0x0;
	[sflag:s26] =	ssyncadd.s32 $0xFFFFE000  }
0xb7: {  	v5 =	vld [tilespmem:s8+$0x5000]  }
0xb8: {  	v6 =	vld [tilespmem:s8+$0x5010]  }
0xb9: {  	v1 =	vld [tilespmem:s8+$0x5020]  }
0xba: {  	v0 =	vld [tilespmem:s8+$0x5030]  }
0xbb: {  	v2 =	vld [tilespmem:s8+$0x1000]  }
0xbc: {  	v4 =	vld [tilespmem:s8+$0x1010]  }
0xbd: {  	s9 =	simm.s32 $0x100;
	v3 =	vld [tilespmem:s8+$0x1020]  }
.LBB2_10:
0xbe: {  	s10 =	sshra.s32 s9, $0x2;
	p0 =	sne.s32 s9, $0x7F00;
	v7 =	vld [tilespmem:s8+$0x1030];
	v8 =	vmov v1  }
0xbf: {  	v9 =	vld [tilespmem:s10+$0x5000];
	v10 =	vmov v0  }
0xc0: {  	v11 =	vld [tilespmem:s10+$0x5010];
	v2 =	vadd.f32 v5, v2  }
.Ltmp4:
0xc1: {  	v1 =	vld [tilespmem:s10+$0x5020];
	v4 =	vadd.f32 v6, v4;
	(pc) =	sbr.rel @p0 .LBB2_10-.Ltmp4, $4  }
0xc2: {  	v0 =	vld [tilespmem:s10+$0x5030];
	[tilespmem:s8+$0x1000] =	vst v2;
	v3 =	vadd.f32 v8, v3  }
0xc3: {  	v2 =	vld [tilespmem:s10+$0x1000];
	[tilespmem:s8+$0x1010] =	vst v4;
	v7 =	vadd.f32 v10, v7  }
0xc4: {  	v4 =	vld [tilespmem:s10+$0x1010];
	[tilespmem:s8+$0x1020] =	vst v3;
	v5 =	vmov v9  }
0xc5: {  	s9 =	sadd.s32 $0x100, s9;
	v3 =	vld [tilespmem:s10+$0x1020];
	[tilespmem:s8+$0x1030] =	vst v7;
	v6 =	vmov v11;
	s8 =	smov.u32 s10  }
0xc6: {  	v7 =	vld [tilespmem:s8+$0x1030];
	_ =	sdelay $0x1  }
0xc7: {  	v2 =	vadd.f32 v5, v2  }
0xc8: {  	v4 =	vadd.f32 v6, v4  }
0xc9: {  	[tilespmem:s8+$0x1000] =	vst v2;
	v1 =	vadd.f32 v1, v3  }
0xca: {  	[tilespmem:s8+$0x1010] =	vst v4;
	v0 =	vadd.f32 v0, v7  }
0xcb: {  	[tilespmem:s8+$0x1020] =	vst v1  }
0xcc: {  	[tilespmem:s8+$0x1030] =	vst v0  }
0xcd: {  	_ =	swait.ge [sflag:s5], $0x2000  }
0xce: {  	[sflag:s5] =	ssyncset.done $0x0  }
0xcf: {  	s9 =	simm.s32 $0x900;
	[sflag:s5] =	ssyncadd.s32 $0xFFFFE000  }
0xd0: {  	[tilespmem:s0], [sflag:$0x2] =	stream.indirect.gather [hbm4b:s3+s28], $0x40, s9, s28, $0xb8;
	[tilespmem:$0x7000] =	vst v63  }
0xd1: {  	s10 =	simm.s32 $0x0;
	s9 =	rddreg [dreg:$0x18]  }
0xd2: {  	[hbm4b:s9+s10] =	stream.linear.scatter [tilespmem:s29], [sflag:$0x3], $0x2000, $0x38;
	[tilespmem:$0x7000] =	vst v63  }
0xd3: {  	_ =	swait.ge [sflag:s1], $0x2000  }
0xd4: {  	[sflag:s1] =	ssyncset.done $0x0  }
0xd5: {  	s8 =	simm.s32 $0x0;
	[sflag:s1] =	ssyncadd.s32 $0xFFFFE000  }
0xd6: {  	v5 =	vld [tilespmem:s8+$0x5000]  }
0xd7: {  	v6 =	vld [tilespmem:s8+$0x5010]  }
0xd8: {  	v1 =	vld [tilespmem:s8+$0x5020]  }
0xd9: {  	v0 =	vld [tilespmem:s8+$0x5030]  }
0xda: {  	v2 =	vld [tilespmem:s8+$0x3000]  }
0xdb: {  	v4 =	vld [tilespmem:s8+$0x3010]  }
0xdc: {  	s9 =	simm.s32 $0x100;
	v3 =	vld [tilespmem:s8+$0x3020]  }
.LBB2_12:
0xdd: {  	s10 =	sshra.s32 s9, $0x2;
	p0 =	sne.s32 s9, $0x7F00;
	v7 =	vld [tilespmem:s8+$0x3030];
	v8 =	vmov v1  }
0xde: {  	v9 =	vld [tilespmem:s10+$0x5000];
	v10 =	vmov v0  }
0xdf: {  	v11 =	vld [tilespmem:s10+$0x5010];
	v2 =	vadd.f32 v5, v2  }
.Ltmp5:
0xe0: {  	v1 =	vld [tilespmem:s10+$0x5020];
	v4 =	vadd.f32 v6, v4;
	(pc) =	sbr.rel @p0 .LBB2_12-.Ltmp5, $4  }
0xe1: {  	v0 =	vld [tilespmem:s10+$0x5030];
	[tilespmem:s8+$0x3000] =	vst v2;
	v3 =	vadd.f32 v8, v3  }
0xe2: {  	v2 =	vld [tilespmem:s10+$0x3000];
	[tilespmem:s8+$0x3010] =	vst v4;
	v7 =	vadd.f32 v10, v7  }
0xe3: {  	v4 =	vld [tilespmem:s10+$0x3010];
	[tilespmem:s8+$0x3020] =	vst v3;
	v5 =	vmov v9  }
0xe4: {  	s9 =	sadd.s32 $0x100, s9;
	v3 =	vld [tilespmem:s10+$0x3020];
	[tilespmem:s8+$0x3030] =	vst v7;
	v6 =	vmov v11;
	s8 =	smov.u32 s10  }
0xe5: {  	v7 =	vld [tilespmem:s8+$0x3030];
	_ =	sdelay $0x1  }
0xe6: {  	v2 =	vadd.f32 v5, v2  }
0xe7: {  	v4 =	vadd.f32 v6, v4  }
0xe8: {  	[tilespmem:s8+$0x3000] =	vst v2;
	v1 =	vadd.f32 v1, v3  }
0xe9: {  	[tilespmem:s8+$0x3010] =	vst v4;
	v0 =	vadd.f32 v0, v7  }
0xea: {  	[tilespmem:s8+$0x3020] =	vst v1  }
0xeb: {  	[tilespmem:s8+$0x3030] =	vst v0  }
0xec: {  	_ =	swait.ge [sflag:s4], $0x2000  }
0xed: {  	[sflag:s4] =	ssyncset.done $0x0  }
0xee: {  	s9 =	simm.s32 $0x180;
	[sflag:s4] =	ssyncadd.s32 $0xFFFFE000  }
0xef: {  	[tilespmem:s29], [sflag:$0x1] =	stream.indirect.gather [hbm4b:s3+s28], $0x40, s9, s28, $0xb8;
	[tilespmem:$0x7000] =	vst v63  }
0xf0: {  	s8 =	simm.s32 $0x0;
	s9 =	rddreg [dreg:$0x19]  }
0xf1: {  	[hbm4b:s9+s8] =	stream.linear.scatter [tilespmem:s0], [sflag:$0x4], $0x2000, $0x38;
	[tilespmem:$0x7000] =	vst v63  }
0xf2: {  	_ =	swait.ge [sflag:s30], $0x2000  }
0xf3: {  	[sflag:s30] =	ssyncset.done $0x0  }
0xf4: {  	s10 =	rddreg [dreg:$0xa];
	[sflag:s30] =	ssyncadd.s32 $0xFFFFE000  }
0xf5: {  	[tilespmem:s31], [sflag:$0x5] =	stream.linear.gather [hbm4b:s10+s8], $0x2000, $0x38;
	[tilespmem:$0x7000] =	vst v63  }
0xf6: {  	_ =	swait.ge [sflag:s26], $0x2000  }
0xf7: {  	[sflag:s26] =	ssyncset.done $0x0  }
0xf8: {  	s8 =	simm.s32 $0x0;
	[sflag:s26] =	ssyncadd.s32 $0xFFFFE000  }
0xf9: {  	v5 =	vld [tilespmem:s8+$0x5000]  }
0xfa: {  	v6 =	vld [tilespmem:s8+$0x5010]  }
0xfb: {  	v1 =	vld [tilespmem:s8+$0x5020]  }
0xfc: {  	v0 =	vld [tilespmem:s8+$0x5030]  }
0xfd: {  	v2 =	vld [tilespmem:s8+$0x1000]  }
0xfe: {  	v4 =	vld [tilespmem:s8+$0x1010]  }
0xff: {  	s9 =	simm.s32 $0x100;
	v3 =	vld [tilespmem:s8+$0x1020]  }
.LBB2_14:
0x100: {  	s10 =	sshra.s32 s9, $0x2;
	p0 =	sne.s32 s9, $0x7F00;
	v7 =	vld [tilespmem:s8+$0x1030];
	v8 =	vmov v1  }
0x101: {  	v9 =	vld [tilespmem:s10+$0x5000];
	v10 =	vmov v0  }
0x102: {  	v11 =	vld [tilespmem:s10+$0x5010];
	v2 =	vadd.f32 v5, v2  }
.Ltmp6:
0x103: {  	v1 =	vld [tilespmem:s10+$0x5020];
	v4 =	vadd.f32 v6, v4;
	(pc) =	sbr.rel @p0 .LBB2_14-.Ltmp6, $4  }
0x104: {  	v0 =	vld [tilespmem:s10+$0x5030];
	[tilespmem:s8+$0x1000] =	vst v2;
	v3 =	vadd.f32 v8, v3  }
0x105: {  	v2 =	vld [tilespmem:s10+$0x1000];
	[tilespmem:s8+$0x1010] =	vst v4;
	v7 =	vadd.f32 v10, v7  }
0x106: {  	v4 =	vld [tilespmem:s10+$0x1010];
	[tilespmem:s8+$0x1020] =	vst v3;
	v5 =	vmov v9  }
0x107: {  	s9 =	sadd.s32 $0x100, s9;
	v3 =	vld [tilespmem:s10+$0x1020];
	[tilespmem:s8+$0x1030] =	vst v7;
	v6 =	vmov v11;
	s8 =	smov.u32 s10  }
0x108: {  	v7 =	vld [tilespmem:s8+$0x1030];
	_ =	sdelay $0x1  }
0x109: {  	v2 =	vadd.f32 v5, v2  }
0x10a: {  	v4 =	vadd.f32 v6, v4  }
0x10b: {  	[tilespmem:s8+$0x1000] =	vst v2;
	v1 =	vadd.f32 v1, v3  }
0x10c: {  	[tilespmem:s8+$0x1010] =	vst v4;
	v0 =	vadd.f32 v0, v7  }
0x10d: {  	[tilespmem:s8+$0x1020] =	vst v1  }
0x10e: {  	[tilespmem:s8+$0x1030] =	vst v0  }
0x10f: {  	_ =	swait.ge [sflag:s5], $0x2000  }
0x110: {  	[sflag:s5] =	ssyncset.done $0x0  }
0x111: {  	s9 =	simm.s32 $0x980;
	[sflag:s5] =	ssyncadd.s32 $0xFFFFE000  }
0x112: {  	[tilespmem:s0], [sflag:$0x2] =	stream.indirect.gather [hbm4b:s3+s28], $0x40, s9, s28, $0xb8;
	[tilespmem:$0x7000] =	vst v63  }
0x113: {  	s10 =	simm.s32 $0x0;
	s9 =	rddreg [dreg:$0x1a]  }
0x114: {  	[hbm4b:s9+s10] =	stream.linear.scatter [tilespmem:s29], [sflag:$0x3], $0x2000, $0x38;
	[tilespmem:$0x7000] =	vst v63  }
0x115: {  	_ =	swait.ge [sflag:s1], $0x2000  }
0x116: {  	[sflag:s1] =	ssyncset.done $0x0  }
0x117: {  	s8 =	simm.s32 $0x0;
	[sflag:s1] =	ssyncadd.s32 $0xFFFFE000  }
0x118: {  	v5 =	vld [tilespmem:s8+$0x5000]  }
0x119: {  	v6 =	vld [tilespmem:s8+$0x5010]  }
0x11a: {  	v1 =	vld [tilespmem:s8+$0x5020]  }
0x11b: {  	v0 =	vld [tilespmem:s8+$0x5030]  }
0x11c: {  	v2 =	vld [tilespmem:s8+$0x3000]  }
0x11d: {  	v4 =	vld [tilespmem:s8+$0x3010]  }
0x11e: {  	s9 =	simm.s32 $0x100;
	v3 =	vld [tilespmem:s8+$0x3020]  }
.LBB2_16:
0x11f: {  	s10 =	sshra.s32 s9, $0x2;
	p0 =	sne.s32 s9, $0x7F00;
	v7 =	vld [tilespmem:s8+$0x3030];
	v8 =	vmov v1  }
0x120: {  	v9 =	vld [tilespmem:s10+$0x5000];
	v10 =	vmov v0  }
0x121: {  	v11 =	vld [tilespmem:s10+$0x5010];
	v2 =	vadd.f32 v5, v2  }
.Ltmp7:
0x122: {  	v1 =	vld [tilespmem:s10+$0x5020];
	v4 =	vadd.f32 v6, v4;
	(pc) =	sbr.rel @p0 .LBB2_16-.Ltmp7, $4  }
0x123: {  	v0 =	vld [tilespmem:s10+$0x5030];
	[tilespmem:s8+$0x3000] =	vst v2;
	v3 =	vadd.f32 v8, v3  }
0x124: {  	v2 =	vld [tilespmem:s10+$0x3000];
	[tilespmem:s8+$0x3010] =	vst v4;
	v7 =	vadd.f32 v10, v7  }
0x125: {  	v4 =	vld [tilespmem:s10+$0x3010];
	[tilespmem:s8+$0x3020] =	vst v3;
	v5 =	vmov v9  }
0x126: {  	s9 =	sadd.s32 $0x100, s9;
	v3 =	vld [tilespmem:s10+$0x3020];
	[tilespmem:s8+$0x3030] =	vst v7;
	v6 =	vmov v11;
	s8 =	smov.u32 s10  }
0x127: {  	v7 =	vld [tilespmem:s8+$0x3030];
	_ =	sdelay $0x1  }
0x128: {  	v2 =	vadd.f32 v5, v2  }
0x129: {  	v4 =	vadd.f32 v6, v4  }
0x12a: {  	[tilespmem:s8+$0x3000] =	vst v2;
	v1 =	vadd.f32 v1, v3  }
0x12b: {  	[tilespmem:s8+$0x3010] =	vst v4;
	v0 =	vadd.f32 v0, v7  }
0x12c: {  	[tilespmem:s8+$0x3020] =	vst v1  }
0x12d: {  	[tilespmem:s8+$0x3030] =	vst v0  }
0x12e: {  	_ =	swait.ge [sflag:s4], $0x2000  }
0x12f: {  	[sflag:s4] =	ssyncset.done $0x0  }
0x130: {  	s9 =	simm.s32 $0x200;
	[sflag:s4] =	ssyncadd.s32 $0xFFFFE000  }
0x131: {  	[tilespmem:s29], [sflag:$0x1] =	stream.indirect.gather [hbm4b:s3+s28], $0x40, s9, s28, $0xb8;
	[tilespmem:$0x7000] =	vst v63  }
0x132: {  	s8 =	simm.s32 $0x0;
	s9 =	rddreg [dreg:$0x1b]  }
0x133: {  	[hbm4b:s9+s8] =	stream.linear.scatter [tilespmem:s0], [sflag:$0x4], $0x2000, $0x38;
	[tilespmem:$0x7000] =	vst v63  }
0x134: {  	_ =	swait.ge [sflag:s30], $0x2000  }
0x135: {  	[sflag:s30] =	ssyncset.done $0x0  }
0x136: {  	s10 =	rddreg [dreg:$0xb];
	[sflag:s30] =	ssyncadd.s32 $0xFFFFE000  }
0x137: {  	[tilespmem:s31], [sflag:$0x5] =	stream.linear.gather [hbm4b:s10+s8], $0x2000, $0x38;
	[tilespmem:$0x7000] =	vst v63  }
0x138: {  	_ =	swait.ge [sflag:s26], $0x2000  }
0x139: {  	[sflag:s26] =	ssyncset.done $0x0  }
0x13a: {  	s8 =	simm.s32 $0x0;
	[sflag:s26] =	ssyncadd.s32 $0xFFFFE000  }
0x13b: {  	v5 =	vld [tilespmem:s8+$0x5000]  }
0x13c: {  	v6 =	vld [tilespmem:s8+$0x5010]  }
0x13d: {  	v1 =	vld [tilespmem:s8+$0x5020]  }
0x13e: {  	v0 =	vld [tilespmem:s8+$0x5030]  }
0x13f: {  	v2 =	vld [tilespmem:s8+$0x1000]  }
0x140: {  	v4 =	vld [tilespmem:s8+$0x1010]  }
0x141: {  	s9 =	simm.s32 $0x100;
	v3 =	vld [tilespmem:s8+$0x1020]  }
.LBB2_18:
0x142: {  	s10 =	sshra.s32 s9, $0x2;
	p0 =	sne.s32 s9, $0x7F00;
	v7 =	vld [tilespmem:s8+$0x1030];
	v8 =	vmov v1  }
0x143: {  	v9 =	vld [tilespmem:s10+$0x5000];
	v10 =	vmov v0  }
0x144: {  	v11 =	vld [tilespmem:s10+$0x5010];
	v2 =	vadd.f32 v5, v2  }
.Ltmp8:
0x145: {  	v1 =	vld [tilespmem:s10+$0x5020];
	v4 =	vadd.f32 v6, v4;
	(pc) =	sbr.rel @p0 .LBB2_18-.Ltmp8, $4  }
0x146: {  	v0 =	vld [tilespmem:s10+$0x5030];
	[tilespmem:s8+$0x1000] =	vst v2;
	v3 =	vadd.f32 v8, v3  }
0x147: {  	v2 =	vld [tilespmem:s10+$0x1000];
	[tilespmem:s8+$0x1010] =	vst v4;
	v7 =	vadd.f32 v10, v7  }
0x148: {  	v4 =	vld [tilespmem:s10+$0x1010];
	[tilespmem:s8+$0x1020] =	vst v3;
	v5 =	vmov v9  }
0x149: {  	s9 =	sadd.s32 $0x100, s9;
	v3 =	vld [tilespmem:s10+$0x1020];
	[tilespmem:s8+$0x1030] =	vst v7;
	v6 =	vmov v11;
	s8 =	smov.u32 s10  }
0x14a: {  	v7 =	vld [tilespmem:s8+$0x1030];
	_ =	sdelay $0x1  }
0x14b: {  	v2 =	vadd.f32 v5, v2  }
0x14c: {  	v4 =	vadd.f32 v6, v4  }
0x14d: {  	[tilespmem:s8+$0x1000] =	vst v2;
	v1 =	vadd.f32 v1, v3  }
0x14e: {  	[tilespmem:s8+$0x1010] =	vst v4;
	v0 =	vadd.f32 v0, v7  }
0x14f: {  	[tilespmem:s8+$0x1020] =	vst v1  }
0x150: {  	[tilespmem:s8+$0x1030] =	vst v0  }
0x151: {  	_ =	swait.ge [sflag:s5], $0x2000  }
0x152: {  	[sflag:s5] =	ssyncset.done $0x0  }
0x153: {  	s9 =	simm.s32 $0xA00;
	[sflag:s5] =	ssyncadd.s32 $0xFFFFE000  }
0x154: {  	[tilespmem:s0], [sflag:$0x2] =	stream.indirect.gather [hbm4b:s3+s28], $0x40, s9, s28, $0xb8;
	[tilespmem:$0x7000] =	vst v63  }
0x155: {  	s10 =	simm.s32 $0x0;
	s9 =	rddreg [dreg:$0x1c]  }
0x156: {  	[hbm4b:s9+s10] =	stream.linear.scatter [tilespmem:s29], [sflag:$0x3], $0x2000, $0x38;
	[tilespmem:$0x7000] =	vst v63  }
0x157: {  	_ =	swait.ge [sflag:s1], $0x2000  }
0x158: {  	[sflag:s1] =	ssyncset.done $0x0  }
0x159: {  	s8 =	simm.s32 $0x0;
	[sflag:s1] =	ssyncadd.s32 $0xFFFFE000  }
0x15a: {  	v5 =	vld [tilespmem:s8+$0x5000]  }
0x15b: {  	v6 =	vld [tilespmem:s8+$0x5010]  }
0x15c: {  	v1 =	vld [tilespmem:s8+$0x5020]  }
0x15d: {  	v0 =	vld [tilespmem:s8+$0x5030]  }
0x15e: {  	v2 =	vld [tilespmem:s8+$0x3000]  }
0x15f: {  	v4 =	vld [tilespmem:s8+$0x3010]  }
0x160: {  	s9 =	simm.s32 $0x100;
	v3 =	vld [tilespmem:s8+$0x3020]  }
.LBB2_20:
0x161: {  	s10 =	sshra.s32 s9, $0x2;
	p0 =	sne.s32 s9, $0x7F00;
	v7 =	vld [tilespmem:s8+$0x3030];
	v8 =	vmov v1  }
0x162: {  	v9 =	vld [tilespmem:s10+$0x5000];
	v10 =	vmov v0  }
0x163: {  	v11 =	vld [tilespmem:s10+$0x5010];
	v2 =	vadd.f32 v5, v2  }
.Ltmp9:
0x164: {  	v1 =	vld [tilespmem:s10+$0x5020];
	v4 =	vadd.f32 v6, v4;
	(pc) =	sbr.rel @p0 .LBB2_20-.Ltmp9, $4  }
0x165: {  	v0 =	vld [tilespmem:s10+$0x5030];
	[tilespmem:s8+$0x3000] =	vst v2;
	v3 =	vadd.f32 v8, v3  }
0x166: {  	v2 =	vld [tilespmem:s10+$0x3000];
	[tilespmem:s8+$0x3010] =	vst v4;
	v7 =	vadd.f32 v10, v7  }
0x167: {  	v4 =	vld [tilespmem:s10+$0x3010];
	[tilespmem:s8+$0x3020] =	vst v3;
	v5 =	vmov v9  }
0x168: {  	s9 =	sadd.s32 $0x100, s9;
	v3 =	vld [tilespmem:s10+$0x3020];
	[tilespmem:s8+$0x3030] =	vst v7;
	v6 =	vmov v11;
	s8 =	smov.u32 s10  }
0x169: {  	v7 =	vld [tilespmem:s8+$0x3030];
	_ =	sdelay $0x1  }
0x16a: {  	v2 =	vadd.f32 v5, v2  }
0x16b: {  	v4 =	vadd.f32 v6, v4  }
0x16c: {  	[tilespmem:s8+$0x3000] =	vst v2;
	v1 =	vadd.f32 v1, v3  }
0x16d: {  	[tilespmem:s8+$0x3010] =	vst v4;
	v0 =	vadd.f32 v0, v7  }
0x16e: {  	[tilespmem:s8+$0x3020] =	vst v1  }
0x16f: {  	[tilespmem:s8+$0x3030] =	vst v0  }
0x170: {  	_ =	swait.ge [sflag:s4], $0x2000  }
0x171: {  	[sflag:s4] =	ssyncset.done $0x0  }
0x172: {  	s9 =	simm.s32 $0x280;
	[sflag:s4] =	ssyncadd.s32 $0xFFFFE000  }
0x173: {  	[tilespmem:s29], [sflag:$0x1] =	stream.indirect.gather [hbm4b:s3+s28], $0x40, s9, s28, $0xb8;
	[tilespmem:$0x7000] =	vst v63  }
0x174: {  	s8 =	simm.s32 $0x0;
	s9 =	rddreg [dreg:$0x1d]  }
0x175: {  	[hbm4b:s9+s8] =	stream.linear.scatter [tilespmem:s0], [sflag:$0x4], $0x2000, $0x38;
	[tilespmem:$0x7000] =	vst v63  }
0x176: {  	_ =	swait.ge [sflag:s30], $0x2000  }
0x177: {  	[sflag:s30] =	ssyncset.done $0x0  }
0x178: {  	s10 =	rddreg [dreg:$0xc];
	[sflag:s30] =	ssyncadd.s32 $0xFFFFE000  }
0x179: {  	[tilespmem:s31], [sflag:$0x5] =	stream.linear.gather [hbm4b:s10+s8], $0x2000, $0x38;
	[tilespmem:$0x7000] =	vst v63  }
0x17a: {  	_ =	swait.ge [sflag:s26], $0x2000  }
0x17b: {  	[sflag:s26] =	ssyncset.done $0x0  }
0x17c: {  	s8 =	simm.s32 $0x0;
	[sflag:s26] =	ssyncadd.s32 $0xFFFFE000  }
0x17d: {  	v5 =	vld [tilespmem:s8+$0x5000]  }
0x17e: {  	v6 =	vld [tilespmem:s8+$0x5010]  }
0x17f: {  	v1 =	vld [tilespmem:s8+$0x5020]  }
0x180: {  	v0 =	vld [tilespmem:s8+$0x5030]  }
0x181: {  	v2 =	vld [tilespmem:s8+$0x1000]  }
0x182: {  	v4 =	vld [tilespmem:s8+$0x1010]  }
0x183: {  	s9 =	simm.s32 $0x100;
	v3 =	vld [tilespmem:s8+$0x1020]  }
.LBB2_22:
0x184: {  	s10 =	sshra.s32 s9, $0x2;
	p0 =	sne.s32 s9, $0x7F00;
	v7 =	vld [tilespmem:s8+$0x1030];
	v8 =	vmov v1  }
0x185: {  	v9 =	vld [tilespmem:s10+$0x5000];
	v10 =	vmov v0  }
0x186: {  	v11 =	vld [tilespmem:s10+$0x5010];
	v2 =	vadd.f32 v5, v2  }
.Ltmp10:
0x187: {  	v1 =	vld [tilespmem:s10+$0x5020];
	v4 =	vadd.f32 v6, v4;
	(pc) =	sbr.rel @p0 .LBB2_22-.Ltmp10, $4  }
0x188: {  	v0 =	vld [tilespmem:s10+$0x5030];
	[tilespmem:s8+$0x1000] =	vst v2;
	v3 =	vadd.f32 v8, v3  }
0x189: {  	v2 =	vld [tilespmem:s10+$0x1000];
	[tilespmem:s8+$0x1010] =	vst v4;
	v7 =	vadd.f32 v10, v7  }
0x18a: {  	v4 =	vld [tilespmem:s10+$0x1010];
	[tilespmem:s8+$0x1020] =	vst v3;
	v5 =	vmov v9  }
0x18b: {  	s9 =	sadd.s32 $0x100, s9;
	v3 =	vld [tilespmem:s10+$0x1020];
	[tilespmem:s8+$0x1030] =	vst v7;
	v6 =	vmov v11;
	s8 =	smov.u32 s10  }
0x18c: {  	v7 =	vld [tilespmem:s8+$0x1030];
	_ =	sdelay $0x1  }
0x18d: {  	v2 =	vadd.f32 v5, v2  }
0x18e: {  	v4 =	vadd.f32 v6, v4  }
0x18f: {  	[tilespmem:s8+$0x1000] =	vst v2;
	v1 =	vadd.f32 v1, v3  }
0x190: {  	[tilespmem:s8+$0x1010] =	vst v4;
	v0 =	vadd.f32 v0, v7  }
0x191: {  	[tilespmem:s8+$0x1020] =	vst v1  }
0x192: {  	[tilespmem:s8+$0x1030] =	vst v0  }
0x193: {  	_ =	swait.ge [sflag:s5], $0x2000  }
0x194: {  	[sflag:s5] =	ssyncset.done $0x0  }
0x195: {  	s9 =	simm.s32 $0xA80;
	[sflag:s5] =	ssyncadd.s32 $0xFFFFE000  }
0x196: {  	[tilespmem:s0], [sflag:$0x2] =	stream.indirect.gather [hbm4b:s3+s28], $0x40, s9, s28, $0xb8;
	[tilespmem:$0x7000] =	vst v63  }
0x197: {  	s10 =	simm.s32 $0x0;
	s9 =	rddreg [dreg:$0x1e]  }
0x198: {  	[hbm4b:s9+s10] =	stream.linear.scatter [tilespmem:s29], [sflag:$0x3], $0x2000, $0x38;
	[tilespmem:$0x7000] =	vst v63  }
0x199: {  	_ =	swait.ge [sflag:s1], $0x2000  }
0x19a: {  	[sflag:s1] =	ssyncset.done $0x0  }
0x19b: {  	s8 =	simm.s32 $0x0;
	[sflag:s1] =	ssyncadd.s32 $0xFFFFE000  }
0x19c: {  	v5 =	vld [tilespmem:s8+$0x5000]  }
0x19d: {  	v6 =	vld [tilespmem:s8+$0x5010]  }
0x19e: {  	v1 =	vld [tilespmem:s8+$0x5020]  }
0x19f: {  	v0 =	vld [tilespmem:s8+$0x5030]  }
0x1a0: {  	v2 =	vld [tilespmem:s8+$0x3000]  }
0x1a1: {  	v4 =	vld [tilespmem:s8+$0x3010]  }
0x1a2: {  	s9 =	simm.s32 $0x100;
	v3 =	vld [tilespmem:s8+$0x3020]  }
.LBB2_24:
0x1a3: {  	s10 =	sshra.s32 s9, $0x2;
	p0 =	sne.s32 s9, $0x7F00;
	v7 =	vld [tilespmem:s8+$0x3030];
	v8 =	vmov v1  }
0x1a4: {  	v9 =	vld [tilespmem:s10+$0x5000];
	v10 =	vmov v0  }
0x1a5: {  	v11 =	vld [tilespmem:s10+$0x5010];
	v2 =	vadd.f32 v5, v2  }
.Ltmp11:
0x1a6: {  	v1 =	vld [tilespmem:s10+$0x5020];
	v4 =	vadd.f32 v6, v4;
	(pc) =	sbr.rel @p0 .LBB2_24-.Ltmp11, $4  }
0x1a7: {  	v0 =	vld [tilespmem:s10+$0x5030];
	[tilespmem:s8+$0x3000] =	vst v2;
	v3 =	vadd.f32 v8, v3  }
0x1a8: {  	v2 =	vld [tilespmem:s10+$0x3000];
	[tilespmem:s8+$0x3010] =	vst v4;
	v7 =	vadd.f32 v10, v7  }
0x1a9: {  	v4 =	vld [tilespmem:s10+$0x3010];
	[tilespmem:s8+$0x3020] =	vst v3;
	v5 =	vmov v9  }
0x1aa: {  	s9 =	sadd.s32 $0x100, s9;
	v3 =	vld [tilespmem:s10+$0x3020];
	[tilespmem:s8+$0x3030] =	vst v7;
	v6 =	vmov v11;
	s8 =	smov.u32 s10  }
0x1ab: {  	v7 =	vld [tilespmem:s8+$0x3030];
	_ =	sdelay $0x1  }
0x1ac: {  	v2 =	vadd.f32 v5, v2  }
0x1ad: {  	v4 =	vadd.f32 v6, v4  }
0x1ae: {  	[tilespmem:s8+$0x3000] =	vst v2;
	v1 =	vadd.f32 v1, v3  }
0x1af: {  	[tilespmem:s8+$0x3010] =	vst v4;
	v0 =	vadd.f32 v0, v7  }
0x1b0: {  	[tilespmem:s8+$0x3020] =	vst v1  }
0x1b1: {  	[tilespmem:s8+$0x3030] =	vst v0  }
0x1b2: {  	_ =	swait.ge [sflag:s4], $0x2000  }
0x1b3: {  	[sflag:s4] =	ssyncset.done $0x0  }
0x1b4: {  	s9 =	simm.s32 $0x300;
	[sflag:s4] =	ssyncadd.s32 $0xFFFFE000  }
0x1b5: {  	[tilespmem:s29], [sflag:$0x1] =	stream.indirect.gather [hbm4b:s3+s28], $0x40, s9, s28, $0xb8;
	[tilespmem:$0x7000] =	vst v63  }
0x1b6: {  	s8 =	simm.s32 $0x0;
	s9 =	rddreg [dreg:$0x1f]  }
0x1b7: {  	[hbm4b:s9+s8] =	stream.linear.scatter [tilespmem:s0], [sflag:$0x4], $0x2000, $0x38;
	[tilespmem:$0x7000] =	vst v63  }
0x1b8: {  	_ =	swait.ge [sflag:s30], $0x2000  }
0x1b9: {  	[sflag:s30] =	ssyncset.done $0x0  }
0x1ba: {  	s10 =	rddreg [dreg:$0xd];
	[sflag:s30] =	ssyncadd.s32 $0xFFFFE000  }
0x1bb: {  	[tilespmem:s31], [sflag:$0x5] =	stream.linear.gather [hbm4b:s10+s8], $0x2000, $0x38;
	[tilespmem:$0x7000] =	vst v63  }
0x1bc: {  	_ =	swait.ge [sflag:s26], $0x2000  }
0x1bd: {  	[sflag:s26] =	ssyncset.done $0x0  }
0x1be: {  	s8 =	simm.s32 $0x0;
	[sflag:s26] =	ssyncadd.s32 $0xFFFFE000  }
0x1bf: {  	v5 =	vld [tilespmem:s8+$0x5000]  }
0x1c0: {  	v6 =	vld [tilespmem:s8+$0x5010]  }
0x1c1: {  	v1 =	vld [tilespmem:s8+$0x5020]  }
0x1c2: {  	v0 =	vld [tilespmem:s8+$0x5030]  }
0x1c3: {  	v2 =	vld [tilespmem:s8+$0x1000]  }
0x1c4: {  	v4 =	vld [tilespmem:s8+$0x1010]  }
0x1c5: {  	s9 =	simm.s32 $0x100;
	v3 =	vld [tilespmem:s8+$0x1020]  }
.LBB2_26:
0x1c6: {  	s10 =	sshra.s32 s9, $0x2;
	p0 =	sne.s32 s9, $0x7F00;
	v7 =	vld [tilespmem:s8+$0x1030];
	v8 =	vmov v1  }
0x1c7: {  	v9 =	vld [tilespmem:s10+$0x5000];
	v10 =	vmov v0  }
0x1c8: {  	v11 =	vld [tilespmem:s10+$0x5010];
	v2 =	vadd.f32 v5, v2  }
.Ltmp12:
0x1c9: {  	v1 =	vld [tilespmem:s10+$0x5020];
	v4 =	vadd.f32 v6, v4;
	(pc) =	sbr.rel @p0 .LBB2_26-.Ltmp12, $4  }
0x1ca: {  	v0 =	vld [tilespmem:s10+$0x5030];
	[tilespmem:s8+$0x1000] =	vst v2;
	v3 =	vadd.f32 v8, v3  }
0x1cb: {  	v2 =	vld [tilespmem:s10+$0x1000];
	[tilespmem:s8+$0x1010] =	vst v4;
	v7 =	vadd.f32 v10, v7  }
0x1cc: {  	v4 =	vld [tilespmem:s10+$0x1010];
	[tilespmem:s8+$0x1020] =	vst v3;
	v5 =	vmov v9  }
0x1cd: {  	s9 =	sadd.s32 $0x100, s9;
	v3 =	vld [tilespmem:s10+$0x1020];
	[tilespmem:s8+$0x1030] =	vst v7;
	v6 =	vmov v11;
	s8 =	smov.u32 s10  }
0x1ce: {  	v7 =	vld [tilespmem:s8+$0x1030];
	_ =	sdelay $0x1  }
0x1cf: {  	v2 =	vadd.f32 v5, v2  }
0x1d0: {  	v4 =	vadd.f32 v6, v4  }
0x1d1: {  	[tilespmem:s8+$0x1000] =	vst v2;
	v1 =	vadd.f32 v1, v3  }
0x1d2: {  	[tilespmem:s8+$0x1010] =	vst v4;
	v0 =	vadd.f32 v0, v7  }
0x1d3: {  	[tilespmem:s8+$0x1020] =	vst v1  }
0x1d4: {  	[tilespmem:s8+$0x1030] =	vst v0  }
0x1d5: {  	_ =	swait.ge [sflag:s5], $0x2000  }
0x1d6: {  	[sflag:s5] =	ssyncset.done $0x0  }
0x1d7: {  	s9 =	simm.s32 $0xB00;
	[sflag:s5] =	ssyncadd.s32 $0xFFFFE000  }
0x1d8: {  	[tilespmem:s0], [sflag:$0x2] =	stream.indirect.gather [hbm4b:s3+s28], $0x40, s9, s28, $0xb8;
	[tilespmem:$0x7000] =	vst v63  }
0x1d9: {  	s9 =	sld [smem:$0x7F9];
	_ =	sdelay $0x1  }
0x1da: {  	s10 =	simm.s32 $0x0  }
0x1db: {  	[hbm4b:s9+s10] =	stream.linear.scatter [tilespmem:s29], [sflag:$0x3], $0x2000, $0x38;
	[tilespmem:$0x7000] =	vst v63  }
0x1dc: {  	_ =	swait.ge [sflag:s1], $0x2000  }
0x1dd: {  	[sflag:s1] =	ssyncset.done $0x0  }
0x1de: {  	s8 =	simm.s32 $0x0;
	[sflag:s1] =	ssyncadd.s32 $0xFFFFE000  }
0x1df: {  	v5 =	vld [tilespmem:s8+$0x5000]  }
0x1e0: {  	v6 =	vld [tilespmem:s8+$0x5010]  }
0x1e1: {  	v1 =	vld [tilespmem:s8+$0x5020]  }
0x1e2: {  	v0 =	vld [tilespmem:s8+$0x5030]  }
0x1e3: {  	v2 =	vld [tilespmem:s8+$0x3000]  }
0x1e4: {  	v4 =	vld [tilespmem:s8+$0x3010]  }
0x1e5: {  	s9 =	simm.s32 $0x100;
	v3 =	vld [tilespmem:s8+$0x3020]  }
.LBB2_28:
0x1e6: {  	s10 =	sshra.s32 s9, $0x2;
	p0 =	sne.s32 s9, $0x7F00;
	v7 =	vld [tilespmem:s8+$0x3030];
	v8 =	vmov v1  }
0x1e7: {  	v9 =	vld [tilespmem:s10+$0x5000];
	v10 =	vmov v0  }
0x1e8: {  	v11 =	vld [tilespmem:s10+$0x5010];
	v2 =	vadd.f32 v5, v2  }
.Ltmp13:
0x1e9: {  	v1 =	vld [tilespmem:s10+$0x5020];
	v4 =	vadd.f32 v6, v4;
	(pc) =	sbr.rel @p0 .LBB2_28-.Ltmp13, $4  }
0x1ea: {  	v0 =	vld [tilespmem:s10+$0x5030];
	[tilespmem:s8+$0x3000] =	vst v2;
	v3 =	vadd.f32 v8, v3  }
0x1eb: {  	v2 =	vld [tilespmem:s10+$0x3000];
	[tilespmem:s8+$0x3010] =	vst v4;
	v7 =	vadd.f32 v10, v7  }
0x1ec: {  	v4 =	vld [tilespmem:s10+$0x3010];
	[tilespmem:s8+$0x3020] =	vst v3;
	v5 =	vmov v9  }
0x1ed: {  	s9 =	sadd.s32 $0x100, s9;
	v3 =	vld [tilespmem:s10+$0x3020];
	[tilespmem:s8+$0x3030] =	vst v7;
	v6 =	vmov v11;
	s8 =	smov.u32 s10  }
0x1ee: {  	v7 =	vld [tilespmem:s8+$0x3030];
	_ =	sdelay $0x1  }
0x1ef: {  	v2 =	vadd.f32 v5, v2  }
0x1f0: {  	v4 =	vadd.f32 v6, v4  }
0x1f1: {  	[tilespmem:s8+$0x3000] =	vst v2;
	v1 =	vadd.f32 v1, v3  }
0x1f2: {  	[tilespmem:s8+$0x3010] =	vst v4;
	v0 =	vadd.f32 v0, v7  }
0x1f3: {  	[tilespmem:s8+$0x3020] =	vst v1  }
0x1f4: {  	[tilespmem:s8+$0x3030] =	vst v0  }
0x1f5: {  	_ =	swait.ge [sflag:s4], $0x2000  }
0x1f6: {  	[sflag:s4] =	ssyncset.done $0x0  }
0x1f7: {  	s9 =	simm.s32 $0x380;
	[sflag:s4] =	ssyncadd.s32 $0xFFFFE000  }
0x1f8: {  	[tilespmem:s29], [sflag:$0x1] =	stream.indirect.gather [hbm4b:s3+s28], $0x40, s9, s28, $0xb8;
	[tilespmem:$0x7000] =	vst v63  }
0x1f9: {  	s9 =	sld [smem:$0x7FA];
	_ =	sdelay $0x1  }
0x1fa: {  	s8 =	simm.s32 $0x0  }
0x1fb: {  	[hbm4b:s9+s8] =	stream.linear.scatter [tilespmem:s0], [sflag:$0x4], $0x2000, $0x38;
	[tilespmem:$0x7000] =	vst v63  }
0x1fc: {  	_ =	swait.ge [sflag:s30], $0x2000  }
0x1fd: {  	[sflag:s30] =	ssyncset.done $0x0  }
0x1fe: {  	s10 =	rddreg [dreg:$0xe];
	[sflag:s30] =	ssyncadd.s32 $0xFFFFE000  }
0x1ff: {  	[tilespmem:s31], [sflag:$0x5] =	stream.linear.gather [hbm4b:s10+s8], $0x2000, $0x38;
	[tilespmem:$0x7000] =	vst v63  }
0x200: {  	_ =	swait.ge [sflag:s26], $0x2000  }
0x201: {  	[sflag:s26] =	ssyncset.done $0x0  }
0x202: {  	s8 =	simm.s32 $0x0;
	[sflag:s26] =	ssyncadd.s32 $0xFFFFE000  }
0x203: {  	v5 =	vld [tilespmem:s8+$0x5000]  }
0x204: {  	v6 =	vld [tilespmem:s8+$0x5010]  }
0x205: {  	v1 =	vld [tilespmem:s8+$0x5020]  }
0x206: {  	v0 =	vld [tilespmem:s8+$0x5030]  }
0x207: {  	v2 =	vld [tilespmem:s8+$0x1000]  }
0x208: {  	v4 =	vld [tilespmem:s8+$0x1010]  }
0x209: {  	s9 =	simm.s32 $0x100;
	v3 =	vld [tilespmem:s8+$0x1020]  }
.LBB2_30:
0x20a: {  	s10 =	sshra.s32 s9, $0x2;
	p0 =	sne.s32 s9, $0x7F00;
	v7 =	vld [tilespmem:s8+$0x1030];
	v8 =	vmov v1  }
0x20b: {  	v9 =	vld [tilespmem:s10+$0x5000];
	v10 =	vmov v0  }
0x20c: {  	v11 =	vld [tilespmem:s10+$0x5010];
	v2 =	vadd.f32 v5, v2  }
.Ltmp14:
0x20d: {  	v1 =	vld [tilespmem:s10+$0x5020];
	v4 =	vadd.f32 v6, v4;
	(pc) =	sbr.rel @p0 .LBB2_30-.Ltmp14, $4  }
0x20e: {  	v0 =	vld [tilespmem:s10+$0x5030];
	[tilespmem:s8+$0x1000] =	vst v2;
	v3 =	vadd.f32 v8, v3  }
0x20f: {  	v2 =	vld [tilespmem:s10+$0x1000];
	[tilespmem:s8+$0x1010] =	vst v4;
	v7 =	vadd.f32 v10, v7  }
0x210: {  	v4 =	vld [tilespmem:s10+$0x1010];
	[tilespmem:s8+$0x1020] =	vst v3;
	v5 =	vmov v9  }
0x211: {  	s9 =	sadd.s32 $0x100, s9;
	v3 =	vld [tilespmem:s10+$0x1020];
	[tilespmem:s8+$0x1030] =	vst v7;
	v6 =	vmov v11;
	s8 =	smov.u32 s10  }
0x212: {  	v7 =	vld [tilespmem:s8+$0x1030];
	_ =	sdelay $0x1  }
0x213: {  	v2 =	vadd.f32 v5, v2  }
0x214: {  	v4 =	vadd.f32 v6, v4  }
0x215: {  	[tilespmem:s8+$0x1000] =	vst v2;
	v1 =	vadd.f32 v1, v3  }
0x216: {  	[tilespmem:s8+$0x1010] =	vst v4;
	v0 =	vadd.f32 v0, v7  }
0x217: {  	[tilespmem:s8+$0x1020] =	vst v1  }
0x218: {  	[tilespmem:s8+$0x1030] =	vst v0  }
0x219: {  	_ =	swait.ge [sflag:s5], $0x2000  }
0x21a: {  	[sflag:s5] =	ssyncset.done $0x0  }
0x21b: {  	s9 =	simm.s32 $0xB80;
	[sflag:s5] =	ssyncadd.s32 $0xFFFFE000  }
0x21c: {  	[tilespmem:s0], [sflag:$0x2] =	stream.indirect.gather [hbm4b:s3+s28], $0x40, s9, s28, $0xb8;
	[tilespmem:$0x7000] =	vst v63  }
0x21d: {  	s9 =	sld [smem:$0x7FB];
	_ =	sdelay $0x1  }
0x21e: {  	s10 =	simm.s32 $0x0  }
0x21f: {  	[hbm4b:s9+s10] =	stream.linear.scatter [tilespmem:s29], [sflag:$0x3], $0x2000, $0x38;
	[tilespmem:$0x7000] =	vst v63  }
0x220: {  	_ =	swait.ge [sflag:s1], $0x2000  }
0x221: {  	[sflag:s1] =	ssyncset.done $0x0  }
0x222: {  	s8 =	simm.s32 $0x0;
	[sflag:s1] =	ssyncadd.s32 $0xFFFFE000  }
0x223: {  	v5 =	vld [tilespmem:s8+$0x5000]  }
0x224: {  	v6 =	vld [tilespmem:s8+$0x5010]  }
0x225: {  	v1 =	vld [tilespmem:s8+$0x5020]  }
0x226: {  	v0 =	vld [tilespmem:s8+$0x5030]  }
0x227: {  	v2 =	vld [tilespmem:s8+$0x3000]  }
0x228: {  	v4 =	vld [tilespmem:s8+$0x3010]  }
0x229: {  	s9 =	simm.s32 $0x100;
	v3 =	vld [tilespmem:s8+$0x3020]  }
.LBB2_32:
0x22a: {  	s10 =	sshra.s32 s9, $0x2;
	p0 =	sne.s32 s9, $0x7F00;
	v7 =	vld [tilespmem:s8+$0x3030];
	v8 =	vmov v1  }
0x22b: {  	v9 =	vld [tilespmem:s10+$0x5000];
	v10 =	vmov v0  }
0x22c: {  	v11 =	vld [tilespmem:s10+$0x5010];
	v2 =	vadd.f32 v5, v2  }
.Ltmp15:
0x22d: {  	v1 =	vld [tilespmem:s10+$0x5020];
	v4 =	vadd.f32 v6, v4;
	(pc) =	sbr.rel @p0 .LBB2_32-.Ltmp15, $4  }
0x22e: {  	v0 =	vld [tilespmem:s10+$0x5030];
	[tilespmem:s8+$0x3000] =	vst v2;
	v3 =	vadd.f32 v8, v3  }
0x22f: {  	v2 =	vld [tilespmem:s10+$0x3000];
	[tilespmem:s8+$0x3010] =	vst v4;
	v7 =	vadd.f32 v10, v7  }
0x230: {  	v4 =	vld [tilespmem:s10+$0x3010];
	[tilespmem:s8+$0x3020] =	vst v3;
	v5 =	vmov v9  }
0x231: {  	s9 =	sadd.s32 $0x100, s9;
	v3 =	vld [tilespmem:s10+$0x3020];
	[tilespmem:s8+$0x3030] =	vst v7;
	v6 =	vmov v11;
	s8 =	smov.u32 s10  }
0x232: {  	v7 =	vld [tilespmem:s8+$0x3030];
	_ =	sdelay $0x1  }
0x233: {  	v2 =	vadd.f32 v5, v2  }
0x234: {  	v4 =	vadd.f32 v6, v4  }
0x235: {  	[tilespmem:s8+$0x3000] =	vst v2;
	v1 =	vadd.f32 v1, v3  }
0x236: {  	[tilespmem:s8+$0x3010] =	vst v4;
	v0 =	vadd.f32 v0, v7  }
0x237: {  	[tilespmem:s8+$0x3020] =	vst v1  }
0x238: {  	[tilespmem:s8+$0x3030] =	vst v0  }
0x239: {  	_ =	swait.ge [sflag:s4], $0x2000  }
0x23a: {  	[sflag:s4] =	ssyncset.done $0x0  }
0x23b: {  	s9 =	simm.s32 $0x400;
	[sflag:s4] =	ssyncadd.s32 $0xFFFFE000  }
0x23c: {  	[tilespmem:s29], [sflag:$0x1] =	stream.indirect.gather [hbm4b:s3+s28], $0x40, s9, s28, $0xb8;
	[tilespmem:$0x7000] =	vst v63  }
0x23d: {  	s9 =	sld [smem:$0x7FC];
	_ =	sdelay $0x1  }
0x23e: {  	s8 =	simm.s32 $0x0  }
0x23f: {  	[hbm4b:s9+s8] =	stream.linear.scatter [tilespmem:s0], [sflag:$0x4], $0x2000, $0x38;
	[tilespmem:$0x7000] =	vst v63  }
0x240: {  	_ =	swait.ge [sflag:s30], $0x2000  }
0x241: {  	[sflag:s30] =	ssyncset.done $0x0  }
0x242: {  	s10 =	rddreg [dreg:$0xf];
	[sflag:s30] =	ssyncadd.s32 $0xFFFFE000  }
0x243: {  	[tilespmem:s31], [sflag:$0x5] =	stream.linear.gather [hbm4b:s10+s8], $0x2000, $0x38;
	[tilespmem:$0x7000] =	vst v63  }
0x244: {  	_ =	swait.ge [sflag:s26], $0x2000  }
0x245: {  	[sflag:s26] =	ssyncset.done $0x0  }
0x246: {  	s8 =	simm.s32 $0x0;
	[sflag:s26] =	ssyncadd.s32 $0xFFFFE000  }
0x247: {  	v5 =	vld [tilespmem:s8+$0x5000]  }
0x248: {  	v6 =	vld [tilespmem:s8+$0x5010]  }
0x249: {  	v1 =	vld [tilespmem:s8+$0x5020]  }
0x24a: {  	v0 =	vld [tilespmem:s8+$0x5030]  }
0x24b: {  	v2 =	vld [tilespmem:s8+$0x1000]  }
0x24c: {  	v4 =	vld [tilespmem:s8+$0x1010]  }
0x24d: {  	s9 =	simm.s32 $0x100;
	v3 =	vld [tilespmem:s8+$0x1020]  }
.LBB2_34:
0x24e: {  	s10 =	sshra.s32 s9, $0x2;
	p0 =	sne.s32 s9, $0x7F00;
	v7 =	vld [tilespmem:s8+$0x1030];
	v8 =	vmov v1  }
0x24f: {  	v9 =	vld [tilespmem:s10+$0x5000];
	v10 =	vmov v0  }
0x250: {  	v11 =	vld [tilespmem:s10+$0x5010];
	v2 =	vadd.f32 v5, v2  }
.Ltmp16:
0x251: {  	v1 =	vld [tilespmem:s10+$0x5020];
	v4 =	vadd.f32 v6, v4;
	(pc) =	sbr.rel @p0 .LBB2_34-.Ltmp16, $4  }
0x252: {  	v0 =	vld [tilespmem:s10+$0x5030];
	[tilespmem:s8+$0x1000] =	vst v2;
	v3 =	vadd.f32 v8, v3  }
0x253: {  	v2 =	vld [tilespmem:s10+$0x1000];
	[tilespmem:s8+$0x1010] =	vst v4;
	v7 =	vadd.f32 v10, v7  }
0x254: {  	v4 =	vld [tilespmem:s10+$0x1010];
	[tilespmem:s8+$0x1020] =	vst v3;
	v5 =	vmov v9  }
0x255: {  	s9 =	sadd.s32 $0x100, s9;
	v3 =	vld [tilespmem:s10+$0x1020];
	[tilespmem:s8+$0x1030] =	vst v7;
	v6 =	vmov v11;
	s8 =	smov.u32 s10  }
0x256: {  	v7 =	vld [tilespmem:s8+$0x1030];
	_ =	sdelay $0x1  }
0x257: {  	v2 =	vadd.f32 v5, v2  }
0x258: {  	v4 =	vadd.f32 v6, v4  }
0x259: {  	[tilespmem:s8+$0x1000] =	vst v2;
	v1 =	vadd.f32 v1, v3  }
0x25a: {  	[tilespmem:s8+$0x1010] =	vst v4;
	v0 =	vadd.f32 v0, v7  }
0x25b: {  	[tilespmem:s8+$0x1020] =	vst v1  }
0x25c: {  	[tilespmem:s8+$0x1030] =	vst v0  }
0x25d: {  	_ =	swait.ge [sflag:s5], $0x2000  }
0x25e: {  	[sflag:s5] =	ssyncset.done $0x0  }
0x25f: {  	s9 =	simm.s32 $0xC00;
	[sflag:s5] =	ssyncadd.s32 $0xFFFFE000  }
0x260: {  	[tilespmem:s0], [sflag:$0x2] =	stream.indirect.gather [hbm4b:s3+s28], $0x40, s9, s28, $0xb8;
	[tilespmem:$0x7000] =	vst v63  }
0x261: {  	s9 =	sld [smem:$0x7FD];
	_ =	sdelay $0x1  }
0x262: {  	s10 =	simm.s32 $0x0  }
0x263: {  	[hbm4b:s9+s10] =	stream.linear.scatter [tilespmem:s29], [sflag:$0x3], $0x2000, $0x38;
	[tilespmem:$0x7000] =	vst v63  }
0x264: {  	_ =	swait.ge [sflag:s1], $0x2000  }
0x265: {  	[sflag:s1] =	ssyncset.done $0x0  }
0x266: {  	s8 =	simm.s32 $0x0;
	[sflag:s1] =	ssyncadd.s32 $0xFFFFE000  }
0x267: {  	v5 =	vld [tilespmem:s8+$0x5000]  }
0x268: {  	v6 =	vld [tilespmem:s8+$0x5010]  }
0x269: {  	v1 =	vld [tilespmem:s8+$0x5020]  }
0x26a: {  	v0 =	vld [tilespmem:s8+$0x5030]  }
0x26b: {  	v2 =	vld [tilespmem:s8+$0x3000]  }
0x26c: {  	v4 =	vld [tilespmem:s8+$0x3010]  }
0x26d: {  	s9 =	simm.s32 $0x100;
	v3 =	vld [tilespmem:s8+$0x3020]  }
.LBB2_36:
0x26e: {  	s10 =	sshra.s32 s9, $0x2;
	p0 =	sne.s32 s9, $0x7F00;
	v7 =	vld [tilespmem:s8+$0x3030];
	v8 =	vmov v1  }
0x26f: {  	v9 =	vld [tilespmem:s10+$0x5000];
	v10 =	vmov v0  }
0x270: {  	v11 =	vld [tilespmem:s10+$0x5010];
	v2 =	vadd.f32 v5, v2  }
.Ltmp17:
0x271: {  	v1 =	vld [tilespmem:s10+$0x5020];
	v4 =	vadd.f32 v6, v4;
	(pc) =	sbr.rel @p0 .LBB2_36-.Ltmp17, $4  }
0x272: {  	v0 =	vld [tilespmem:s10+$0x5030];
	[tilespmem:s8+$0x3000] =	vst v2;
	v3 =	vadd.f32 v8, v3  }
0x273: {  	v2 =	vld [tilespmem:s10+$0x3000];
	[tilespmem:s8+$0x3010] =	vst v4;
	v7 =	vadd.f32 v10, v7  }
0x274: {  	v4 =	vld [tilespmem:s10+$0x3010];
	[tilespmem:s8+$0x3020] =	vst v3;
	v5 =	vmov v9  }
0x275: {  	s9 =	sadd.s32 $0x100, s9;
	v3 =	vld [tilespmem:s10+$0x3020];
	[tilespmem:s8+$0x3030] =	vst v7;
	v6 =	vmov v11;
	s8 =	smov.u32 s10  }
0x276: {  	v7 =	vld [tilespmem:s8+$0x3030];
	_ =	sdelay $0x1  }
0x277: {  	v2 =	vadd.f32 v5, v2  }
0x278: {  	v4 =	vadd.f32 v6, v4  }
0x279: {  	[tilespmem:s8+$0x3000] =	vst v2;
	v1 =	vadd.f32 v1, v3  }
0x27a: {  	[tilespmem:s8+$0x3010] =	vst v4;
	v0 =	vadd.f32 v0, v7  }
0x27b: {  	[tilespmem:s8+$0x3020] =	vst v1  }
0x27c: {  	[tilespmem:s8+$0x3030] =	vst v0  }
0x27d: {  	_ =	swait.ge [sflag:s4], $0x2000  }
0x27e: {  	[sflag:s4] =	ssyncset.done $0x0  }
0x27f: {  	s9 =	simm.s32 $0x480;
	[sflag:s4] =	ssyncadd.s32 $0xFFFFE000  }
0x280: {  	[tilespmem:s29], [sflag:$0x1] =	stream.indirect.gather [hbm4b:s3+s28], $0x40, s9, s28, $0xb8;
	[tilespmem:$0x7000] =	vst v63  }
0x281: {  	s10 =	simm.s32 $0x0  }
0x282: {  	[hbm4b:s11+s10] =	stream.linear.scatter [tilespmem:s0], [sflag:$0x4], $0x2000, $0x38;
	[tilespmem:$0x7000] =	vst v63  }
0x283: {  	_ =	swait.ge [sflag:s30], $0x2000  }
0x284: {  	[sflag:s30] =	ssyncset.done $0x0  }
0x285: {  	s9 =	rddreg [dreg:$0x10];
	[sflag:s30] =	ssyncadd.s32 $0xFFFFE000  }
0x286: {  	[tilespmem:s31], [sflag:$0x5] =	stream.linear.gather [hbm4b:s9+s10], $0x2000, $0x38;
	[tilespmem:$0x7000] =	vst v63  }
0x287: {  	_ =	swait.ge [sflag:s26], $0x2000  }
0x288: {  	[sflag:s26] =	ssyncset.done $0x0  }
0x289: {  	s8 =	simm.s32 $0x0;
	[sflag:s26] =	ssyncadd.s32 $0xFFFFE000  }
0x28a: {  	v5 =	vld [tilespmem:s8+$0x5000]  }
0x28b: {  	v6 =	vld [tilespmem:s8+$0x5010]  }
0x28c: {  	v1 =	vld [tilespmem:s8+$0x5020]  }
0x28d: {  	v0 =	vld [tilespmem:s8+$0x5030]  }
0x28e: {  	v2 =	vld [tilespmem:s8+$0x1000]  }
0x28f: {  	v4 =	vld [tilespmem:s8+$0x1010]  }
0x290: {  	s9 =	simm.s32 $0x100;
	v3 =	vld [tilespmem:s8+$0x1020]  }
.LBB2_38:
0x291: {  	s10 =	sshra.s32 s9, $0x2;
	p0 =	sne.s32 s9, $0x7F00;
	v7 =	vld [tilespmem:s8+$0x1030];
	v8 =	vmov v1  }
0x292: {  	v9 =	vld [tilespmem:s10+$0x5000];
	v10 =	vmov v0  }
0x293: {  	v11 =	vld [tilespmem:s10+$0x5010];
	v2 =	vadd.f32 v5, v2  }
.Ltmp18:
0x294: {  	v1 =	vld [tilespmem:s10+$0x5020];
	v4 =	vadd.f32 v6, v4;
	(pc) =	sbr.rel @p0 .LBB2_38-.Ltmp18, $4  }
0x295: {  	v0 =	vld [tilespmem:s10+$0x5030];
	[tilespmem:s8+$0x1000] =	vst v2;
	v3 =	vadd.f32 v8, v3  }
0x296: {  	v2 =	vld [tilespmem:s10+$0x1000];
	[tilespmem:s8+$0x1010] =	vst v4;
	v7 =	vadd.f32 v10, v7  }
0x297: {  	v4 =	vld [tilespmem:s10+$0x1010];
	[tilespmem:s8+$0x1020] =	vst v3;
	v5 =	vmov v9  }
0x298: {  	s9 =	sadd.s32 $0x100, s9;
	v3 =	vld [tilespmem:s10+$0x1020];
	[tilespmem:s8+$0x1030] =	vst v7;
	v6 =	vmov v11;
	s8 =	smov.u32 s10  }
0x299: {  	v7 =	vld [tilespmem:s8+$0x1030];
	_ =	sdelay $0x1  }
0x29a: {  	v2 =	vadd.f32 v5, v2  }
0x29b: {  	v4 =	vadd.f32 v6, v4  }
0x29c: {  	[tilespmem:s8+$0x1000] =	vst v2;
	v1 =	vadd.f32 v1, v3  }
0x29d: {  	[tilespmem:s8+$0x1010] =	vst v4;
	v0 =	vadd.f32 v0, v7  }
0x29e: {  	[tilespmem:s8+$0x1020] =	vst v1  }
0x29f: {  	[tilespmem:s8+$0x1030] =	vst v0  }
0x2a0: {  	_ =	swait.ge [sflag:s5], $0x2000  }
0x2a1: {  	[sflag:s5] =	ssyncset.done $0x0  }
0x2a2: {  	s9 =	simm.s32 $0xC80;
	[sflag:s5] =	ssyncadd.s32 $0xFFFFE000  }
0x2a3: {  	[tilespmem:s0], [sflag:$0x2] =	stream.indirect.gather [hbm4b:s3+s28], $0x40, s9, s28, $0xb8;
	[tilespmem:$0x7000] =	vst v63  }
0x2a4: {  	s10 =	simm.s32 $0x0  }
0x2a5: {  	[hbm4b:s12+s10] =	stream.linear.scatter [tilespmem:s29], [sflag:$0x3], $0x2000, $0x38;
	[tilespmem:$0x7000] =	vst v63  }
0x2a6: {  	_ =	swait.ge [sflag:s1], $0x2000  }
0x2a7: {  	[sflag:s1] =	ssyncset.done $0x0  }
0x2a8: {  	s8 =	simm.s32 $0x0;
	[sflag:s1] =	ssyncadd.s32 $0xFFFFE000  }
0x2a9: {  	v5 =	vld [tilespmem:s8+$0x5000]  }
0x2aa: {  	v6 =	vld [tilespmem:s8+$0x5010]  }
0x2ab: {  	v1 =	vld [tilespmem:s8+$0x5020]  }
0x2ac: {  	v0 =	vld [tilespmem:s8+$0x5030]  }
0x2ad: {  	v2 =	vld [tilespmem:s8+$0x3000]  }
0x2ae: {  	v4 =	vld [tilespmem:s8+$0x3010]  }
0x2af: {  	s9 =	simm.s32 $0x100;
	v3 =	vld [tilespmem:s8+$0x3020]  }
.LBB2_40:
0x2b0: {  	s10 =	sshra.s32 s9, $0x2;
	p0 =	sne.s32 s9, $0x7F00;
	v7 =	vld [tilespmem:s8+$0x3030];
	v8 =	vmov v1  }
0x2b1: {  	v9 =	vld [tilespmem:s10+$0x5000];
	v10 =	vmov v0  }
0x2b2: {  	v11 =	vld [tilespmem:s10+$0x5010];
	v2 =	vadd.f32 v5, v2  }
.Ltmp19:
0x2b3: {  	v1 =	vld [tilespmem:s10+$0x5020];
	v4 =	vadd.f32 v6, v4;
	(pc) =	sbr.rel @p0 .LBB2_40-.Ltmp19, $4  }
0x2b4: {  	v0 =	vld [tilespmem:s10+$0x5030];
	[tilespmem:s8+$0x3000] =	vst v2;
	v3 =	vadd.f32 v8, v3  }
0x2b5: {  	v2 =	vld [tilespmem:s10+$0x3000];
	[tilespmem:s8+$0x3010] =	vst v4;
	v7 =	vadd.f32 v10, v7  }
0x2b6: {  	v4 =	vld [tilespmem:s10+$0x3010];
	[tilespmem:s8+$0x3020] =	vst v3;
	v5 =	vmov v9  }
0x2b7: {  	s9 =	sadd.s32 $0x100, s9;
	v3 =	vld [tilespmem:s10+$0x3020];
	[tilespmem:s8+$0x3030] =	vst v7;
	v6 =	vmov v11;
	s8 =	smov.u32 s10  }
0x2b8: {  	v7 =	vld [tilespmem:s8+$0x3030];
	_ =	sdelay $0x1  }
0x2b9: {  	v2 =	vadd.f32 v5, v2  }
0x2ba: {  	v4 =	vadd.f32 v6, v4  }
0x2bb: {  	[tilespmem:s8+$0x3000] =	vst v2;
	v1 =	vadd.f32 v1, v3  }
0x2bc: {  	[tilespmem:s8+$0x3010] =	vst v4;
	v0 =	vadd.f32 v0, v7  }
0x2bd: {  	[tilespmem:s8+$0x3020] =	vst v1  }
0x2be: {  	[tilespmem:s8+$0x3030] =	vst v0  }
0x2bf: {  	_ =	swait.ge [sflag:s4], $0x2000  }
0x2c0: {  	[sflag:s4] =	ssyncset.done $0x0  }
0x2c1: {  	s9 =	simm.s32 $0x500;
	[sflag:s4] =	ssyncadd.s32 $0xFFFFE000  }
0x2c2: {  	[tilespmem:s29], [sflag:$0x1] =	stream.indirect.gather [hbm4b:s3+s28], $0x40, s9, s28, $0xb8;
	[tilespmem:$0x7000] =	vst v63  }
0x2c3: {  	s10 =	simm.s32 $0x0  }
0x2c4: {  	[hbm4b:s13+s10] =	stream.linear.scatter [tilespmem:s0], [sflag:$0x4], $0x2000, $0x38;
	[tilespmem:$0x7000] =	vst v63  }
0x2c5: {  	_ =	swait.ge [sflag:s30], $0x2000  }
0x2c6: {  	[sflag:s30] =	ssyncset.done $0x0  }
0x2c7: {  	s9 =	rddreg [dreg:$0x11];
	[sflag:s30] =	ssyncadd.s32 $0xFFFFE000  }
0x2c8: {  	[tilespmem:s31], [sflag:$0x5] =	stream.linear.gather [hbm4b:s9+s10], $0x2000, $0x38;
	[tilespmem:$0x7000] =	vst v63  }
0x2c9: {  	_ =	swait.ge [sflag:s26], $0x2000  }
0x2ca: {  	[sflag:s26] =	ssyncset.done $0x0  }
0x2cb: {  	s8 =	simm.s32 $0x0;
	[sflag:s26] =	ssyncadd.s32 $0xFFFFE000  }
0x2cc: {  	v5 =	vld [tilespmem:s8+$0x5000]  }
0x2cd: {  	v6 =	vld [tilespmem:s8+$0x5010]  }
0x2ce: {  	v1 =	vld [tilespmem:s8+$0x5020]  }
0x2cf: {  	v0 =	vld [tilespmem:s8+$0x5030]  }
0x2d0: {  	v2 =	vld [tilespmem:s8+$0x1000]  }
0x2d1: {  	v4 =	vld [tilespmem:s8+$0x1010]  }
0x2d2: {  	s9 =	simm.s32 $0x100;
	v3 =	vld [tilespmem:s8+$0x1020]  }
.LBB2_42:
0x2d3: {  	s10 =	sshra.s32 s9, $0x2;
	p0 =	sne.s32 s9, $0x7F00;
	v7 =	vld [tilespmem:s8+$0x1030];
	v8 =	vmov v1  }
0x2d4: {  	v9 =	vld [tilespmem:s10+$0x5000];
	v10 =	vmov v0  }
0x2d5: {  	v11 =	vld [tilespmem:s10+$0x5010];
	v2 =	vadd.f32 v5, v2  }
.Ltmp20:
0x2d6: {  	v1 =	vld [tilespmem:s10+$0x5020];
	v4 =	vadd.f32 v6, v4;
	(pc) =	sbr.rel @p0 .LBB2_42-.Ltmp20, $4  }
0x2d7: {  	v0 =	vld [tilespmem:s10+$0x5030];
	[tilespmem:s8+$0x1000] =	vst v2;
	v3 =	vadd.f32 v8, v3  }
0x2d8: {  	v2 =	vld [tilespmem:s10+$0x1000];
	[tilespmem:s8+$0x1010] =	vst v4;
	v7 =	vadd.f32 v10, v7  }
0x2d9: {  	v4 =	vld [tilespmem:s10+$0x1010];
	[tilespmem:s8+$0x1020] =	vst v3;
	v5 =	vmov v9  }
0x2da: {  	s9 =	sadd.s32 $0x100, s9;
	v3 =	vld [tilespmem:s10+$0x1020];
	[tilespmem:s8+$0x1030] =	vst v7;
	v6 =	vmov v11;
	s8 =	smov.u32 s10  }
0x2db: {  	v7 =	vld [tilespmem:s8+$0x1030];
	_ =	sdelay $0x1  }
0x2dc: {  	v2 =	vadd.f32 v5, v2  }
0x2dd: {  	v4 =	vadd.f32 v6, v4  }
0x2de: {  	[tilespmem:s8+$0x1000] =	vst v2;
	v1 =	vadd.f32 v1, v3  }
0x2df: {  	[tilespmem:s8+$0x1010] =	vst v4;
	v0 =	vadd.f32 v0, v7  }
0x2e0: {  	[tilespmem:s8+$0x1020] =	vst v1  }
0x2e1: {  	[tilespmem:s8+$0x1030] =	vst v0  }
0x2e2: {  	_ =	swait.ge [sflag:s5], $0x2000  }
0x2e3: {  	[sflag:s5] =	ssyncset.done $0x0  }
0x2e4: {  	s9 =	simm.s32 $0xD00;
	[sflag:s5] =	ssyncadd.s32 $0xFFFFE000  }
0x2e5: {  	[tilespmem:s0], [sflag:$0x2] =	stream.indirect.gather [hbm4b:s3+s28], $0x40, s9, s28, $0xb8;
	[tilespmem:$0x7000] =	vst v63  }
0x2e6: {  	s10 =	simm.s32 $0x0  }
0x2e7: {  	[hbm4b:s14+s10] =	stream.linear.scatter [tilespmem:s29], [sflag:$0x3], $0x2000, $0x38;
	[tilespmem:$0x7000] =	vst v63  }
0x2e8: {  	_ =	swait.ge [sflag:s1], $0x2000  }
0x2e9: {  	[sflag:s1] =	ssyncset.done $0x0  }
0x2ea: {  	s8 =	simm.s32 $0x0;
	[sflag:s1] =	ssyncadd.s32 $0xFFFFE000  }
0x2eb: {  	v5 =	vld [tilespmem:s8+$0x5000]  }
0x2ec: {  	v6 =	vld [tilespmem:s8+$0x5010]  }
0x2ed: {  	v1 =	vld [tilespmem:s8+$0x5020]  }
0x2ee: {  	v0 =	vld [tilespmem:s8+$0x5030]  }
0x2ef: {  	v2 =	vld [tilespmem:s8+$0x3000]  }
0x2f0: {  	v4 =	vld [tilespmem:s8+$0x3010]  }
0x2f1: {  	s9 =	simm.s32 $0x100;
	v3 =	vld [tilespmem:s8+$0x3020]  }
.LBB2_44:
0x2f2: {  	s10 =	sshra.s32 s9, $0x2;
	p0 =	sne.s32 s9, $0x7F00;
	v7 =	vld [tilespmem:s8+$0x3030];
	v8 =	vmov v1  }
0x2f3: {  	v9 =	vld [tilespmem:s10+$0x5000];
	v10 =	vmov v0  }
0x2f4: {  	v11 =	vld [tilespmem:s10+$0x5010];
	v2 =	vadd.f32 v5, v2  }
.Ltmp21:
0x2f5: {  	v1 =	vld [tilespmem:s10+$0x5020];
	v4 =	vadd.f32 v6, v4;
	(pc) =	sbr.rel @p0 .LBB2_44-.Ltmp21, $4  }
0x2f6: {  	v0 =	vld [tilespmem:s10+$0x5030];
	[tilespmem:s8+$0x3000] =	vst v2;
	v3 =	vadd.f32 v8, v3  }
0x2f7: {  	v2 =	vld [tilespmem:s10+$0x3000];
	[tilespmem:s8+$0x3010] =	vst v4;
	v7 =	vadd.f32 v10, v7  }
0x2f8: {  	v4 =	vld [tilespmem:s10+$0x3010];
	[tilespmem:s8+$0x3020] =	vst v3;
	v5 =	vmov v9  }
0x2f9: {  	s9 =	sadd.s32 $0x100, s9;
	v3 =	vld [tilespmem:s10+$0x3020];
	[tilespmem:s8+$0x3030] =	vst v7;
	v6 =	vmov v11;
	s8 =	smov.u32 s10  }
0x2fa: {  	v7 =	vld [tilespmem:s8+$0x3030];
	_ =	sdelay $0x1  }
0x2fb: {  	v2 =	vadd.f32 v5, v2  }
0x2fc: {  	v4 =	vadd.f32 v6, v4  }
0x2fd: {  	[tilespmem:s8+$0x3000] =	vst v2;
	v1 =	vadd.f32 v1, v3  }
0x2fe: {  	[tilespmem:s8+$0x3010] =	vst v4;
	v0 =	vadd.f32 v0, v7  }
0x2ff: {  	[tilespmem:s8+$0x3020] =	vst v1  }
0x300: {  	[tilespmem:s8+$0x3030] =	vst v0  }
0x301: {  	_ =	swait.ge [sflag:s4], $0x2000  }
0x302: {  	[sflag:s4] =	ssyncset.done $0x0  }
0x303: {  	s9 =	simm.s32 $0x580;
	[sflag:s4] =	ssyncadd.s32 $0xFFFFE000  }
0x304: {  	[tilespmem:s29], [sflag:$0x1] =	stream.indirect.gather [hbm4b:s3+s28], $0x40, s9, s28, $0xb8;
	[tilespmem:$0x7000] =	vst v63  }
0x305: {  	s10 =	simm.s32 $0x0  }
0x306: {  	[hbm4b:s15+s10] =	stream.linear.scatter [tilespmem:s0], [sflag:$0x4], $0x2000, $0x38;
	[tilespmem:$0x7000] =	vst v63  }
0x307: {  	_ =	swait.ge [sflag:s30], $0x2000  }
0x308: {  	[sflag:s30] =	ssyncset.done $0x0  }
0x309: {  	s9 =	rddreg [dreg:$0x12];
	[sflag:s30] =	ssyncadd.s32 $0xFFFFE000  }
0x30a: {  	[tilespmem:s31], [sflag:$0x5] =	stream.linear.gather [hbm4b:s9+s10], $0x2000, $0x38;
	[tilespmem:$0x7000] =	vst v63  }
0x30b: {  	_ =	swait.ge [sflag:s26], $0x2000  }
0x30c: {  	[sflag:s26] =	ssyncset.done $0x0  }
0x30d: {  	s8 =	simm.s32 $0x0;
	[sflag:s26] =	ssyncadd.s32 $0xFFFFE000  }
0x30e: {  	v5 =	vld [tilespmem:s8+$0x5000]  }
0x30f: {  	v6 =	vld [tilespmem:s8+$0x5010]  }
0x310: {  	v1 =	vld [tilespmem:s8+$0x5020]  }
0x311: {  	v0 =	vld [tilespmem:s8+$0x5030]  }
0x312: {  	v2 =	vld [tilespmem:s8+$0x1000]  }
0x313: {  	v4 =	vld [tilespmem:s8+$0x1010]  }
0x314: {  	s9 =	simm.s32 $0x100;
	v3 =	vld [tilespmem:s8+$0x1020]  }
.LBB2_46:
0x315: {  	s10 =	sshra.s32 s9, $0x2;
	p0 =	sne.s32 s9, $0x7F00;
	v7 =	vld [tilespmem:s8+$0x1030];
	v8 =	vmov v1  }
0x316: {  	v9 =	vld [tilespmem:s10+$0x5000];
	v10 =	vmov v0  }
0x317: {  	v11 =	vld [tilespmem:s10+$0x5010];
	v2 =	vadd.f32 v5, v2  }
.Ltmp22:
0x318: {  	v1 =	vld [tilespmem:s10+$0x5020];
	v4 =	vadd.f32 v6, v4;
	(pc) =	sbr.rel @p0 .LBB2_46-.Ltmp22, $4  }
0x319: {  	v0 =	vld [tilespmem:s10+$0x5030];
	[tilespmem:s8+$0x1000] =	vst v2;
	v3 =	vadd.f32 v8, v3  }
0x31a: {  	v2 =	vld [tilespmem:s10+$0x1000];
	[tilespmem:s8+$0x1010] =	vst v4;
	v7 =	vadd.f32 v10, v7  }
0x31b: {  	v4 =	vld [tilespmem:s10+$0x1010];
	[tilespmem:s8+$0x1020] =	vst v3;
	v5 =	vmov v9  }
0x31c: {  	s9 =	sadd.s32 $0x100, s9;
	v3 =	vld [tilespmem:s10+$0x1020];
	[tilespmem:s8+$0x1030] =	vst v7;
	v6 =	vmov v11;
	s8 =	smov.u32 s10  }
0x31d: {  	v7 =	vld [tilespmem:s8+$0x1030];
	_ =	sdelay $0x1  }
0x31e: {  	v2 =	vadd.f32 v5, v2  }
0x31f: {  	v4 =	vadd.f32 v6, v4  }
0x320: {  	[tilespmem:s8+$0x1000] =	vst v2;
	v1 =	vadd.f32 v1, v3  }
0x321: {  	[tilespmem:s8+$0x1010] =	vst v4;
	v0 =	vadd.f32 v0, v7  }
0x322: {  	[tilespmem:s8+$0x1020] =	vst v1  }
0x323: {  	[tilespmem:s8+$0x1030] =	vst v0  }
0x324: {  	_ =	swait.ge [sflag:s5], $0x2000  }
0x325: {  	[sflag:s5] =	ssyncset.done $0x0  }
0x326: {  	s9 =	simm.s32 $0xD80;
	[sflag:s5] =	ssyncadd.s32 $0xFFFFE000  }
0x327: {  	[tilespmem:s0], [sflag:$0x2] =	stream.indirect.gather [hbm4b:s3+s28], $0x40, s9, s28, $0xb8;
	[tilespmem:$0x7000] =	vst v63  }
0x328: {  	s10 =	simm.s32 $0x0  }
0x329: {  	[hbm4b:s16+s10] =	stream.linear.scatter [tilespmem:s29], [sflag:$0x3], $0x2000, $0x38;
	[tilespmem:$0x7000] =	vst v63  }
0x32a: {  	_ =	swait.ge [sflag:s1], $0x2000  }
0x32b: {  	[sflag:s1] =	ssyncset.done $0x0  }
0x32c: {  	s8 =	simm.s32 $0x0;
	[sflag:s1] =	ssyncadd.s32 $0xFFFFE000  }
0x32d: {  	v5 =	vld [tilespmem:s8+$0x5000]  }
0x32e: {  	v6 =	vld [tilespmem:s8+$0x5010]  }
0x32f: {  	v1 =	vld [tilespmem:s8+$0x5020]  }
0x330: {  	v0 =	vld [tilespmem:s8+$0x5030]  }
0x331: {  	v2 =	vld [tilespmem:s8+$0x3000]  }
0x332: {  	v4 =	vld [tilespmem:s8+$0x3010]  }
0x333: {  	s9 =	simm.s32 $0x100;
	v3 =	vld [tilespmem:s8+$0x3020]  }
.LBB2_48:
0x334: {  	s10 =	sshra.s32 s9, $0x2;
	p0 =	sne.s32 s9, $0x7F00;
	v7 =	vld [tilespmem:s8+$0x3030];
	v8 =	vmov v1  }
0x335: {  	v9 =	vld [tilespmem:s10+$0x5000];
	v10 =	vmov v0  }
0x336: {  	v11 =	vld [tilespmem:s10+$0x5010];
	v2 =	vadd.f32 v5, v2  }
.Ltmp23:
0x337: {  	v1 =	vld [tilespmem:s10+$0x5020];
	v4 =	vadd.f32 v6, v4;
	(pc) =	sbr.rel @p0 .LBB2_48-.Ltmp23, $4  }
0x338: {  	v0 =	vld [tilespmem:s10+$0x5030];
	[tilespmem:s8+$0x3000] =	vst v2;
	v3 =	vadd.f32 v8, v3  }
0x339: {  	v2 =	vld [tilespmem:s10+$0x3000];
	[tilespmem:s8+$0x3010] =	vst v4;
	v7 =	vadd.f32 v10, v7  }
0x33a: {  	v4 =	vld [tilespmem:s10+$0x3010];
	[tilespmem:s8+$0x3020] =	vst v3;
	v5 =	vmov v9  }
0x33b: {  	s9 =	sadd.s32 $0x100, s9;
	v3 =	vld [tilespmem:s10+$0x3020];
	[tilespmem:s8+$0x3030] =	vst v7;
	v6 =	vmov v11;
	s8 =	smov.u32 s10  }
0x33c: {  	v7 =	vld [tilespmem:s8+$0x3030];
	_ =	sdelay $0x1  }
0x33d: {  	v2 =	vadd.f32 v5, v2  }
0x33e: {  	v4 =	vadd.f32 v6, v4  }
0x33f: {  	[tilespmem:s8+$0x3000] =	vst v2;
	v1 =	vadd.f32 v1, v3  }
0x340: {  	[tilespmem:s8+$0x3010] =	vst v4;
	v0 =	vadd.f32 v0, v7  }
0x341: {  	[tilespmem:s8+$0x3020] =	vst v1  }
0x342: {  	[tilespmem:s8+$0x3030] =	vst v0  }
0x343: {  	_ =	swait.ge [sflag:s4], $0x2000  }
0x344: {  	[sflag:s4] =	ssyncset.done $0x0  }
0x345: {  	s9 =	simm.s32 $0x600;
	[sflag:s4] =	ssyncadd.s32 $0xFFFFE000  }
0x346: {  	[tilespmem:s29], [sflag:$0x1] =	stream.indirect.gather [hbm4b:s3+s28], $0x40, s9, s28, $0xb8;
	[tilespmem:$0x7000] =	vst v63  }
0x347: {  	s10 =	simm.s32 $0x0  }
0x348: {  	[hbm4b:s17+s10] =	stream.linear.scatter [tilespmem:s0], [sflag:$0x4], $0x2000, $0x38;
	[tilespmem:$0x7000] =	vst v63  }
0x349: {  	_ =	swait.ge [sflag:s30], $0x2000  }
0x34a: {  	[sflag:s30] =	ssyncset.done $0x0  }
0x34b: {  	s9 =	rddreg [dreg:$0x13];
	[sflag:s30] =	ssyncadd.s32 $0xFFFFE000  }
0x34c: {  	[tilespmem:s31], [sflag:$0x5] =	stream.linear.gather [hbm4b:s9+s10], $0x2000, $0x38;
	[tilespmem:$0x7000] =	vst v63  }
0x34d: {  	_ =	swait.ge [sflag:s26], $0x2000  }
0x34e: {  	[sflag:s26] =	ssyncset.done $0x0  }
0x34f: {  	s8 =	simm.s32 $0x0;
	[sflag:s26] =	ssyncadd.s32 $0xFFFFE000  }
0x350: {  	v5 =	vld [tilespmem:s8+$0x5000]  }
0x351: {  	v6 =	vld [tilespmem:s8+$0x5010]  }
0x352: {  	v1 =	vld [tilespmem:s8+$0x5020]  }
0x353: {  	v0 =	vld [tilespmem:s8+$0x5030]  }
0x354: {  	v2 =	vld [tilespmem:s8+$0x1000]  }
0x355: {  	v4 =	vld [tilespmem:s8+$0x1010]  }
0x356: {  	s9 =	simm.s32 $0x100;
	v3 =	vld [tilespmem:s8+$0x1020]  }
.LBB2_50:
0x357: {  	s10 =	sshra.s32 s9, $0x2;
	p0 =	sne.s32 s9, $0x7F00;
	v7 =	vld [tilespmem:s8+$0x1030];
	v8 =	vmov v1  }
0x358: {  	v9 =	vld [tilespmem:s10+$0x5000];
	v10 =	vmov v0  }
0x359: {  	v11 =	vld [tilespmem:s10+$0x5010];
	v2 =	vadd.f32 v5, v2  }
.Ltmp24:
0x35a: {  	v1 =	vld [tilespmem:s10+$0x5020];
	v4 =	vadd.f32 v6, v4;
	(pc) =	sbr.rel @p0 .LBB2_50-.Ltmp24, $4  }
0x35b: {  	v0 =	vld [tilespmem:s10+$0x5030];
	[tilespmem:s8+$0x1000] =	vst v2;
	v3 =	vadd.f32 v8, v3  }
0x35c: {  	v2 =	vld [tilespmem:s10+$0x1000];
	[tilespmem:s8+$0x1010] =	vst v4;
	v7 =	vadd.f32 v10, v7  }
0x35d: {  	v4 =	vld [tilespmem:s10+$0x1010];
	[tilespmem:s8+$0x1020] =	vst v3;
	v5 =	vmov v9  }
0x35e: {  	s9 =	sadd.s32 $0x100, s9;
	v3 =	vld [tilespmem:s10+$0x1020];
	[tilespmem:s8+$0x1030] =	vst v7;
	v6 =	vmov v11;
	s8 =	smov.u32 s10  }
0x35f: {  	v7 =	vld [tilespmem:s8+$0x1030];
	_ =	sdelay $0x1  }
0x360: {  	v2 =	vadd.f32 v5, v2  }
0x361: {  	v4 =	vadd.f32 v6, v4  }
0x362: {  	[tilespmem:s8+$0x1000] =	vst v2;
	v1 =	vadd.f32 v1, v3  }
0x363: {  	[tilespmem:s8+$0x1010] =	vst v4;
	v0 =	vadd.f32 v0, v7  }
0x364: {  	[tilespmem:s8+$0x1020] =	vst v1  }
0x365: {  	[tilespmem:s8+$0x1030] =	vst v0  }
0x366: {  	_ =	swait.ge [sflag:s5], $0x2000  }
0x367: {  	[sflag:s5] =	ssyncset.done $0x0  }
0x368: {  	s9 =	simm.s32 $0xE00;
	[sflag:s5] =	ssyncadd.s32 $0xFFFFE000  }
0x369: {  	[tilespmem:s0], [sflag:$0x2] =	stream.indirect.gather [hbm4b:s3+s28], $0x40, s9, s28, $0xb8;
	[tilespmem:$0x7000] =	vst v63  }
0x36a: {  	s10 =	simm.s32 $0x0  }
0x36b: {  	[hbm4b:s18+s10] =	stream.linear.scatter [tilespmem:s29], [sflag:$0x3], $0x2000, $0x38;
	[tilespmem:$0x7000] =	vst v63  }
0x36c: {  	_ =	swait.ge [sflag:s1], $0x2000  }
0x36d: {  	[sflag:s1] =	ssyncset.done $0x0  }
0x36e: {  	s8 =	simm.s32 $0x0;
	[sflag:s1] =	ssyncadd.s32 $0xFFFFE000  }
0x36f: {  	v5 =	vld [tilespmem:s8+$0x5000]  }
0x370: {  	v6 =	vld [tilespmem:s8+$0x5010]  }
0x371: {  	v1 =	vld [tilespmem:s8+$0x5020]  }
0x372: {  	v0 =	vld [tilespmem:s8+$0x5030]  }
0x373: {  	v2 =	vld [tilespmem:s8+$0x3000]  }
0x374: {  	v4 =	vld [tilespmem:s8+$0x3010]  }
0x375: {  	s9 =	simm.s32 $0x100;
	v3 =	vld [tilespmem:s8+$0x3020]  }
.LBB2_52:
0x376: {  	s10 =	sshra.s32 s9, $0x2;
	p0 =	sne.s32 s9, $0x7F00;
	v7 =	vld [tilespmem:s8+$0x3030];
	v8 =	vmov v1  }
0x377: {  	v9 =	vld [tilespmem:s10+$0x5000];
	v10 =	vmov v0  }
0x378: {  	v11 =	vld [tilespmem:s10+$0x5010];
	v2 =	vadd.f32 v5, v2  }
.Ltmp25:
0x379: {  	v1 =	vld [tilespmem:s10+$0x5020];
	v4 =	vadd.f32 v6, v4;
	(pc) =	sbr.rel @p0 .LBB2_52-.Ltmp25, $4  }
0x37a: {  	v0 =	vld [tilespmem:s10+$0x5030];
	[tilespmem:s8+$0x3000] =	vst v2;
	v3 =	vadd.f32 v8, v3  }
0x37b: {  	v2 =	vld [tilespmem:s10+$0x3000];
	[tilespmem:s8+$0x3010] =	vst v4;
	v7 =	vadd.f32 v10, v7  }
0x37c: {  	v4 =	vld [tilespmem:s10+$0x3010];
	[tilespmem:s8+$0x3020] =	vst v3;
	v5 =	vmov v9  }
0x37d: {  	s9 =	sadd.s32 $0x100, s9;
	v3 =	vld [tilespmem:s10+$0x3020];
	[tilespmem:s8+$0x3030] =	vst v7;
	v6 =	vmov v11;
	s8 =	smov.u32 s10  }
0x37e: {  	v7 =	vld [tilespmem:s8+$0x3030];
	_ =	sdelay $0x1  }
0x37f: {  	v2 =	vadd.f32 v5, v2  }
0x380: {  	v4 =	vadd.f32 v6, v4  }
0x381: {  	[tilespmem:s8+$0x3000] =	vst v2;
	v1 =	vadd.f32 v1, v3  }
0x382: {  	[tilespmem:s8+$0x3010] =	vst v4;
	v0 =	vadd.f32 v0, v7  }
0x383: {  	[tilespmem:s8+$0x3020] =	vst v1  }
0x384: {  	[tilespmem:s8+$0x3030] =	vst v0  }
0x385: {  	_ =	swait.ge [sflag:s4], $0x2000  }
0x386: {  	[sflag:s4] =	ssyncset.done $0x0  }
0x387: {  	s9 =	simm.s32 $0x680;
	[sflag:s4] =	ssyncadd.s32 $0xFFFFE000  }
0x388: {  	[tilespmem:s29], [sflag:$0x1] =	stream.indirect.gather [hbm4b:s3+s28], $0x40, s9, s28, $0xb8;
	[tilespmem:$0x7000] =	vst v63  }
0x389: {  	s10 =	simm.s32 $0x0  }
0x38a: {  	[hbm4b:s19+s10] =	stream.linear.scatter [tilespmem:s0], [sflag:$0x4], $0x2000, $0x38;
	[tilespmem:$0x7000] =	vst v63  }
0x38b: {  	_ =	swait.ge [sflag:s30], $0x2000  }
0x38c: {  	[sflag:s30] =	ssyncset.done $0x0  }
0x38d: {  	s9 =	rddreg [dreg:$0x14];
	[sflag:s30] =	ssyncadd.s32 $0xFFFFE000  }
0x38e: {  	[tilespmem:s31], [sflag:$0x5] =	stream.linear.gather [hbm4b:s9+s10], $0x2000, $0x38;
	[tilespmem:$0x7000] =	vst v63  }
0x38f: {  	_ =	swait.ge [sflag:s26], $0x2000  }
0x390: {  	[sflag:s26] =	ssyncset.done $0x0  }
0x391: {  	s8 =	simm.s32 $0x0;
	[sflag:s26] =	ssyncadd.s32 $0xFFFFE000  }
0x392: {  	v5 =	vld [tilespmem:s8+$0x5000]  }
0x393: {  	v6 =	vld [tilespmem:s8+$0x5010]  }
0x394: {  	v1 =	vld [tilespmem:s8+$0x5020]  }
0x395: {  	v0 =	vld [tilespmem:s8+$0x5030]  }
0x396: {  	v2 =	vld [tilespmem:s8+$0x1000]  }
0x397: {  	v4 =	vld [tilespmem:s8+$0x1010]  }
0x398: {  	s9 =	simm.s32 $0x100;
	v3 =	vld [tilespmem:s8+$0x1020]  }
.LBB2_54:
0x399: {  	s10 =	sshra.s32 s9, $0x2;
	p0 =	sne.s32 s9, $0x7F00;
	v7 =	vld [tilespmem:s8+$0x1030];
	v8 =	vmov v1  }
0x39a: {  	v9 =	vld [tilespmem:s10+$0x5000];
	v10 =	vmov v0  }
0x39b: {  	v11 =	vld [tilespmem:s10+$0x5010];
	v2 =	vadd.f32 v5, v2  }
.Ltmp26:
0x39c: {  	v1 =	vld [tilespmem:s10+$0x5020];
	v4 =	vadd.f32 v6, v4;
	(pc) =	sbr.rel @p0 .LBB2_54-.Ltmp26, $4  }
0x39d: {  	v0 =	vld [tilespmem:s10+$0x5030];
	[tilespmem:s8+$0x1000] =	vst v2;
	v3 =	vadd.f32 v8, v3  }
0x39e: {  	v2 =	vld [tilespmem:s10+$0x1000];
	[tilespmem:s8+$0x1010] =	vst v4;
	v7 =	vadd.f32 v10, v7  }
0x39f: {  	v4 =	vld [tilespmem:s10+$0x1010];
	[tilespmem:s8+$0x1020] =	vst v3;
	v5 =	vmov v9  }
0x3a0: {  	s9 =	sadd.s32 $0x100, s9;
	v3 =	vld [tilespmem:s10+$0x1020];
	[tilespmem:s8+$0x1030] =	vst v7;
	v6 =	vmov v11;
	s8 =	smov.u32 s10  }
0x3a1: {  	v7 =	vld [tilespmem:s8+$0x1030];
	_ =	sdelay $0x1  }
0x3a2: {  	v2 =	vadd.f32 v5, v2  }
0x3a3: {  	v4 =	vadd.f32 v6, v4  }
0x3a4: {  	[tilespmem:s8+$0x1000] =	vst v2;
	v1 =	vadd.f32 v1, v3  }
0x3a5: {  	[tilespmem:s8+$0x1010] =	vst v4;
	v0 =	vadd.f32 v0, v7  }
0x3a6: {  	[tilespmem:s8+$0x1020] =	vst v1  }
0x3a7: {  	[tilespmem:s8+$0x1030] =	vst v0  }
0x3a8: {  	_ =	swait.ge [sflag:s5], $0x2000  }
0x3a9: {  	[sflag:s5] =	ssyncset.done $0x0  }
0x3aa: {  	s9 =	simm.s32 $0xE80;
	[sflag:s5] =	ssyncadd.s32 $0xFFFFE000  }
0x3ab: {  	[tilespmem:s0], [sflag:$0x2] =	stream.indirect.gather [hbm4b:s3+s28], $0x40, s9, s28, $0xb8;
	[tilespmem:$0x7000] =	vst v63  }
0x3ac: {  	s10 =	simm.s32 $0x0  }
0x3ad: {  	[hbm4b:s20+s10] =	stream.linear.scatter [tilespmem:s29], [sflag:$0x3], $0x2000, $0x38;
	[tilespmem:$0x7000] =	vst v63  }
0x3ae: {  	_ =	swait.ge [sflag:s1], $0x2000  }
0x3af: {  	[sflag:s1] =	ssyncset.done $0x0  }
0x3b0: {  	s8 =	simm.s32 $0x0;
	[sflag:s1] =	ssyncadd.s32 $0xFFFFE000  }
0x3b1: {  	v5 =	vld [tilespmem:s8+$0x5000]  }
0x3b2: {  	v6 =	vld [tilespmem:s8+$0x5010]  }
0x3b3: {  	v1 =	vld [tilespmem:s8+$0x5020]  }
0x3b4: {  	v0 =	vld [tilespmem:s8+$0x5030]  }
0x3b5: {  	v2 =	vld [tilespmem:s8+$0x3000]  }
0x3b6: {  	v4 =	vld [tilespmem:s8+$0x3010]  }
0x3b7: {  	s9 =	simm.s32 $0x100;
	v3 =	vld [tilespmem:s8+$0x3020]  }
.LBB2_56:
0x3b8: {  	s10 =	sshra.s32 s9, $0x2;
	p0 =	sne.s32 s9, $0x7F00;
	v7 =	vld [tilespmem:s8+$0x3030];
	v8 =	vmov v1  }
0x3b9: {  	v9 =	vld [tilespmem:s10+$0x5000];
	v10 =	vmov v0  }
0x3ba: {  	v11 =	vld [tilespmem:s10+$0x5010];
	v2 =	vadd.f32 v5, v2  }
.Ltmp27:
0x3bb: {  	v1 =	vld [tilespmem:s10+$0x5020];
	v4 =	vadd.f32 v6, v4;
	(pc) =	sbr.rel @p0 .LBB2_56-.Ltmp27, $4  }
0x3bc: {  	v0 =	vld [tilespmem:s10+$0x5030];
	[tilespmem:s8+$0x3000] =	vst v2;
	v3 =	vadd.f32 v8, v3  }
0x3bd: {  	v2 =	vld [tilespmem:s10+$0x3000];
	[tilespmem:s8+$0x3010] =	vst v4;
	v7 =	vadd.f32 v10, v7  }
0x3be: {  	v4 =	vld [tilespmem:s10+$0x3010];
	[tilespmem:s8+$0x3020] =	vst v3;
	v5 =	vmov v9  }
0x3bf: {  	s9 =	sadd.s32 $0x100, s9;
	v3 =	vld [tilespmem:s10+$0x3020];
	[tilespmem:s8+$0x3030] =	vst v7;
	v6 =	vmov v11;
	s8 =	smov.u32 s10  }
0x3c0: {  	v7 =	vld [tilespmem:s8+$0x3030];
	_ =	sdelay $0x1  }
0x3c1: {  	v2 =	vadd.f32 v5, v2  }
0x3c2: {  	v4 =	vadd.f32 v6, v4  }
0x3c3: {  	[tilespmem:s8+$0x3000] =	vst v2;
	v1 =	vadd.f32 v1, v3  }
0x3c4: {  	[tilespmem:s8+$0x3010] =	vst v4;
	v0 =	vadd.f32 v0, v7  }
0x3c5: {  	[tilespmem:s8+$0x3020] =	vst v1  }
0x3c6: {  	[tilespmem:s8+$0x3030] =	vst v0  }
0x3c7: {  	_ =	swait.ge [sflag:s4], $0x2000  }
0x3c8: {  	[sflag:s4] =	ssyncset.done $0x0  }
0x3c9: {  	s9 =	simm.s32 $0x700;
	[sflag:s4] =	ssyncadd.s32 $0xFFFFE000  }
0x3ca: {  	[tilespmem:s29], [sflag:$0x1] =	stream.indirect.gather [hbm4b:s3+s28], $0x40, s9, s28, $0xb8;
	[tilespmem:$0x7000] =	vst v63  }
0x3cb: {  	s10 =	simm.s32 $0x0  }
0x3cc: {  	[hbm4b:s21+s10] =	stream.linear.scatter [tilespmem:s0], [sflag:$0x4], $0x2000, $0x38;
	[tilespmem:$0x7000] =	vst v63  }
0x3cd: {  	_ =	swait.ge [sflag:s30], $0x2000  }
0x3ce: {  	[sflag:s30] =	ssyncset.done $0x0  }
0x3cf: {  	s9 =	rddreg [dreg:$0x15];
	[sflag:s30] =	ssyncadd.s32 $0xFFFFE000  }
0x3d0: {  	[tilespmem:s31], [sflag:$0x5] =	stream.linear.gather [hbm4b:s9+s10], $0x2000, $0x38;
	[tilespmem:$0x7000] =	vst v63  }
0x3d1: {  	_ =	swait.ge [sflag:s26], $0x2000  }
0x3d2: {  	[sflag:s26] =	ssyncset.done $0x0  }
0x3d3: {  	s8 =	simm.s32 $0x0;
	[sflag:s26] =	ssyncadd.s32 $0xFFFFE000  }
0x3d4: {  	v5 =	vld [tilespmem:s8+$0x5000]  }
0x3d5: {  	v6 =	vld [tilespmem:s8+$0x5010]  }
0x3d6: {  	v1 =	vld [tilespmem:s8+$0x5020]  }
0x3d7: {  	v0 =	vld [tilespmem:s8+$0x5030]  }
0x3d8: {  	v2 =	vld [tilespmem:s8+$0x1000]  }
0x3d9: {  	v4 =	vld [tilespmem:s8+$0x1010]  }
0x3da: {  	s9 =	simm.s32 $0x100;
	v3 =	vld [tilespmem:s8+$0x1020]  }
.LBB2_58:
0x3db: {  	s10 =	sshra.s32 s9, $0x2;
	p0 =	sne.s32 s9, $0x7F00;
	v7 =	vld [tilespmem:s8+$0x1030];
	v8 =	vmov v1  }
0x3dc: {  	v9 =	vld [tilespmem:s10+$0x5000];
	v10 =	vmov v0  }
0x3dd: {  	v11 =	vld [tilespmem:s10+$0x5010];
	v2 =	vadd.f32 v5, v2  }
.Ltmp28:
0x3de: {  	v1 =	vld [tilespmem:s10+$0x5020];
	v4 =	vadd.f32 v6, v4;
	(pc) =	sbr.rel @p0 .LBB2_58-.Ltmp28, $4  }
0x3df: {  	v0 =	vld [tilespmem:s10+$0x5030];
	[tilespmem:s8+$0x1000] =	vst v2;
	v3 =	vadd.f32 v8, v3  }
0x3e0: {  	v2 =	vld [tilespmem:s10+$0x1000];
	[tilespmem:s8+$0x1010] =	vst v4;
	v7 =	vadd.f32 v10, v7  }
0x3e1: {  	v4 =	vld [tilespmem:s10+$0x1010];
	[tilespmem:s8+$0x1020] =	vst v3;
	v5 =	vmov v9  }
0x3e2: {  	s9 =	sadd.s32 $0x100, s9;
	v3 =	vld [tilespmem:s10+$0x1020];
	[tilespmem:s8+$0x1030] =	vst v7;
	v6 =	vmov v11;
	s8 =	smov.u32 s10  }
0x3e3: {  	v7 =	vld [tilespmem:s8+$0x1030];
	_ =	sdelay $0x1  }
0x3e4: {  	v2 =	vadd.f32 v5, v2  }
0x3e5: {  	v4 =	vadd.f32 v6, v4  }
0x3e6: {  	[tilespmem:s8+$0x1000] =	vst v2;
	v1 =	vadd.f32 v1, v3  }
0x3e7: {  	[tilespmem:s8+$0x1010] =	vst v4;
	v0 =	vadd.f32 v0, v7  }
0x3e8: {  	[tilespmem:s8+$0x1020] =	vst v1  }
0x3e9: {  	[tilespmem:s8+$0x1030] =	vst v0  }
0x3ea: {  	_ =	swait.ge [sflag:s5], $0x2000  }
0x3eb: {  	[sflag:s5] =	ssyncset.done $0x0  }
0x3ec: {  	s9 =	simm.s32 $0xF00;
	[sflag:s5] =	ssyncadd.s32 $0xFFFFE000  }
0x3ed: {  	[tilespmem:s0], [sflag:$0x2] =	stream.indirect.gather [hbm4b:s3+s28], $0x40, s9, s28, $0xb8;
	[tilespmem:$0x7000] =	vst v63  }
0x3ee: {  	s10 =	simm.s32 $0x0  }
0x3ef: {  	[hbm4b:s22+s10] =	stream.linear.scatter [tilespmem:s29], [sflag:$0x3], $0x2000, $0x38;
	[tilespmem:$0x7000] =	vst v63  }
0x3f0: {  	_ =	swait.ge [sflag:s1], $0x2000  }
0x3f1: {  	[sflag:s1] =	ssyncset.done $0x0  }
0x3f2: {  	s8 =	simm.s32 $0x0;
	[sflag:s1] =	ssyncadd.s32 $0xFFFFE000  }
0x3f3: {  	v5 =	vld [tilespmem:s8+$0x5000]  }
0x3f4: {  	v6 =	vld [tilespmem:s8+$0x5010]  }
0x3f5: {  	v1 =	vld [tilespmem:s8+$0x5020]  }
0x3f6: {  	v0 =	vld [tilespmem:s8+$0x5030]  }
0x3f7: {  	v2 =	vld [tilespmem:s8+$0x3000]  }
0x3f8: {  	v4 =	vld [tilespmem:s8+$0x3010]  }
0x3f9: {  	s9 =	simm.s32 $0x100;
	v3 =	vld [tilespmem:s8+$0x3020]  }
.LBB2_60:
0x3fa: {  	s10 =	sshra.s32 s9, $0x2;
	p0 =	sne.s32 s9, $0x7F00;
	v7 =	vld [tilespmem:s8+$0x3030];
	v8 =	vmov v1  }
0x3fb: {  	v9 =	vld [tilespmem:s10+$0x5000];
	v10 =	vmov v0  }
0x3fc: {  	v11 =	vld [tilespmem:s10+$0x5010];
	v2 =	vadd.f32 v5, v2  }
.Ltmp29:
0x3fd: {  	v1 =	vld [tilespmem:s10+$0x5020];
	v4 =	vadd.f32 v6, v4;
	(pc) =	sbr.rel @p0 .LBB2_60-.Ltmp29, $4  }
0x3fe: {  	v0 =	vld [tilespmem:s10+$0x5030];
	[tilespmem:s8+$0x3000] =	vst v2;
	v3 =	vadd.f32 v8, v3  }
0x3ff: {  	v2 =	vld [tilespmem:s10+$0x3000];
	[tilespmem:s8+$0x3010] =	vst v4;
	v7 =	vadd.f32 v10, v7  }
0x400: {  	v4 =	vld [tilespmem:s10+$0x3010];
	[tilespmem:s8+$0x3020] =	vst v3;
	v5 =	vmov v9  }
0x401: {  	s9 =	sadd.s32 $0x100, s9;
	v3 =	vld [tilespmem:s10+$0x3020];
	[tilespmem:s8+$0x3030] =	vst v7;
	v6 =	vmov v11;
	s8 =	smov.u32 s10  }
0x402: {  	v7 =	vld [tilespmem:s8+$0x3030];
	_ =	sdelay $0x1  }
0x403: {  	v2 =	vadd.f32 v5, v2  }
0x404: {  	v4 =	vadd.f32 v6, v4  }
0x405: {  	[tilespmem:s8+$0x3000] =	vst v2;
	v1 =	vadd.f32 v1, v3  }
0x406: {  	[tilespmem:s8+$0x3010] =	vst v4;
	v0 =	vadd.f32 v0, v7  }
0x407: {  	[tilespmem:s8+$0x3020] =	vst v1  }
0x408: {  	[tilespmem:s8+$0x3030] =	vst v0  }
0x409: {  	_ =	swait.ge [sflag:s4], $0x2000  }
0x40a: {  	[sflag:s4] =	ssyncset.done $0x0  }
0x40b: {  	s9 =	simm.s32 $0x780;
	[sflag:s4] =	ssyncadd.s32 $0xFFFFE000  }
0x40c: {  	[tilespmem:s29], [sflag:$0x1] =	stream.indirect.gather [hbm4b:s3+s28], $0x40, s9, s28, $0xb8;
	[tilespmem:$0x7000] =	vst v63  }
0x40d: {  	s10 =	simm.s32 $0x0  }
0x40e: {  	[hbm4b:s23+s10] =	stream.linear.scatter [tilespmem:s0], [sflag:$0x4], $0x2000, $0x38;
	[tilespmem:$0x7000] =	vst v63  }
0x40f: {  	_ =	swait.ge [sflag:s30], $0x2000  }
0x410: {  	[sflag:s30] =	ssyncset.done $0x0  }
0x411: {  	s9 =	rddreg [dreg:$0x16];
	[sflag:s30] =	ssyncadd.s32 $0xFFFFE000  }
0x412: {  	[tilespmem:s31], [sflag:$0x5] =	stream.linear.gather [hbm4b:s9+s10], $0x2000, $0x38;
	[tilespmem:$0x7000] =	vst v63  }
0x413: {  	_ =	swait.ge [sflag:s26], $0x2000  }
0x414: {  	[sflag:s26] =	ssyncset.done $0x0  }
0x415: {  	s8 =	simm.s32 $0x0;
	[sflag:s26] =	ssyncadd.s32 $0xFFFFE000  }
0x416: {  	v5 =	vld [tilespmem:s8+$0x5000]  }
0x417: {  	v6 =	vld [tilespmem:s8+$0x5010]  }
0x418: {  	v1 =	vld [tilespmem:s8+$0x5020]  }
0x419: {  	v0 =	vld [tilespmem:s8+$0x5030]  }
0x41a: {  	v2 =	vld [tilespmem:s8+$0x1000]  }
0x41b: {  	v4 =	vld [tilespmem:s8+$0x1010]  }
0x41c: {  	s9 =	simm.s32 $0x100;
	v3 =	vld [tilespmem:s8+$0x1020]  }
.LBB2_62:
0x41d: {  	s10 =	sshra.s32 s9, $0x2;
	p0 =	sne.s32 s9, $0x7F00;
	v7 =	vld [tilespmem:s8+$0x1030];
	v8 =	vmov v1  }
0x41e: {  	v9 =	vld [tilespmem:s10+$0x5000];
	v10 =	vmov v0  }
0x41f: {  	v11 =	vld [tilespmem:s10+$0x5010];
	v2 =	vadd.f32 v5, v2  }
.Ltmp30:
0x420: {  	v1 =	vld [tilespmem:s10+$0x5020];
	v4 =	vadd.f32 v6, v4;
	(pc) =	sbr.rel @p0 .LBB2_62-.Ltmp30, $4  }
0x421: {  	v0 =	vld [tilespmem:s10+$0x5030];
	[tilespmem:s8+$0x1000] =	vst v2;
	v3 =	vadd.f32 v8, v3  }
0x422: {  	v2 =	vld [tilespmem:s10+$0x1000];
	[tilespmem:s8+$0x1010] =	vst v4;
	v7 =	vadd.f32 v10, v7  }
0x423: {  	v4 =	vld [tilespmem:s10+$0x1010];
	[tilespmem:s8+$0x1020] =	vst v3;
	v5 =	vmov v9  }
0x424: {  	s9 =	sadd.s32 $0x100, s9;
	v3 =	vld [tilespmem:s10+$0x1020];
	[tilespmem:s8+$0x1030] =	vst v7;
	v6 =	vmov v11;
	s8 =	smov.u32 s10  }
0x425: {  	v7 =	vld [tilespmem:s8+$0x1030];
	_ =	sdelay $0x1  }
0x426: {  	v2 =	vadd.f32 v5, v2  }
0x427: {  	v4 =	vadd.f32 v6, v4  }
0x428: {  	[tilespmem:s8+$0x1000] =	vst v2;
	v1 =	vadd.f32 v1, v3  }
0x429: {  	[tilespmem:s8+$0x1010] =	vst v4;
	v0 =	vadd.f32 v0, v7  }
0x42a: {  	[tilespmem:s8+$0x1020] =	vst v1  }
0x42b: {  	[tilespmem:s8+$0x1030] =	vst v0  }
0x42c: {  	_ =	swait.ge [sflag:s5], $0x2000  }
0x42d: {  	[sflag:s5] =	ssyncset.done $0x0  }
0x42e: {  	s9 =	simm.s32 $0xF80;
	[sflag:s5] =	ssyncadd.s32 $0xFFFFE000  }
0x42f: {  	[tilespmem:s0], [sflag:$0x2] =	stream.indirect.gather [hbm4b:s3+s28], $0x40, s9, s28, $0xb8;
	[tilespmem:$0x7000] =	vst v63  }
0x430: {  	s10 =	simm.s32 $0x0  }
0x431: {  	[hbm4b:s24+s10] =	stream.linear.scatter [tilespmem:s29], [sflag:$0x3], $0x2000, $0x38;
	[tilespmem:$0x7000] =	vst v63  }
0x432: {  	_ =	swait.ge [sflag:s1], $0x2000  }
0x433: {  	[sflag:s1] =	ssyncset.done $0x0  }
0x434: {  	s8 =	simm.s32 $0x0;
	[sflag:s1] =	ssyncadd.s32 $0xFFFFE000  }
0x435: {  	v5 =	vld [tilespmem:s8+$0x5000]  }
0x436: {  	v6 =	vld [tilespmem:s8+$0x5010]  }
0x437: {  	v1 =	vld [tilespmem:s8+$0x5020]  }
0x438: {  	v0 =	vld [tilespmem:s8+$0x5030]  }
0x439: {  	v2 =	vld [tilespmem:s8+$0x3000]  }
0x43a: {  	v4 =	vld [tilespmem:s8+$0x3010]  }
0x43b: {  	s9 =	simm.s32 $0x100;
	v3 =	vld [tilespmem:s8+$0x3020]  }
.LBB2_64:
0x43c: {  	s10 =	sshra.s32 s9, $0x2;
	p0 =	sne.s32 s9, $0x7F00;
	v7 =	vld [tilespmem:s8+$0x3030];
	v8 =	vmov v1  }
0x43d: {  	v9 =	vld [tilespmem:s10+$0x5000];
	v10 =	vmov v0  }
0x43e: {  	v11 =	vld [tilespmem:s10+$0x5010];
	v2 =	vadd.f32 v5, v2  }
.Ltmp31:
0x43f: {  	v1 =	vld [tilespmem:s10+$0x5020];
	v4 =	vadd.f32 v6, v4;
	(pc) =	sbr.rel @p0 .LBB2_64-.Ltmp31, $4  }
0x440: {  	v0 =	vld [tilespmem:s10+$0x5030];
	[tilespmem:s8+$0x3000] =	vst v2;
	v3 =	vadd.f32 v8, v3  }
0x441: {  	v2 =	vld [tilespmem:s10+$0x3000];
	[tilespmem:s8+$0x3010] =	vst v4;
	v7 =	vadd.f32 v10, v7  }
0x442: {  	v4 =	vld [tilespmem:s10+$0x3010];
	[tilespmem:s8+$0x3020] =	vst v3;
	v5 =	vmov v9  }
0x443: {  	s9 =	sadd.s32 $0x100, s9;
	v3 =	vld [tilespmem:s10+$0x3020];
	[tilespmem:s8+$0x3030] =	vst v7;
	v6 =	vmov v11;
	s8 =	smov.u32 s10  }
0x444: {  	v7 =	vld [tilespmem:s8+$0x3030];
	_ =	sdelay $0x1  }
0x445: {  	v2 =	vadd.f32 v5, v2  }
0x446: {  	v4 =	vadd.f32 v6, v4  }
0x447: {  	[tilespmem:s8+$0x3000] =	vst v2;
	v1 =	vadd.f32 v1, v3  }
0x448: {  	[tilespmem:s8+$0x3010] =	vst v4;
	v0 =	vadd.f32 v0, v7  }
0x449: {  	[tilespmem:s8+$0x3020] =	vst v1  }
0x44a: {  	[tilespmem:s8+$0x3030] =	vst v0  }
0x44b: {  	_ =	swait.ge [sflag:s4], $0x2000  }
0x44c: {  	[sflag:s4] =	ssyncset.done $0x0  }
0x44d: {  	[sflag:s4] =	ssyncadd.s32 $0xFFFFE000  }
0x44e: {  	[hbm4b:s25+s2] =	stream.linear.scatter [tilespmem:s0], [sflag:$0x4], $0x2000, $0x38;
	[tilespmem:$0x7000] =	vst v63  }
0x44f: {  	_ =	swait.ge [sflag:s5], $0x2000  }
0x450: {  	s7 =	sadd.s32 $0x1, s7;
	s10 =	rddreg [dreg:$0x17]  }
0x451: {  	p0 =	sne.s32 s7, s10  }
.Ltmp32:
0x452: {  	_ = 	snop;
	(pc) =	sbr.rel @p0 .LBB2_1-.Ltmp32, $3  }
0x453: {  	_ =	sdelay $0x1  }
0x454: {  	[sflag:s5] =	ssyncset.done $0x0  }
0x455: {  	[sflag:s5] =	ssyncadd.s32 $0xFFFFE000  }
0x456: {  	_ =	sfence.sel $0x180000  }
0x457: {  	[bflag:$0x0] =	sbarrier.arrive $0xFFFF  }
0x458: {  	_ =	strace $0x90000047  }
0x459: {  	s0 =	stileid.u32;
	[bflag:$0x2] =	sbarrier.arrive $0xFFFF  }
0x45a: {  	p0 =	sne.s32 s0, $0x0;
	s0 =	rddreg [dreg:$0x2]  }
0x45b: {  	s0 =	sadd.s32 @!p0 $0x100000, s0  }
0x45c: {  	[sflag:s0] =	ssyncadd.tile.s32 @!p0 $0x1;
	_ =	shalt  }
.Lfunc_end2:
_tile_overlayer_lowered:
.L_overlay_start_2:
0x45d: {  	(tag) =	ssettag $0x2  }
0x45e: {  	s0 =	rddreg [dreg:$0x0];
	s2 =	stileid.u32  }
0x45f: {  	s1 =	rddreg [dreg:$0x1];
	p0 =	sne.s32 s2, $0x0  }
0x460: {  	s3 =	rddreg [dreg:$0x2];
	[bflag:$0x3] =	sbarrier.arrive $0xFFFF;
	s2 =	simm.s32 @!p0 $0x1C05  }
0x461: {  	[timem:s3], [sflag:s2] =	dma.local @!p0 [hbm:s0], s1  }
0x462: {  	s0 =	simm.s32 @!p0 $0x5  }
0x463: {  	_ =	swait.ge @!p0 [sflag:s0], s1  }
0x464: {  	s1 =	ssub.s32 @!p0 $0x0, s1;
	[sflag:s0] =	ssyncset.done @!p0 $0x0  }
0x465: {  	[sflag:s0] =	ssyncadd.s32 @!p0 s1  }
0x466: {  	[bflag:$0x3] =	sbarrier.arrive $0xFFFF  }
0x467: {  	_ =	shalt  }

// kernel: sparse-core-data-format-call.cloned.1.call-start
scs
called_computation_lowered:
.L_overlay_start_0:
0x0: {  	s2 =	sld [smem:$0x3FD9]  }
0x1: {  	s3 =	sld [smem:$0x3FFE];
	_ =	sdelay $0x1  }
0x2: {  	s1 =	srdreg.scid  }
0x3: {  	s0 =	sand.u32 $0x1, s1  }
0x4: {  	s18 =	sshll.u32 s0, $0xA;
	s2 =	sadd.s32 s3, s2  }
0x5: {  	s2 =	sadd.s32 s2, s18  }
0x6: {  	[smem:$0x3FC5] =	sst s2  }
0x7: {  	_ = 	snop  }
0x8: {  	s2 =	sld [smem:$0x3FD0];
	(tm) =	ssettm $0x1  }
0x9: {  	s19 =	sld [smem:$0x3FFB];
	_ =	sdelay $0x3  }
0xa: {  	_ =	strace s19  }
0xb: {  	s3 =	sld [smem:$0x3FFC];
	_ =	sdelay $0x3  }
0xc: {  	_ =	strace s3  }
0xd: {  	s3 =	sld [smem:$0x3FFD];
	_ =	sdelay $0x3  }
0xe: {  	_ =	strace s3  }
0xf: {  	_ =	strace $0x8FFFFFFF  }
0x10: {  	s20 =	sld [smem:$0x3FDB];
	_ =	sdelay $0x1  }
0x11: {  	s4 =	simm.s32 $_scs_section_size  }
0x12: {  	s5 =	simm.s32 $_size__tile_overlayer_lowered;
	s6 =	simm.s32 $_tile_overlayer_lowered  }
0x13: {  	s23 =	simm.s32 $0x1BFF;
	s22 =	sshll.u32 s6, $0x1;
	s3 =	sadd.s32 s4, s20  }
0x14: {  	s7 =	simm.s32 $0x0;
	s21 =	sshll.u32 s5, $0x1;
	s5 =	sadd.s32 s22, s3  }
0x15: {  	[timem:s7], [sflag:s23] =	dma.local [hbm:s5], s21  }
0x16: {  	_ =	swait.ge [sflag:s23], s21  }
0x17: {  	s4 =	ssub.s32 $0x0, s21;
	[sflag:s23] =	ssyncset.done $0x0  }
0x18: {  	[sflag:s23] =	ssyncadd.s32 s4;
	_ =	sdelay $0x1  }
0x19: {  	s24 =	simm.s32 $0x1B8B  }
0x1a: {  	_ =	swait.ge [sflag:s24], $0x1  }
0x1b: {  	[sflag:s24] =	ssyncset.done $0x0  }
0x1c: {  	s26 =	simm.s32 $0x1B8E;
	s25 =	sld [smem:$0x3FFE];
	[sflag:s24] =	ssyncadd.s32 $0xFFFFFFFF  }
0x1d: {  	s27 =	simm.s32 $execute0_lowered;
	[smem:$0x3FD2] =	sst s26  }
0x1e: {  	s5 =	sshll.u32 s27, $0x1;
	_ =	strace $0x80000049;
	[dreg:$0x1] =	wrdreg $0xFFFFFFFF  }
0x1f: {  	s28 =	simm.s32 $_size_execute0_lowered;
	s3 =	sadd.s32 s3, s5;
	[dreg:$0x0] =	wrdreg $0x0  }
0x20: {  	s5 =	sshll.u32 s28, $0x1;
	[dreg:$0x2] =	wrdreg s3  }
0x21: {  	[dreg:$0x3] =	wrdreg s5  }
0x22: {  	[dreg:$0x4] =	wrdreg $0xC0  }
0x23: {  	_ =	task [dreg:s7], $0x5FFFF  }
0x24: {  	[dreg:$0x1] =	wrdreg $0xFFFFFFFF  }
0x25: {  	[dreg:$0x0] =	wrdreg $0x60  }
0x26: {  	[dreg:$0x2] =	wrdreg s25  }
0x27: {  	[dreg:$0x3] =	wrdreg s2  }
0x28: {  	[dreg:$0x4] =	wrdreg $0x9  }
0x29: {  	_ =	task.clear_ibuf [dreg:s7], $0x5FFFF;
	_ =	strace $0x90000049  }
0x2a: {  	s29 =	simm.s32 $0x9;
	_ =	strace $0x8000004B  }
0x2b: {  	_ =	swait.ge [sflag:s29], $0x1  }
0x2c: {  	[sflag:s29] =	ssyncadd.s32 $0xFFFFFFFF  }
0x2d: {  	_ =	strace $0x9000004B  }
0x2e: {  	_ =	sfence  }
0x2f: {  	s30 =	sld [smem:$0x0];
	_ =	sdelay $0x2  }
0x30: {  	s31 =	sshll.u32 s1, $0xD;
	s1 =	sshrl.u32 s1, $0x2  }
0x31: {  	s3 =	sand.u32 $0x4000, s31;
	s1 =	sadd.s32 s1, s30  }
0x32: {  	s0 =	sor.u32 s3, s0;
	s1 =	sshll.u32 s1, $0x11  }
0x33: {  	s0 =	sor.u32 s1, s0  }
0x34: {  	s0 =	sadd.s32 $0x8F2B, s0  }
0x35: {  	[sflag:s0] =	ssyncadd.remote.s32 $0x1  }
0x36: {  	_ =	sfence.sel $0xFFFF  }
0x37: {  	[dreg:$0x0] =	wrdreg $0xFFFFFFFF;
	(pc) =	sbr.abs _section_cstart, $3  }
0x38: {  	[dreg:$0x1] =	wrdreg $0xFFFFFFFF  }
0x39: {  	_ =	task.clear_ibuf [dreg:s7], $0x2FFFF;
	_ =	strace $0x9FFFFFFF  }
0x3a: {  	(tm) =	ssettm $0x7FFFFFFF  }
0x3b: {  	_ =	shalt  }
tec
execute0_lowered:
.L_overlay_start_1:
0x0: {  	(tag) =	ssettag $0x1  }
0x1: {  	s0 =	srdreg.scid  }
0x2: {  	s7 =	rddreg [dreg:$0x0];
	s1 =	sshll.u32 s0, $0x4  }
0x3: {  	s3 =	rddreg [dreg:$0x1];
	s0 =	stileid.u32;
	s1 =	sand.u32 $0x10, s1  }
0x4: {  	s6 =	simm.s32 $0x1;
	s31 =	simm.s32 $0x2;
	s1 =	sor.u32 s0, s1  }
0x5: {  	s13 =	simm.s32 $0x0;
	s9 =	simm.s32 $0x4000;
	s2 =	sshll.u32 s1, $0x1  }
0x6: {  	s14 =	simm.s32 $0x0;
	s10 =	simm.s32 $0x0;
	s4 =	ssub.s32 $0x40, s2  }
0x7: {  	s12 =	simm.s32 $0x0;
	s1 =	rddreg [dreg:$0x2];
	s5 =	sand.u32 $0x3E, s4  }
.Ltmp0:
0x8: {  	_ =	strace $0x8000004A;
	p0 =	sne.s32 s5, $0x0;
	(pc) =	sbr.rel .LBB1_1-.Ltmp0, $4  }
0x9: {  	s11 =	smov.u32 s2;
	s8 =	sshrl.u32 s4, $0x6;
	s6 =	simm.s32 @!p0 $0x0  }
0xa: {  	s4 =	sadd.s32 $0xC00, s7;
	s5 =	simm.s32 $0x1;
	s6 =	sadd.s32 s6, s8  }
0xb: {  	s7 =	sadd.s32 $0x8C00, s7;
	[sflag:s5] =	ssyncpa.u1 $0x0;
	s6 =	sshll.u32 s6, $0x4  }
0xc: {  	p0 =	por $0x0, $0x0;
	[sflag:s31] =	ssyncpa.u1 $0x0;
	s8 =	sor.u32 $0x1, s6  }
.LBB1_7:
0xd: {  	s15 =	sadd.s32 $0x80, s10  }
0xe: {  	s13 =	sadd.s32 $0x40, s11;
	s17 =	smov.u32 s11;
	p2 =	sgt.s32 s15, $0x7FF  }
0xf: {  	s17 =	smov.u32 @p2 s13  }
0x10: {  	s15 =	simm.s32 @p2 $0x0;
	p2 =	sgt.s32 s17, $0x3F  }
0x11: {  	s17 =	smov.u32 @p2 s2;
	p2 =	sne.s32 s12, s8  }
.Ltmp1:
0x12: {  	p1 =	slt.u32 s12, $0x2;
	(pc) =	sbr.rel @!p2 .LBB1_8-.Ltmp1, $4  }
0x13: {  	s16 =	simm.s32 @!p1 $0x2  }
0x14: {  	s14 =	smov.u32 s11;
	p0 =	por !p0, !p0;
	_ =	swait.ge @!p1 [sflag:s16], $0x4000  }
0x15: {  	s13 =	smov.u32 s10;
	[sflag:s16] =	ssyncset.done @!p1 $0x0;
	s10 =	smov.u32 s15  }
0x16: {  	s12 =	sadd.s32 $0x1, s12;
	[sflag:s16] =	ssyncadd.s32 @!p1 $0xFFFFC000;
	s11 =	smov.u32 s17  }
.LBB1_1:
0x17: {  	p1 =	sge.u32 s12, s6  }
0x18: {  	s15 =	sxor.u32 @!p1 $0xFFFFFFFF, s12;
	s16 =	sshll.u32 @!p1 s11, $0xF  }
0x19: {  	s17 =	sshll.u32 @!p1 s10, $0x4;
	s19 =	simm.s32 @!p1 $0x40;
	s20 =	simm.s32 @!p1 $0x80  }
0x1a: {  	s15 =	sshll.u32 @!p1 s15, $0xE;
	s17 =	sand.u32 @!p1 $0x7FF0, s17;
	s18 =	sadd.s32 @!p1 s4, s16  }
0x1b: {  	s16 =	sadd.s32 @!p1 s16, s7;
	s15 =	sand.u32 @!p1 $0x4000, s15;
	s18 =	sadd.s32 @!p1 s17, s18  }
0x1c: {  	[tilespmem:s15], [sflag:$0x1] =	stream.strided.gather @!p1 [hbm4b:s18+s19], $0x2000, s20, s19, $0x38;
	[tilespmem:$0x10100] =	vst v63  }
0x1d: {  	s31 =	sadd.s32 $0xFFFFFFFF, s12;
	s16 =	sadd.s32 @!p1 s17, s16;
	s15 =	sor.u32 @!p1 $0x2000, s15  }
0x1e: {  	[tilespmem:s15], [sflag:$0x1] =	stream.strided.gather @!p1 [hbm4b:s16+s19], $0x2000, s20, s19, $0x38;
	[tilespmem:$0x10100] =	vst v63  }
0x1f: {  	p1 =	sge.u32 s31, s6  }
.Ltmp2:
0x20: {  	_ = 	snop;
	(pc) =	sbr.rel @p1 .LBB1_7-.Ltmp2, $1  }
0x21: {  	_ =	sdelay $0x3  }
0x22: {  	s15 =	simm.s32 $0x1;
	s17 =	sand.u32 $0x1, s12  }
0x23: {  	_ =	swait.ge [sflag:s5], $0x4000;
	s15 =	simm.s32 @!p0 $0x0;
	s17 =	smul.u32 $0x10200, s17  }
0x24: {  	p2 =	por $0x1, $0x1;
	[sflag:s5] =	ssyncset.done $0x0;
	s16 =	smul.u32 $0x10200, s15  }
0x25: {  	s18 =	sshll.u32 s15, $0x10;
	[sflag:s5] =	ssyncadd.s32 $0xFFFFC000;
	s30 =	sshrl.u32 s17, $0x2  }
0x26: {  	s31 =	sshrl.u32 s18, $0x2;
	s18 =	simm.s32 $0x0;
	s16 =	sshrl.u32 s16, $0x2  }
0x27: {  	s15 =	sor.u32 $0x8000, s30;
	s17 =	sadd.s32 $0x20, s31;
	s16 =	sor.u32 $0x8000, s16  }
.LBB1_3:
0x28: {  	s19 =	sshll.u32 s18, $0xD  }
0x29: {  	s19 =	sand.u32 $0x3FFFE000, s19  }
0x2a: {  	s21 =	sadd.s32 s19, s17  }
0x2b: {  	s31 =	smul.u32 $0x8100, s18;
	v3 =	vld [tilespmem:s21+$0x10]  }
0x2c: {  	v1 =	vld [tilespmem:s21+$0xFFFFFFF0]  }
0x2d: {  	s18 =	sshra.s32 s31, $0x2;
	v0 =	vld [tilespmem:s21+$0x0]  }
0x2e: {  	s18 =	sadd.s32 s18, s16;
	v2 =	vld [tilespmem:s21+$0xFFFFFFE0]  }
0x2f: {  	s19 =	sadd.s32 $0x0, s18  }
0x30: {  	p1 =	por p2, p2;
	s20 =	simm.s32 $0x4;
	s21 =	sadd.s32 $0x40, s21;
	[tilespmem:s19+$0x1830 ss:$0x81] =	vst.msk $0xffff, v3  }
.LBB1_4:
0x31: {  	v3 =	vld [tilespmem:s21+$0x10];
	p2 =	sne.s32 s20, $0x1FC;
	[tilespmem:s19+$0x810 ss:$0x81] =	vst.msk $0xffff, v1;
	s22 =	smov.u32 s20;
	s20 =	sadd.s32 $0x4, s20  }
.Ltmp3:
0x32: {  	v1 =	vld [tilespmem:s21+$0xFFFFFFF0];
	[tilespmem:s19+$0x1020 ss:$0x81] =	vst.msk $0xffff, v0;
	(pc) =	sbr.rel @p2 .LBB1_4-.Ltmp3, $4  }
0x33: {  	v0 =	vld [tilespmem:s21+$0x0];
	[tilespmem:s19+$0x0 ss:$0x81] =	vst.msk $0xffff, v2  }
0x34: {  	s19 =	sshra.s32 s22, $0x2;
	v2 =	vld [tilespmem:s21+$0xFFFFFFE0]  }
0x35: {  	s19 =	sadd.s32 s19, s18  }
0x36: {  	s21 =	sadd.s32 $0x40, s21;
	[tilespmem:s19+$0x1830 ss:$0x81] =	vst.msk $0xffff, v3  }
.Ltmp4:
0x37: {  	(pc) =	sbr.rel @p1 .LBB1_3-.Ltmp4, $4  }
0x38: {  	_ = 	snop  }
0x39: {  	[tilespmem:s19+$0x810 ss:$0x81] =	vst.msk $0xffff, v1  }
0x3a: {  	[tilespmem:s19+$0x1020 ss:$0x81] =	vst.msk $0xffff, v0  }
0x3b: {  	s18 =	simm.s32 $0x1;
	p2 =	por $0x0, $0x0;
	[tilespmem:s19+$0x0 ss:$0x81] =	vst.msk $0xffff, v2  }
0x3c: {  	s16 =	sshll.u32 s13, $0x3;
	s17 =	sand.u32 $0x78, s13;
	s14 =	sshll.u32 s14, $0xE  }
.Ltmp5:
0x3d: {  	s30 =	sand.u32 $0x3F00, s13;
	s16 =	sand.u32 $0x400, s16;
	(pc) =	sbr.rel .LBB1_7-.Ltmp5, $4  }
0x3e: {  	s31 =	sand.u32 $0x7, s13;
	s14 =	sadd.s32 s3, s14;
	s16 =	sor.u32 s17, s16  }
0x3f: {  	s13 =	sshll.u32 s31, $0x12;
	s14 =	sadd.s32 s30, s14;
	s16 =	sshrl.u32 s16, $0x3  }
0x40: {  	s13 =	sor.u32 $0x400, s13;
	s14 =	sadd.s32 s16, s14  }
0x41: {  	[hbm4b:s14+s13] =	stream.strided.scatter [tilespmem:s15], [sflag:$0x2], $0x4000, s9, s13, $0x20;
	[tilespmem:$0x10100] =	vst v63  }
.LBB1_8:
0x42: {  	_ =	sfence.sel $0x180000  }
0x43: {  	s2 =	simm.s32 $0x1;
	[bflag:$0x0] =	sbarrier.arrive $0xFFFF  }
0x44: {  	s31 =	simm.s32 $0x2;
	[sflag:s2] =	ssyncpa.u1 $0x1  }
0x45: {  	[sflag:s31] =	ssyncpa.u1 $0x1  }
0x46: {  	p0 =	sne.s32 s0, $0x0;
	_ =	strace $0x9000004A  }
0x47: {  	s0 =	sadd.s32 @!p0 $0x100000, s1;
	[bflag:$0x2] =	sbarrier.arrive $0xFFFF  }
0x48: {  	[sflag:s0] =	ssyncadd.tile.s32 @!p0 $0x1;
	_ =	shalt  }
.Lfunc_end1:
_tile_overlayer_lowered:
.L_overlay_start_2:
0x49: {  	(tag) =	ssettag $0x2  }
0x4a: {  	s0 =	rddreg [dreg:$0x0];
	s2 =	stileid.u32  }
0x4b: {  	s1 =	rddreg [dreg:$0x1];
	p0 =	sne.s32 s2, $0x0  }
0x4c: {  	s3 =	rddreg [dreg:$0x2];
	[bflag:$0x3] =	sbarrier.arrive $0xFFFF;
	s2 =	simm.s32 @!p0 $0x1C01  }
0x4d: {  	[timem:s3], [sflag:s2] =	dma.local @!p0 [hbm:s0], s1  }
0x4e: {  	s0 =	simm.s32 @!p0 $0x1  }
0x4f: {  	_ =	swait.ge @!p0 [sflag:s0], s1  }
0x50: {  	s1 =	ssub.s32 @!p0 $0x0, s1;
	[sflag:s0] =	ssyncset.done @!p0 $0x0  }
0x51: {  	[sflag:s0] =	ssyncadd.s32 @!p0 s1  }
0x52: {  	[bflag:$0x3] =	sbarrier.arrive $0xFFFF  }
0x53: {  	_ =	shalt  }

</sc_bundles>
